<compile_context>
chip_gen: v7x
topology: tpu7x:2x2x1
jax: 0.10.2.dev20260603
libtpu: 0.0.44.dev20260713+nightly
codegen_flags: <defaults>
</compile_context>

<pallas_src>
import jax
import jax.numpy as jnp
from jax import lax
from jax.experimental import pallas as pl
from jax.experimental.pallas import tpu as pltpu
from jax.experimental.pallas import tpu_sc as plsc

B, L = 4096, 200
OUT_D = 96

_SRC = [
    ("bio", 3, 16),
    ("pos", 19, 16),
    ("ner", 19, 16),
    ("ans", 3, 8),
    ("clue", 2, 8),
    ("acr", 2, 8),
    ("acap", 2, 8),
    ("cap", 2, 8),
    ("pnum", 11, 8),
]

_TBL_BASE = []
_off = 0
for _n, _v, _d in _SRC:
    _TBL_BASE.append(_off)
    _off += -(-(_v * _d) // 8) * 8
_TBL_WORDS = _off

T0_ROWS = 3 * 19 * 19
T1_ROWS = 3 * 2 * 2 * 2 * 2 * 11

NW = 32
ROWS_PER_W = B // NW
GROUPS_PAD = (L + 15) // 16
L_PAD = GROUPS_PAD * 16

T0_PER_S = -(-T0_ROWS // 16)
T1_PER_S = -(-T1_ROWS // 16)


def _body(*refs):
    tag_hbm = refs[0:9]
    w_hbm = refs[9:18]
    out_hbm = refs[18]
    t0_sp = refs[19]
    t1_sp = refs[20]
    base_v = refs[21]
    stage_v = refs[22]
    tags_v = [refs[23:32], refs[32:41]]
    pidx_v = [refs[41:43], refs[43:45]]
    row_v = [refs[45 + 2 * q:47 + 2 * q] for q in range(4)]
    sem_t = refs[53:55]
    sem_g = refs[55:59]
    sem_w = refs[59:63]

    cid = lax.axis_index("c")
    sid = lax.axis_index("s")
    wid = sid * 2 + cid
    base_row = wid * ROWS_PER_W

    lane = lax.iota(jnp.int32, 16)

    for t in range(9):
        v, d = _SRC[t][1], _SRC[t][2]
        pltpu.sync_copy(w_hbm[t], base_v.at[pl.ds(_TBL_BASE[t], v * d)])

    def build_t0(i, carry):
        r = sid * T0_PER_S + i
        b = r // (19 * 19)
        p = (r // 19) % 19
        n = r % 19
        idx_b = _TBL_BASE[0] + b * 16 + lane
        idx_p = _TBL_BASE[1] + p * 16 + lane
        idx_n = _TBL_BASE[2] + n * 16 + lane
        stage_v[i, pl.ds(0, 16)] = plsc.load_gather(base_v, [idx_b])
        stage_v[i, pl.ds(16, 16)] = plsc.load_gather(base_v, [idx_p])
        stage_v[i, pl.ds(32, 16)] = plsc.load_gather(base_v, [idx_n])
        return carry

    n0 = jnp.minimum(T0_PER_S, jnp.maximum(0, T0_ROWS - sid * T0_PER_S))
    lax.fori_loop(0, n0, build_t0, 0, unroll=False)

    def flush0(i, carry):
        r = sid * T0_PER_S + i
        pltpu.sync_copy(stage_v.at[i], t0_sp.at[r])
        return carry
    lax.fori_loop(0, n0, flush0, 0, unroll=False)

    def build_t1(i, carry):
        r = sid * T1_PER_S + i
        a = r // (2 * 2 * 2 * 2 * 11)
        c = (r // (2 * 2 * 2 * 11)) % 2
        ar = (r // (2 * 2 * 11)) % 2
        aa = (r // (2 * 11)) % 2
        cp = (r // 11) % 2
        pn = r % 11
        lo = lane < 8
        l8 = lane - 8
        pairs = [(3, a, 4, c), (5, ar, 6, aa), (7, cp, 8, pn)]
        for g, (ta, ia, tb, ib) in enumerate(pairs):
            idx = jnp.where(lo, _TBL_BASE[ta] + ia * 8 + lane,
                            _TBL_BASE[tb] + ib * 8 + l8)
            stage_v[i, pl.ds(g * 16, 16)] = plsc.load_gather(base_v, [idx])
        return carry

    n1 = jnp.minimum(T1_PER_S, jnp.maximum(0, T1_ROWS - sid * T1_PER_S))
    lax.fori_loop(0, n1, build_t1, 0, unroll=False)

    def flush1(i, carry):
        r = sid * T1_PER_S + i
        pltpu.sync_copy(stage_v.at[i], t1_sp.at[r])
        return carry
    lax.fori_loop(0, n1, flush1, 0, unroll=False)

    plsc.subcore_barrier()

    zeros = jnp.zeros((16,), jnp.int32)
    for p in (0, 1):
        for t in range(9):
            tags_v[p][t][pl.ds(L_PAD - 16, 16)] = zeros

    idx_refs = [[pidx_v[p][0], pidx_v[p][1]] for p in (0, 1)]
    tbl_refs = [t0_sp, t1_sp]

    def issue_tags(p, k):
        row = base_row + k
        for t in range(9):
            pltpu.async_copy(tag_hbm[t].at[row], tags_v[p][t].at[pl.ds(0, L)],
                             sem_t[p])

    def wait_tags(p):
        for t in range(9):
            pltpu.make_async_copy(tag_hbm[t].at[0],
                                  tags_v[p][t].at[pl.ds(0, L)],
                                  sem_t[p]).wait()

    def compute_pidx(p):
        def group_body(g, carry):
            s = pl.ds(g * 16, 16)
            tv = [tags_v[p][t][s] for t in range(9)]
            pidx_v[p][0][s] = (tv[0] * 19 + tv[1]) * 19 + tv[2]
            pidx_v[p][1][s] = ((((tv[3] * 2 + tv[4]) * 2 + tv[5]) * 2
                               + tv[6]) * 2 + tv[7]) * 11 + tv[8]
            return carry
        lax.fori_loop(0, GROUPS_PAD, group_body, 0, unroll=False)

    def issue_gathers(q, p):
        for m in range(2):
            pltpu.async_copy(tbl_refs[m].at[idx_refs[p][m]], row_v[q][m],
                             sem_g[q])

    def wait_gathers(q, p):
        for m in range(2):
            pltpu.make_async_copy(tbl_refs[m].at[idx_refs[p][m]], row_v[q][m],
                                  sem_g[q]).wait()

    def issue_writes(q, k):
        row = base_row + k
        for m in range(2):
            pltpu.async_copy(row_v[q][m].at[pl.ds(0, L), :],
                             out_hbm.at[row, :, pl.ds(m * 48, 48)],
                             sem_w[q])

    def wait_writes(q):
        for m in range(2):
            pltpu.make_async_copy(row_v[q][m].at[pl.ds(0, L), :],
                                  out_hbm.at[0, :, pl.ds(m * 48, 48)],
                                  sem_w[q]).wait()

    issue_tags(0, 0)

    def quad_body(j, carry):
        for q in range(4):
            k = j * 4 + q
            p = q % 2
            wait_tags(p)
            compute_pidx(p)

            @pl.when(j >= 1)
            def _drain_writes():
                wait_writes(q)

            issue_gathers(q, p)

            @pl.when((j >= 1) | (q >= 1))
            def _flush_prev():
                wait_gathers((q - 1) % 4, 1 - p)
                issue_writes((q - 1) % 4, k - 1)

            if q < 3:
                issue_tags(1 - p, k + 1)
            else:
                @pl.when(j < ROWS_PER_W // 4 - 1)
                def _prefetch():
                    issue_tags(1 - p, k + 1)
        return carry

    lax.fori_loop(0, ROWS_PER_W // 4, quad_body, 0, unroll=False)

    wait_gathers(3, 1)
    issue_writes(3, ROWS_PER_W - 1)
    for q in range(4):
        wait_writes(q)


@jax.jit
def kernel(bio_tag, ner_tag, pos_tag, ans_tag, clue_tag, acr_tag, acap_tag,
           cap_tag, pnum_tag, bio_w, ner_w, pos_w, ans_w, clue_w, acr_w,
           acap_w, cap_w, pnum_w):
    tags = {"bio": bio_tag, "ner": ner_tag, "pos": pos_tag, "ans": ans_tag,
            "clue": clue_tag, "acr": acr_tag, "acap": acap_tag, "cap": cap_tag,
            "pnum": pnum_tag}
    ws = {"bio": bio_w, "ner": ner_w, "pos": pos_w, "ans": ans_w,
          "clue": clue_w, "acr": acr_w, "acap": acap_w, "cap": cap_w,
          "pnum": pnum_w}
    tag_in = [tags[n].astype(jnp.int32) for n, _v, _d in _SRC]
    w_in = [ws[n].reshape(-1).astype(jnp.float32) for n, _v, _d in _SRC]

    mesh = plsc.VectorSubcoreMesh(core_axis_name="c", subcore_axis_name="s")
    run = pl.kernel(
        _body,
        out_type=jax.ShapeDtypeStruct((B, L, 128), jnp.float32),
        mesh=mesh,
        compiler_params=pltpu.CompilerParams(needs_layout_passes=False,
                                             use_tc_tiling_on_sc=False),
        scratch_types=[
            pltpu.VMEM_SHARED((T0_ROWS, 48), jnp.float32),
            pltpu.VMEM_SHARED((T1_ROWS, 48), jnp.float32),
            pltpu.VMEM((_TBL_WORDS,), jnp.float32),
            pltpu.VMEM((T0_PER_S, 48), jnp.float32),
            *[pltpu.VMEM((L_PAD,), jnp.int32) for _ in range(18)],
            *[pltpu.VMEM((L_PAD,), jnp.int32) for _ in range(4)],
            *[pltpu.VMEM((L_PAD, 48), jnp.float32) for _ in range(8)],
            *[pltpu.SemaphoreType.DMA for _ in range(10)],
        ],
    )
    return run(*tag_in, *w_in)[:, :, :OUT_D]

# --- scband reference (transcript-rebuilt; emitter-appended) ---
"""Pipeline reference for scband-tag-embedding-85787676770530 (READ-ONLY COPY).

The authoritative reference and input builder live on the scoring server;
editing this copy changes nothing except your own understanding.
"""

import jax, jax.numpy as jnp
import numpy as np

B, L = 4096, 200
VOCABS = {"bio": 3, "ner": 19, "pos": 19, "ans": 3, "clue": 2, "acr": 2, "acap": 2, "cap": 2, "pnum": 11}
DIMS = {"bio": 16, "ner": 16, "pos": 16, "ans": 8, "clue": 8, "acr": 8, "acap": 8, "cap": 8, "pnum": 8}
NAMES = ["bio", "ner", "pos", "ans", "clue", "acr", "acap", "cap", "pnum"]


def setup_inputs(seed: int = 0) -> dict:
    key = jax.random.key(seed)
    keys = jax.random.split(key, 2 * len(NAMES))
    inp = {}
    for i, n in enumerate(NAMES):
        inp[n + "_tag"] = jax.random.randint(keys[i], (B, L), 0, VOCABS[n], dtype=jnp.int64 if jax.config.jax_enable_x64 else jnp.int32)
    for i, n in enumerate(NAMES):
        inp[n + "_w"] = jax.random.uniform(keys[len(NAMES) + i], (VOCABS[n], DIMS[n]), dtype=jnp.float32, minval=-0.1, maxval=0.1)
    return inp


def reference(bio_tag, ner_tag, pos_tag, ans_tag, clue_tag, acr_tag, acap_tag, cap_tag, pnum_tag,
              bio_w, ner_w, pos_w, ans_w, clue_w, acr_w, acap_w, cap_w, pnum_w):
    bio = jnp.take(bio_w, bio_tag, axis=0)
    pos = jnp.take(pos_w, pos_tag, axis=0)
    ner = jnp.take(ner_w, ner_tag, axis=0)
    ans = jnp.take(ans_w, ans_tag, axis=0)
    clue = jnp.take(clue_w, clue_tag, axis=0)
    acr = jnp.take(acr_w, acr_tag, axis=0)
    acap = jnp.take(acap_w, acap_tag, axis=0)
    cap = jnp.take(cap_w, cap_tag, axis=0)
    pnum = jnp.take(pnum_w, pnum_tag, axis=0)
    # torch.cat order in original forward: bio, pos, ner, ans, clue, acr, acap, cap, pnum
    output = jnp.concatenate((bio, pos, ner, ans, clue, acr, acap, cap, pnum), axis=-1)
    return output

if __name__ == "__main__":
    import jax
    _d = setup_inputs()
    print(jax.jit(kernel)(*tuple(_d.values())))

</pallas_src>

<mosaic_0001>
#map = affine_map<(d0, d1) -> (0, 0)>
#map1 = affine_map<(d0, d1) -> (0)>
#map2 = affine_map<(d0, d1) -> (0, 0, 0)>
module attributes {stable_mosaic.version = 14 : i64} {
  func.func @_body(%arg0: i32, %arg1: i32, %arg2: memref<4096x200xi32, #tpu.memory_space<hbm>>, %arg3: memref<4096x200xi32, #tpu.memory_space<hbm>>, %arg4: memref<4096x200xi32, #tpu.memory_space<hbm>>, %arg5: memref<4096x200xi32, #tpu.memory_space<hbm>>, %arg6: memref<4096x200xi32, #tpu.memory_space<hbm>>, %arg7: memref<4096x200xi32, #tpu.memory_space<hbm>>, %arg8: memref<4096x200xi32, #tpu.memory_space<hbm>>, %arg9: memref<4096x200xi32, #tpu.memory_space<hbm>>, %arg10: memref<4096x200xi32, #tpu.memory_space<hbm>>, %arg11: memref<48xf32, #tpu.memory_space<hbm>>, %arg12: memref<304xf32, #tpu.memory_space<hbm>>, %arg13: memref<304xf32, #tpu.memory_space<hbm>>, %arg14: memref<24xf32, #tpu.memory_space<hbm>>, %arg15: memref<16xf32, #tpu.memory_space<hbm>>, %arg16: memref<16xf32, #tpu.memory_space<hbm>>, %arg17: memref<16xf32, #tpu.memory_space<hbm>>, %arg18: memref<16xf32, #tpu.memory_space<hbm>>, %arg19: memref<88xf32, #tpu.memory_space<hbm>>, %arg20: memref<4096x200x128xf32, #tpu.memory_space<hbm>>, %arg21: memref<1083x48xf32, #tpu.memory_space<vmem_shared>>, %arg22: memref<528x48xf32, #tpu.memory_space<vmem_shared>>, %arg23: memref<832xf32, #tpu.memory_space<vmem>>, %arg24: memref<68x48xf32, #tpu.memory_space<vmem>>, %arg25: memref<208xi32, #tpu.memory_space<vmem>>, %arg26: memref<208xi32, #tpu.memory_space<vmem>>, %arg27: memref<208xi32, #tpu.memory_space<vmem>>, %arg28: memref<208xi32, #tpu.memory_space<vmem>>, %arg29: memref<208xi32, #tpu.memory_space<vmem>>, %arg30: memref<208xi32, #tpu.memory_space<vmem>>, %arg31: memref<208xi32, #tpu.memory_space<vmem>>, %arg32: memref<208xi32, #tpu.memory_space<vmem>>, %arg33: memref<208xi32, #tpu.memory_space<vmem>>, %arg34: memref<208xi32, #tpu.memory_space<vmem>>, %arg35: memref<208xi32, #tpu.memory_space<vmem>>, %arg36: memref<208xi32, #tpu.memory_space<vmem>>, %arg37: memref<208xi32, #tpu.memory_space<vmem>>, %arg38: memref<208xi32, #tpu.memory_space<vmem>>, %arg39: memref<208xi32, #tpu.memory_space<vmem>>, %arg40: memref<208xi32, #tpu.memory_space<vmem>>, %arg41: memref<208xi32, #tpu.memory_space<vmem>>, %arg42: memref<208xi32, #tpu.memory_space<vmem>>, %arg43: memref<208xi32, #tpu.memory_space<vmem>>, %arg44: memref<208xi32, #tpu.memory_space<vmem>>, %arg45: memref<208xi32, #tpu.memory_space<vmem>>, %arg46: memref<208xi32, #tpu.memory_space<vmem>>, %arg47: memref<208x48xf32, #tpu.memory_space<vmem>>, %arg48: memref<208x48xf32, #tpu.memory_space<vmem>>, %arg49: memref<208x48xf32, #tpu.memory_space<vmem>>, %arg50: memref<208x48xf32, #tpu.memory_space<vmem>>, %arg51: memref<208x48xf32, #tpu.memory_space<vmem>>, %arg52: memref<208x48xf32, #tpu.memory_space<vmem>>, %arg53: memref<208x48xf32, #tpu.memory_space<vmem>>, %arg54: memref<208x48xf32, #tpu.memory_space<vmem>>, %arg55: memref<!tpu.dma_semaphore, #tpu.memory_space<semaphore_mem>>, %arg56: memref<!tpu.dma_semaphore, #tpu.memory_space<semaphore_mem>>, %arg57: memref<!tpu.dma_semaphore, #tpu.memory_space<semaphore_mem>>, %arg58: memref<!tpu.dma_semaphore, #tpu.memory_space<semaphore_mem>>, %arg59: memref<!tpu.dma_semaphore, #tpu.memory_space<semaphore_mem>>, %arg60: memref<!tpu.dma_semaphore, #tpu.memory_space<semaphore_mem>>, %arg61: memref<!tpu.dma_semaphore, #tpu.memory_space<semaphore_mem>>, %arg62: memref<!tpu.dma_semaphore, #tpu.memory_space<semaphore_mem>>, %arg63: memref<!tpu.dma_semaphore, #tpu.memory_space<semaphore_mem>>, %arg64: memref<!tpu.dma_semaphore, #tpu.memory_space<semaphore_mem>>) attributes {dimension_semantics = [#tpu.dimension_semantics<core_parallel>, #tpu.dimension_semantics<subcore_parallel>], iteration_bounds = array<i64: 2, 16>, scalar_prefetch = 0 : i64, scratch_operands = 44 : i64, tpu.core_type = #tpu.core_type<sc_vector_subcore>, window_params = [{transform_indices = #map}, {transform_indices = #map}, {transform_indices = #map}, {transform_indices = #map}, {transform_indices = #map}, {transform_indices = #map}, {transform_indices = #map}, {transform_indices = #map}, {transform_indices = #map}, {transform_indices = #map1}, {transform_indices = #map1}, {transform_indices = #map1}, {transform_indices = #map1}, {transform_indices = #map1}, {transform_indices = #map1}, {transform_indices = #map1}, {transform_indices = #map1}, {transform_indices = #map1}, {transform_indices = #map2}]} {
    %mul3A = arith.constant 2 : i32
    %mul3A_0 = arith.muli %arg1, %mul3A : i32
    %add3A = arith.addi %mul3A_0, %arg0 : i32
    %mul3A_1 = arith.constant 128 : i32
    %mul3A_2 = arith.muli %add3A, %mul3A_1 : i32
    %iota3A = tpu.iota {dimensions = array<i32: 0>} : vector<16xi32>
    "tpu.region"() ({
      %run_scoped3A = tpu.sem_alloc : memref<!tpu.dma_semaphore, #tpu.memory_space<semaphore_mem>>
      %dma_start3A_342 = arith.constant 0 : i32
      %dma_start3A_343 = tpu.memref_slice %arg23[%dma_start3A_342] : memref<832xf32, #tpu.memory_space<vmem>> -> memref<48xf32, #tpu.memory_space<vmem>>
      %dma_start3A_344 = arith.constant 0 : i32
      %dma_start3A_345 = tpu.memref_slice %arg23[%dma_start3A_344] : memref<832xf32, #tpu.memory_space<vmem>> -> memref<48xf32, #tpu.memory_space<vmem>>
      tpu.enqueue_dma source(%arg11 : memref<48xf32, #tpu.memory_space<hbm>>) target(%dma_start3A_345 : memref<48xf32, #tpu.memory_space<vmem>>) target_semaphore(%run_scoped3A : memref<!tpu.dma_semaphore, #tpu.memory_space<semaphore_mem>>)
      %dma_wait3A_346 = arith.constant 0 : i32
      %dma_wait3A_347 = tpu.memref_slice %arg23[%dma_wait3A_346] : memref<832xf32, #tpu.memory_space<vmem>> -> memref<48xf32, #tpu.memory_space<vmem>>
      %dma_wait3A_348 = arith.constant 0 : i32
      %dma_wait3A_349 = tpu.memref_slice %arg23[%dma_wait3A_348] : memref<832xf32, #tpu.memory_space<vmem>> -> memref<48xf32, #tpu.memory_space<vmem>>
      tpu.wait_dma2 semaphore(%run_scoped3A : memref<!tpu.dma_semaphore, #tpu.memory_space<semaphore_mem>>) src(%arg11 : memref<48xf32, #tpu.memory_space<hbm>>) dst(%dma_wait3A_349 : memref<48xf32, #tpu.memory_space<vmem>>)
      tpu.yield
    }) : () -> ()
    "tpu.region"() ({
      %run_scoped3A = tpu.sem_alloc : memref<!tpu.dma_semaphore, #tpu.memory_space<semaphore_mem>>
      %dma_start3A_342 = arith.constant 48 : i32
      %dma_start3A_343 = tpu.memref_slice %arg23[%dma_start3A_342] : memref<832xf32, #tpu.memory_space<vmem>> -> memref<304xf32, #tpu.memory_space<vmem>>
      %dma_start3A_344 = arith.constant 48 : i32
      %dma_start3A_345 = tpu.memref_slice %arg23[%dma_start3A_344] : memref<832xf32, #tpu.memory_space<vmem>> -> memref<304xf32, #tpu.memory_space<vmem>>
      tpu.enqueue_dma source(%arg12 : memref<304xf32, #tpu.memory_space<hbm>>) target(%dma_start3A_345 : memref<304xf32, #tpu.memory_space<vmem>>) target_semaphore(%run_scoped3A : memref<!tpu.dma_semaphore, #tpu.memory_space<semaphore_mem>>)
      %dma_wait3A_346 = arith.constant 48 : i32
      %dma_wait3A_347 = tpu.memref_slice %arg23[%dma_wait3A_346] : memref<832xf32, #tpu.memory_space<vmem>> -> memref<304xf32, #tpu.memory_space<vmem>>
      %dma_wait3A_348 = arith.constant 48 : i32
      %dma_wait3A_349 = tpu.memref_slice %arg23[%dma_wait3A_348] : memref<832xf32, #tpu.memory_space<vmem>> -> memref<304xf32, #tpu.memory_space<vmem>>
      tpu.wait_dma2 semaphore(%run_scoped3A : memref<!tpu.dma_semaphore, #tpu.memory_space<semaphore_mem>>) src(%arg12 : memref<304xf32, #tpu.memory_space<hbm>>) dst(%dma_wait3A_349 : memref<304xf32, #tpu.memory_space<vmem>>)
      tpu.yield
    }) : () -> ()
    "tpu.region"() ({
      %run_scoped3A = tpu.sem_alloc : memref<!tpu.dma_semaphore, #tpu.memory_space<semaphore_mem>>
      %dma_start3A_342 = arith.constant 352 : i32
      %dma_start3A_343 = tpu.memref_slice %arg23[%dma_start3A_342] : memref<832xf32, #tpu.memory_space<vmem>> -> memref<304xf32, #tpu.memory_space<vmem>>
      %dma_start3A_344 = arith.constant 352 : i32
      %dma_start3A_345 = tpu.memref_slice %arg23[%dma_start3A_344] : memref<832xf32, #tpu.memory_space<vmem>> -> memref<304xf32, #tpu.memory_space<vmem>>
      tpu.enqueue_dma source(%arg13 : memref<304xf32, #tpu.memory_space<hbm>>) target(%dma_start3A_345 : memref<304xf32, #tpu.memory_space<vmem>>) target_semaphore(%run_scoped3A : memref<!tpu.dma_semaphore, #tpu.memory_space<semaphore_mem>>)
      %dma_wait3A_346 = arith.constant 352 : i32
      %dma_wait3A_347 = tpu.memref_slice %arg23[%dma_wait3A_346] : memref<832xf32, #tpu.memory_space<vmem>> -> memref<304xf32, #tpu.memory_space<vmem>>
      %dma_wait3A_348 = arith.constant 352 : i32
      %dma_wait3A_349 = tpu.memref_slice %arg23[%dma_wait3A_348] : memref<832xf32, #tpu.memory_space<vmem>> -> memref<304xf32, #tpu.memory_space<vmem>>
      tpu.wait_dma2 semaphore(%run_scoped3A : memref<!tpu.dma_semaphore, #tpu.memory_space<semaphore_mem>>) src(%arg13 : memref<304xf32, #tpu.memory_space<hbm>>) dst(%dma_wait3A_349 : memref<304xf32, #tpu.memory_space<vmem>>)
      tpu.yield
    }) : () -> ()
    "tpu.region"() ({
      %run_scoped3A = tpu.sem_alloc : memref<!tpu.dma_semaphore, #tpu.memory_space<semaphore_mem>>
      %dma_start3A_342 = arith.constant 656 : i32
      %dma_start3A_343 = tpu.memref_slice %arg23[%dma_start3A_342] : memref<832xf32, #tpu.memory_space<vmem>> -> memref<24xf32, #tpu.memory_space<vmem>>
      %dma_start3A_344 = arith.constant 656 : i32
      %dma_start3A_345 = tpu.memref_slice %arg23[%dma_start3A_344] : memref<832xf32, #tpu.memory_space<vmem>> -> memref<24xf32, #tpu.memory_space<vmem>>
      tpu.enqueue_dma source(%arg14 : memref<24xf32, #tpu.memory_space<hbm>>) target(%dma_start3A_345 : memref<24xf32, #tpu.memory_space<vmem>>) target_semaphore(%run_scoped3A : memref<!tpu.dma_semaphore, #tpu.memory_space<semaphore_mem>>)
      %dma_wait3A_346 = arith.constant 656 : i32
      %dma_wait3A_347 = tpu.memref_slice %arg23[%dma_wait3A_346] : memref<832xf32, #tpu.memory_space<vmem>> -> memref<24xf32, #tpu.memory_space<vmem>>
      %dma_wait3A_348 = arith.constant 656 : i32
      %dma_wait3A_349 = tpu.memref_slice %arg23[%dma_wait3A_348] : memref<832xf32, #tpu.memory_space<vmem>> -> memref<24xf32, #tpu.memory_space<vmem>>
      tpu.wait_dma2 semaphore(%run_scoped3A : memref<!tpu.dma_semaphore, #tpu.memory_space<semaphore_mem>>) src(%arg14 : memref<24xf32, #tpu.memory_space<hbm>>) dst(%dma_wait3A_349 : memref<24xf32, #tpu.memory_space<vmem>>)
      tpu.yield
    }) : () -> ()
    "tpu.region"() ({
      %run_scoped3A = tpu.sem_alloc : memref<!tpu.dma_semaphore, #tpu.memory_space<semaphore_mem>>
      %dma_start3A_342 = arith.constant 680 : i32
      %dma_start3A_343 = tpu.memref_slice %arg23[%dma_start3A_342] : memref<832xf32, #tpu.memory_space<vmem>> -> memref<16xf32, #tpu.memory_space<vmem>>
      %dma_start3A_344 = arith.constant 680 : i32
      %dma_start3A_345 = tpu.memref_slice %arg23[%dma_start3A_344] : memref<832xf32, #tpu.memory_space<vmem>> -> memref<16xf32, #tpu.memory_space<vmem>>
      tpu.enqueue_dma source(%arg15 : memref<16xf32, #tpu.memory_space<hbm>>) target(%dma_start3A_345 : memref<16xf32, #tpu.memory_space<vmem>>) target_semaphore(%run_scoped3A : memref<!tpu.dma_semaphore, #tpu.memory_space<semaphore_mem>>)
      %dma_wait3A_346 = arith.constant 680 : i32
      %dma_wait3A_347 = tpu.memref_slice %arg23[%dma_wait3A_346] : memref<832xf32, #tpu.memory_space<vmem>> -> memref<16xf32, #tpu.memory_space<vmem>>
      %dma_wait3A_348 = arith.constant 680 : i32
      %dma_wait3A_349 = tpu.memref_slice %arg23[%dma_wait3A_348] : memref<832xf32, #tpu.memory_space<vmem>> -> memref<16xf32, #tpu.memory_space<vmem>>
      tpu.wait_dma2 semaphore(%run_scoped3A : memref<!tpu.dma_semaphore, #tpu.memory_space<semaphore_mem>>) src(%arg15 : memref<16xf32, #tpu.memory_space<hbm>>) dst(%dma_wait3A_349 : memref<16xf32, #tpu.memory_space<vmem>>)
      tpu.yield
    }) : () -> ()
    "tpu.region"() ({
      %run_scoped3A = tpu.sem_alloc : memref<!tpu.dma_semaphore, #tpu.memory_space<semaphore_mem>>
      %dma_start3A_342 = arith.constant 696 : i32
      %dma_start3A_343 = tpu.memref_slice %arg23[%dma_start3A_342] : memref<832xf32, #tpu.memory_space<vmem>> -> memref<16xf32, #tpu.memory_space<vmem>>
      %dma_start3A_344 = arith.constant 696 : i32
      %dma_start3A_345 = tpu.memref_slice %arg23[%dma_start3A_344] : memref<832xf32, #tpu.memory_space<vmem>> -> memref<16xf32, #tpu.memory_space<vmem>>
      tpu.enqueue_dma source(%arg16 : memref<16xf32, #tpu.memory_space<hbm>>) target(%dma_start3A_345 : memref<16xf32, #tpu.memory_space<vmem>>) target_semaphore(%run_scoped3A : memref<!tpu.dma_semaphore, #tpu.memory_space<semaphore_mem>>)
      %dma_wait3A_346 = arith.constant 696 : i32
      %dma_wait3A_347 = tpu.memref_slice %arg23[%dma_wait3A_346] : memref<832xf32, #tpu.memory_space<vmem>> -> memref<16xf32, #tpu.memory_space<vmem>>
      %dma_wait3A_348 = arith.constant 696 : i32
      %dma_wait3A_349 = tpu.memref_slice %arg23[%dma_wait3A_348] : memref<832xf32, #tpu.memory_space<vmem>> -> memref<16xf32, #tpu.memory_space<vmem>>
      tpu.wait_dma2 semaphore(%run_scoped3A : memref<!tpu.dma_semaphore, #tpu.memory_space<semaphore_mem>>) src(%arg16 : memref<16xf32, #tpu.memory_space<hbm>>) dst(%dma_wait3A_349 : memref<16xf32, #tpu.memory_space<vmem>>)
      tpu.yield
    }) : () -> ()
    "tpu.region"() ({
      %run_scoped3A = tpu.sem_alloc : memref<!tpu.dma_semaphore, #tpu.memory_space<semaphore_mem>>
      %dma_start3A_342 = arith.constant 712 : i32
      %dma_start3A_343 = tpu.memref_slice %arg23[%dma_start3A_342] : memref<832xf32, #tpu.memory_space<vmem>> -> memref<16xf32, #tpu.memory_space<vmem>>
      %dma_start3A_344 = arith.constant 712 : i32
      %dma_start3A_345 = tpu.memref_slice %arg23[%dma_start3A_344] : memref<832xf32, #tpu.memory_space<vmem>> -> memref<16xf32, #tpu.memory_space<vmem>>
      tpu.enqueue_dma source(%arg17 : memref<16xf32, #tpu.memory_space<hbm>>) target(%dma_start3A_345 : memref<16xf32, #tpu.memory_space<vmem>>) target_semaphore(%run_scoped3A : memref<!tpu.dma_semaphore, #tpu.memory_space<semaphore_mem>>)
      %dma_wait3A_346 = arith.constant 712 : i32
      %dma_wait3A_347 = tpu.memref_slice %arg23[%dma_wait3A_346] : memref<832xf32, #tpu.memory_space<vmem>> -> memref<16xf32, #tpu.memory_space<vmem>>
      %dma_wait3A_348 = arith.constant 712 : i32
      %dma_wait3A_349 = tpu.memref_slice %arg23[%dma_wait3A_348] : memref<832xf32, #tpu.memory_space<vmem>> -> memref<16xf32, #tpu.memory_space<vmem>>
      tpu.wait_dma2 semaphore(%run_scoped3A : memref<!tpu.dma_semaphore, #tpu.memory_space<semaphore_mem>>) src(%arg17 : memref<16xf32, #tpu.memory_space<hbm>>) dst(%dma_wait3A_349 : memref<16xf32, #tpu.memory_space<vmem>>)
      tpu.yield
    }) : () -> ()
    "tpu.region"() ({
      %run_scoped3A = tpu.sem_alloc : memref<!tpu.dma_semaphore, #tpu.memory_space<semaphore_mem>>
      %dma_start3A_342 = arith.constant 728 : i32
      %dma_start3A_343 = tpu.memref_slice %arg23[%dma_start3A_342] : memref<832xf32, #tpu.memory_space<vmem>> -> memref<16xf32, #tpu.memory_space<vmem>>
      %dma_start3A_344 = arith.constant 728 : i32
      %dma_start3A_345 = tpu.memref_slice %arg23[%dma_start3A_344] : memref<832xf32, #tpu.memory_space<vmem>> -> memref<16xf32, #tpu.memory_space<vmem>>
      tpu.enqueue_dma source(%arg18 : memref<16xf32, #tpu.memory_space<hbm>>) target(%dma_start3A_345 : memref<16xf32, #tpu.memory_space<vmem>>) target_semaphore(%run_scoped3A : memref<!tpu.dma_semaphore, #tpu.memory_space<semaphore_mem>>)
      %dma_wait3A_346 = arith.constant 728 : i32
      %dma_wait3A_347 = tpu.memref_slice %arg23[%dma_wait3A_346] : memref<832xf32, #tpu.memory_space<vmem>> -> memref<16xf32, #tpu.memory_space<vmem>>
      %dma_wait3A_348 = arith.constant 728 : i32
      %dma_wait3A_349 = tpu.memref_slice %arg23[%dma_wait3A_348] : memref<832xf32, #tpu.memory_space<vmem>> -> memref<16xf32, #tpu.memory_space<vmem>>
      tpu.wait_dma2 semaphore(%run_scoped3A : memref<!tpu.dma_semaphore, #tpu.memory_space<semaphore_mem>>) src(%arg18 : memref<16xf32, #tpu.memory_space<hbm>>) dst(%dma_wait3A_349 : memref<16xf32, #tpu.memory_space<vmem>>)
      tpu.yield
    }) : () -> ()
    "tpu.region"() ({
      %run_scoped3A = tpu.sem_alloc : memref<!tpu.dma_semaphore, #tpu.memory_space<semaphore_mem>>
      %dma_start3A_342 = arith.constant 744 : i32
      %dma_start3A_343 = tpu.memref_slice %arg23[%dma_start3A_342] : memref<832xf32, #tpu.memory_space<vmem>> -> memref<88xf32, #tpu.memory_space<vmem>>
      %dma_start3A_344 = arith.constant 744 : i32
      %dma_start3A_345 = tpu.memref_slice %arg23[%dma_start3A_344] : memref<832xf32, #tpu.memory_space<vmem>> -> memref<88xf32, #tpu.memory_space<vmem>>
      tpu.enqueue_dma source(%arg19 : memref<88xf32, #tpu.memory_space<hbm>>) target(%dma_start3A_345 : memref<88xf32, #tpu.memory_space<vmem>>) target_semaphore(%run_scoped3A : memref<!tpu.dma_semaphore, #tpu.memory_space<semaphore_mem>>)
      %dma_wait3A_346 = arith.constant 744 : i32
      %dma_wait3A_347 = tpu.memref_slice %arg23[%dma_wait3A_346] : memref<832xf32, #tpu.memory_space<vmem>> -> memref<88xf32, #tpu.memory_space<vmem>>
      %dma_wait3A_348 = arith.constant 744 : i32
      %dma_wait3A_349 = tpu.memref_slice %arg23[%dma_wait3A_348] : memref<832xf32, #tpu.memory_space<vmem>> -> memref<88xf32, #tpu.memory_space<vmem>>
      tpu.wait_dma2 semaphore(%run_scoped3A : memref<!tpu.dma_semaphore, #tpu.memory_space<semaphore_mem>>) src(%arg19 : memref<88xf32, #tpu.memory_space<hbm>>) dst(%dma_wait3A_349 : memref<88xf32, #tpu.memory_space<vmem>>)
      tpu.yield
    }) : () -> ()
    %mul3A_3 = arith.constant 68 : i32
    %mul3A_4 = arith.muli %arg1, %mul3A_3 : i32
    %sub3A = arith.constant 1083 : i32
    %sub3A_5 = arith.subi %sub3A, %mul3A_4 : i32
    %max3A = arith.constant 0 : i32
    %max3A_6 = arith.maxsi %max3A, %sub3A_5 : i32
    %min3A = arith.constant 68 : i32
    %min3A_7 = arith.minsi %min3A, %max3A_6 : i32
    %while3A = arith.constant 0 : i32
    %while3A_8 = arith.constant 0 : i32
    %while3A_9 = arith.subi %min3A_7, %while3A_8 : i32
    %while3A_10 = arith.addi %while3A_8, %while3A_9 : i32
    %while3A_11 = arith.constant 1 : i32
    %while3A_12 = arith.divsi %while3A_9, %while3A_11 : i32
    %while3A_13 = arith.muli %while3A_12, %while3A_11 : i32
    %while3A_14 = arith.addi %while3A_8, %while3A_13 : i32
    %while3A_15 = arith.constant 1 : i32
    scf.for %while3A_342 = %while3A_8 to %while3A_14 step %while3A_15  : i32 {
      %mul3A_343 = arith.constant 68 : i32
      %mul3A_344 = arith.muli %arg1, %mul3A_343 : i32
      %add3A_345 = arith.addi %mul3A_344, %while3A_342 : i32
      %jit3A = arith.constant 361 : i32
      %div3A = arith.divsi %add3A_345, %jit3A : i32
      %sign3A = arith.constant 0 : i32
      %sign3A_346 = arith.cmpi sgt, %add3A_345, %sign3A : i32
      %sign3A_347 = arith.extui %sign3A_346 : i1 to i32
      %sign3A_348 = arith.constant 0 : i32
      %sign3A_349 = arith.cmpi slt, %add3A_345, %sign3A_348 : i32
      %sign3A_350 = arith.extui %sign3A_349 : i1 to i32
      %sign3A_351 = arith.subi %sign3A_347, %sign3A_350 : i32
      %sign3A_352 = arith.constant 0 : i32
      %sign3A_353 = arith.cmpi sgt, %jit3A, %sign3A_352 : i32
      %sign3A_354 = arith.extui %sign3A_353 : i1 to i32
      %sign3A_355 = arith.constant 0 : i32
      %sign3A_356 = arith.cmpi slt, %jit3A, %sign3A_355 : i32
      %sign3A_357 = arith.extui %sign3A_356 : i1 to i32
      %sign3A_358 = arith.subi %sign3A_354, %sign3A_357 : i32
      %ne3A = arith.cmpi ne, %sign3A_351, %sign3A_358 : i32
      %rem3A = arith.remsi %add3A_345, %jit3A : i32
      %ne3A_359 = arith.constant 0 : i32
      %ne3A_360 = arith.cmpi ne, %rem3A, %ne3A_359 : i32
      %and3A = arith.andi %ne3A, %ne3A_360 : i1
      %sub3A_361 = arith.constant 1 : i32
      %sub3A_362 = arith.subi %div3A, %sub3A_361 : i32
      %select_n3A = arith.select %and3A, %sub3A_362, %div3A : i32
      %jit3A_363 = arith.constant 19 : i32
      %div3A_364 = arith.divsi %add3A_345, %jit3A_363 : i32
      %sign3A_365 = arith.constant 0 : i32
      %sign3A_366 = arith.cmpi sgt, %add3A_345, %sign3A_365 : i32
      %sign3A_367 = arith.extui %sign3A_366 : i1 to i32
      %sign3A_368 = arith.constant 0 : i32
      %sign3A_369 = arith.cmpi slt, %add3A_345, %sign3A_368 : i32
      %sign3A_370 = arith.extui %sign3A_369 : i1 to i32
      %sign3A_371 = arith.subi %sign3A_367, %sign3A_370 : i32
      %sign3A_372 = arith.constant 0 : i32
      %sign3A_373 = arith.cmpi sgt, %jit3A_363, %sign3A_372 : i32
      %sign3A_374 = arith.extui %sign3A_373 : i1 to i32
      %sign3A_375 = arith.constant 0 : i32
      %sign3A_376 = arith.cmpi slt, %jit3A_363, %sign3A_375 : i32
      %sign3A_377 = arith.extui %sign3A_376 : i1 to i32
      %sign3A_378 = arith.subi %sign3A_374, %sign3A_377 : i32
      %ne3A_379 = arith.cmpi ne, %sign3A_371, %sign3A_378 : i32
      %rem3A_380 = arith.remsi %add3A_345, %jit3A_363 : i32
      %ne3A_381 = arith.constant 0 : i32
      %ne3A_382 = arith.cmpi ne, %rem3A_380, %ne3A_381 : i32
      %and3A_383 = arith.andi %ne3A_379, %ne3A_382 : i1
      %sub3A_384 = arith.constant 1 : i32
      %sub3A_385 = arith.subi %div3A_364, %sub3A_384 : i32
      %select_n3A_386 = arith.select %and3A_383, %sub3A_385, %div3A_364 : i32
      %jit3A_387 = arith.constant 19 : i32
      %eq3A = arith.constant 0 : i32
      %eq3A_388 = arith.cmpi eq, %jit3A_387, %eq3A : i32
      %jit3A_389 = arith.constant 1 : i32
      %select_n3A_390 = arith.select %eq3A_388, %jit3A_389, %jit3A_387 : i32
      %rem3A_391 = arith.remsi %select_n3A_386, %select_n3A_390 : i32
      %ne3A_392 = arith.constant 0 : i32
      %ne3A_393 = arith.cmpi ne, %rem3A_391, %ne3A_392 : i32
      %lt3A = arith.constant 0 : i32
      %lt3A_394 = arith.cmpi slt, %rem3A_391, %lt3A : i32
      %lt3A_395 = arith.constant 0 : i32
      %lt3A_396 = arith.cmpi slt, %select_n3A_390, %lt3A_395 : i32
      %ne3A_397 = arith.xori %lt3A_394, %lt3A_396 : i1
      %and3A_398 = arith.andi %ne3A_397, %ne3A_393 : i1
      %add3A_399 = arith.addi %rem3A_391, %select_n3A_390 : i32
      %select_n3A_400 = arith.select %and3A_398, %add3A_399, %rem3A_391 : i32
      %jit3A_401 = arith.constant 19 : i32
      %eq3A_402 = arith.constant 0 : i32
      %eq3A_403 = arith.cmpi eq, %jit3A_401, %eq3A_402 : i32
      %jit3A_404 = arith.constant 1 : i32
      %select_n3A_405 = arith.select %eq3A_403, %jit3A_404, %jit3A_401 : i32
      %rem3A_406 = arith.remsi %add3A_345, %select_n3A_405 : i32
      %ne3A_407 = arith.constant 0 : i32
      %ne3A_408 = arith.cmpi ne, %rem3A_406, %ne3A_407 : i32
      %lt3A_409 = arith.constant 0 : i32
      %lt3A_410 = arith.cmpi slt, %rem3A_406, %lt3A_409 : i32
      %lt3A_411 = arith.constant 0 : i32
      %lt3A_412 = arith.cmpi slt, %select_n3A_405, %lt3A_411 : i32
      %ne3A_413 = arith.xori %lt3A_410, %lt3A_412 : i1
      %and3A_414 = arith.andi %ne3A_413, %ne3A_408 : i1
      %add3A_415 = arith.addi %rem3A_406, %select_n3A_405 : i32
      %select_n3A_416 = arith.select %and3A_414, %add3A_415, %rem3A_406 : i32
      %mul3A_417 = arith.constant 16 : i32
      %mul3A_418 = arith.muli %select_n3A, %mul3A_417 : i32
      %add3A_419 = arith.constant 0 : i32
      %add3A_420 = arith.addi %add3A_419, %mul3A_418 : i32
      %add3A_421 = vector.broadcast %add3A_420 : i32 to vector<16xi32>
      %add3A_422 = arith.addi %add3A_421, %iota3A : vector<16xi32>
      %mul3A_423 = arith.constant 16 : i32
      %mul3A_424 = arith.muli %select_n3A_400, %mul3A_423 : i32
      %add3A_425 = arith.constant 48 : i32
      %add3A_426 = arith.addi %add3A_425, %mul3A_424 : i32
      %add3A_427 = vector.broadcast %add3A_426 : i32 to vector<16xi32>
      %add3A_428 = arith.addi %add3A_427, %iota3A : vector<16xi32>
      %mul3A_429 = arith.constant 16 : i32
      %mul3A_430 = arith.muli %select_n3A_416, %mul3A_429 : i32
      %add3A_431 = arith.constant 352 : i32
      %add3A_432 = arith.addi %add3A_431, %mul3A_430 : i32
      %add3A_433 = vector.broadcast %add3A_432 : i32 to vector<16xi32>
      %add3A_434 = arith.addi %add3A_433, %iota3A : vector<16xi32>
      %gather3A = tpu.vector_load_idx %arg23[%add3A_422] : memref<832xf32, #tpu.memory_space<vmem>>[vector<16xi32>], vector<16xf32>,
      %swap3A_435 = arith.index_cast %while3A_342 : i32 to index
      %swap3A_436 = arith.constant 0 : index
      %swap3A_437 = tpu.vector_load %arg24[%swap3A_435, %swap3A_436] {strides = array<i32>} : memref<68x48xf32, #tpu.memory_space<vmem>>, vector<16xf32>,
      tpu.vector_store %arg24[%swap3A_435, %swap3A_436], %gather3A {strides = array<i32>} : memref<68x48xf32, #tpu.memory_space<vmem>>, vector<16xf32>,
      %gather3A_438 = tpu.vector_load_idx %arg23[%add3A_428] : memref<832xf32, #tpu.memory_space<vmem>>[vector<16xi32>], vector<16xf32>,
      %swap3A_439 = arith.index_cast %while3A_342 : i32 to index
      %swap3A_440 = arith.constant 16 : index
      %swap3A_441 = tpu.vector_load %arg24[%swap3A_439, %swap3A_440] {strides = array<i32>} : memref<68x48xf32, #tpu.memory_space<vmem>>, vector<16xf32>,
      tpu.vector_store %arg24[%swap3A_439, %swap3A_440], %gather3A_438 {strides = array<i32>} : memref<68x48xf32, #tpu.memory_space<vmem>>, vector<16xf32>,
      %gather3A_442 = tpu.vector_load_idx %arg23[%add3A_434] : memref<832xf32, #tpu.memory_space<vmem>>[vector<16xi32>], vector<16xf32>,
      %swap3A_443 = arith.index_cast %while3A_342 : i32 to index
      %swap3A_444 = arith.constant 32 : index
      %swap3A_445 = tpu.vector_load %arg24[%swap3A_443, %swap3A_444] {strides = array<i32>} : memref<68x48xf32, #tpu.memory_space<vmem>>, vector<16xf32>,
      tpu.vector_store %arg24[%swap3A_443, %swap3A_444], %gather3A_442 {strides = array<i32>} : memref<68x48xf32, #tpu.memory_space<vmem>>, vector<16xf32>,
    }
    %while3A_16 = arith.constant 1 : i32
    scf.for %while3A_342 = %while3A_14 to %while3A_10 step %while3A_16  : i32 {
      %mul3A_343 = arith.constant 68 : i32
      %mul3A_344 = arith.muli %arg1, %mul3A_343 : i32
      %add3A_345 = arith.addi %mul3A_344, %while3A_342 : i32
      %jit3A = arith.constant 361 : i32
      %div3A = arith.divsi %add3A_345, %jit3A : i32
      %sign3A = arith.constant 0 : i32
      %sign3A_346 = arith.cmpi sgt, %add3A_345, %sign3A : i32
      %sign3A_347 = arith.extui %sign3A_346 : i1 to i32
      %sign3A_348 = arith.constant 0 : i32
      %sign3A_349 = arith.cmpi slt, %add3A_345, %sign3A_348 : i32
      %sign3A_350 = arith.extui %sign3A_349 : i1 to i32
      %sign3A_351 = arith.subi %sign3A_347, %sign3A_350 : i32
      %sign3A_352 = arith.constant 0 : i32
      %sign3A_353 = arith.cmpi sgt, %jit3A, %sign3A_352 : i32
      %sign3A_354 = arith.extui %sign3A_353 : i1 to i32
      %sign3A_355 = arith.constant 0 : i32
      %sign3A_356 = arith.cmpi slt, %jit3A, %sign3A_355 : i32
      %sign3A_357 = arith.extui %sign3A_356 : i1 to i32
      %sign3A_358 = arith.subi %sign3A_354, %sign3A_357 : i32
      %ne3A = arith.cmpi ne, %sign3A_351, %sign3A_358 : i32
      %rem3A = arith.remsi %add3A_345, %jit3A : i32
      %ne3A_359 = arith.constant 0 : i32
      %ne3A_360 = arith.cmpi ne, %rem3A, %ne3A_359 : i32
      %and3A = arith.andi %ne3A, %ne3A_360 : i1
      %sub3A_361 = arith.constant 1 : i32
      %sub3A_362 = arith.subi %div3A, %sub3A_361 : i32
      %select_n3A = arith.select %and3A, %sub3A_362, %div3A : i32
      %jit3A_363 = arith.constant 19 : i32
      %div3A_364 = arith.divsi %add3A_345, %jit3A_363 : i32
      %sign3A_365 = arith.constant 0 : i32
      %sign3A_366 = arith.cmpi sgt, %add3A_345, %sign3A_365 : i32
      %sign3A_367 = arith.extui %sign3A_366 : i1 to i32
      %sign3A_368 = arith.constant 0 : i32
      %sign3A_369 = arith.cmpi slt, %add3A_345, %sign3A_368 : i32
      %sign3A_370 = arith.extui %sign3A_369 : i1 to i32
      %sign3A_371 = arith.subi %sign3A_367, %sign3A_370 : i32
      %sign3A_372 = arith.constant 0 : i32
      %sign3A_373 = arith.cmpi sgt, %jit3A_363, %sign3A_372 : i32
      %sign3A_374 = arith.extui %sign3A_373 : i1 to i32
      %sign3A_375 = arith.constant 0 : i32
      %sign3A_376 = arith.cmpi slt, %jit3A_363, %sign3A_375 : i32
      %sign3A_377 = arith.extui %sign3A_376 : i1 to i32
      %sign3A_378 = arith.subi %sign3A_374, %sign3A_377 : i32
      %ne3A_379 = arith.cmpi ne, %sign3A_371, %sign3A_378 : i32
      %rem3A_380 = arith.remsi %add3A_345, %jit3A_363 : i32
      %ne3A_381 = arith.constant 0 : i32
      %ne3A_382 = arith.cmpi ne, %rem3A_380, %ne3A_381 : i32
      %and3A_383 = arith.andi %ne3A_379, %ne3A_382 : i1
      %sub3A_384 = arith.constant 1 : i32
      %sub3A_385 = arith.subi %div3A_364, %sub3A_384 : i32
      %select_n3A_386 = arith.select %and3A_383, %sub3A_385, %div3A_364 : i32
      %jit3A_387 = arith.constant 19 : i32
      %eq3A = arith.constant 0 : i32
      %eq3A_388 = arith.cmpi eq, %jit3A_387, %eq3A : i32
      %jit3A_389 = arith.constant 1 : i32
      %select_n3A_390 = arith.select %eq3A_388, %jit3A_389, %jit3A_387 : i32
      %rem3A_391 = arith.remsi %select_n3A_386, %select_n3A_390 : i32
      %ne3A_392 = arith.constant 0 : i32
      %ne3A_393 = arith.cmpi ne, %rem3A_391, %ne3A_392 : i32
      %lt3A = arith.constant 0 : i32
      %lt3A_394 = arith.cmpi slt, %rem3A_391, %lt3A : i32
      %lt3A_395 = arith.constant 0 : i32
      %lt3A_396 = arith.cmpi slt, %select_n3A_390, %lt3A_395 : i32
      %ne3A_397 = arith.xori %lt3A_394, %lt3A_396 : i1
      %and3A_398 = arith.andi %ne3A_397, %ne3A_393 : i1
      %add3A_399 = arith.addi %rem3A_391, %select_n3A_390 : i32
      %select_n3A_400 = arith.select %and3A_398, %add3A_399, %rem3A_391 : i32
      %jit3A_401 = arith.constant 19 : i32
      %eq3A_402 = arith.constant 0 : i32
      %eq3A_403 = arith.cmpi eq, %jit3A_401, %eq3A_402 : i32
      %jit3A_404 = arith.constant 1 : i32
      %select_n3A_405 = arith.select %eq3A_403, %jit3A_404, %jit3A_401 : i32
      %rem3A_406 = arith.remsi %add3A_345, %select_n3A_405 : i32
      %ne3A_407 = arith.constant 0 : i32
      %ne3A_408 = arith.cmpi ne, %rem3A_406, %ne3A_407 : i32
      %lt3A_409 = arith.constant 0 : i32
      %lt3A_410 = arith.cmpi slt, %rem3A_406, %lt3A_409 : i32
      %lt3A_411 = arith.constant 0 : i32
      %lt3A_412 = arith.cmpi slt, %select_n3A_405, %lt3A_411 : i32
      %ne3A_413 = arith.xori %lt3A_410, %lt3A_412 : i1
      %and3A_414 = arith.andi %ne3A_413, %ne3A_408 : i1
      %add3A_415 = arith.addi %rem3A_406, %select_n3A_405 : i32
      %select_n3A_416 = arith.select %and3A_414, %add3A_415, %rem3A_406 : i32
      %mul3A_417 = arith.constant 16 : i32
      %mul3A_418 = arith.muli %select_n3A, %mul3A_417 : i32
      %add3A_419 = arith.constant 0 : i32
      %add3A_420 = arith.addi %add3A_419, %mul3A_418 : i32
      %add3A_421 = vector.broadcast %add3A_420 : i32 to vector<16xi32>
      %add3A_422 = arith.addi %add3A_421, %iota3A : vector<16xi32>
      %mul3A_423 = arith.constant 16 : i32
      %mul3A_424 = arith.muli %select_n3A_400, %mul3A_423 : i32
      %add3A_425 = arith.constant 48 : i32
      %add3A_426 = arith.addi %add3A_425, %mul3A_424 : i32
      %add3A_427 = vector.broadcast %add3A_426 : i32 to vector<16xi32>
      %add3A_428 = arith.addi %add3A_427, %iota3A : vector<16xi32>
      %mul3A_429 = arith.constant 16 : i32
      %mul3A_430 = arith.muli %select_n3A_416, %mul3A_429 : i32
      %add3A_431 = arith.constant 352 : i32
      %add3A_432 = arith.addi %add3A_431, %mul3A_430 : i32
      %add3A_433 = vector.broadcast %add3A_432 : i32 to vector<16xi32>
      %add3A_434 = arith.addi %add3A_433, %iota3A : vector<16xi32>
      %gather3A = tpu.vector_load_idx %arg23[%add3A_422] : memref<832xf32, #tpu.memory_space<vmem>>[vector<16xi32>], vector<16xf32>,
      %swap3A_435 = arith.index_cast %while3A_342 : i32 to index
      %swap3A_436 = arith.constant 0 : index
      %swap3A_437 = tpu.vector_load %arg24[%swap3A_435, %swap3A_436] {strides = array<i32>} : memref<68x48xf32, #tpu.memory_space<vmem>>, vector<16xf32>,
      tpu.vector_store %arg24[%swap3A_435, %swap3A_436], %gather3A {strides = array<i32>} : memref<68x48xf32, #tpu.memory_space<vmem>>, vector<16xf32>,
      %gather3A_438 = tpu.vector_load_idx %arg23[%add3A_428] : memref<832xf32, #tpu.memory_space<vmem>>[vector<16xi32>], vector<16xf32>,
      %swap3A_439 = arith.index_cast %while3A_342 : i32 to index
      %swap3A_440 = arith.constant 16 : index
      %swap3A_441 = tpu.vector_load %arg24[%swap3A_439, %swap3A_440] {strides = array<i32>} : memref<68x48xf32, #tpu.memory_space<vmem>>, vector<16xf32>,
      tpu.vector_store %arg24[%swap3A_439, %swap3A_440], %gather3A_438 {strides = array<i32>} : memref<68x48xf32, #tpu.memory_space<vmem>>, vector<16xf32>,
      %gather3A_442 = tpu.vector_load_idx %arg23[%add3A_434] : memref<832xf32, #tpu.memory_space<vmem>>[vector<16xi32>], vector<16xf32>,
      %swap3A_443 = arith.index_cast %while3A_342 : i32 to index
      %swap3A_444 = arith.constant 32 : index
      %swap3A_445 = tpu.vector_load %arg24[%swap3A_443, %swap3A_444] {strides = array<i32>} : memref<68x48xf32, #tpu.memory_space<vmem>>, vector<16xf32>,
      tpu.vector_store %arg24[%swap3A_443, %swap3A_444], %gather3A_442 {strides = array<i32>} : memref<68x48xf32, #tpu.memory_space<vmem>>, vector<16xf32>,
    }
    %while3A_17 = arith.constant 0 : i32
    %while3A_18 = arith.constant 0 : i32
    %while3A_19 = arith.subi %min3A_7, %while3A_18 : i32
    %while3A_20 = arith.addi %while3A_18, %while3A_19 : i32
    %while3A_21 = arith.constant 1 : i32
    %while3A_22 = arith.divsi %while3A_19, %while3A_21 : i32
    %while3A_23 = arith.muli %while3A_22, %while3A_21 : i32
    %while3A_24 = arith.addi %while3A_18, %while3A_23 : i32
    %while3A_25 = arith.constant 1 : i32
    scf.for %while3A_342 = %while3A_18 to %while3A_24 step %while3A_25  : i32 {
      %mul3A_343 = arith.constant 68 : i32
      %mul3A_344 = arith.muli %arg1, %mul3A_343 : i32
      %add3A_345 = arith.addi %mul3A_344, %while3A_342 : i32
      "tpu.region"() ({
        %run_scoped3A = tpu.sem_alloc : memref<!tpu.dma_semaphore, #tpu.memory_space<semaphore_mem>>
        %dma_start3A_346 = arith.constant 0 : i32
        %dma_start3A_347 = tpu.memref_slice %arg24[%while3A_342, %dma_start3A_346] : memref<68x48xf32, #tpu.memory_space<vmem>> -> memref<1x48xf32, #tpu.memory_space<vmem>>
        %dma_start3A_348 = tpu.memref_squeeze %dma_start3A_347 : memref<1x48xf32, #tpu.memory_space<vmem>> -> memref<48xf32, #tpu.memory_space<vmem>>
        %dma_start3A_349 = arith.constant 0 : i32
        %dma_start3A_350 = tpu.memref_slice %arg21[%add3A_345, %dma_start3A_349] : memref<1083x48xf32, #tpu.memory_space<vmem_shared>> -> memref<1x48xf32, #tpu.memory_space<vmem_shared>>
        %dma_start3A_351 = tpu.memref_squeeze %dma_start3A_350 : memref<1x48xf32, #tpu.memory_space<vmem_shared>> -> memref<48xf32, #tpu.memory_space<vmem_shared>>
        %dma_start3A_352 = arith.constant 0 : i32
        %dma_start3A_353 = tpu.memref_slice %arg21[%add3A_345, %dma_start3A_352] : memref<1083x48xf32, #tpu.memory_space<vmem_shared>> -> memref<1x48xf32, #tpu.memory_space<vmem_shared>>
        %dma_start3A_354 = tpu.memref_squeeze %dma_start3A_353 : memref<1x48xf32, #tpu.memory_space<vmem_shared>> -> memref<48xf32, #tpu.memory_space<vmem_shared>>
        %dma_start3A_355 = arith.constant 0 : i32
        %dma_start3A_356 = tpu.memref_slice %arg24[%while3A_342, %dma_start3A_355] : memref<68x48xf32, #tpu.memory_space<vmem>> -> memref<1x48xf32, #tpu.memory_space<vmem>>
        %dma_start3A_357 = tpu.memref_squeeze %dma_start3A_356 : memref<1x48xf32, #tpu.memory_space<vmem>> -> memref<48xf32, #tpu.memory_space<vmem>>
        tpu.enqueue_dma source(%dma_start3A_357 : memref<48xf32, #tpu.memory_space<vmem>>) target(%dma_start3A_354 : memref<48xf32, #tpu.memory_space<vmem_shared>>) target_semaphore(%run_scoped3A : memref<!tpu.dma_semaphore, #tpu.memory_space<semaphore_mem>>)
        %dma_wait3A_358 = arith.constant 0 : i32
        %dma_wait3A_359 = tpu.memref_slice %arg24[%while3A_342, %dma_wait3A_358] : memref<68x48xf32, #tpu.memory_space<vmem>> -> memref<1x48xf32, #tpu.memory_space<vmem>>
        %dma_wait3A_360 = tpu.memref_squeeze %dma_wait3A_359 : memref<1x48xf32, #tpu.memory_space<vmem>> -> memref<48xf32, #tpu.memory_space<vmem>>
        %dma_wait3A_361 = arith.constant 0 : i32
        %dma_wait3A_362 = tpu.memref_slice %arg21[%add3A_345, %dma_wait3A_361] : memref<1083x48xf32, #tpu.memory_space<vmem_shared>> -> memref<1x48xf32, #tpu.memory_space<vmem_shared>>
        %dma_wait3A_363 = tpu.memref_squeeze %dma_wait3A_362 : memref<1x48xf32, #tpu.memory_space<vmem_shared>> -> memref<48xf32, #tpu.memory_space<vmem_shared>>
        %dma_wait3A_364 = arith.constant 0 : i32
        %dma_wait3A_365 = tpu.memref_slice %arg21[%add3A_345, %dma_wait3A_364] : memref<1083x48xf32, #tpu.memory_space<vmem_shared>> -> memref<1x48xf32, #tpu.memory_space<vmem_shared>>
        %dma_wait3A_366 = tpu.memref_squeeze %dma_wait3A_365 : memref<1x48xf32, #tpu.memory_space<vmem_shared>> -> memref<48xf32, #tpu.memory_space<vmem_shared>>
        %dma_wait3A_367 = arith.constant 0 : i32
        %dma_wait3A_368 = tpu.memref_slice %arg24[%while3A_342, %dma_wait3A_367] : memref<68x48xf32, #tpu.memory_space<vmem>> -> memref<1x48xf32, #tpu.memory_space<vmem>>
        %dma_wait3A_369 = tpu.memref_squeeze %dma_wait3A_368 : memref<1x48xf32, #tpu.memory_space<vmem>> -> memref<48xf32, #tpu.memory_space<vmem>>
        tpu.wait_dma2 semaphore(%run_scoped3A : memref<!tpu.dma_semaphore, #tpu.memory_space<semaphore_mem>>) src(%dma_wait3A_369 : memref<48xf32, #tpu.memory_space<vmem>>) dst(%dma_wait3A_366 : memref<48xf32, #tpu.memory_space<vmem_shared>>)
        tpu.yield
      }) : () -> ()
    }
    %while3A_26 = arith.constant 1 : i32
    scf.for %while3A_342 = %while3A_24 to %while3A_20 step %while3A_26  : i32 {
      %mul3A_343 = arith.constant 68 : i32
      %mul3A_344 = arith.muli %arg1, %mul3A_343 : i32
      %add3A_345 = arith.addi %mul3A_344, %while3A_342 : i32
      "tpu.region"() ({
        %run_scoped3A = tpu.sem_alloc : memref<!tpu.dma_semaphore, #tpu.memory_space<semaphore_mem>>
        %dma_start3A_346 = arith.constant 0 : i32
        %dma_start3A_347 = tpu.memref_slice %arg24[%while3A_342, %dma_start3A_346] : memref<68x48xf32, #tpu.memory_space<vmem>> -> memref<1x48xf32, #tpu.memory_space<vmem>>
        %dma_start3A_348 = tpu.memref_squeeze %dma_start3A_347 : memref<1x48xf32, #tpu.memory_space<vmem>> -> memref<48xf32, #tpu.memory_space<vmem>>
        %dma_start3A_349 = arith.constant 0 : i32
        %dma_start3A_350 = tpu.memref_slice %arg21[%add3A_345, %dma_start3A_349] : memref<1083x48xf32, #tpu.memory_space<vmem_shared>> -> memref<1x48xf32, #tpu.memory_space<vmem_shared>>
        %dma_start3A_351 = tpu.memref_squeeze %dma_start3A_350 : memref<1x48xf32, #tpu.memory_space<vmem_shared>> -> memref<48xf32, #tpu.memory_space<vmem_shared>>
        %dma_start3A_352 = arith.constant 0 : i32
        %dma_start3A_353 = tpu.memref_slice %arg21[%add3A_345, %dma_start3A_352] : memref<1083x48xf32, #tpu.memory_space<vmem_shared>> -> memref<1x48xf32, #tpu.memory_space<vmem_shared>>
        %dma_start3A_354 = tpu.memref_squeeze %dma_start3A_353 : memref<1x48xf32, #tpu.memory_space<vmem_shared>> -> memref<48xf32, #tpu.memory_space<vmem_shared>>
        %dma_start3A_355 = arith.constant 0 : i32
        %dma_start3A_356 = tpu.memref_slice %arg24[%while3A_342, %dma_start3A_355] : memref<68x48xf32, #tpu.memory_space<vmem>> -> memref<1x48xf32, #tpu.memory_space<vmem>>
        %dma_start3A_357 = tpu.memref_squeeze %dma_start3A_356 : memref<1x48xf32, #tpu.memory_space<vmem>> -> memref<48xf32, #tpu.memory_space<vmem>>
        tpu.enqueue_dma source(%dma_start3A_357 : memref<48xf32, #tpu.memory_space<vmem>>) target(%dma_start3A_354 : memref<48xf32, #tpu.memory_space<vmem_shared>>) target_semaphore(%run_scoped3A : memref<!tpu.dma_semaphore, #tpu.memory_space<semaphore_mem>>)
        %dma_wait3A_358 = arith.constant 0 : i32
        %dma_wait3A_359 = tpu.memref_slice %arg24[%while3A_342, %dma_wait3A_358] : memref<68x48xf32, #tpu.memory_space<vmem>> -> memref<1x48xf32, #tpu.memory_space<vmem>>
        %dma_wait3A_360 = tpu.memref_squeeze %dma_wait3A_359 : memref<1x48xf32, #tpu.memory_space<vmem>> -> memref<48xf32, #tpu.memory_space<vmem>>
        %dma_wait3A_361 = arith.constant 0 : i32
        %dma_wait3A_362 = tpu.memref_slice %arg21[%add3A_345, %dma_wait3A_361] : memref<1083x48xf32, #tpu.memory_space<vmem_shared>> -> memref<1x48xf32, #tpu.memory_space<vmem_shared>>
        %dma_wait3A_363 = tpu.memref_squeeze %dma_wait3A_362 : memref<1x48xf32, #tpu.memory_space<vmem_shared>> -> memref<48xf32, #tpu.memory_space<vmem_shared>>
        %dma_wait3A_364 = arith.constant 0 : i32
        %dma_wait3A_365 = tpu.memref_slice %arg21[%add3A_345, %dma_wait3A_364] : memref<1083x48xf32, #tpu.memory_space<vmem_shared>> -> memref<1x48xf32, #tpu.memory_space<vmem_shared>>
        %dma_wait3A_366 = tpu.memref_squeeze %dma_wait3A_365 : memref<1x48xf32, #tpu.memory_space<vmem_shared>> -> memref<48xf32, #tpu.memory_space<vmem_shared>>
        %dma_wait3A_367 = arith.constant 0 : i32
        %dma_wait3A_368 = tpu.memref_slice %arg24[%while3A_342, %dma_wait3A_367] : memref<68x48xf32, #tpu.memory_space<vmem>> -> memref<1x48xf32, #tpu.memory_space<vmem>>
        %dma_wait3A_369 = tpu.memref_squeeze %dma_wait3A_368 : memref<1x48xf32, #tpu.memory_space<vmem>> -> memref<48xf32, #tpu.memory_space<vmem>>
        tpu.wait_dma2 semaphore(%run_scoped3A : memref<!tpu.dma_semaphore, #tpu.memory_space<semaphore_mem>>) src(%dma_wait3A_369 : memref<48xf32, #tpu.memory_space<vmem>>) dst(%dma_wait3A_366 : memref<48xf32, #tpu.memory_space<vmem_shared>>)
        tpu.yield
      }) : () -> ()
    }
    %mul3A_27 = arith.constant 33 : i32
    %mul3A_28 = arith.muli %arg1, %mul3A_27 : i32
    %sub3A_29 = arith.constant 528 : i32
    %sub3A_30 = arith.subi %sub3A_29, %mul3A_28 : i32
    %max3A_31 = arith.constant 0 : i32
    %max3A_32 = arith.maxsi %max3A_31, %sub3A_30 : i32
    %min3A_33 = arith.constant 33 : i32
    %min3A_34 = arith.minsi %min3A_33, %max3A_32 : i32
    %while3A_35 = arith.constant 0 : i32
    %while3A_36 = arith.constant 0 : i32
    %while3A_37 = arith.subi %min3A_34, %while3A_36 : i32
    %while3A_38 = arith.addi %while3A_36, %while3A_37 : i32
    %while3A_39 = arith.constant 1 : i32
    %while3A_40 = arith.divsi %while3A_37, %while3A_39 : i32
    %while3A_41 = arith.muli %while3A_40, %while3A_39 : i32
    %while3A_42 = arith.addi %while3A_36, %while3A_41 : i32
    %while3A_43 = arith.constant 1 : i32
    scf.for %while3A_342 = %while3A_36 to %while3A_42 step %while3A_43  : i32 {
      %mul3A_343 = arith.constant 33 : i32
      %mul3A_344 = arith.muli %arg1, %mul3A_343 : i32
      %add3A_345 = arith.addi %mul3A_344, %while3A_342 : i32
      %jit3A = arith.constant 176 : i32
      %div3A = arith.divsi %add3A_345, %jit3A : i32
      %sign3A = arith.constant 0 : i32
      %sign3A_346 = arith.cmpi sgt, %add3A_345, %sign3A : i32
      %sign3A_347 = arith.extui %sign3A_346 : i1 to i32
      %sign3A_348 = arith.constant 0 : i32
      %sign3A_349 = arith.cmpi slt, %add3A_345, %sign3A_348 : i32
      %sign3A_350 = arith.extui %sign3A_349 : i1 to i32
      %sign3A_351 = arith.subi %sign3A_347, %sign3A_350 : i32
      %sign3A_352 = arith.constant 0 : i32
      %sign3A_353 = arith.cmpi sgt, %jit3A, %sign3A_352 : i32
      %sign3A_354 = arith.extui %sign3A_353 : i1 to i32
      %sign3A_355 = arith.constant 0 : i32
      %sign3A_356 = arith.cmpi slt, %jit3A, %sign3A_355 : i32
      %sign3A_357 = arith.extui %sign3A_356 : i1 to i32
      %sign3A_358 = arith.subi %sign3A_354, %sign3A_357 : i32
      %ne3A = arith.cmpi ne, %sign3A_351, %sign3A_358 : i32
      %rem3A = arith.remsi %add3A_345, %jit3A : i32
      %ne3A_359 = arith.constant 0 : i32
      %ne3A_360 = arith.cmpi ne, %rem3A, %ne3A_359 : i32
      %and3A = arith.andi %ne3A, %ne3A_360 : i1
      %sub3A_361 = arith.constant 1 : i32
      %sub3A_362 = arith.subi %div3A, %sub3A_361 : i32
      %select_n3A = arith.select %and3A, %sub3A_362, %div3A : i32
      %jit3A_363 = arith.constant 88 : i32
      %div3A_364 = arith.divsi %add3A_345, %jit3A_363 : i32
      %sign3A_365 = arith.constant 0 : i32
      %sign3A_366 = arith.cmpi sgt, %add3A_345, %sign3A_365 : i32
      %sign3A_367 = arith.extui %sign3A_366 : i1 to i32
      %sign3A_368 = arith.constant 0 : i32
      %sign3A_369 = arith.cmpi slt, %add3A_345, %sign3A_368 : i32
      %sign3A_370 = arith.extui %sign3A_369 : i1 to i32
      %sign3A_371 = arith.subi %sign3A_367, %sign3A_370 : i32
      %sign3A_372 = arith.constant 0 : i32
      %sign3A_373 = arith.cmpi sgt, %jit3A_363, %sign3A_372 : i32
      %sign3A_374 = arith.extui %sign3A_373 : i1 to i32
      %sign3A_375 = arith.constant 0 : i32
      %sign3A_376 = arith.cmpi slt, %jit3A_363, %sign3A_375 : i32
      %sign3A_377 = arith.extui %sign3A_376 : i1 to i32
      %sign3A_378 = arith.subi %sign3A_374, %sign3A_377 : i32
      %ne3A_379 = arith.cmpi ne, %sign3A_371, %sign3A_378 : i32
      %rem3A_380 = arith.remsi %add3A_345, %jit3A_363 : i32
      %ne3A_381 = arith.constant 0 : i32
      %ne3A_382 = arith.cmpi ne, %rem3A_380, %ne3A_381 : i32
      %and3A_383 = arith.andi %ne3A_379, %ne3A_382 : i1
      %sub3A_384 = arith.constant 1 : i32
      %sub3A_385 = arith.subi %div3A_364, %sub3A_384 : i32
      %select_n3A_386 = arith.select %and3A_383, %sub3A_385, %div3A_364 : i32
      %jit3A_387 = arith.constant 2 : i32
      %eq3A = arith.constant 0 : i32
      %eq3A_388 = arith.cmpi eq, %jit3A_387, %eq3A : i32
      %jit3A_389 = arith.constant 1 : i32
      %select_n3A_390 = arith.select %eq3A_388, %jit3A_389, %jit3A_387 : i32
      %rem3A_391 = arith.remsi %select_n3A_386, %select_n3A_390 : i32
      %ne3A_392 = arith.constant 0 : i32
      %ne3A_393 = arith.cmpi ne, %rem3A_391, %ne3A_392 : i32
      %lt3A = arith.constant 0 : i32
      %lt3A_394 = arith.cmpi slt, %rem3A_391, %lt3A : i32
      %lt3A_395 = arith.constant 0 : i32
      %lt3A_396 = arith.cmpi slt, %select_n3A_390, %lt3A_395 : i32
      %ne3A_397 = arith.xori %lt3A_394, %lt3A_396 : i1
      %and3A_398 = arith.andi %ne3A_397, %ne3A_393 : i1
      %add3A_399 = arith.addi %rem3A_391, %select_n3A_390 : i32
      %select_n3A_400 = arith.select %and3A_398, %add3A_399, %rem3A_391 : i32
      %jit3A_401 = arith.constant 44 : i32
      %div3A_402 = arith.divsi %add3A_345, %jit3A_401 : i32
      %sign3A_403 = arith.constant 0 : i32
      %sign3A_404 = arith.cmpi sgt, %add3A_345, %sign3A_403 : i32
      %sign3A_405 = arith.extui %sign3A_404 : i1 to i32
      %sign3A_406 = arith.constant 0 : i32
      %sign3A_407 = arith.cmpi slt, %add3A_345, %sign3A_406 : i32
      %sign3A_408 = arith.extui %sign3A_407 : i1 to i32
      %sign3A_409 = arith.subi %sign3A_405, %sign3A_408 : i32
      %sign3A_410 = arith.constant 0 : i32
      %sign3A_411 = arith.cmpi sgt, %jit3A_401, %sign3A_410 : i32
      %sign3A_412 = arith.extui %sign3A_411 : i1 to i32
      %sign3A_413 = arith.constant 0 : i32
      %sign3A_414 = arith.cmpi slt, %jit3A_401, %sign3A_413 : i32
      %sign3A_415 = arith.extui %sign3A_414 : i1 to i32
      %sign3A_416 = arith.subi %sign3A_412, %sign3A_415 : i32
      %ne3A_417 = arith.cmpi ne, %sign3A_409, %sign3A_416 : i32
      %rem3A_418 = arith.remsi %add3A_345, %jit3A_401 : i32
      %ne3A_419 = arith.constant 0 : i32
      %ne3A_420 = arith.cmpi ne, %rem3A_418, %ne3A_419 : i32
      %and3A_421 = arith.andi %ne3A_417, %ne3A_420 : i1
      %sub3A_422 = arith.constant 1 : i32
      %sub3A_423 = arith.subi %div3A_402, %sub3A_422 : i32
      %select_n3A_424 = arith.select %and3A_421, %sub3A_423, %div3A_402 : i32
      %jit3A_425 = arith.constant 2 : i32
      %eq3A_426 = arith.constant 0 : i32
      %eq3A_427 = arith.cmpi eq, %jit3A_425, %eq3A_426 : i32
      %jit3A_428 = arith.constant 1 : i32
      %select_n3A_429 = arith.select %eq3A_427, %jit3A_428, %jit3A_425 : i32
      %rem3A_430 = arith.remsi %select_n3A_424, %select_n3A_429 : i32
      %ne3A_431 = arith.constant 0 : i32
      %ne3A_432 = arith.cmpi ne, %rem3A_430, %ne3A_431 : i32
      %lt3A_433 = arith.constant 0 : i32
      %lt3A_434 = arith.cmpi slt, %rem3A_430, %lt3A_433 : i32
      %lt3A_435 = arith.constant 0 : i32
      %lt3A_436 = arith.cmpi slt, %select_n3A_429, %lt3A_435 : i32
      %ne3A_437 = arith.xori %lt3A_434, %lt3A_436 : i1
      %and3A_438 = arith.andi %ne3A_437, %ne3A_432 : i1
      %add3A_439 = arith.addi %rem3A_430, %select_n3A_429 : i32
      %select_n3A_440 = arith.select %and3A_438, %add3A_439, %rem3A_430 : i32
      %jit3A_441 = arith.constant 22 : i32
      %div3A_442 = arith.divsi %add3A_345, %jit3A_441 : i32
      %sign3A_443 = arith.constant 0 : i32
      %sign3A_444 = arith.cmpi sgt, %add3A_345, %sign3A_443 : i32
      %sign3A_445 = arith.extui %sign3A_444 : i1 to i32
      %sign3A_446 = arith.constant 0 : i32
      %sign3A_447 = arith.cmpi slt, %add3A_345, %sign3A_446 : i32
      %sign3A_448 = arith.extui %sign3A_447 : i1 to i32
      %sign3A_449 = arith.subi %sign3A_445, %sign3A_448 : i32
      %sign3A_450 = arith.constant 0 : i32
      %sign3A_451 = arith.cmpi sgt, %jit3A_441, %sign3A_450 : i32
      %sign3A_452 = arith.extui %sign3A_451 : i1 to i32
      %sign3A_453 = arith.constant 0 : i32
      %sign3A_454 = arith.cmpi slt, %jit3A_441, %sign3A_453 : i32
      %sign3A_455 = arith.extui %sign3A_454 : i1 to i32
      %sign3A_456 = arith.subi %sign3A_452, %sign3A_455 : i32
      %ne3A_457 = arith.cmpi ne, %sign3A_449, %sign3A_456 : i32
      %rem3A_458 = arith.remsi %add3A_345, %jit3A_441 : i32
      %ne3A_459 = arith.constant 0 : i32
      %ne3A_460 = arith.cmpi ne, %rem3A_458, %ne3A_459 : i32
      %and3A_461 = arith.andi %ne3A_457, %ne3A_460 : i1
      %sub3A_462 = arith.constant 1 : i32
      %sub3A_463 = arith.subi %div3A_442, %sub3A_462 : i32
      %select_n3A_464 = arith.select %and3A_461, %sub3A_463, %div3A_442 : i32
      %jit3A_465 = arith.constant 2 : i32
      %eq3A_466 = arith.constant 0 : i32
      %eq3A_467 = arith.cmpi eq, %jit3A_465, %eq3A_466 : i32
      %jit3A_468 = arith.constant 1 : i32
      %select_n3A_469 = arith.select %eq3A_467, %jit3A_468, %jit3A_465 : i32
      %rem3A_470 = arith.remsi %select_n3A_464, %select_n3A_469 : i32
      %ne3A_471 = arith.constant 0 : i32
      %ne3A_472 = arith.cmpi ne, %rem3A_470, %ne3A_471 : i32
      %lt3A_473 = arith.constant 0 : i32
      %lt3A_474 = arith.cmpi slt, %rem3A_470, %lt3A_473 : i32
      %lt3A_475 = arith.constant 0 : i32
      %lt3A_476 = arith.cmpi slt, %select_n3A_469, %lt3A_475 : i32
      %ne3A_477 = arith.xori %lt3A_474, %lt3A_476 : i1
      %and3A_478 = arith.andi %ne3A_477, %ne3A_472 : i1
      %add3A_479 = arith.addi %rem3A_470, %select_n3A_469 : i32
      %select_n3A_480 = arith.select %and3A_478, %add3A_479, %rem3A_470 : i32
      %jit3A_481 = arith.constant 11 : i32
      %div3A_482 = arith.divsi %add3A_345, %jit3A_481 : i32
      %sign3A_483 = arith.constant 0 : i32
      %sign3A_484 = arith.cmpi sgt, %add3A_345, %sign3A_483 : i32
      %sign3A_485 = arith.extui %sign3A_484 : i1 to i32
      %sign3A_486 = arith.constant 0 : i32
      %sign3A_487 = arith.cmpi slt, %add3A_345, %sign3A_486 : i32
      %sign3A_488 = arith.extui %sign3A_487 : i1 to i32
      %sign3A_489 = arith.subi %sign3A_485, %sign3A_488 : i32
      %sign3A_490 = arith.constant 0 : i32
      %sign3A_491 = arith.cmpi sgt, %jit3A_481, %sign3A_490 : i32
      %sign3A_492 = arith.extui %sign3A_491 : i1 to i32
      %sign3A_493 = arith.constant 0 : i32
      %sign3A_494 = arith.cmpi slt, %jit3A_481, %sign3A_493 : i32
      %sign3A_495 = arith.extui %sign3A_494 : i1 to i32
      %sign3A_496 = arith.subi %sign3A_492, %sign3A_495 : i32
      %ne3A_497 = arith.cmpi ne, %sign3A_489, %sign3A_496 : i32
      %rem3A_498 = arith.remsi %add3A_345, %jit3A_481 : i32
      %ne3A_499 = arith.constant 0 : i32
      %ne3A_500 = arith.cmpi ne, %rem3A_498, %ne3A_499 : i32
      %and3A_501 = arith.andi %ne3A_497, %ne3A_500 : i1
      %sub3A_502 = arith.constant 1 : i32
      %sub3A_503 = arith.subi %div3A_482, %sub3A_502 : i32
      %select_n3A_504 = arith.select %and3A_501, %sub3A_503, %div3A_482 : i32
      %jit3A_505 = arith.constant 2 : i32
      %eq3A_506 = arith.constant 0 : i32
      %eq3A_507 = arith.cmpi eq, %jit3A_505, %eq3A_506 : i32
      %jit3A_508 = arith.constant 1 : i32
      %select_n3A_509 = arith.select %eq3A_507, %jit3A_508, %jit3A_505 : i32
      %rem3A_510 = arith.remsi %select_n3A_504, %select_n3A_509 : i32
      %ne3A_511 = arith.constant 0 : i32
      %ne3A_512 = arith.cmpi ne, %rem3A_510, %ne3A_511 : i32
      %lt3A_513 = arith.constant 0 : i32
      %lt3A_514 = arith.cmpi slt, %rem3A_510, %lt3A_513 : i32
      %lt3A_515 = arith.constant 0 : i32
      %lt3A_516 = arith.cmpi slt, %select_n3A_509, %lt3A_515 : i32
      %ne3A_517 = arith.xori %lt3A_514, %lt3A_516 : i1
      %and3A_518 = arith.andi %ne3A_517, %ne3A_512 : i1
      %add3A_519 = arith.addi %rem3A_510, %select_n3A_509 : i32
      %select_n3A_520 = arith.select %and3A_518, %add3A_519, %rem3A_510 : i32
      %jit3A_521 = arith.constant 11 : i32
      %eq3A_522 = arith.constant 0 : i32
      %eq3A_523 = arith.cmpi eq, %jit3A_521, %eq3A_522 : i32
      %jit3A_524 = arith.constant 1 : i32
      %select_n3A_525 = arith.select %eq3A_523, %jit3A_524, %jit3A_521 : i32
      %rem3A_526 = arith.remsi %add3A_345, %select_n3A_525 : i32
      %ne3A_527 = arith.constant 0 : i32
      %ne3A_528 = arith.cmpi ne, %rem3A_526, %ne3A_527 : i32
      %lt3A_529 = arith.constant 0 : i32
      %lt3A_530 = arith.cmpi slt, %rem3A_526, %lt3A_529 : i32
      %lt3A_531 = arith.constant 0 : i32
      %lt3A_532 = arith.cmpi slt, %select_n3A_525, %lt3A_531 : i32
      %ne3A_533 = arith.xori %lt3A_530, %lt3A_532 : i1
      %and3A_534 = arith.andi %ne3A_533, %ne3A_528 : i1
      %add3A_535 = arith.addi %rem3A_526, %select_n3A_525 : i32
      %select_n3A_536 = arith.select %and3A_534, %add3A_535, %rem3A_526 : i32
      %lt3A_537 = arith.constant 8 : i32
      %lt3A_538 = vector.broadcast %lt3A_537 : i32 to vector<16xi32>
      %lt3A_539 = arith.cmpi slt, %iota3A, %lt3A_538 : vector<16xi32>
      %sub3A_540 = arith.constant 8 : i32
      %sub3A_541 = vector.broadcast %sub3A_540 : i32 to vector<16xi32>
      %sub3A_542 = arith.subi %iota3A, %sub3A_541 : vector<16xi32>
      %mul3A_543 = arith.constant 8 : i32
      %mul3A_544 = arith.muli %select_n3A, %mul3A_543 : i32
      %add3A_545 = arith.constant 656 : i32
      %add3A_546 = arith.addi %add3A_545, %mul3A_544 : i32
      %add3A_547 = vector.broadcast %add3A_546 : i32 to vector<16xi32>
      %add3A_548 = arith.addi %add3A_547, %iota3A : vector<16xi32>
      %mul3A_549 = arith.constant 8 : i32
      %mul3A_550 = arith.muli %select_n3A_400, %mul3A_549 : i32
      %add3A_551 = arith.constant 680 : i32
      %add3A_552 = arith.addi %add3A_551, %mul3A_550 : i32
      %add3A_553 = vector.broadcast %add3A_552 : i32 to vector<16xi32>
      %add3A_554 = arith.addi %add3A_553, %sub3A_542 : vector<16xi32>
      %select_n3A_555 = arith.select %lt3A_539, %add3A_548, %add3A_554 : vector<16xi1>, vector<16xi32>
      %gather3A = tpu.vector_load_idx %arg23[%select_n3A_555] : memref<832xf32, #tpu.memory_space<vmem>>[vector<16xi32>], vector<16xf32>,
      %swap3A_556 = arith.index_cast %while3A_342 : i32 to index
      %swap3A_557 = arith.constant 0 : index
      %swap3A_558 = tpu.vector_load %arg24[%swap3A_556, %swap3A_557] {strides = array<i32>} : memref<68x48xf32, #tpu.memory_space<vmem>>, vector<16xf32>,
      tpu.vector_store %arg24[%swap3A_556, %swap3A_557], %gather3A {strides = array<i32>} : memref<68x48xf32, #tpu.memory_space<vmem>>, vector<16xf32>,
      %mul3A_559 = arith.constant 8 : i32
      %mul3A_560 = arith.muli %select_n3A_440, %mul3A_559 : i32
      %add3A_561 = arith.constant 696 : i32
      %add3A_562 = arith.addi %add3A_561, %mul3A_560 : i32
      %add3A_563 = vector.broadcast %add3A_562 : i32 to vector<16xi32>
      %add3A_564 = arith.addi %add3A_563, %iota3A : vector<16xi32>
      %mul3A_565 = arith.constant 8 : i32
      %mul3A_566 = arith.muli %select_n3A_480, %mul3A_565 : i32
      %add3A_567 = arith.constant 712 : i32
      %add3A_568 = arith.addi %add3A_567, %mul3A_566 : i32
      %add3A_569 = vector.broadcast %add3A_568 : i32 to vector<16xi32>
      %add3A_570 = arith.addi %add3A_569, %sub3A_542 : vector<16xi32>
      %select_n3A_571 = arith.select %lt3A_539, %add3A_564, %add3A_570 : vector<16xi1>, vector<16xi32>
      %gather3A_572 = tpu.vector_load_idx %arg23[%select_n3A_571] : memref<832xf32, #tpu.memory_space<vmem>>[vector<16xi32>], vector<16xf32>,
      %swap3A_573 = arith.index_cast %while3A_342 : i32 to index
      %swap3A_574 = arith.constant 16 : index
      %swap3A_575 = tpu.vector_load %arg24[%swap3A_573, %swap3A_574] {strides = array<i32>} : memref<68x48xf32, #tpu.memory_space<vmem>>, vector<16xf32>,
      tpu.vector_store %arg24[%swap3A_573, %swap3A_574], %gather3A_572 {strides = array<i32>} : memref<68x48xf32, #tpu.memory_space<vmem>>, vector<16xf32>,
      %mul3A_576 = arith.constant 8 : i32
      %mul3A_577 = arith.muli %select_n3A_520, %mul3A_576 : i32
      %add3A_578 = arith.constant 728 : i32
      %add3A_579 = arith.addi %add3A_578, %mul3A_577 : i32
      %add3A_580 = vector.broadcast %add3A_579 : i32 to vector<16xi32>
      %add3A_581 = arith.addi %add3A_580, %iota3A : vector<16xi32>
      %mul3A_582 = arith.constant 8 : i32
      %mul3A_583 = arith.muli %select_n3A_536, %mul3A_582 : i32
      %add3A_584 = arith.constant 744 : i32
      %add3A_585 = arith.addi %add3A_584, %mul3A_583 : i32
      %add3A_586 = vector.broadcast %add3A_585 : i32 to vector<16xi32>
      %add3A_587 = arith.addi %add3A_586, %sub3A_542 : vector<16xi32>
      %select_n3A_588 = arith.select %lt3A_539, %add3A_581, %add3A_587 : vector<16xi1>, vector<16xi32>
      %gather3A_589 = tpu.vector_load_idx %arg23[%select_n3A_588] : memref<832xf32, #tpu.memory_space<vmem>>[vector<16xi32>], vector<16xf32>,
      %swap3A_590 = arith.index_cast %while3A_342 : i32 to index
      %swap3A_591 = arith.constant 32 : index
      %swap3A_592 = tpu.vector_load %arg24[%swap3A_590, %swap3A_591] {strides = array<i32>} : memref<68x48xf32, #tpu.memory_space<vmem>>, vector<16xf32>,
      tpu.vector_store %arg24[%swap3A_590, %swap3A_591], %gather3A_589 {strides = array<i32>} : memref<68x48xf32, #tpu.memory_space<vmem>>, vector<16xf32>,
    }
    %while3A_44 = arith.constant 1 : i32
    scf.for %while3A_342 = %while3A_42 to %while3A_38 step %while3A_44  : i32 {
      %mul3A_343 = arith.constant 33 : i32
      %mul3A_344 = arith.muli %arg1, %mul3A_343 : i32
      %add3A_345 = arith.addi %mul3A_344, %while3A_342 : i32
      %jit3A = arith.constant 176 : i32
      %div3A = arith.divsi %add3A_345, %jit3A : i32
      %sign3A = arith.constant 0 : i32
      %sign3A_346 = arith.cmpi sgt, %add3A_345, %sign3A : i32
      %sign3A_347 = arith.extui %sign3A_346 : i1 to i32
      %sign3A_348 = arith.constant 0 : i32
      %sign3A_349 = arith.cmpi slt, %add3A_345, %sign3A_348 : i32
      %sign3A_350 = arith.extui %sign3A_349 : i1 to i32
      %sign3A_351 = arith.subi %sign3A_347, %sign3A_350 : i32
      %sign3A_352 = arith.constant 0 : i32
      %sign3A_353 = arith.cmpi sgt, %jit3A, %sign3A_352 : i32
      %sign3A_354 = arith.extui %sign3A_353 : i1 to i32
      %sign3A_355 = arith.constant 0 : i32
      %sign3A_356 = arith.cmpi slt, %jit3A, %sign3A_355 : i32
      %sign3A_357 = arith.extui %sign3A_356 : i1 to i32
      %sign3A_358 = arith.subi %sign3A_354, %sign3A_357 : i32
      %ne3A = arith.cmpi ne, %sign3A_351, %sign3A_358 : i32
      %rem3A = arith.remsi %add3A_345, %jit3A : i32
      %ne3A_359 = arith.constant 0 : i32
      %ne3A_360 = arith.cmpi ne, %rem3A, %ne3A_359 : i32
      %and3A = arith.andi %ne3A, %ne3A_360 : i1
      %sub3A_361 = arith.constant 1 : i32
      %sub3A_362 = arith.subi %div3A, %sub3A_361 : i32
      %select_n3A = arith.select %and3A, %sub3A_362, %div3A : i32
      %jit3A_363 = arith.constant 88 : i32
      %div3A_364 = arith.divsi %add3A_345, %jit3A_363 : i32
      %sign3A_365 = arith.constant 0 : i32
      %sign3A_366 = arith.cmpi sgt, %add3A_345, %sign3A_365 : i32
      %sign3A_367 = arith.extui %sign3A_366 : i1 to i32
      %sign3A_368 = arith.constant 0 : i32
      %sign3A_369 = arith.cmpi slt, %add3A_345, %sign3A_368 : i32
      %sign3A_370 = arith.extui %sign3A_369 : i1 to i32
      %sign3A_371 = arith.subi %sign3A_367, %sign3A_370 : i32
      %sign3A_372 = arith.constant 0 : i32
      %sign3A_373 = arith.cmpi sgt, %jit3A_363, %sign3A_372 : i32
      %sign3A_374 = arith.extui %sign3A_373 : i1 to i32
      %sign3A_375 = arith.constant 0 : i32
      %sign3A_376 = arith.cmpi slt, %jit3A_363, %sign3A_375 : i32
      %sign3A_377 = arith.extui %sign3A_376 : i1 to i32
      %sign3A_378 = arith.subi %sign3A_374, %sign3A_377 : i32
      %ne3A_379 = arith.cmpi ne, %sign3A_371, %sign3A_378 : i32
      %rem3A_380 = arith.remsi %add3A_345, %jit3A_363 : i32
      %ne3A_381 = arith.constant 0 : i32
      %ne3A_382 = arith.cmpi ne, %rem3A_380, %ne3A_381 : i32
      %and3A_383 = arith.andi %ne3A_379, %ne3A_382 : i1
      %sub3A_384 = arith.constant 1 : i32
      %sub3A_385 = arith.subi %div3A_364, %sub3A_384 : i32
      %select_n3A_386 = arith.select %and3A_383, %sub3A_385, %div3A_364 : i32
      %jit3A_387 = arith.constant 2 : i32
      %eq3A = arith.constant 0 : i32
      %eq3A_388 = arith.cmpi eq, %jit3A_387, %eq3A : i32
      %jit3A_389 = arith.constant 1 : i32
      %select_n3A_390 = arith.select %eq3A_388, %jit3A_389, %jit3A_387 : i32
      %rem3A_391 = arith.remsi %select_n3A_386, %select_n3A_390 : i32
      %ne3A_392 = arith.constant 0 : i32
      %ne3A_393 = arith.cmpi ne, %rem3A_391, %ne3A_392 : i32
      %lt3A = arith.constant 0 : i32
      %lt3A_394 = arith.cmpi slt, %rem3A_391, %lt3A : i32
      %lt3A_395 = arith.constant 0 : i32
      %lt3A_396 = arith.cmpi slt, %select_n3A_390, %lt3A_395 : i32
      %ne3A_397 = arith.xori %lt3A_394, %lt3A_396 : i1
      %and3A_398 = arith.andi %ne3A_397, %ne3A_393 : i1
      %add3A_399 = arith.addi %rem3A_391, %select_n3A_390 : i32
      %select_n3A_400 = arith.select %and3A_398, %add3A_399, %rem3A_391 : i32
      %jit3A_401 = arith.constant 44 : i32
      %div3A_402 = arith.divsi %add3A_345, %jit3A_401 : i32
      %sign3A_403 = arith.constant 0 : i32
      %sign3A_404 = arith.cmpi sgt, %add3A_345, %sign3A_403 : i32
      %sign3A_405 = arith.extui %sign3A_404 : i1 to i32
      %sign3A_406 = arith.constant 0 : i32
      %sign3A_407 = arith.cmpi slt, %add3A_345, %sign3A_406 : i32
      %sign3A_408 = arith.extui %sign3A_407 : i1 to i32
      %sign3A_409 = arith.subi %sign3A_405, %sign3A_408 : i32
      %sign3A_410 = arith.constant 0 : i32
      %sign3A_411 = arith.cmpi sgt, %jit3A_401, %sign3A_410 : i32
      %sign3A_412 = arith.extui %sign3A_411 : i1 to i32
      %sign3A_413 = arith.constant 0 : i32
      %sign3A_414 = arith.cmpi slt, %jit3A_401, %sign3A_413 : i32
      %sign3A_415 = arith.extui %sign3A_414 : i1 to i32
      %sign3A_416 = arith.subi %sign3A_412, %sign3A_415 : i32
      %ne3A_417 = arith.cmpi ne, %sign3A_409, %sign3A_416 : i32
      %rem3A_418 = arith.remsi %add3A_345, %jit3A_401 : i32
      %ne3A_419 = arith.constant 0 : i32
      %ne3A_420 = arith.cmpi ne, %rem3A_418, %ne3A_419 : i32
      %and3A_421 = arith.andi %ne3A_417, %ne3A_420 : i1
      %sub3A_422 = arith.constant 1 : i32
      %sub3A_423 = arith.subi %div3A_402, %sub3A_422 : i32
      %select_n3A_424 = arith.select %and3A_421, %sub3A_423, %div3A_402 : i32
      %jit3A_425 = arith.constant 2 : i32
      %eq3A_426 = arith.constant 0 : i32
      %eq3A_427 = arith.cmpi eq, %jit3A_425, %eq3A_426 : i32
      %jit3A_428 = arith.constant 1 : i32
      %select_n3A_429 = arith.select %eq3A_427, %jit3A_428, %jit3A_425 : i32
      %rem3A_430 = arith.remsi %select_n3A_424, %select_n3A_429 : i32
      %ne3A_431 = arith.constant 0 : i32
      %ne3A_432 = arith.cmpi ne, %rem3A_430, %ne3A_431 : i32
      %lt3A_433 = arith.constant 0 : i32
      %lt3A_434 = arith.cmpi slt, %rem3A_430, %lt3A_433 : i32
      %lt3A_435 = arith.constant 0 : i32
      %lt3A_436 = arith.cmpi slt, %select_n3A_429, %lt3A_435 : i32
      %ne3A_437 = arith.xori %lt3A_434, %lt3A_436 : i1
      %and3A_438 = arith.andi %ne3A_437, %ne3A_432 : i1
      %add3A_439 = arith.addi %rem3A_430, %select_n3A_429 : i32
      %select_n3A_440 = arith.select %and3A_438, %add3A_439, %rem3A_430 : i32
      %jit3A_441 = arith.constant 22 : i32
      %div3A_442 = arith.divsi %add3A_345, %jit3A_441 : i32
      %sign3A_443 = arith.constant 0 : i32
      %sign3A_444 = arith.cmpi sgt, %add3A_345, %sign3A_443 : i32
      %sign3A_445 = arith.extui %sign3A_444 : i1 to i32
      %sign3A_446 = arith.constant 0 : i32
      %sign3A_447 = arith.cmpi slt, %add3A_345, %sign3A_446 : i32
      %sign3A_448 = arith.extui %sign3A_447 : i1 to i32
      %sign3A_449 = arith.subi %sign3A_445, %sign3A_448 : i32
      %sign3A_450 = arith.constant 0 : i32
      %sign3A_451 = arith.cmpi sgt, %jit3A_441, %sign3A_450 : i32
      %sign3A_452 = arith.extui %sign3A_451 : i1 to i32
      %sign3A_453 = arith.constant 0 : i32
      %sign3A_454 = arith.cmpi slt, %jit3A_441, %sign3A_453 : i32
      %sign3A_455 = arith.extui %sign3A_454 : i1 to i32
      %sign3A_456 = arith.subi %sign3A_452, %sign3A_455 : i32
      %ne3A_457 = arith.cmpi ne, %sign3A_449, %sign3A_456 : i32
      %rem3A_458 = arith.remsi %add3A_345, %jit3A_441 : i32
      %ne3A_459 = arith.constant 0 : i32
      %ne3A_460 = arith.cmpi ne, %rem3A_458, %ne3A_459 : i32
      %and3A_461 = arith.andi %ne3A_457, %ne3A_460 : i1
      %sub3A_462 = arith.constant 1 : i32
      %sub3A_463 = arith.subi %div3A_442, %sub3A_462 : i32
      %select_n3A_464 = arith.select %and3A_461, %sub3A_463, %div3A_442 : i32
      %jit3A_465 = arith.constant 2 : i32
      %eq3A_466 = arith.constant 0 : i32
      %eq3A_467 = arith.cmpi eq, %jit3A_465, %eq3A_466 : i32
      %jit3A_468 = arith.constant 1 : i32
      %select_n3A_469 = arith.select %eq3A_467, %jit3A_468, %jit3A_465 : i32
      %rem3A_470 = arith.remsi %select_n3A_464, %select_n3A_469 : i32
      %ne3A_471 = arith.constant 0 : i32
      %ne3A_472 = arith.cmpi ne, %rem3A_470, %ne3A_471 : i32
      %lt3A_473 = arith.constant 0 : i32
      %lt3A_474 = arith.cmpi slt, %rem3A_470, %lt3A_473 : i32
      %lt3A_475 = arith.constant 0 : i32
      %lt3A_476 = arith.cmpi slt, %select_n3A_469, %lt3A_475 : i32
      %ne3A_477 = arith.xori %lt3A_474, %lt3A_476 : i1
      %and3A_478 = arith.andi %ne3A_477, %ne3A_472 : i1
      %add3A_479 = arith.addi %rem3A_470, %select_n3A_469 : i32
      %select_n3A_480 = arith.select %and3A_478, %add3A_479, %rem3A_470 : i32
      %jit3A_481 = arith.constant 11 : i32
      %div3A_482 = arith.divsi %add3A_345, %jit3A_481 : i32
      %sign3A_483 = arith.constant 0 : i32
      %sign3A_484 = arith.cmpi sgt, %add3A_345, %sign3A_483 : i32
      %sign3A_485 = arith.extui %sign3A_484 : i1 to i32
      %sign3A_486 = arith.constant 0 : i32
      %sign3A_487 = arith.cmpi slt, %add3A_345, %sign3A_486 : i32
      %sign3A_488 = arith.extui %sign3A_487 : i1 to i32
      %sign3A_489 = arith.subi %sign3A_485, %sign3A_488 : i32
      %sign3A_490 = arith.constant 0 : i32
      %sign3A_491 = arith.cmpi sgt, %jit3A_481, %sign3A_490 : i32
      %sign3A_492 = arith.extui %sign3A_491 : i1 to i32
      %sign3A_493 = arith.constant 0 : i32
      %sign3A_494 = arith.cmpi slt, %jit3A_481, %sign3A_493 : i32
      %sign3A_495 = arith.extui %sign3A_494 : i1 to i32
      %sign3A_496 = arith.subi %sign3A_492, %sign3A_495 : i32
      %ne3A_497 = arith.cmpi ne, %sign3A_489, %sign3A_496 : i32
      %rem3A_498 = arith.remsi %add3A_345, %jit3A_481 : i32
      %ne3A_499 = arith.constant 0 : i32
      %ne3A_500 = arith.cmpi ne, %rem3A_498, %ne3A_499 : i32
      %and3A_501 = arith.andi %ne3A_497, %ne3A_500 : i1
      %sub3A_502 = arith.constant 1 : i32
      %sub3A_503 = arith.subi %div3A_482, %sub3A_502 : i32
      %select_n3A_504 = arith.select %and3A_501, %sub3A_503, %div3A_482 : i32
      %jit3A_505 = arith.constant 2 : i32
      %eq3A_506 = arith.constant 0 : i32
      %eq3A_507 = arith.cmpi eq, %jit3A_505, %eq3A_506 : i32
      %jit3A_508 = arith.constant 1 : i32
      %select_n3A_509 = arith.select %eq3A_507, %jit3A_508, %jit3A_505 : i32
      %rem3A_510 = arith.remsi %select_n3A_504, %select_n3A_509 : i32
      %ne3A_511 = arith.constant 0 : i32
      %ne3A_512 = arith.cmpi ne, %rem3A_510, %ne3A_511 : i32
      %lt3A_513 = arith.constant 0 : i32
      %lt3A_514 = arith.cmpi slt, %rem3A_510, %lt3A_513 : i32
      %lt3A_515 = arith.constant 0 : i32
      %lt3A_516 = arith.cmpi slt, %select_n3A_509, %lt3A_515 : i32
      %ne3A_517 = arith.xori %lt3A_514, %lt3A_516 : i1
      %and3A_518 = arith.andi %ne3A_517, %ne3A_512 : i1
      %add3A_519 = arith.addi %rem3A_510, %select_n3A_509 : i32
      %select_n3A_520 = arith.select %and3A_518, %add3A_519, %rem3A_510 : i32
      %jit3A_521 = arith.constant 11 : i32
      %eq3A_522 = arith.constant 0 : i32
      %eq3A_523 = arith.cmpi eq, %jit3A_521, %eq3A_522 : i32
      %jit3A_524 = arith.constant 1 : i32
      %select_n3A_525 = arith.select %eq3A_523, %jit3A_524, %jit3A_521 : i32
      %rem3A_526 = arith.remsi %add3A_345, %select_n3A_525 : i32
      %ne3A_527 = arith.constant 0 : i32
      %ne3A_528 = arith.cmpi ne, %rem3A_526, %ne3A_527 : i32
      %lt3A_529 = arith.constant 0 : i32
      %lt3A_530 = arith.cmpi slt, %rem3A_526, %lt3A_529 : i32
      %lt3A_531 = arith.constant 0 : i32
      %lt3A_532 = arith.cmpi slt, %select_n3A_525, %lt3A_531 : i32
      %ne3A_533 = arith.xori %lt3A_530, %lt3A_532 : i1
      %and3A_534 = arith.andi %ne3A_533, %ne3A_528 : i1
      %add3A_535 = arith.addi %rem3A_526, %select_n3A_525 : i32
      %select_n3A_536 = arith.select %and3A_534, %add3A_535, %rem3A_526 : i32
      %lt3A_537 = arith.constant 8 : i32
      %lt3A_538 = vector.broadcast %lt3A_537 : i32 to vector<16xi32>
      %lt3A_539 = arith.cmpi slt, %iota3A, %lt3A_538 : vector<16xi32>
      %sub3A_540 = arith.constant 8 : i32
      %sub3A_541 = vector.broadcast %sub3A_540 : i32 to vector<16xi32>
      %sub3A_542 = arith.subi %iota3A, %sub3A_541 : vector<16xi32>
      %mul3A_543 = arith.constant 8 : i32
      %mul3A_544 = arith.muli %select_n3A, %mul3A_543 : i32
      %add3A_545 = arith.constant 656 : i32
      %add3A_546 = arith.addi %add3A_545, %mul3A_544 : i32
      %add3A_547 = vector.broadcast %add3A_546 : i32 to vector<16xi32>
      %add3A_548 = arith.addi %add3A_547, %iota3A : vector<16xi32>
      %mul3A_549 = arith.constant 8 : i32
      %mul3A_550 = arith.muli %select_n3A_400, %mul3A_549 : i32
      %add3A_551 = arith.constant 680 : i32
      %add3A_552 = arith.addi %add3A_551, %mul3A_550 : i32
      %add3A_553 = vector.broadcast %add3A_552 : i32 to vector<16xi32>
      %add3A_554 = arith.addi %add3A_553, %sub3A_542 : vector<16xi32>
      %select_n3A_555 = arith.select %lt3A_539, %add3A_548, %add3A_554 : vector<16xi1>, vector<16xi32>
      %gather3A = tpu.vector_load_idx %arg23[%select_n3A_555] : memref<832xf32, #tpu.memory_space<vmem>>[vector<16xi32>], vector<16xf32>,
      %swap3A_556 = arith.index_cast %while3A_342 : i32 to index
      %swap3A_557 = arith.constant 0 : index
      %swap3A_558 = tpu.vector_load %arg24[%swap3A_556, %swap3A_557] {strides = array<i32>} : memref<68x48xf32, #tpu.memory_space<vmem>>, vector<16xf32>,
      tpu.vector_store %arg24[%swap3A_556, %swap3A_557], %gather3A {strides = array<i32>} : memref<68x48xf32, #tpu.memory_space<vmem>>, vector<16xf32>,
      %mul3A_559 = arith.constant 8 : i32
      %mul3A_560 = arith.muli %select_n3A_440, %mul3A_559 : i32
      %add3A_561 = arith.constant 696 : i32
      %add3A_562 = arith.addi %add3A_561, %mul3A_560 : i32
      %add3A_563 = vector.broadcast %add3A_562 : i32 to vector<16xi32>
      %add3A_564 = arith.addi %add3A_563, %iota3A : vector<16xi32>
      %mul3A_565 = arith.constant 8 : i32
      %mul3A_566 = arith.muli %select_n3A_480, %mul3A_565 : i32
      %add3A_567 = arith.constant 712 : i32
      %add3A_568 = arith.addi %add3A_567, %mul3A_566 : i32
      %add3A_569 = vector.broadcast %add3A_568 : i32 to vector<16xi32>
      %add3A_570 = arith.addi %add3A_569, %sub3A_542 : vector<16xi32>
      %select_n3A_571 = arith.select %lt3A_539, %add3A_564, %add3A_570 : vector<16xi1>, vector<16xi32>
      %gather3A_572 = tpu.vector_load_idx %arg23[%select_n3A_571] : memref<832xf32, #tpu.memory_space<vmem>>[vector<16xi32>], vector<16xf32>,
      %swap3A_573 = arith.index_cast %while3A_342 : i32 to index
      %swap3A_574 = arith.constant 16 : index
      %swap3A_575 = tpu.vector_load %arg24[%swap3A_573, %swap3A_574] {strides = array<i32>} : memref<68x48xf32, #tpu.memory_space<vmem>>, vector<16xf32>,
      tpu.vector_store %arg24[%swap3A_573, %swap3A_574], %gather3A_572 {strides = array<i32>} : memref<68x48xf32, #tpu.memory_space<vmem>>, vector<16xf32>,
      %mul3A_576 = arith.constant 8 : i32
      %mul3A_577 = arith.muli %select_n3A_520, %mul3A_576 : i32
      %add3A_578 = arith.constant 728 : i32
      %add3A_579 = arith.addi %add3A_578, %mul3A_577 : i32
      %add3A_580 = vector.broadcast %add3A_579 : i32 to vector<16xi32>
      %add3A_581 = arith.addi %add3A_580, %iota3A : vector<16xi32>
      %mul3A_582 = arith.constant 8 : i32
      %mul3A_583 = arith.muli %select_n3A_536, %mul3A_582 : i32
      %add3A_584 = arith.constant 744 : i32
      %add3A_585 = arith.addi %add3A_584, %mul3A_583 : i32
      %add3A_586 = vector.broadcast %add3A_585 : i32 to vector<16xi32>
      %add3A_587 = arith.addi %add3A_586, %sub3A_542 : vector<16xi32>
      %select_n3A_588 = arith.select %lt3A_539, %add3A_581, %add3A_587 : vector<16xi1>, vector<16xi32>
      %gather3A_589 = tpu.vector_load_idx %arg23[%select_n3A_588] : memref<832xf32, #tpu.memory_space<vmem>>[vector<16xi32>], vector<16xf32>,
      %swap3A_590 = arith.index_cast %while3A_342 : i32 to index
      %swap3A_591 = arith.constant 32 : index
      %swap3A_592 = tpu.vector_load %arg24[%swap3A_590, %swap3A_591] {strides = array<i32>} : memref<68x48xf32, #tpu.memory_space<vmem>>, vector<16xf32>,
      tpu.vector_store %arg24[%swap3A_590, %swap3A_591], %gather3A_589 {strides = array<i32>} : memref<68x48xf32, #tpu.memory_space<vmem>>, vector<16xf32>,
    }
    %while3A_45 = arith.constant 0 : i32
    %while3A_46 = arith.constant 0 : i32
    %while3A_47 = arith.subi %min3A_34, %while3A_46 : i32
    %while3A_48 = arith.addi %while3A_46, %while3A_47 : i32
    %while3A_49 = arith.constant 1 : i32
    %while3A_50 = arith.divsi %while3A_47, %while3A_49 : i32
    %while3A_51 = arith.muli %while3A_50, %while3A_49 : i32
    %while3A_52 = arith.addi %while3A_46, %while3A_51 : i32
    %while3A_53 = arith.constant 1 : i32
    scf.for %while3A_342 = %while3A_46 to %while3A_52 step %while3A_53  : i32 {
      %mul3A_343 = arith.constant 33 : i32
      %mul3A_344 = arith.muli %arg1, %mul3A_343 : i32
      %add3A_345 = arith.addi %mul3A_344, %while3A_342 : i32
      "tpu.region"() ({
        %run_scoped3A = tpu.sem_alloc : memref<!tpu.dma_semaphore, #tpu.memory_space<semaphore_mem>>
        %dma_start3A_346 = arith.constant 0 : i32
        %dma_start3A_347 = tpu.memref_slice %arg24[%while3A_342, %dma_start3A_346] : memref<68x48xf32, #tpu.memory_space<vmem>> -> memref<1x48xf32, #tpu.memory_space<vmem>>
        %dma_start3A_348 = tpu.memref_squeeze %dma_start3A_347 : memref<1x48xf32, #tpu.memory_space<vmem>> -> memref<48xf32, #tpu.memory_space<vmem>>
        %dma_start3A_349 = arith.constant 0 : i32
        %dma_start3A_350 = tpu.memref_slice %arg22[%add3A_345, %dma_start3A_349] : memref<528x48xf32, #tpu.memory_space<vmem_shared>> -> memref<1x48xf32, #tpu.memory_space<vmem_shared>>
        %dma_start3A_351 = tpu.memref_squeeze %dma_start3A_350 : memref<1x48xf32, #tpu.memory_space<vmem_shared>> -> memref<48xf32, #tpu.memory_space<vmem_shared>>
        %dma_start3A_352 = arith.constant 0 : i32
        %dma_start3A_353 = tpu.memref_slice %arg22[%add3A_345, %dma_start3A_352] : memref<528x48xf32, #tpu.memory_space<vmem_shared>> -> memref<1x48xf32, #tpu.memory_space<vmem_shared>>
        %dma_start3A_354 = tpu.memref_squeeze %dma_start3A_353 : memref<1x48xf32, #tpu.memory_space<vmem_shared>> -> memref<48xf32, #tpu.memory_space<vmem_shared>>
        %dma_start3A_355 = arith.constant 0 : i32
        %dma_start3A_356 = tpu.memref_slice %arg24[%while3A_342, %dma_start3A_355] : memref<68x48xf32, #tpu.memory_space<vmem>> -> memref<1x48xf32, #tpu.memory_space<vmem>>
        %dma_start3A_357 = tpu.memref_squeeze %dma_start3A_356 : memref<1x48xf32, #tpu.memory_space<vmem>> -> memref<48xf32, #tpu.memory_space<vmem>>
        tpu.enqueue_dma source(%dma_start3A_357 : memref<48xf32, #tpu.memory_space<vmem>>) target(%dma_start3A_354 : memref<48xf32, #tpu.memory_space<vmem_shared>>) target_semaphore(%run_scoped3A : memref<!tpu.dma_semaphore, #tpu.memory_space<semaphore_mem>>)
        %dma_wait3A_358 = arith.constant 0 : i32
        %dma_wait3A_359 = tpu.memref_slice %arg24[%while3A_342, %dma_wait3A_358] : memref<68x48xf32, #tpu.memory_space<vmem>> -> memref<1x48xf32, #tpu.memory_space<vmem>>
        %dma_wait3A_360 = tpu.memref_squeeze %dma_wait3A_359 : memref<1x48xf32, #tpu.memory_space<vmem>> -> memref<48xf32, #tpu.memory_space<vmem>>
        %dma_wait3A_361 = arith.constant 0 : i32
        %dma_wait3A_362 = tpu.memref_slice %arg22[%add3A_345, %dma_wait3A_361] : memref<528x48xf32, #tpu.memory_space<vmem_shared>> -> memref<1x48xf32, #tpu.memory_space<vmem_shared>>
        %dma_wait3A_363 = tpu.memref_squeeze %dma_wait3A_362 : memref<1x48xf32, #tpu.memory_space<vmem_shared>> -> memref<48xf32, #tpu.memory_space<vmem_shared>>
        %dma_wait3A_364 = arith.constant 0 : i32
        %dma_wait3A_365 = tpu.memref_slice %arg22[%add3A_345, %dma_wait3A_364] : memref<528x48xf32, #tpu.memory_space<vmem_shared>> -> memref<1x48xf32, #tpu.memory_space<vmem_shared>>
        %dma_wait3A_366 = tpu.memref_squeeze %dma_wait3A_365 : memref<1x48xf32, #tpu.memory_space<vmem_shared>> -> memref<48xf32, #tpu.memory_space<vmem_shared>>
        %dma_wait3A_367 = arith.constant 0 : i32
        %dma_wait3A_368 = tpu.memref_slice %arg24[%while3A_342, %dma_wait3A_367] : memref<68x48xf32, #tpu.memory_space<vmem>> -> memref<1x48xf32, #tpu.memory_space<vmem>>
        %dma_wait3A_369 = tpu.memref_squeeze %dma_wait3A_368 : memref<1x48xf32, #tpu.memory_space<vmem>> -> memref<48xf32, #tpu.memory_space<vmem>>
        tpu.wait_dma2 semaphore(%run_scoped3A : memref<!tpu.dma_semaphore, #tpu.memory_space<semaphore_mem>>) src(%dma_wait3A_369 : memref<48xf32, #tpu.memory_space<vmem>>) dst(%dma_wait3A_366 : memref<48xf32, #tpu.memory_space<vmem_shared>>)
        tpu.yield
      }) : () -> ()
    }
    %while3A_54 = arith.constant 1 : i32
    scf.for %while3A_342 = %while3A_52 to %while3A_48 step %while3A_54  : i32 {
      %mul3A_343 = arith.constant 33 : i32
      %mul3A_344 = arith.muli %arg1, %mul3A_343 : i32
      %add3A_345 = arith.addi %mul3A_344, %while3A_342 : i32
      "tpu.region"() ({
        %run_scoped3A = tpu.sem_alloc : memref<!tpu.dma_semaphore, #tpu.memory_space<semaphore_mem>>
        %dma_start3A_346 = arith.constant 0 : i32
        %dma_start3A_347 = tpu.memref_slice %arg24[%while3A_342, %dma_start3A_346] : memref<68x48xf32, #tpu.memory_space<vmem>> -> memref<1x48xf32, #tpu.memory_space<vmem>>
        %dma_start3A_348 = tpu.memref_squeeze %dma_start3A_347 : memref<1x48xf32, #tpu.memory_space<vmem>> -> memref<48xf32, #tpu.memory_space<vmem>>
        %dma_start3A_349 = arith.constant 0 : i32
        %dma_start3A_350 = tpu.memref_slice %arg22[%add3A_345, %dma_start3A_349] : memref<528x48xf32, #tpu.memory_space<vmem_shared>> -> memref<1x48xf32, #tpu.memory_space<vmem_shared>>
        %dma_start3A_351 = tpu.memref_squeeze %dma_start3A_350 : memref<1x48xf32, #tpu.memory_space<vmem_shared>> -> memref<48xf32, #tpu.memory_space<vmem_shared>>
        %dma_start3A_352 = arith.constant 0 : i32
        %dma_start3A_353 = tpu.memref_slice %arg22[%add3A_345, %dma_start3A_352] : memref<528x48xf32, #tpu.memory_space<vmem_shared>> -> memref<1x48xf32, #tpu.memory_space<vmem_shared>>
        %dma_start3A_354 = tpu.memref_squeeze %dma_start3A_353 : memref<1x48xf32, #tpu.memory_space<vmem_shared>> -> memref<48xf32, #tpu.memory_space<vmem_shared>>
        %dma_start3A_355 = arith.constant 0 : i32
        %dma_start3A_356 = tpu.memref_slice %arg24[%while3A_342, %dma_start3A_355] : memref<68x48xf32, #tpu.memory_space<vmem>> -> memref<1x48xf32, #tpu.memory_space<vmem>>
        %dma_start3A_357 = tpu.memref_squeeze %dma_start3A_356 : memref<1x48xf32, #tpu.memory_space<vmem>> -> memref<48xf32, #tpu.memory_space<vmem>>
        tpu.enqueue_dma source(%dma_start3A_357 : memref<48xf32, #tpu.memory_space<vmem>>) target(%dma_start3A_354 : memref<48xf32, #tpu.memory_space<vmem_shared>>) target_semaphore(%run_scoped3A : memref<!tpu.dma_semaphore, #tpu.memory_space<semaphore_mem>>)
        %dma_wait3A_358 = arith.constant 0 : i32
        %dma_wait3A_359 = tpu.memref_slice %arg24[%while3A_342, %dma_wait3A_358] : memref<68x48xf32, #tpu.memory_space<vmem>> -> memref<1x48xf32, #tpu.memory_space<vmem>>
        %dma_wait3A_360 = tpu.memref_squeeze %dma_wait3A_359 : memref<1x48xf32, #tpu.memory_space<vmem>> -> memref<48xf32, #tpu.memory_space<vmem>>
        %dma_wait3A_361 = arith.constant 0 : i32
        %dma_wait3A_362 = tpu.memref_slice %arg22[%add3A_345, %dma_wait3A_361] : memref<528x48xf32, #tpu.memory_space<vmem_shared>> -> memref<1x48xf32, #tpu.memory_space<vmem_shared>>
        %dma_wait3A_363 = tpu.memref_squeeze %dma_wait3A_362 : memref<1x48xf32, #tpu.memory_space<vmem_shared>> -> memref<48xf32, #tpu.memory_space<vmem_shared>>
        %dma_wait3A_364 = arith.constant 0 : i32
        %dma_wait3A_365 = tpu.memref_slice %arg22[%add3A_345, %dma_wait3A_364] : memref<528x48xf32, #tpu.memory_space<vmem_shared>> -> memref<1x48xf32, #tpu.memory_space<vmem_shared>>
        %dma_wait3A_366 = tpu.memref_squeeze %dma_wait3A_365 : memref<1x48xf32, #tpu.memory_space<vmem_shared>> -> memref<48xf32, #tpu.memory_space<vmem_shared>>
        %dma_wait3A_367 = arith.constant 0 : i32
        %dma_wait3A_368 = tpu.memref_slice %arg24[%while3A_342, %dma_wait3A_367] : memref<68x48xf32, #tpu.memory_space<vmem>> -> memref<1x48xf32, #tpu.memory_space<vmem>>
        %dma_wait3A_369 = tpu.memref_squeeze %dma_wait3A_368 : memref<1x48xf32, #tpu.memory_space<vmem>> -> memref<48xf32, #tpu.memory_space<vmem>>
        tpu.wait_dma2 semaphore(%run_scoped3A : memref<!tpu.dma_semaphore, #tpu.memory_space<semaphore_mem>>) src(%dma_wait3A_369 : memref<48xf32, #tpu.memory_space<vmem>>) dst(%dma_wait3A_366 : memref<48xf32, #tpu.memory_space<vmem_shared>>)
        tpu.yield
      }) : () -> ()
    }
    %barrier3A = arith.constant 0 : index
    tpu.barrier barrier_id(%barrier3A)
    %broadcast_in_dim3A = arith.constant 0 : i32
    %broadcast_in_dim3A_55 = vector.broadcast %broadcast_in_dim3A : i32 to vector<16xi32>
    %swap3A = arith.constant 192 : index
    %swap3A_56 = tpu.vector_load %arg25[%swap3A] {strides = array<i32>} : memref<208xi32, #tpu.memory_space<vmem>>, vector<16xi32>,
    tpu.vector_store %arg25[%swap3A], %broadcast_in_dim3A_55 {strides = array<i32>} : memref<208xi32, #tpu.memory_space<vmem>>, vector<16xi32>,
    %swap3A_57 = arith.constant 192 : index
    %swap3A_58 = tpu.vector_load %arg26[%swap3A_57] {strides = array<i32>} : memref<208xi32, #tpu.memory_space<vmem>>, vector<16xi32>,
    tpu.vector_store %arg26[%swap3A_57], %broadcast_in_dim3A_55 {strides = array<i32>} : memref<208xi32, #tpu.memory_space<vmem>>, vector<16xi32>,
    %swap3A_59 = arith.constant 192 : index
    %swap3A_60 = tpu.vector_load %arg27[%swap3A_59] {strides = array<i32>} : memref<208xi32, #tpu.memory_space<vmem>>, vector<16xi32>,
    tpu.vector_store %arg27[%swap3A_59], %broadcast_in_dim3A_55 {strides = array<i32>} : memref<208xi32, #tpu.memory_space<vmem>>, vector<16xi32>,
    %swap3A_61 = arith.constant 192 : index
    %swap3A_62 = tpu.vector_load %arg28[%swap3A_61] {strides = array<i32>} : memref<208xi32, #tpu.memory_space<vmem>>, vector<16xi32>,
    tpu.vector_store %arg28[%swap3A_61], %broadcast_in_dim3A_55 {strides = array<i32>} : memref<208xi32, #tpu.memory_space<vmem>>, vector<16xi32>,
    %swap3A_63 = arith.constant 192 : index
    %swap3A_64 = tpu.vector_load %arg29[%swap3A_63] {strides = array<i32>} : memref<208xi32, #tpu.memory_space<vmem>>, vector<16xi32>,
    tpu.vector_store %arg29[%swap3A_63], %broadcast_in_dim3A_55 {strides = array<i32>} : memref<208xi32, #tpu.memory_space<vmem>>, vector<16xi32>,
    %swap3A_65 = arith.constant 192 : index
    %swap3A_66 = tpu.vector_load %arg30[%swap3A_65] {strides = array<i32>} : memref<208xi32, #tpu.memory_space<vmem>>, vector<16xi32>,
    tpu.vector_store %arg30[%swap3A_65], %broadcast_in_dim3A_55 {strides = array<i32>} : memref<208xi32, #tpu.memory_space<vmem>>, vector<16xi32>,
    %swap3A_67 = arith.constant 192 : index
    %swap3A_68 = tpu.vector_load %arg31[%swap3A_67] {strides = array<i32>} : memref<208xi32, #tpu.memory_space<vmem>>, vector<16xi32>,
    tpu.vector_store %arg31[%swap3A_67], %broadcast_in_dim3A_55 {strides = array<i32>} : memref<208xi32, #tpu.memory_space<vmem>>, vector<16xi32>,
    %swap3A_69 = arith.constant 192 : index
    %swap3A_70 = tpu.vector_load %arg32[%swap3A_69] {strides = array<i32>} : memref<208xi32, #tpu.memory_space<vmem>>, vector<16xi32>,
    tpu.vector_store %arg32[%swap3A_69], %broadcast_in_dim3A_55 {strides = array<i32>} : memref<208xi32, #tpu.memory_space<vmem>>, vector<16xi32>,
    %swap3A_71 = arith.constant 192 : index
    %swap3A_72 = tpu.vector_load %arg33[%swap3A_71] {strides = array<i32>} : memref<208xi32, #tpu.memory_space<vmem>>, vector<16xi32>,
    tpu.vector_store %arg33[%swap3A_71], %broadcast_in_dim3A_55 {strides = array<i32>} : memref<208xi32, #tpu.memory_space<vmem>>, vector<16xi32>,
    %swap3A_73 = arith.constant 192 : index
    %swap3A_74 = tpu.vector_load %arg34[%swap3A_73] {strides = array<i32>} : memref<208xi32, #tpu.memory_space<vmem>>, vector<16xi32>,
    tpu.vector_store %arg34[%swap3A_73], %broadcast_in_dim3A_55 {strides = array<i32>} : memref<208xi32, #tpu.memory_space<vmem>>, vector<16xi32>,
    %swap3A_75 = arith.constant 192 : index
    %swap3A_76 = tpu.vector_load %arg35[%swap3A_75] {strides = array<i32>} : memref<208xi32, #tpu.memory_space<vmem>>, vector<16xi32>,
    tpu.vector_store %arg35[%swap3A_75], %broadcast_in_dim3A_55 {strides = array<i32>} : memref<208xi32, #tpu.memory_space<vmem>>, vector<16xi32>,
    %swap3A_77 = arith.constant 192 : index
    %swap3A_78 = tpu.vector_load %arg36[%swap3A_77] {strides = array<i32>} : memref<208xi32, #tpu.memory_space<vmem>>, vector<16xi32>,
    tpu.vector_store %arg36[%swap3A_77], %broadcast_in_dim3A_55 {strides = array<i32>} : memref<208xi32, #tpu.memory_space<vmem>>, vector<16xi32>,
    %swap3A_79 = arith.constant 192 : index
    %swap3A_80 = tpu.vector_load %arg37[%swap3A_79] {strides = array<i32>} : memref<208xi32, #tpu.memory_space<vmem>>, vector<16xi32>,
    tpu.vector_store %arg37[%swap3A_79], %broadcast_in_dim3A_55 {strides = array<i32>} : memref<208xi32, #tpu.memory_space<vmem>>, vector<16xi32>,
    %swap3A_81 = arith.constant 192 : index
    %swap3A_82 = tpu.vector_load %arg38[%swap3A_81] {strides = array<i32>} : memref<208xi32, #tpu.memory_space<vmem>>, vector<16xi32>,
    tpu.vector_store %arg38[%swap3A_81], %broadcast_in_dim3A_55 {strides = array<i32>} : memref<208xi32, #tpu.memory_space<vmem>>, vector<16xi32>,
    %swap3A_83 = arith.constant 192 : index
    %swap3A_84 = tpu.vector_load %arg39[%swap3A_83] {strides = array<i32>} : memref<208xi32, #tpu.memory_space<vmem>>, vector<16xi32>,
    tpu.vector_store %arg39[%swap3A_83], %broadcast_in_dim3A_55 {strides = array<i32>} : memref<208xi32, #tpu.memory_space<vmem>>, vector<16xi32>,
    %swap3A_85 = arith.constant 192 : index
    %swap3A_86 = tpu.vector_load %arg40[%swap3A_85] {strides = array<i32>} : memref<208xi32, #tpu.memory_space<vmem>>, vector<16xi32>,
    tpu.vector_store %arg40[%swap3A_85], %broadcast_in_dim3A_55 {strides = array<i32>} : memref<208xi32, #tpu.memory_space<vmem>>, vector<16xi32>,
    %swap3A_87 = arith.constant 192 : index
    %swap3A_88 = tpu.vector_load %arg41[%swap3A_87] {strides = array<i32>} : memref<208xi32, #tpu.memory_space<vmem>>, vector<16xi32>,
    tpu.vector_store %arg41[%swap3A_87], %broadcast_in_dim3A_55 {strides = array<i32>} : memref<208xi32, #tpu.memory_space<vmem>>, vector<16xi32>,
    %swap3A_89 = arith.constant 192 : index
    %swap3A_90 = tpu.vector_load %arg42[%swap3A_89] {strides = array<i32>} : memref<208xi32, #tpu.memory_space<vmem>>, vector<16xi32>,
    tpu.vector_store %arg42[%swap3A_89], %broadcast_in_dim3A_55 {strides = array<i32>} : memref<208xi32, #tpu.memory_space<vmem>>, vector<16xi32>,
    %add3A_91 = arith.constant 0 : i32
    %add3A_92 = arith.addi %mul3A_2, %add3A_91 : i32
    %dma_start3A = arith.constant 0 : i32
    %dma_start3A_93 = tpu.memref_slice %arg25[%dma_start3A] : memref<208xi32, #tpu.memory_space<vmem>> -> memref<200xi32, #tpu.memory_space<vmem>>
    %dma_start3A_94 = arith.constant 0 : i32
    %dma_start3A_95 = tpu.memref_slice %arg2[%add3A_92, %dma_start3A_94] : memref<4096x200xi32, #tpu.memory_space<hbm>> -> memref<1x200xi32, #tpu.memory_space<hbm>>
    %dma_start3A_96 = tpu.memref_squeeze %dma_start3A_95 : memref<1x200xi32, #tpu.memory_space<hbm>> -> memref<200xi32, #tpu.memory_space<hbm>>
    %dma_start3A_97 = arith.constant 0 : i32
    %dma_start3A_98 = tpu.memref_slice %arg25[%dma_start3A_97] : memref<208xi32, #tpu.memory_space<vmem>> -> memref<200xi32, #tpu.memory_space<vmem>>
    %dma_start3A_99 = arith.constant 0 : i32
    %dma_start3A_100 = tpu.memref_slice %arg2[%add3A_92, %dma_start3A_99] : memref<4096x200xi32, #tpu.memory_space<hbm>> -> memref<1x200xi32, #tpu.memory_space<hbm>>
    %dma_start3A_101 = tpu.memref_squeeze %dma_start3A_100 : memref<1x200xi32, #tpu.memory_space<hbm>> -> memref<200xi32, #tpu.memory_space<hbm>>
    tpu.enqueue_dma source(%dma_start3A_101 : memref<200xi32, #tpu.memory_space<hbm>>) target(%dma_start3A_98 : memref<200xi32, #tpu.memory_space<vmem>>) target_semaphore(%arg55 : memref<!tpu.dma_semaphore, #tpu.memory_space<semaphore_mem>>)
    %dma_start3A_102 = arith.constant 0 : i32
    %dma_start3A_103 = tpu.memref_slice %arg26[%dma_start3A_102] : memref<208xi32, #tpu.memory_space<vmem>> -> memref<200xi32, #tpu.memory_space<vmem>>
    %dma_start3A_104 = arith.constant 0 : i32
    %dma_start3A_105 = tpu.memref_slice %arg3[%add3A_92, %dma_start3A_104] : memref<4096x200xi32, #tpu.memory_space<hbm>> -> memref<1x200xi32, #tpu.memory_space<hbm>>
    %dma_start3A_106 = tpu.memref_squeeze %dma_start3A_105 : memref<1x200xi32, #tpu.memory_space<hbm>> -> memref<200xi32, #tpu.memory_space<hbm>>
    %dma_start3A_107 = arith.constant 0 : i32
    %dma_start3A_108 = tpu.memref_slice %arg26[%dma_start3A_107] : memref<208xi32, #tpu.memory_space<vmem>> -> memref<200xi32, #tpu.memory_space<vmem>>
    %dma_start3A_109 = arith.constant 0 : i32
    %dma_start3A_110 = tpu.memref_slice %arg3[%add3A_92, %dma_start3A_109] : memref<4096x200xi32, #tpu.memory_space<hbm>> -> memref<1x200xi32, #tpu.memory_space<hbm>>
    %dma_start3A_111 = tpu.memref_squeeze %dma_start3A_110 : memref<1x200xi32, #tpu.memory_space<hbm>> -> memref<200xi32, #tpu.memory_space<hbm>>
    tpu.enqueue_dma source(%dma_start3A_111 : memref<200xi32, #tpu.memory_space<hbm>>) target(%dma_start3A_108 : memref<200xi32, #tpu.memory_space<vmem>>) target_semaphore(%arg55 : memref<!tpu.dma_semaphore, #tpu.memory_space<semaphore_mem>>)
    %dma_start3A_112 = arith.constant 0 : i32
    %dma_start3A_113 = tpu.memref_slice %arg27[%dma_start3A_112] : memref<208xi32, #tpu.memory_space<vmem>> -> memref<200xi32, #tpu.memory_space<vmem>>
    %dma_start3A_114 = arith.constant 0 : i32
    %dma_start3A_115 = tpu.memref_slice %arg4[%add3A_92, %dma_start3A_114] : memref<4096x200xi32, #tpu.memory_space<hbm>> -> memref<1x200xi32, #tpu.memory_space<hbm>>
    %dma_start3A_116 = tpu.memref_squeeze %dma_start3A_115 : memref<1x200xi32, #tpu.memory_space<hbm>> -> memref<200xi32, #tpu.memory_space<hbm>>
    %dma_start3A_117 = arith.constant 0 : i32
    %dma_start3A_118 = tpu.memref_slice %arg27[%dma_start3A_117] : memref<208xi32, #tpu.memory_space<vmem>> -> memref<200xi32, #tpu.memory_space<vmem>>
    %dma_start3A_119 = arith.constant 0 : i32
    %dma_start3A_120 = tpu.memref_slice %arg4[%add3A_92, %dma_start3A_119] : memref<4096x200xi32, #tpu.memory_space<hbm>> -> memref<1x200xi32, #tpu.memory_space<hbm>>
    %dma_start3A_121 = tpu.memref_squeeze %dma_start3A_120 : memref<1x200xi32, #tpu.memory_space<hbm>> -> memref<200xi32, #tpu.memory_space<hbm>>
    tpu.enqueue_dma source(%dma_start3A_121 : memref<200xi32, #tpu.memory_space<hbm>>) target(%dma_start3A_118 : memref<200xi32, #tpu.memory_space<vmem>>) target_semaphore(%arg55 : memref<!tpu.dma_semaphore, #tpu.memory_space<semaphore_mem>>)
    %dma_start3A_122 = arith.constant 0 : i32
    %dma_start3A_123 = tpu.memref_slice %arg28[%dma_start3A_122] : memref<208xi32, #tpu.memory_space<vmem>> -> memref<200xi32, #tpu.memory_space<vmem>>
    %dma_start3A_124 = arith.constant 0 : i32
    %dma_start3A_125 = tpu.memref_slice %arg5[%add3A_92, %dma_start3A_124] : memref<4096x200xi32, #tpu.memory_space<hbm>> -> memref<1x200xi32, #tpu.memory_space<hbm>>
    %dma_start3A_126 = tpu.memref_squeeze %dma_start3A_125 : memref<1x200xi32, #tpu.memory_space<hbm>> -> memref<200xi32, #tpu.memory_space<hbm>>
    %dma_start3A_127 = arith.constant 0 : i32
    %dma_start3A_128 = tpu.memref_slice %arg28[%dma_start3A_127] : memref<208xi32, #tpu.memory_space<vmem>> -> memref<200xi32, #tpu.memory_space<vmem>>
    %dma_start3A_129 = arith.constant 0 : i32
    %dma_start3A_130 = tpu.memref_slice %arg5[%add3A_92, %dma_start3A_129] : memref<4096x200xi32, #tpu.memory_space<hbm>> -> memref<1x200xi32, #tpu.memory_space<hbm>>
    %dma_start3A_131 = tpu.memref_squeeze %dma_start3A_130 : memref<1x200xi32, #tpu.memory_space<hbm>> -> memref<200xi32, #tpu.memory_space<hbm>>
    tpu.enqueue_dma source(%dma_start3A_131 : memref<200xi32, #tpu.memory_space<hbm>>) target(%dma_start3A_128 : memref<200xi32, #tpu.memory_space<vmem>>) target_semaphore(%arg55 : memref<!tpu.dma_semaphore, #tpu.memory_space<semaphore_mem>>)
    %dma_start3A_132 = arith.constant 0 : i32
    %dma_start3A_133 = tpu.memref_slice %arg29[%dma_start3A_132] : memref<208xi32, #tpu.memory_space<vmem>> -> memref<200xi32, #tpu.memory_space<vmem>>
    %dma_start3A_134 = arith.constant 0 : i32
    %dma_start3A_135 = tpu.memref_slice %arg6[%add3A_92, %dma_start3A_134] : memref<4096x200xi32, #tpu.memory_space<hbm>> -> memref<1x200xi32, #tpu.memory_space<hbm>>
    %dma_start3A_136 = tpu.memref_squeeze %dma_start3A_135 : memref<1x200xi32, #tpu.memory_space<hbm>> -> memref<200xi32, #tpu.memory_space<hbm>>
    %dma_start3A_137 = arith.constant 0 : i32
    %dma_start3A_138 = tpu.memref_slice %arg29[%dma_start3A_137] : memref<208xi32, #tpu.memory_space<vmem>> -> memref<200xi32, #tpu.memory_space<vmem>>
    %dma_start3A_139 = arith.constant 0 : i32
    %dma_start3A_140 = tpu.memref_slice %arg6[%add3A_92, %dma_start3A_139] : memref<4096x200xi32, #tpu.memory_space<hbm>> -> memref<1x200xi32, #tpu.memory_space<hbm>>
    %dma_start3A_141 = tpu.memref_squeeze %dma_start3A_140 : memref<1x200xi32, #tpu.memory_space<hbm>> -> memref<200xi32, #tpu.memory_space<hbm>>
    tpu.enqueue_dma source(%dma_start3A_141 : memref<200xi32, #tpu.memory_space<hbm>>) target(%dma_start3A_138 : memref<200xi32, #tpu.memory_space<vmem>>) target_semaphore(%arg55 : memref<!tpu.dma_semaphore, #tpu.memory_space<semaphore_mem>>)
    %dma_start3A_142 = arith.constant 0 : i32
    %dma_start3A_143 = tpu.memref_slice %arg30[%dma_start3A_142] : memref<208xi32, #tpu.memory_space<vmem>> -> memref<200xi32, #tpu.memory_space<vmem>>
    %dma_start3A_144 = arith.constant 0 : i32
    %dma_start3A_145 = tpu.memref_slice %arg7[%add3A_92, %dma_start3A_144] : memref<4096x200xi32, #tpu.memory_space<hbm>> -> memref<1x200xi32, #tpu.memory_space<hbm>>
    %dma_start3A_146 = tpu.memref_squeeze %dma_start3A_145 : memref<1x200xi32, #tpu.memory_space<hbm>> -> memref<200xi32, #tpu.memory_space<hbm>>
    %dma_start3A_147 = arith.constant 0 : i32
    %dma_start3A_148 = tpu.memref_slice %arg30[%dma_start3A_147] : memref<208xi32, #tpu.memory_space<vmem>> -> memref<200xi32, #tpu.memory_space<vmem>>
    %dma_start3A_149 = arith.constant 0 : i32
    %dma_start3A_150 = tpu.memref_slice %arg7[%add3A_92, %dma_start3A_149] : memref<4096x200xi32, #tpu.memory_space<hbm>> -> memref<1x200xi32, #tpu.memory_space<hbm>>
    %dma_start3A_151 = tpu.memref_squeeze %dma_start3A_150 : memref<1x200xi32, #tpu.memory_space<hbm>> -> memref<200xi32, #tpu.memory_space<hbm>>
    tpu.enqueue_dma source(%dma_start3A_151 : memref<200xi32, #tpu.memory_space<hbm>>) target(%dma_start3A_148 : memref<200xi32, #tpu.memory_space<vmem>>) target_semaphore(%arg55 : memref<!tpu.dma_semaphore, #tpu.memory_space<semaphore_mem>>)
    %dma_start3A_152 = arith.constant 0 : i32
    %dma_start3A_153 = tpu.memref_slice %arg31[%dma_start3A_152] : memref<208xi32, #tpu.memory_space<vmem>> -> memref<200xi32, #tpu.memory_space<vmem>>
    %dma_start3A_154 = arith.constant 0 : i32
    %dma_start3A_155 = tpu.memref_slice %arg8[%add3A_92, %dma_start3A_154] : memref<4096x200xi32, #tpu.memory_space<hbm>> -> memref<1x200xi32, #tpu.memory_space<hbm>>
    %dma_start3A_156 = tpu.memref_squeeze %dma_start3A_155 : memref<1x200xi32, #tpu.memory_space<hbm>> -> memref<200xi32, #tpu.memory_space<hbm>>
    %dma_start3A_157 = arith.constant 0 : i32
    %dma_start3A_158 = tpu.memref_slice %arg31[%dma_start3A_157] : memref<208xi32, #tpu.memory_space<vmem>> -> memref<200xi32, #tpu.memory_space<vmem>>
    %dma_start3A_159 = arith.constant 0 : i32
    %dma_start3A_160 = tpu.memref_slice %arg8[%add3A_92, %dma_start3A_159] : memref<4096x200xi32, #tpu.memory_space<hbm>> -> memref<1x200xi32, #tpu.memory_space<hbm>>
    %dma_start3A_161 = tpu.memref_squeeze %dma_start3A_160 : memref<1x200xi32, #tpu.memory_space<hbm>> -> memref<200xi32, #tpu.memory_space<hbm>>
    tpu.enqueue_dma source(%dma_start3A_161 : memref<200xi32, #tpu.memory_space<hbm>>) target(%dma_start3A_158 : memref<200xi32, #tpu.memory_space<vmem>>) target_semaphore(%arg55 : memref<!tpu.dma_semaphore, #tpu.memory_space<semaphore_mem>>)
    %dma_start3A_162 = arith.constant 0 : i32
    %dma_start3A_163 = tpu.memref_slice %arg32[%dma_start3A_162] : memref<208xi32, #tpu.memory_space<vmem>> -> memref<200xi32, #tpu.memory_space<vmem>>
    %dma_start3A_164 = arith.constant 0 : i32
    %dma_start3A_165 = tpu.memref_slice %arg9[%add3A_92, %dma_start3A_164] : memref<4096x200xi32, #tpu.memory_space<hbm>> -> memref<1x200xi32, #tpu.memory_space<hbm>>
    %dma_start3A_166 = tpu.memref_squeeze %dma_start3A_165 : memref<1x200xi32, #tpu.memory_space<hbm>> -> memref<200xi32, #tpu.memory_space<hbm>>
    %dma_start3A_167 = arith.constant 0 : i32
    %dma_start3A_168 = tpu.memref_slice %arg32[%dma_start3A_167] : memref<208xi32, #tpu.memory_space<vmem>> -> memref<200xi32, #tpu.memory_space<vmem>>
    %dma_start3A_169 = arith.constant 0 : i32
    %dma_start3A_170 = tpu.memref_slice %arg9[%add3A_92, %dma_start3A_169] : memref<4096x200xi32, #tpu.memory_space<hbm>> -> memref<1x200xi32, #tpu.memory_space<hbm>>
    %dma_start3A_171 = tpu.memref_squeeze %dma_start3A_170 : memref<1x200xi32, #tpu.memory_space<hbm>> -> memref<200xi32, #tpu.memory_space<hbm>>
    tpu.enqueue_dma source(%dma_start3A_171 : memref<200xi32, #tpu.memory_space<hbm>>) target(%dma_start3A_168 : memref<200xi32, #tpu.memory_space<vmem>>) target_semaphore(%arg55 : memref<!tpu.dma_semaphore, #tpu.memory_space<semaphore_mem>>)
    %dma_start3A_172 = arith.constant 0 : i32
    %dma_start3A_173 = tpu.memref_slice %arg33[%dma_start3A_172] : memref<208xi32, #tpu.memory_space<vmem>> -> memref<200xi32, #tpu.memory_space<vmem>>
    %dma_start3A_174 = arith.constant 0 : i32
    %dma_start3A_175 = tpu.memref_slice %arg10[%add3A_92, %dma_start3A_174] : memref<4096x200xi32, #tpu.memory_space<hbm>> -> memref<1x200xi32, #tpu.memory_space<hbm>>
    %dma_start3A_176 = tpu.memref_squeeze %dma_start3A_175 : memref<1x200xi32, #tpu.memory_space<hbm>> -> memref<200xi32, #tpu.memory_space<hbm>>
    %dma_start3A_177 = arith.constant 0 : i32
    %dma_start3A_178 = tpu.memref_slice %arg33[%dma_start3A_177] : memref<208xi32, #tpu.memory_space<vmem>> -> memref<200xi32, #tpu.memory_space<vmem>>
    %dma_start3A_179 = arith.constant 0 : i32
    %dma_start3A_180 = tpu.memref_slice %arg10[%add3A_92, %dma_start3A_179] : memref<4096x200xi32, #tpu.memory_space<hbm>> -> memref<1x200xi32, #tpu.memory_space<hbm>>
    %dma_start3A_181 = tpu.memref_squeeze %dma_start3A_180 : memref<1x200xi32, #tpu.memory_space<hbm>> -> memref<200xi32, #tpu.memory_space<hbm>>
    tpu.enqueue_dma source(%dma_start3A_181 : memref<200xi32, #tpu.memory_space<hbm>>) target(%dma_start3A_178 : memref<200xi32, #tpu.memory_space<vmem>>) target_semaphore(%arg55 : memref<!tpu.dma_semaphore, #tpu.memory_space<semaphore_mem>>)
    %scan3A = arith.constant 0 : i32
    %scan3A_182 = arith.constant 0 : i32
    %scan3A_183 = arith.constant 32 : i32
    %scan3A_184 = arith.addi %scan3A_182, %scan3A_183 : i32
    %scan3A_185 = arith.constant 1 : i32
    scf.for %scan3A_342 = %scan3A_182 to %scan3A_184 step %scan3A_185  : i32 {
      %mul3A_343 = arith.constant 4 : i32
      %mul3A_344 = arith.muli %scan3A_342, %mul3A_343 : i32
      %add3A_345 = arith.constant 0 : i32
      %add3A_346 = arith.addi %mul3A_344, %add3A_345 : i32
      %dma_wait3A_347 = arith.constant 0 : i32
      %dma_wait3A_348 = arith.constant 0 : i32
      %dma_wait3A_349 = tpu.memref_slice %arg25[%dma_wait3A_348] : memref<208xi32, #tpu.memory_space<vmem>> -> memref<200xi32, #tpu.memory_space<vmem>>
      %dma_wait3A_350 = arith.constant 0 : i32
      %dma_wait3A_351 = tpu.memref_slice %arg2[%dma_wait3A_347, %dma_wait3A_350] : memref<4096x200xi32, #tpu.memory_space<hbm>> -> memref<1x200xi32, #tpu.memory_space<hbm>>
      %dma_wait3A_352 = tpu.memref_squeeze %dma_wait3A_351 : memref<1x200xi32, #tpu.memory_space<hbm>> -> memref<200xi32, #tpu.memory_space<hbm>>
      %dma_wait3A_353 = arith.constant 0 : i32
      %dma_wait3A_354 = tpu.memref_slice %arg25[%dma_wait3A_353] : memref<208xi32, #tpu.memory_space<vmem>> -> memref<200xi32, #tpu.memory_space<vmem>>
      %dma_wait3A_355 = arith.constant 0 : i32
      %dma_wait3A_356 = tpu.memref_slice %arg2[%dma_wait3A_347, %dma_wait3A_355] : memref<4096x200xi32, #tpu.memory_space<hbm>> -> memref<1x200xi32, #tpu.memory_space<hbm>>
      %dma_wait3A_357 = tpu.memref_squeeze %dma_wait3A_356 : memref<1x200xi32, #tpu.memory_space<hbm>> -> memref<200xi32, #tpu.memory_space<hbm>>
      tpu.wait_dma2 semaphore(%arg55 : memref<!tpu.dma_semaphore, #tpu.memory_space<semaphore_mem>>) src(%dma_wait3A_357 : memref<200xi32, #tpu.memory_space<hbm>>) dst(%dma_wait3A_354 : memref<200xi32, #tpu.memory_space<vmem>>)
      %dma_wait3A_358 = arith.constant 0 : i32
      %dma_wait3A_359 = arith.constant 0 : i32
      %dma_wait3A_360 = tpu.memref_slice %arg26[%dma_wait3A_359] : memref<208xi32, #tpu.memory_space<vmem>> -> memref<200xi32, #tpu.memory_space<vmem>>
      %dma_wait3A_361 = arith.constant 0 : i32
      %dma_wait3A_362 = tpu.memref_slice %arg3[%dma_wait3A_358, %dma_wait3A_361] : memref<4096x200xi32, #tpu.memory_space<hbm>> -> memref<1x200xi32, #tpu.memory_space<hbm>>
      %dma_wait3A_363 = tpu.memref_squeeze %dma_wait3A_362 : memref<1x200xi32, #tpu.memory_space<hbm>> -> memref<200xi32, #tpu.memory_space<hbm>>
      %dma_wait3A_364 = arith.constant 0 : i32
      %dma_wait3A_365 = tpu.memref_slice %arg26[%dma_wait3A_364] : memref<208xi32, #tpu.memory_space<vmem>> -> memref<200xi32, #tpu.memory_space<vmem>>
      %dma_wait3A_366 = arith.constant 0 : i32
      %dma_wait3A_367 = tpu.memref_slice %arg3[%dma_wait3A_358, %dma_wait3A_366] : memref<4096x200xi32, #tpu.memory_space<hbm>> -> memref<1x200xi32, #tpu.memory_space<hbm>>
      %dma_wait3A_368 = tpu.memref_squeeze %dma_wait3A_367 : memref<1x200xi32, #tpu.memory_space<hbm>> -> memref<200xi32, #tpu.memory_space<hbm>>
      tpu.wait_dma2 semaphore(%arg55 : memref<!tpu.dma_semaphore, #tpu.memory_space<semaphore_mem>>) src(%dma_wait3A_368 : memref<200xi32, #tpu.memory_space<hbm>>) dst(%dma_wait3A_365 : memref<200xi32, #tpu.memory_space<vmem>>)
      %dma_wait3A_369 = arith.constant 0 : i32
      %dma_wait3A_370 = arith.constant 0 : i32
      %dma_wait3A_371 = tpu.memref_slice %arg27[%dma_wait3A_370] : memref<208xi32, #tpu.memory_space<vmem>> -> memref<200xi32, #tpu.memory_space<vmem>>
      %dma_wait3A_372 = arith.constant 0 : i32
      %dma_wait3A_373 = tpu.memref_slice %arg4[%dma_wait3A_369, %dma_wait3A_372] : memref<4096x200xi32, #tpu.memory_space<hbm>> -> memref<1x200xi32, #tpu.memory_space<hbm>>
      %dma_wait3A_374 = tpu.memref_squeeze %dma_wait3A_373 : memref<1x200xi32, #tpu.memory_space<hbm>> -> memref<200xi32, #tpu.memory_space<hbm>>
      %dma_wait3A_375 = arith.constant 0 : i32
      %dma_wait3A_376 = tpu.memref_slice %arg27[%dma_wait3A_375] : memref<208xi32, #tpu.memory_space<vmem>> -> memref<200xi32, #tpu.memory_space<vmem>>
      %dma_wait3A_377 = arith.constant 0 : i32
      %dma_wait3A_378 = tpu.memref_slice %arg4[%dma_wait3A_369, %dma_wait3A_377] : memref<4096x200xi32, #tpu.memory_space<hbm>> -> memref<1x200xi32, #tpu.memory_space<hbm>>
      %dma_wait3A_379 = tpu.memref_squeeze %dma_wait3A_378 : memref<1x200xi32, #tpu.memory_space<hbm>> -> memref<200xi32, #tpu.memory_space<hbm>>
      tpu.wait_dma2 semaphore(%arg55 : memref<!tpu.dma_semaphore, #tpu.memory_space<semaphore_mem>>) src(%dma_wait3A_379 : memref<200xi32, #tpu.memory_space<hbm>>) dst(%dma_wait3A_376 : memref<200xi32, #tpu.memory_space<vmem>>)
      %dma_wait3A_380 = arith.constant 0 : i32
      %dma_wait3A_381 = arith.constant 0 : i32
      %dma_wait3A_382 = tpu.memref_slice %arg28[%dma_wait3A_381] : memref<208xi32, #tpu.memory_space<vmem>> -> memref<200xi32, #tpu.memory_space<vmem>>
      %dma_wait3A_383 = arith.constant 0 : i32
      %dma_wait3A_384 = tpu.memref_slice %arg5[%dma_wait3A_380, %dma_wait3A_383] : memref<4096x200xi32, #tpu.memory_space<hbm>> -> memref<1x200xi32, #tpu.memory_space<hbm>>
      %dma_wait3A_385 = tpu.memref_squeeze %dma_wait3A_384 : memref<1x200xi32, #tpu.memory_space<hbm>> -> memref<200xi32, #tpu.memory_space<hbm>>
      %dma_wait3A_386 = arith.constant 0 : i32
      %dma_wait3A_387 = tpu.memref_slice %arg28[%dma_wait3A_386] : memref<208xi32, #tpu.memory_space<vmem>> -> memref<200xi32, #tpu.memory_space<vmem>>
      %dma_wait3A_388 = arith.constant 0 : i32
      %dma_wait3A_389 = tpu.memref_slice %arg5[%dma_wait3A_380, %dma_wait3A_388] : memref<4096x200xi32, #tpu.memory_space<hbm>> -> memref<1x200xi32, #tpu.memory_space<hbm>>
      %dma_wait3A_390 = tpu.memref_squeeze %dma_wait3A_389 : memref<1x200xi32, #tpu.memory_space<hbm>> -> memref<200xi32, #tpu.memory_space<hbm>>
      tpu.wait_dma2 semaphore(%arg55 : memref<!tpu.dma_semaphore, #tpu.memory_space<semaphore_mem>>) src(%dma_wait3A_390 : memref<200xi32, #tpu.memory_space<hbm>>) dst(%dma_wait3A_387 : memref<200xi32, #tpu.memory_space<vmem>>)
      %dma_wait3A_391 = arith.constant 0 : i32
      %dma_wait3A_392 = arith.constant 0 : i32
      %dma_wait3A_393 = tpu.memref_slice %arg29[%dma_wait3A_392] : memref<208xi32, #tpu.memory_space<vmem>> -> memref<200xi32, #tpu.memory_space<vmem>>
      %dma_wait3A_394 = arith.constant 0 : i32
      %dma_wait3A_395 = tpu.memref_slice %arg6[%dma_wait3A_391, %dma_wait3A_394] : memref<4096x200xi32, #tpu.memory_space<hbm>> -> memref<1x200xi32, #tpu.memory_space<hbm>>
      %dma_wait3A_396 = tpu.memref_squeeze %dma_wait3A_395 : memref<1x200xi32, #tpu.memory_space<hbm>> -> memref<200xi32, #tpu.memory_space<hbm>>
      %dma_wait3A_397 = arith.constant 0 : i32
      %dma_wait3A_398 = tpu.memref_slice %arg29[%dma_wait3A_397] : memref<208xi32, #tpu.memory_space<vmem>> -> memref<200xi32, #tpu.memory_space<vmem>>
      %dma_wait3A_399 = arith.constant 0 : i32
      %dma_wait3A_400 = tpu.memref_slice %arg6[%dma_wait3A_391, %dma_wait3A_399] : memref<4096x200xi32, #tpu.memory_space<hbm>> -> memref<1x200xi32, #tpu.memory_space<hbm>>
      %dma_wait3A_401 = tpu.memref_squeeze %dma_wait3A_400 : memref<1x200xi32, #tpu.memory_space<hbm>> -> memref<200xi32, #tpu.memory_space<hbm>>
      tpu.wait_dma2 semaphore(%arg55 : memref<!tpu.dma_semaphore, #tpu.memory_space<semaphore_mem>>) src(%dma_wait3A_401 : memref<200xi32, #tpu.memory_space<hbm>>) dst(%dma_wait3A_398 : memref<200xi32, #tpu.memory_space<vmem>>)
      %dma_wait3A_402 = arith.constant 0 : i32
      %dma_wait3A_403 = arith.constant 0 : i32
      %dma_wait3A_404 = tpu.memref_slice %arg30[%dma_wait3A_403] : memref<208xi32, #tpu.memory_space<vmem>> -> memref<200xi32, #tpu.memory_space<vmem>>
      %dma_wait3A_405 = arith.constant 0 : i32
      %dma_wait3A_406 = tpu.memref_slice %arg7[%dma_wait3A_402, %dma_wait3A_405] : memref<4096x200xi32, #tpu.memory_space<hbm>> -> memref<1x200xi32, #tpu.memory_space<hbm>>
      %dma_wait3A_407 = tpu.memref_squeeze %dma_wait3A_406 : memref<1x200xi32, #tpu.memory_space<hbm>> -> memref<200xi32, #tpu.memory_space<hbm>>
      %dma_wait3A_408 = arith.constant 0 : i32
      %dma_wait3A_409 = tpu.memref_slice %arg30[%dma_wait3A_408] : memref<208xi32, #tpu.memory_space<vmem>> -> memref<200xi32, #tpu.memory_space<vmem>>
      %dma_wait3A_410 = arith.constant 0 : i32
      %dma_wait3A_411 = tpu.memref_slice %arg7[%dma_wait3A_402, %dma_wait3A_410] : memref<4096x200xi32, #tpu.memory_space<hbm>> -> memref<1x200xi32, #tpu.memory_space<hbm>>
      %dma_wait3A_412 = tpu.memref_squeeze %dma_wait3A_411 : memref<1x200xi32, #tpu.memory_space<hbm>> -> memref<200xi32, #tpu.memory_space<hbm>>
      tpu.wait_dma2 semaphore(%arg55 : memref<!tpu.dma_semaphore, #tpu.memory_space<semaphore_mem>>) src(%dma_wait3A_412 : memref<200xi32, #tpu.memory_space<hbm>>) dst(%dma_wait3A_409 : memref<200xi32, #tpu.memory_space<vmem>>)
      %dma_wait3A_413 = arith.constant 0 : i32
      %dma_wait3A_414 = arith.constant 0 : i32
      %dma_wait3A_415 = tpu.memref_slice %arg31[%dma_wait3A_414] : memref<208xi32, #tpu.memory_space<vmem>> -> memref<200xi32, #tpu.memory_space<vmem>>
      %dma_wait3A_416 = arith.constant 0 : i32
      %dma_wait3A_417 = tpu.memref_slice %arg8[%dma_wait3A_413, %dma_wait3A_416] : memref<4096x200xi32, #tpu.memory_space<hbm>> -> memref<1x200xi32, #tpu.memory_space<hbm>>
      %dma_wait3A_418 = tpu.memref_squeeze %dma_wait3A_417 : memref<1x200xi32, #tpu.memory_space<hbm>> -> memref<200xi32, #tpu.memory_space<hbm>>
      %dma_wait3A_419 = arith.constant 0 : i32
      %dma_wait3A_420 = tpu.memref_slice %arg31[%dma_wait3A_419] : memref<208xi32, #tpu.memory_space<vmem>> -> memref<200xi32, #tpu.memory_space<vmem>>
      %dma_wait3A_421 = arith.constant 0 : i32
      %dma_wait3A_422 = tpu.memref_slice %arg8[%dma_wait3A_413, %dma_wait3A_421] : memref<4096x200xi32, #tpu.memory_space<hbm>> -> memref<1x200xi32, #tpu.memory_space<hbm>>
      %dma_wait3A_423 = tpu.memref_squeeze %dma_wait3A_422 : memref<1x200xi32, #tpu.memory_space<hbm>> -> memref<200xi32, #tpu.memory_space<hbm>>
      tpu.wait_dma2 semaphore(%arg55 : memref<!tpu.dma_semaphore, #tpu.memory_space<semaphore_mem>>) src(%dma_wait3A_423 : memref<200xi32, #tpu.memory_space<hbm>>) dst(%dma_wait3A_420 : memref<200xi32, #tpu.memory_space<vmem>>)
      %dma_wait3A_424 = arith.constant 0 : i32
      %dma_wait3A_425 = arith.constant 0 : i32
      %dma_wait3A_426 = tpu.memref_slice %arg32[%dma_wait3A_425] : memref<208xi32, #tpu.memory_space<vmem>> -> memref<200xi32, #tpu.memory_space<vmem>>
      %dma_wait3A_427 = arith.constant 0 : i32
      %dma_wait3A_428 = tpu.memref_slice %arg9[%dma_wait3A_424, %dma_wait3A_427] : memref<4096x200xi32, #tpu.memory_space<hbm>> -> memref<1x200xi32, #tpu.memory_space<hbm>>
      %dma_wait3A_429 = tpu.memref_squeeze %dma_wait3A_428 : memref<1x200xi32, #tpu.memory_space<hbm>> -> memref<200xi32, #tpu.memory_space<hbm>>
      %dma_wait3A_430 = arith.constant 0 : i32
      %dma_wait3A_431 = tpu.memref_slice %arg32[%dma_wait3A_430] : memref<208xi32, #tpu.memory_space<vmem>> -> memref<200xi32, #tpu.memory_space<vmem>>
      %dma_wait3A_432 = arith.constant 0 : i32
      %dma_wait3A_433 = tpu.memref_slice %arg9[%dma_wait3A_424, %dma_wait3A_432] : memref<4096x200xi32, #tpu.memory_space<hbm>> -> memref<1x200xi32, #tpu.memory_space<hbm>>
      %dma_wait3A_434 = tpu.memref_squeeze %dma_wait3A_433 : memref<1x200xi32, #tpu.memory_space<hbm>> -> memref<200xi32, #tpu.memory_space<hbm>>
      tpu.wait_dma2 semaphore(%arg55 : memref<!tpu.dma_semaphore, #tpu.memory_space<semaphore_mem>>) src(%dma_wait3A_434 : memref<200xi32, #tpu.memory_space<hbm>>) dst(%dma_wait3A_431 : memref<200xi32, #tpu.memory_space<vmem>>)
      %dma_wait3A_435 = arith.constant 0 : i32
      %dma_wait3A_436 = arith.constant 0 : i32
      %dma_wait3A_437 = tpu.memref_slice %arg33[%dma_wait3A_436] : memref<208xi32, #tpu.memory_space<vmem>> -> memref<200xi32, #tpu.memory_space<vmem>>
      %dma_wait3A_438 = arith.constant 0 : i32
      %dma_wait3A_439 = tpu.memref_slice %arg10[%dma_wait3A_435, %dma_wait3A_438] : memref<4096x200xi32, #tpu.memory_space<hbm>> -> memref<1x200xi32, #tpu.memory_space<hbm>>
      %dma_wait3A_440 = tpu.memref_squeeze %dma_wait3A_439 : memref<1x200xi32, #tpu.memory_space<hbm>> -> memref<200xi32, #tpu.memory_space<hbm>>
      %dma_wait3A_441 = arith.constant 0 : i32
      %dma_wait3A_442 = tpu.memref_slice %arg33[%dma_wait3A_441] : memref<208xi32, #tpu.memory_space<vmem>> -> memref<200xi32, #tpu.memory_space<vmem>>
      %dma_wait3A_443 = arith.constant 0 : i32
      %dma_wait3A_444 = tpu.memref_slice %arg10[%dma_wait3A_435, %dma_wait3A_443] : memref<4096x200xi32, #tpu.memory_space<hbm>> -> memref<1x200xi32, #tpu.memory_space<hbm>>
      %dma_wait3A_445 = tpu.memref_squeeze %dma_wait3A_444 : memref<1x200xi32, #tpu.memory_space<hbm>> -> memref<200xi32, #tpu.memory_space<hbm>>
      tpu.wait_dma2 semaphore(%arg55 : memref<!tpu.dma_semaphore, #tpu.memory_space<semaphore_mem>>) src(%dma_wait3A_445 : memref<200xi32, #tpu.memory_space<hbm>>) dst(%dma_wait3A_442 : memref<200xi32, #tpu.memory_space<vmem>>)
      %scan3A_446 = arith.constant 0 : i32
      %scan3A_447 = arith.constant 0 : i32
      %scan3A_448 = arith.constant 13 : i32
      %scan3A_449 = arith.addi %scan3A_447, %scan3A_448 : i32
      %scan3A_450 = arith.constant 1 : i32
      scf.for %scan3A_1130 = %scan3A_447 to %scan3A_449 step %scan3A_450  : i32 {
        %mul3A_1131 = arith.constant 16 : i32
        %mul3A_1132 = arith.muli %scan3A_1130, %mul3A_1131 : i32
        %get3A = arith.index_cast %mul3A_1132 : i32 to index
        %get3A_1133 = tpu.vector_load %arg25[%get3A] {strides = array<i32>} : memref<208xi32, #tpu.memory_space<vmem>>, vector<16xi32>,
        %get3A_1134 = arith.index_cast %mul3A_1132 : i32 to index
        %get3A_1135 = tpu.vector_load %arg26[%get3A_1134] {strides = array<i32>} : memref<208xi32, #tpu.memory_space<vmem>>, vector<16xi32>,
        %get3A_1136 = arith.index_cast %mul3A_1132 : i32 to index
        %get3A_1137 = tpu.vector_load %arg27[%get3A_1136] {strides = array<i32>} : memref<208xi32, #tpu.memory_space<vmem>>, vector<16xi32>,
        %get3A_1138 = arith.index_cast %mul3A_1132 : i32 to index
        %get3A_1139 = tpu.vector_load %arg28[%get3A_1138] {strides = array<i32>} : memref<208xi32, #tpu.memory_space<vmem>>, vector<16xi32>,
        %get3A_1140 = arith.index_cast %mul3A_1132 : i32 to index
        %get3A_1141 = tpu.vector_load %arg29[%get3A_1140] {strides = array<i32>} : memref<208xi32, #tpu.memory_space<vmem>>, vector<16xi32>,
        %get3A_1142 = arith.index_cast %mul3A_1132 : i32 to index
        %get3A_1143 = tpu.vector_load %arg30[%get3A_1142] {strides = array<i32>} : memref<208xi32, #tpu.memory_space<vmem>>, vector<16xi32>,
        %get3A_1144 = arith.index_cast %mul3A_1132 : i32 to index
        %get3A_1145 = tpu.vector_load %arg31[%get3A_1144] {strides = array<i32>} : memref<208xi32, #tpu.memory_space<vmem>>, vector<16xi32>,
        %get3A_1146 = arith.index_cast %mul3A_1132 : i32 to index
        %get3A_1147 = tpu.vector_load %arg32[%get3A_1146] {strides = array<i32>} : memref<208xi32, #tpu.memory_space<vmem>>, vector<16xi32>,
        %get3A_1148 = arith.index_cast %mul3A_1132 : i32 to index
        %get3A_1149 = tpu.vector_load %arg33[%get3A_1148] {strides = array<i32>} : memref<208xi32, #tpu.memory_space<vmem>>, vector<16xi32>,
        %mul3A_1150 = arith.constant 19 : i32
        %mul3A_1151 = vector.broadcast %mul3A_1150 : i32 to vector<16xi32>
        %mul3A_1152 = arith.muli %get3A_1133, %mul3A_1151 : vector<16xi32>
        %add3A_1153 = arith.addi %mul3A_1152, %get3A_1135 : vector<16xi32>
        %mul3A_1154 = arith.constant 19 : i32
        %mul3A_1155 = vector.broadcast %mul3A_1154 : i32 to vector<16xi32>
        %mul3A_1156 = arith.muli %add3A_1153, %mul3A_1155 : vector<16xi32>
        %add3A_1157 = arith.addi %mul3A_1156, %get3A_1137 : vector<16xi32>
        %swap3A_1158 = arith.index_cast %mul3A_1132 : i32 to index
        %swap3A_1159 = tpu.vector_load %arg43[%swap3A_1158] {strides = array<i32>} : memref<208xi32, #tpu.memory_space<vmem>>, vector<16xi32>,
        tpu.vector_store %arg43[%swap3A_1158], %add3A_1157 {strides = array<i32>} : memref<208xi32, #tpu.memory_space<vmem>>, vector<16xi32>,
        %mul3A_1160 = arith.constant 2 : i32
        %mul3A_1161 = vector.broadcast %mul3A_1160 : i32 to vector<16xi32>
        %mul3A_1162 = arith.muli %get3A_1139, %mul3A_1161 : vector<16xi32>
        %add3A_1163 = arith.addi %mul3A_1162, %get3A_1141 : vector<16xi32>
        %mul3A_1164 = arith.constant 2 : i32
        %mul3A_1165 = vector.broadcast %mul3A_1164 : i32 to vector<16xi32>
        %mul3A_1166 = arith.muli %add3A_1163, %mul3A_1165 : vector<16xi32>
        %add3A_1167 = arith.addi %mul3A_1166, %get3A_1143 : vector<16xi32>
        %mul3A_1168 = arith.constant 2 : i32
        %mul3A_1169 = vector.broadcast %mul3A_1168 : i32 to vector<16xi32>
        %mul3A_1170 = arith.muli %add3A_1167, %mul3A_1169 : vector<16xi32>
        %add3A_1171 = arith.addi %mul3A_1170, %get3A_1145 : vector<16xi32>
        %mul3A_1172 = arith.constant 2 : i32
        %mul3A_1173 = vector.broadcast %mul3A_1172 : i32 to vector<16xi32>
        %mul3A_1174 = arith.muli %add3A_1171, %mul3A_1173 : vector<16xi32>
        %add3A_1175 = arith.addi %mul3A_1174, %get3A_1147 : vector<16xi32>
        %mul3A_1176 = arith.constant 11 : i32
        %mul3A_1177 = vector.broadcast %mul3A_1176 : i32 to vector<16xi32>
        %mul3A_1178 = arith.muli %add3A_1175, %mul3A_1177 : vector<16xi32>
        %add3A_1179 = arith.addi %mul3A_1178, %get3A_1149 : vector<16xi32>
        %swap3A_1180 = arith.index_cast %mul3A_1132 : i32 to index
        %swap3A_1181 = tpu.vector_load %arg44[%swap3A_1180] {strides = array<i32>} : memref<208xi32, #tpu.memory_space<vmem>>, vector<16xi32>,
        tpu.vector_store %arg44[%swap3A_1180], %add3A_1179 {strides = array<i32>} : memref<208xi32, #tpu.memory_space<vmem>>, vector<16xi32>,
      }
      %scan3A_451 = arith.constant 13 : i32
      %ge3A = arith.constant 1 : i32
      %ge3A_452 = arith.cmpi sge, %scan3A_342, %ge3A : i32
      %convert_element_type3A = arith.extui %ge3A_452 : i1 to i32
      %cond3A = arith.constant 0 : i32
      %cond3A_453 = arith.cmpi ne, %convert_element_type3A, %cond3A : i32
      scf.if %cond3A_453 {
        %dma_wait3A_1130 = arith.constant 0 : i32
        %dma_wait3A_1131 = arith.constant 0 : i32
        %dma_wait3A_1132 = arith.constant 0 : i32
        %dma_wait3A_1133 = tpu.memref_slice %arg47[%dma_wait3A_1131, %dma_wait3A_1132] : memref<208x48xf32, #tpu.memory_space<vmem>> -> memref<200x48xf32, #tpu.memory_space<vmem>>
        %dma_wait3A_1134 = arith.constant 0 : i32
        %dma_wait3A_1135 = arith.constant 0 : i32
        %dma_wait3A_1136 = tpu.memref_slice %arg20[%dma_wait3A_1130, %dma_wait3A_1134, %dma_wait3A_1135] : memref<4096x200x128xf32, #tpu.memory_space<hbm>> -> memref<1x200x48xf32, #tpu.memory_space<hbm>>
        %dma_wait3A_1137 = tpu.memref_squeeze %dma_wait3A_1136 : memref<1x200x48xf32, #tpu.memory_space<hbm>> -> memref<200x48xf32, #tpu.memory_space<hbm>>
        %dma_wait3A_1138 = arith.constant 0 : i32
        %dma_wait3A_1139 = arith.constant 0 : i32
        %dma_wait3A_1140 = tpu.memref_slice %arg20[%dma_wait3A_1130, %dma_wait3A_1138, %dma_wait3A_1139] : memref<4096x200x128xf32, #tpu.memory_space<hbm>> -> memref<1x200x48xf32, #tpu.memory_space<hbm>>
        %dma_wait3A_1141 = tpu.memref_squeeze %dma_wait3A_1140 : memref<1x200x48xf32, #tpu.memory_space<hbm>> -> memref<200x48xf32, #tpu.memory_space<hbm>>
        %dma_wait3A_1142 = arith.constant 0 : i32
        %dma_wait3A_1143 = arith.constant 0 : i32
        %dma_wait3A_1144 = tpu.memref_slice %arg47[%dma_wait3A_1142, %dma_wait3A_1143] : memref<208x48xf32, #tpu.memory_space<vmem>> -> memref<200x48xf32, #tpu.memory_space<vmem>>
        tpu.wait_dma2 semaphore(%arg61 : memref<!tpu.dma_semaphore, #tpu.memory_space<semaphore_mem>>) src(%dma_wait3A_1144 : memref<200x48xf32, #tpu.memory_space<vmem>>) dst(%dma_wait3A_1141 : memref<200x48xf32, #tpu.memory_space<hbm>>)
        %dma_wait3A_1145 = arith.constant 0 : i32
        %dma_wait3A_1146 = arith.constant 0 : i32
        %dma_wait3A_1147 = arith.constant 0 : i32
        %dma_wait3A_1148 = tpu.memref_slice %arg48[%dma_wait3A_1146, %dma_wait3A_1147] : memref<208x48xf32, #tpu.memory_space<vmem>> -> memref<200x48xf32, #tpu.memory_space<vmem>>
        %dma_wait3A_1149 = arith.constant 0 : i32
        %dma_wait3A_1150 = arith.constant 48 : i32
        %dma_wait3A_1151 = tpu.memref_slice %arg20[%dma_wait3A_1145, %dma_wait3A_1149, %dma_wait3A_1150] : memref<4096x200x128xf32, #tpu.memory_space<hbm>> -> memref<1x200x48xf32, #tpu.memory_space<hbm>>
        %dma_wait3A_1152 = tpu.memref_squeeze %dma_wait3A_1151 : memref<1x200x48xf32, #tpu.memory_space<hbm>> -> memref<200x48xf32, #tpu.memory_space<hbm>>
        %dma_wait3A_1153 = arith.constant 0 : i32
        %dma_wait3A_1154 = arith.constant 48 : i32
        %dma_wait3A_1155 = tpu.memref_slice %arg20[%dma_wait3A_1145, %dma_wait3A_1153, %dma_wait3A_1154] : memref<4096x200x128xf32, #tpu.memory_space<hbm>> -> memref<1x200x48xf32, #tpu.memory_space<hbm>>
        %dma_wait3A_1156 = tpu.memref_squeeze %dma_wait3A_1155 : memref<1x200x48xf32, #tpu.memory_space<hbm>> -> memref<200x48xf32, #tpu.memory_space<hbm>>
        %dma_wait3A_1157 = arith.constant 0 : i32
        %dma_wait3A_1158 = arith.constant 0 : i32
        %dma_wait3A_1159 = tpu.memref_slice %arg48[%dma_wait3A_1157, %dma_wait3A_1158] : memref<208x48xf32, #tpu.memory_space<vmem>> -> memref<200x48xf32, #tpu.memory_space<vmem>>
        tpu.wait_dma2 semaphore(%arg61 : memref<!tpu.dma_semaphore, #tpu.memory_space<semaphore_mem>>) src(%dma_wait3A_1159 : memref<200x48xf32, #tpu.memory_space<vmem>>) dst(%dma_wait3A_1156 : memref<200x48xf32, #tpu.memory_space<hbm>>)
      } else {
      }
      %dma_start3A_454 = arith.constant 0 : i32
      %dma_start3A_455 = arith.constant 0 : i32
      %dma_start3A_456 = tpu.memref_slice %arg21[%dma_start3A_454, %dma_start3A_455] : memref<1083x48xf32, #tpu.memory_space<vmem_shared>> -> memref<1083x48xf32, #tpu.memory_space<vmem_shared>>
      tpu.enqueue_indirect_dma source(%dma_start3A_456 : memref<1083x48xf32, #tpu.memory_space<vmem_shared>>) target(%arg47 : memref<208x48xf32, #tpu.memory_space<vmem>>) offsets(%arg43 : memref<208xi32, #tpu.memory_space<vmem>>) semaphore(%arg57 : memref<!tpu.dma_semaphore, #tpu.memory_space<semaphore_mem>>)
      %dma_start3A_457 = arith.constant 0 : i32
      %dma_start3A_458 = arith.constant 0 : i32
      %dma_start3A_459 = tpu.memref_slice %arg22[%dma_start3A_457, %dma_start3A_458] : memref<528x48xf32, #tpu.memory_space<vmem_shared>> -> memref<528x48xf32, #tpu.memory_space<vmem_shared>>
      tpu.enqueue_indirect_dma source(%dma_start3A_459 : memref<528x48xf32, #tpu.memory_space<vmem_shared>>) target(%arg48 : memref<208x48xf32, #tpu.memory_space<vmem>>) offsets(%arg44 : memref<208xi32, #tpu.memory_space<vmem>>) semaphore(%arg57 : memref<!tpu.dma_semaphore, #tpu.memory_space<semaphore_mem>>)
      %ge3A_460 = arith.constant 1 : i32
      %ge3A_461 = arith.cmpi sge, %scan3A_342, %ge3A_460 : i32
      %or3A = arith.constant false
      %or3A_462 = arith.ori %ge3A_461, %or3A : i1
      %convert_element_type3A_463 = arith.extui %or3A_462 : i1 to i32
      %cond3A_464 = arith.constant 0 : i32
      %cond3A_465 = arith.cmpi ne, %convert_element_type3A_463, %cond3A_464 : i32
      scf.if %cond3A_465 {
        %dma_wait3A_1130 = arith.constant 0 : i32
        %dma_wait3A_1131 = arith.constant 0 : i32
        %dma_wait3A_1132 = tpu.memref_slice %arg21[%dma_wait3A_1130, %dma_wait3A_1131] : memref<1083x48xf32, #tpu.memory_space<vmem_shared>> -> memref<1083x48xf32, #tpu.memory_space<vmem_shared>>
        tpu.wait_indirect_dma semaphore(%arg60 : memref<!tpu.dma_semaphore, #tpu.memory_space<semaphore_mem>>) src(%dma_wait3A_1132 : memref<1083x48xf32, #tpu.memory_space<vmem_shared>>) dst(%arg53 : memref<208x48xf32, #tpu.memory_space<vmem>>)
        %dma_wait3A_1133 = arith.constant 0 : i32
        %dma_wait3A_1134 = arith.constant 0 : i32
        %dma_wait3A_1135 = tpu.memref_slice %arg22[%dma_wait3A_1133, %dma_wait3A_1134] : memref<528x48xf32, #tpu.memory_space<vmem_shared>> -> memref<528x48xf32, #tpu.memory_space<vmem_shared>>
        tpu.wait_indirect_dma semaphore(%arg60 : memref<!tpu.dma_semaphore, #tpu.memory_space<semaphore_mem>>) src(%dma_wait3A_1135 : memref<528x48xf32, #tpu.memory_space<vmem_shared>>) dst(%arg54 : memref<208x48xf32, #tpu.memory_space<vmem>>)
        %sub3A_1136 = arith.constant 1 : i32
        %sub3A_1137 = arith.subi %add3A_346, %sub3A_1136 : i32
        %add3A_1138 = arith.addi %mul3A_2, %sub3A_1137 : i32
        %dma_start3A_1139 = arith.constant 0 : i32
        %dma_start3A_1140 = arith.constant 0 : i32
        %dma_start3A_1141 = tpu.memref_slice %arg53[%dma_start3A_1139, %dma_start3A_1140] : memref<208x48xf32, #tpu.memory_space<vmem>> -> memref<200x48xf32, #tpu.memory_space<vmem>>
        %dma_start3A_1142 = arith.constant 0 : i32
        %dma_start3A_1143 = arith.constant 0 : i32
        %dma_start3A_1144 = tpu.memref_slice %arg20[%add3A_1138, %dma_start3A_1142, %dma_start3A_1143] : memref<4096x200x128xf32, #tpu.memory_space<hbm>> -> memref<1x200x48xf32, #tpu.memory_space<hbm>>
        %dma_start3A_1145 = tpu.memref_squeeze %dma_start3A_1144 : memref<1x200x48xf32, #tpu.memory_space<hbm>> -> memref<200x48xf32, #tpu.memory_space<hbm>>
        %dma_start3A_1146 = arith.constant 0 : i32
        %dma_start3A_1147 = arith.constant 0 : i32
        %dma_start3A_1148 = tpu.memref_slice %arg20[%add3A_1138, %dma_start3A_1146, %dma_start3A_1147] : memref<4096x200x128xf32, #tpu.memory_space<hbm>> -> memref<1x200x48xf32, #tpu.memory_space<hbm>>
        %dma_start3A_1149 = tpu.memref_squeeze %dma_start3A_1148 : memref<1x200x48xf32, #tpu.memory_space<hbm>> -> memref<200x48xf32, #tpu.memory_space<hbm>>
        %dma_start3A_1150 = arith.constant 0 : i32
        %dma_start3A_1151 = arith.constant 0 : i32
        %dma_start3A_1152 = tpu.memref_slice %arg53[%dma_start3A_1150, %dma_start3A_1151] : memref<208x48xf32, #tpu.memory_space<vmem>> -> memref<200x48xf32, #tpu.memory_space<vmem>>
        tpu.enqueue_dma source(%dma_start3A_1152 : memref<200x48xf32, #tpu.memory_space<vmem>>) target(%dma_start3A_1149 : memref<200x48xf32, #tpu.memory_space<hbm>>) target_semaphore(%arg64 : memref<!tpu.dma_semaphore, #tpu.memory_space<semaphore_mem>>)
        %dma_start3A_1153 = arith.constant 0 : i32
        %dma_start3A_1154 = arith.constant 0 : i32
        %dma_start3A_1155 = tpu.memref_slice %arg54[%dma_start3A_1153, %dma_start3A_1154] : memref<208x48xf32, #tpu.memory_space<vmem>> -> memref<200x48xf32, #tpu.memory_space<vmem>>
        %dma_start3A_1156 = arith.constant 0 : i32
        %dma_start3A_1157 = arith.constant 48 : i32
        %dma_start3A_1158 = tpu.memref_slice %arg20[%add3A_1138, %dma_start3A_1156, %dma_start3A_1157] : memref<4096x200x128xf32, #tpu.memory_space<hbm>> -> memref<1x200x48xf32, #tpu.memory_space<hbm>>
        %dma_start3A_1159 = tpu.memref_squeeze %dma_start3A_1158 : memref<1x200x48xf32, #tpu.memory_space<hbm>> -> memref<200x48xf32, #tpu.memory_space<hbm>>
        %dma_start3A_1160 = arith.constant 0 : i32
        %dma_start3A_1161 = arith.constant 48 : i32
        %dma_start3A_1162 = tpu.memref_slice %arg20[%add3A_1138, %dma_start3A_1160, %dma_start3A_1161] : memref<4096x200x128xf32, #tpu.memory_space<hbm>> -> memref<1x200x48xf32, #tpu.memory_space<hbm>>
        %dma_start3A_1163 = tpu.memref_squeeze %dma_start3A_1162 : memref<1x200x48xf32, #tpu.memory_space<hbm>> -> memref<200x48xf32, #tpu.memory_space<hbm>>
        %dma_start3A_1164 = arith.constant 0 : i32
        %dma_start3A_1165 = arith.constant 0 : i32
        %dma_start3A_1166 = tpu.memref_slice %arg54[%dma_start3A_1164, %dma_start3A_1165] : memref<208x48xf32, #tpu.memory_space<vmem>> -> memref<200x48xf32, #tpu.memory_space<vmem>>
        tpu.enqueue_dma source(%dma_start3A_1166 : memref<200x48xf32, #tpu.memory_space<vmem>>) target(%dma_start3A_1163 : memref<200x48xf32, #tpu.memory_space<hbm>>) target_semaphore(%arg64 : memref<!tpu.dma_semaphore, #tpu.memory_space<semaphore_mem>>)
      } else {
      }
      %add3A_466 = arith.constant 1 : i32
      %add3A_467 = arith.addi %add3A_346, %add3A_466 : i32
      %add3A_468 = arith.addi %mul3A_2, %add3A_467 : i32
      %dma_start3A_469 = arith.constant 0 : i32
      %dma_start3A_470 = tpu.memref_slice %arg34[%dma_start3A_469] : memref<208xi32, #tpu.memory_space<vmem>> -> memref<200xi32, #tpu.memory_space<vmem>>
      %dma_start3A_471 = arith.constant 0 : i32
      %dma_start3A_472 = tpu.memref_slice %arg2[%add3A_468, %dma_start3A_471] : memref<4096x200xi32, #tpu.memory_space<hbm>> -> memref<1x200xi32, #tpu.memory_space<hbm>>
      %dma_start3A_473 = tpu.memref_squeeze %dma_start3A_472 : memref<1x200xi32, #tpu.memory_space<hbm>> -> memref<200xi32, #tpu.memory_space<hbm>>
      %dma_start3A_474 = arith.constant 0 : i32
      %dma_start3A_475 = tpu.memref_slice %arg34[%dma_start3A_474] : memref<208xi32, #tpu.memory_space<vmem>> -> memref<200xi32, #tpu.memory_space<vmem>>
      %dma_start3A_476 = arith.constant 0 : i32
      %dma_start3A_477 = tpu.memref_slice %arg2[%add3A_468, %dma_start3A_476] : memref<4096x200xi32, #tpu.memory_space<hbm>> -> memref<1x200xi32, #tpu.memory_space<hbm>>
      %dma_start3A_478 = tpu.memref_squeeze %dma_start3A_477 : memref<1x200xi32, #tpu.memory_space<hbm>> -> memref<200xi32, #tpu.memory_space<hbm>>
      tpu.enqueue_dma source(%dma_start3A_478 : memref<200xi32, #tpu.memory_space<hbm>>) target(%dma_start3A_475 : memref<200xi32, #tpu.memory_space<vmem>>) target_semaphore(%arg56 : memref<!tpu.dma_semaphore, #tpu.memory_space<semaphore_mem>>)
      %dma_start3A_479 = arith.constant 0 : i32
      %dma_start3A_480 = tpu.memref_slice %arg35[%dma_start3A_479] : memref<208xi32, #tpu.memory_space<vmem>> -> memref<200xi32, #tpu.memory_space<vmem>>
      %dma_start3A_481 = arith.constant 0 : i32
      %dma_start3A_482 = tpu.memref_slice %arg3[%add3A_468, %dma_start3A_481] : memref<4096x200xi32, #tpu.memory_space<hbm>> -> memref<1x200xi32, #tpu.memory_space<hbm>>
      %dma_start3A_483 = tpu.memref_squeeze %dma_start3A_482 : memref<1x200xi32, #tpu.memory_space<hbm>> -> memref<200xi32, #tpu.memory_space<hbm>>
      %dma_start3A_484 = arith.constant 0 : i32
      %dma_start3A_485 = tpu.memref_slice %arg35[%dma_start3A_484] : memref<208xi32, #tpu.memory_space<vmem>> -> memref<200xi32, #tpu.memory_space<vmem>>
      %dma_start3A_486 = arith.constant 0 : i32
      %dma_start3A_487 = tpu.memref_slice %arg3[%add3A_468, %dma_start3A_486] : memref<4096x200xi32, #tpu.memory_space<hbm>> -> memref<1x200xi32, #tpu.memory_space<hbm>>
      %dma_start3A_488 = tpu.memref_squeeze %dma_start3A_487 : memref<1x200xi32, #tpu.memory_space<hbm>> -> memref<200xi32, #tpu.memory_space<hbm>>
      tpu.enqueue_dma source(%dma_start3A_488 : memref<200xi32, #tpu.memory_space<hbm>>) target(%dma_start3A_485 : memref<200xi32, #tpu.memory_space<vmem>>) target_semaphore(%arg56 : memref<!tpu.dma_semaphore, #tpu.memory_space<semaphore_mem>>)
      %dma_start3A_489 = arith.constant 0 : i32
      %dma_start3A_490 = tpu.memref_slice %arg36[%dma_start3A_489] : memref<208xi32, #tpu.memory_space<vmem>> -> memref<200xi32, #tpu.memory_space<vmem>>
      %dma_start3A_491 = arith.constant 0 : i32
      %dma_start3A_492 = tpu.memref_slice %arg4[%add3A_468, %dma_start3A_491] : memref<4096x200xi32, #tpu.memory_space<hbm>> -> memref<1x200xi32, #tpu.memory_space<hbm>>
      %dma_start3A_493 = tpu.memref_squeeze %dma_start3A_492 : memref<1x200xi32, #tpu.memory_space<hbm>> -> memref<200xi32, #tpu.memory_space<hbm>>
      %dma_start3A_494 = arith.constant 0 : i32
      %dma_start3A_495 = tpu.memref_slice %arg36[%dma_start3A_494] : memref<208xi32, #tpu.memory_space<vmem>> -> memref<200xi32, #tpu.memory_space<vmem>>
      %dma_start3A_496 = arith.constant 0 : i32
      %dma_start3A_497 = tpu.memref_slice %arg4[%add3A_468, %dma_start3A_496] : memref<4096x200xi32, #tpu.memory_space<hbm>> -> memref<1x200xi32, #tpu.memory_space<hbm>>
      %dma_start3A_498 = tpu.memref_squeeze %dma_start3A_497 : memref<1x200xi32, #tpu.memory_space<hbm>> -> memref<200xi32, #tpu.memory_space<hbm>>
      tpu.enqueue_dma source(%dma_start3A_498 : memref<200xi32, #tpu.memory_space<hbm>>) target(%dma_start3A_495 : memref<200xi32, #tpu.memory_space<vmem>>) target_semaphore(%arg56 : memref<!tpu.dma_semaphore, #tpu.memory_space<semaphore_mem>>)
      %dma_start3A_499 = arith.constant 0 : i32
      %dma_start3A_500 = tpu.memref_slice %arg37[%dma_start3A_499] : memref<208xi32, #tpu.memory_space<vmem>> -> memref<200xi32, #tpu.memory_space<vmem>>
      %dma_start3A_501 = arith.constant 0 : i32
      %dma_start3A_502 = tpu.memref_slice %arg5[%add3A_468, %dma_start3A_501] : memref<4096x200xi32, #tpu.memory_space<hbm>> -> memref<1x200xi32, #tpu.memory_space<hbm>>
      %dma_start3A_503 = tpu.memref_squeeze %dma_start3A_502 : memref<1x200xi32, #tpu.memory_space<hbm>> -> memref<200xi32, #tpu.memory_space<hbm>>
      %dma_start3A_504 = arith.constant 0 : i32
      %dma_start3A_505 = tpu.memref_slice %arg37[%dma_start3A_504] : memref<208xi32, #tpu.memory_space<vmem>> -> memref<200xi32, #tpu.memory_space<vmem>>
      %dma_start3A_506 = arith.constant 0 : i32
      %dma_start3A_507 = tpu.memref_slice %arg5[%add3A_468, %dma_start3A_506] : memref<4096x200xi32, #tpu.memory_space<hbm>> -> memref<1x200xi32, #tpu.memory_space<hbm>>
      %dma_start3A_508 = tpu.memref_squeeze %dma_start3A_507 : memref<1x200xi32, #tpu.memory_space<hbm>> -> memref<200xi32, #tpu.memory_space<hbm>>
      tpu.enqueue_dma source(%dma_start3A_508 : memref<200xi32, #tpu.memory_space<hbm>>) target(%dma_start3A_505 : memref<200xi32, #tpu.memory_space<vmem>>) target_semaphore(%arg56 : memref<!tpu.dma_semaphore, #tpu.memory_space<semaphore_mem>>)
      %dma_start3A_509 = arith.constant 0 : i32
      %dma_start3A_510 = tpu.memref_slice %arg38[%dma_start3A_509] : memref<208xi32, #tpu.memory_space<vmem>> -> memref<200xi32, #tpu.memory_space<vmem>>
      %dma_start3A_511 = arith.constant 0 : i32
      %dma_start3A_512 = tpu.memref_slice %arg6[%add3A_468, %dma_start3A_511] : memref<4096x200xi32, #tpu.memory_space<hbm>> -> memref<1x200xi32, #tpu.memory_space<hbm>>
      %dma_start3A_513 = tpu.memref_squeeze %dma_start3A_512 : memref<1x200xi32, #tpu.memory_space<hbm>> -> memref<200xi32, #tpu.memory_space<hbm>>
      %dma_start3A_514 = arith.constant 0 : i32
      %dma_start3A_515 = tpu.memref_slice %arg38[%dma_start3A_514] : memref<208xi32, #tpu.memory_space<vmem>> -> memref<200xi32, #tpu.memory_space<vmem>>
      %dma_start3A_516 = arith.constant 0 : i32
      %dma_start3A_517 = tpu.memref_slice %arg6[%add3A_468, %dma_start3A_516] : memref<4096x200xi32, #tpu.memory_space<hbm>> -> memref<1x200xi32, #tpu.memory_space<hbm>>
      %dma_start3A_518 = tpu.memref_squeeze %dma_start3A_517 : memref<1x200xi32, #tpu.memory_space<hbm>> -> memref<200xi32, #tpu.memory_space<hbm>>
      tpu.enqueue_dma source(%dma_start3A_518 : memref<200xi32, #tpu.memory_space<hbm>>) target(%dma_start3A_515 : memref<200xi32, #tpu.memory_space<vmem>>) target_semaphore(%arg56 : memref<!tpu.dma_semaphore, #tpu.memory_space<semaphore_mem>>)
      %dma_start3A_519 = arith.constant 0 : i32
      %dma_start3A_520 = tpu.memref_slice %arg39[%dma_start3A_519] : memref<208xi32, #tpu.memory_space<vmem>> -> memref<200xi32, #tpu.memory_space<vmem>>
      %dma_start3A_521 = arith.constant 0 : i32
      %dma_start3A_522 = tpu.memref_slice %arg7[%add3A_468, %dma_start3A_521] : memref<4096x200xi32, #tpu.memory_space<hbm>> -> memref<1x200xi32, #tpu.memory_space<hbm>>
      %dma_start3A_523 = tpu.memref_squeeze %dma_start3A_522 : memref<1x200xi32, #tpu.memory_space<hbm>> -> memref<200xi32, #tpu.memory_space<hbm>>
      %dma_start3A_524 = arith.constant 0 : i32
      %dma_start3A_525 = tpu.memref_slice %arg39[%dma_start3A_524] : memref<208xi32, #tpu.memory_space<vmem>> -> memref<200xi32, #tpu.memory_space<vmem>>
      %dma_start3A_526 = arith.constant 0 : i32
      %dma_start3A_527 = tpu.memref_slice %arg7[%add3A_468, %dma_start3A_526] : memref<4096x200xi32, #tpu.memory_space<hbm>> -> memref<1x200xi32, #tpu.memory_space<hbm>>
      %dma_start3A_528 = tpu.memref_squeeze %dma_start3A_527 : memref<1x200xi32, #tpu.memory_space<hbm>> -> memref<200xi32, #tpu.memory_space<hbm>>
      tpu.enqueue_dma source(%dma_start3A_528 : memref<200xi32, #tpu.memory_space<hbm>>) target(%dma_start3A_525 : memref<200xi32, #tpu.memory_space<vmem>>) target_semaphore(%arg56 : memref<!tpu.dma_semaphore, #tpu.memory_space<semaphore_mem>>)
      %dma_start3A_529 = arith.constant 0 : i32
      %dma_start3A_530 = tpu.memref_slice %arg40[%dma_start3A_529] : memref<208xi32, #tpu.memory_space<vmem>> -> memref<200xi32, #tpu.memory_space<vmem>>
      %dma_start3A_531 = arith.constant 0 : i32
      %dma_start3A_532 = tpu.memref_slice %arg8[%add3A_468, %dma_start3A_531] : memref<4096x200xi32, #tpu.memory_space<hbm>> -> memref<1x200xi32, #tpu.memory_space<hbm>>
      %dma_start3A_533 = tpu.memref_squeeze %dma_start3A_532 : memref<1x200xi32, #tpu.memory_space<hbm>> -> memref<200xi32, #tpu.memory_space<hbm>>
      %dma_start3A_534 = arith.constant 0 : i32
      %dma_start3A_535 = tpu.memref_slice %arg40[%dma_start3A_534] : memref<208xi32, #tpu.memory_space<vmem>> -> memref<200xi32, #tpu.memory_space<vmem>>
      %dma_start3A_536 = arith.constant 0 : i32
      %dma_start3A_537 = tpu.memref_slice %arg8[%add3A_468, %dma_start3A_536] : memref<4096x200xi32, #tpu.memory_space<hbm>> -> memref<1x200xi32, #tpu.memory_space<hbm>>
      %dma_start3A_538 = tpu.memref_squeeze %dma_start3A_537 : memref<1x200xi32, #tpu.memory_space<hbm>> -> memref<200xi32, #tpu.memory_space<hbm>>
      tpu.enqueue_dma source(%dma_start3A_538 : memref<200xi32, #tpu.memory_space<hbm>>) target(%dma_start3A_535 : memref<200xi32, #tpu.memory_space<vmem>>) target_semaphore(%arg56 : memref<!tpu.dma_semaphore, #tpu.memory_space<semaphore_mem>>)
      %dma_start3A_539 = arith.constant 0 : i32
      %dma_start3A_540 = tpu.memref_slice %arg41[%dma_start3A_539] : memref<208xi32, #tpu.memory_space<vmem>> -> memref<200xi32, #tpu.memory_space<vmem>>
      %dma_start3A_541 = arith.constant 0 : i32
      %dma_start3A_542 = tpu.memref_slice %arg9[%add3A_468, %dma_start3A_541] : memref<4096x200xi32, #tpu.memory_space<hbm>> -> memref<1x200xi32, #tpu.memory_space<hbm>>
      %dma_start3A_543 = tpu.memref_squeeze %dma_start3A_542 : memref<1x200xi32, #tpu.memory_space<hbm>> -> memref<200xi32, #tpu.memory_space<hbm>>
      %dma_start3A_544 = arith.constant 0 : i32
      %dma_start3A_545 = tpu.memref_slice %arg41[%dma_start3A_544] : memref<208xi32, #tpu.memory_space<vmem>> -> memref<200xi32, #tpu.memory_space<vmem>>
      %dma_start3A_546 = arith.constant 0 : i32
      %dma_start3A_547 = tpu.memref_slice %arg9[%add3A_468, %dma_start3A_546] : memref<4096x200xi32, #tpu.memory_space<hbm>> -> memref<1x200xi32, #tpu.memory_space<hbm>>
      %dma_start3A_548 = tpu.memref_squeeze %dma_start3A_547 : memref<1x200xi32, #tpu.memory_space<hbm>> -> memref<200xi32, #tpu.memory_space<hbm>>
      tpu.enqueue_dma source(%dma_start3A_548 : memref<200xi32, #tpu.memory_space<hbm>>) target(%dma_start3A_545 : memref<200xi32, #tpu.memory_space<vmem>>) target_semaphore(%arg56 : memref<!tpu.dma_semaphore, #tpu.memory_space<semaphore_mem>>)
      %dma_start3A_549 = arith.constant 0 : i32
      %dma_start3A_550 = tpu.memref_slice %arg42[%dma_start3A_549] : memref<208xi32, #tpu.memory_space<vmem>> -> memref<200xi32, #tpu.memory_space<vmem>>
      %dma_start3A_551 = arith.constant 0 : i32
      %dma_start3A_552 = tpu.memref_slice %arg10[%add3A_468, %dma_start3A_551] : memref<4096x200xi32, #tpu.memory_space<hbm>> -> memref<1x200xi32, #tpu.memory_space<hbm>>
      %dma_start3A_553 = tpu.memref_squeeze %dma_start3A_552 : memref<1x200xi32, #tpu.memory_space<hbm>> -> memref<200xi32, #tpu.memory_space<hbm>>
      %dma_start3A_554 = arith.constant 0 : i32
      %dma_start3A_555 = tpu.memref_slice %arg42[%dma_start3A_554] : memref<208xi32, #tpu.memory_space<vmem>> -> memref<200xi32, #tpu.memory_space<vmem>>
      %dma_start3A_556 = arith.constant 0 : i32
      %dma_start3A_557 = tpu.memref_slice %arg10[%add3A_468, %dma_start3A_556] : memref<4096x200xi32, #tpu.memory_space<hbm>> -> memref<1x200xi32, #tpu.memory_space<hbm>>
      %dma_start3A_558 = tpu.memref_squeeze %dma_start3A_557 : memref<1x200xi32, #tpu.memory_space<hbm>> -> memref<200xi32, #tpu.memory_space<hbm>>
      tpu.enqueue_dma source(%dma_start3A_558 : memref<200xi32, #tpu.memory_space<hbm>>) target(%dma_start3A_555 : memref<200xi32, #tpu.memory_space<vmem>>) target_semaphore(%arg56 : memref<!tpu.dma_semaphore, #tpu.memory_space<semaphore_mem>>)
      %mul3A_559 = arith.constant 4 : i32
      %mul3A_560 = arith.muli %scan3A_342, %mul3A_559 : i32
      %add3A_561 = arith.constant 1 : i32
      %add3A_562 = arith.addi %mul3A_560, %add3A_561 : i32
      %dma_wait3A_563 = arith.constant 0 : i32
      %dma_wait3A_564 = arith.constant 0 : i32
      %dma_wait3A_565 = tpu.memref_slice %arg34[%dma_wait3A_564] : memref<208xi32, #tpu.memory_space<vmem>> -> memref<200xi32, #tpu.memory_space<vmem>>
      %dma_wait3A_566 = arith.constant 0 : i32
      %dma_wait3A_567 = tpu.memref_slice %arg2[%dma_wait3A_563, %dma_wait3A_566] : memref<4096x200xi32, #tpu.memory_space<hbm>> -> memref<1x200xi32, #tpu.memory_space<hbm>>
      %dma_wait3A_568 = tpu.memref_squeeze %dma_wait3A_567 : memref<1x200xi32, #tpu.memory_space<hbm>> -> memref<200xi32, #tpu.memory_space<hbm>>
      %dma_wait3A_569 = arith.constant 0 : i32
      %dma_wait3A_570 = tpu.memref_slice %arg34[%dma_wait3A_569] : memref<208xi32, #tpu.memory_space<vmem>> -> memref<200xi32, #tpu.memory_space<vmem>>
      %dma_wait3A_571 = arith.constant 0 : i32
      %dma_wait3A_572 = tpu.memref_slice %arg2[%dma_wait3A_563, %dma_wait3A_571] : memref<4096x200xi32, #tpu.memory_space<hbm>> -> memref<1x200xi32, #tpu.memory_space<hbm>>
      %dma_wait3A_573 = tpu.memref_squeeze %dma_wait3A_572 : memref<1x200xi32, #tpu.memory_space<hbm>> -> memref<200xi32, #tpu.memory_space<hbm>>
      tpu.wait_dma2 semaphore(%arg56 : memref<!tpu.dma_semaphore, #tpu.memory_space<semaphore_mem>>) src(%dma_wait3A_573 : memref<200xi32, #tpu.memory_space<hbm>>) dst(%dma_wait3A_570 : memref<200xi32, #tpu.memory_space<vmem>>)
      %dma_wait3A_574 = arith.constant 0 : i32
      %dma_wait3A_575 = arith.constant 0 : i32
      %dma_wait3A_576 = tpu.memref_slice %arg35[%dma_wait3A_575] : memref<208xi32, #tpu.memory_space<vmem>> -> memref<200xi32, #tpu.memory_space<vmem>>
      %dma_wait3A_577 = arith.constant 0 : i32
      %dma_wait3A_578 = tpu.memref_slice %arg3[%dma_wait3A_574, %dma_wait3A_577] : memref<4096x200xi32, #tpu.memory_space<hbm>> -> memref<1x200xi32, #tpu.memory_space<hbm>>
      %dma_wait3A_579 = tpu.memref_squeeze %dma_wait3A_578 : memref<1x200xi32, #tpu.memory_space<hbm>> -> memref<200xi32, #tpu.memory_space<hbm>>
      %dma_wait3A_580 = arith.constant 0 : i32
      %dma_wait3A_581 = tpu.memref_slice %arg35[%dma_wait3A_580] : memref<208xi32, #tpu.memory_space<vmem>> -> memref<200xi32, #tpu.memory_space<vmem>>
      %dma_wait3A_582 = arith.constant 0 : i32
      %dma_wait3A_583 = tpu.memref_slice %arg3[%dma_wait3A_574, %dma_wait3A_582] : memref<4096x200xi32, #tpu.memory_space<hbm>> -> memref<1x200xi32, #tpu.memory_space<hbm>>
      %dma_wait3A_584 = tpu.memref_squeeze %dma_wait3A_583 : memref<1x200xi32, #tpu.memory_space<hbm>> -> memref<200xi32, #tpu.memory_space<hbm>>
      tpu.wait_dma2 semaphore(%arg56 : memref<!tpu.dma_semaphore, #tpu.memory_space<semaphore_mem>>) src(%dma_wait3A_584 : memref<200xi32, #tpu.memory_space<hbm>>) dst(%dma_wait3A_581 : memref<200xi32, #tpu.memory_space<vmem>>)
      %dma_wait3A_585 = arith.constant 0 : i32
      %dma_wait3A_586 = arith.constant 0 : i32
      %dma_wait3A_587 = tpu.memref_slice %arg36[%dma_wait3A_586] : memref<208xi32, #tpu.memory_space<vmem>> -> memref<200xi32, #tpu.memory_space<vmem>>
      %dma_wait3A_588 = arith.constant 0 : i32
      %dma_wait3A_589 = tpu.memref_slice %arg4[%dma_wait3A_585, %dma_wait3A_588] : memref<4096x200xi32, #tpu.memory_space<hbm>> -> memref<1x200xi32, #tpu.memory_space<hbm>>
      %dma_wait3A_590 = tpu.memref_squeeze %dma_wait3A_589 : memref<1x200xi32, #tpu.memory_space<hbm>> -> memref<200xi32, #tpu.memory_space<hbm>>
      %dma_wait3A_591 = arith.constant 0 : i32
      %dma_wait3A_592 = tpu.memref_slice %arg36[%dma_wait3A_591] : memref<208xi32, #tpu.memory_space<vmem>> -> memref<200xi32, #tpu.memory_space<vmem>>
      %dma_wait3A_593 = arith.constant 0 : i32
      %dma_wait3A_594 = tpu.memref_slice %arg4[%dma_wait3A_585, %dma_wait3A_593] : memref<4096x200xi32, #tpu.memory_space<hbm>> -> memref<1x200xi32, #tpu.memory_space<hbm>>
      %dma_wait3A_595 = tpu.memref_squeeze %dma_wait3A_594 : memref<1x200xi32, #tpu.memory_space<hbm>> -> memref<200xi32, #tpu.memory_space<hbm>>
      tpu.wait_dma2 semaphore(%arg56 : memref<!tpu.dma_semaphore, #tpu.memory_space<semaphore_mem>>) src(%dma_wait3A_595 : memref<200xi32, #tpu.memory_space<hbm>>) dst(%dma_wait3A_592 : memref<200xi32, #tpu.memory_space<vmem>>)
      %dma_wait3A_596 = arith.constant 0 : i32
      %dma_wait3A_597 = arith.constant 0 : i32
      %dma_wait3A_598 = tpu.memref_slice %arg37[%dma_wait3A_597] : memref<208xi32, #tpu.memory_space<vmem>> -> memref<200xi32, #tpu.memory_space<vmem>>
      %dma_wait3A_599 = arith.constant 0 : i32
      %dma_wait3A_600 = tpu.memref_slice %arg5[%dma_wait3A_596, %dma_wait3A_599] : memref<4096x200xi32, #tpu.memory_space<hbm>> -> memref<1x200xi32, #tpu.memory_space<hbm>>
      %dma_wait3A_601 = tpu.memref_squeeze %dma_wait3A_600 : memref<1x200xi32, #tpu.memory_space<hbm>> -> memref<200xi32, #tpu.memory_space<hbm>>
      %dma_wait3A_602 = arith.constant 0 : i32
      %dma_wait3A_603 = tpu.memref_slice %arg37[%dma_wait3A_602] : memref<208xi32, #tpu.memory_space<vmem>> -> memref<200xi32, #tpu.memory_space<vmem>>
      %dma_wait3A_604 = arith.constant 0 : i32
      %dma_wait3A_605 = tpu.memref_slice %arg5[%dma_wait3A_596, %dma_wait3A_604] : memref<4096x200xi32, #tpu.memory_space<hbm>> -> memref<1x200xi32, #tpu.memory_space<hbm>>
      %dma_wait3A_606 = tpu.memref_squeeze %dma_wait3A_605 : memref<1x200xi32, #tpu.memory_space<hbm>> -> memref<200xi32, #tpu.memory_space<hbm>>
      tpu.wait_dma2 semaphore(%arg56 : memref<!tpu.dma_semaphore, #tpu.memory_space<semaphore_mem>>) src(%dma_wait3A_606 : memref<200xi32, #tpu.memory_space<hbm>>) dst(%dma_wait3A_603 : memref<200xi32, #tpu.memory_space<vmem>>)
      %dma_wait3A_607 = arith.constant 0 : i32
      %dma_wait3A_608 = arith.constant 0 : i32
      %dma_wait3A_609 = tpu.memref_slice %arg38[%dma_wait3A_608] : memref<208xi32, #tpu.memory_space<vmem>> -> memref<200xi32, #tpu.memory_space<vmem>>
      %dma_wait3A_610 = arith.constant 0 : i32
      %dma_wait3A_611 = tpu.memref_slice %arg6[%dma_wait3A_607, %dma_wait3A_610] : memref<4096x200xi32, #tpu.memory_space<hbm>> -> memref<1x200xi32, #tpu.memory_space<hbm>>
      %dma_wait3A_612 = tpu.memref_squeeze %dma_wait3A_611 : memref<1x200xi32, #tpu.memory_space<hbm>> -> memref<200xi32, #tpu.memory_space<hbm>>
      %dma_wait3A_613 = arith.constant 0 : i32
      %dma_wait3A_614 = tpu.memref_slice %arg38[%dma_wait3A_613] : memref<208xi32, #tpu.memory_space<vmem>> -> memref<200xi32, #tpu.memory_space<vmem>>
      %dma_wait3A_615 = arith.constant 0 : i32
      %dma_wait3A_616 = tpu.memref_slice %arg6[%dma_wait3A_607, %dma_wait3A_615] : memref<4096x200xi32, #tpu.memory_space<hbm>> -> memref<1x200xi32, #tpu.memory_space<hbm>>
      %dma_wait3A_617 = tpu.memref_squeeze %dma_wait3A_616 : memref<1x200xi32, #tpu.memory_space<hbm>> -> memref<200xi32, #tpu.memory_space<hbm>>
      tpu.wait_dma2 semaphore(%arg56 : memref<!tpu.dma_semaphore, #tpu.memory_space<semaphore_mem>>) src(%dma_wait3A_617 : memref<200xi32, #tpu.memory_space<hbm>>) dst(%dma_wait3A_614 : memref<200xi32, #tpu.memory_space<vmem>>)
      %dma_wait3A_618 = arith.constant 0 : i32
      %dma_wait3A_619 = arith.constant 0 : i32
      %dma_wait3A_620 = tpu.memref_slice %arg39[%dma_wait3A_619] : memref<208xi32, #tpu.memory_space<vmem>> -> memref<200xi32, #tpu.memory_space<vmem>>
      %dma_wait3A_621 = arith.constant 0 : i32
      %dma_wait3A_622 = tpu.memref_slice %arg7[%dma_wait3A_618, %dma_wait3A_621] : memref<4096x200xi32, #tpu.memory_space<hbm>> -> memref<1x200xi32, #tpu.memory_space<hbm>>
      %dma_wait3A_623 = tpu.memref_squeeze %dma_wait3A_622 : memref<1x200xi32, #tpu.memory_space<hbm>> -> memref<200xi32, #tpu.memory_space<hbm>>
      %dma_wait3A_624 = arith.constant 0 : i32
      %dma_wait3A_625 = tpu.memref_slice %arg39[%dma_wait3A_624] : memref<208xi32, #tpu.memory_space<vmem>> -> memref<200xi32, #tpu.memory_space<vmem>>
      %dma_wait3A_626 = arith.constant 0 : i32
      %dma_wait3A_627 = tpu.memref_slice %arg7[%dma_wait3A_618, %dma_wait3A_626] : memref<4096x200xi32, #tpu.memory_space<hbm>> -> memref<1x200xi32, #tpu.memory_space<hbm>>
      %dma_wait3A_628 = tpu.memref_squeeze %dma_wait3A_627 : memref<1x200xi32, #tpu.memory_space<hbm>> -> memref<200xi32, #tpu.memory_space<hbm>>
      tpu.wait_dma2 semaphore(%arg56 : memref<!tpu.dma_semaphore, #tpu.memory_space<semaphore_mem>>) src(%dma_wait3A_628 : memref<200xi32, #tpu.memory_space<hbm>>) dst(%dma_wait3A_625 : memref<200xi32, #tpu.memory_space<vmem>>)
      %dma_wait3A_629 = arith.constant 0 : i32
      %dma_wait3A_630 = arith.constant 0 : i32
      %dma_wait3A_631 = tpu.memref_slice %arg40[%dma_wait3A_630] : memref<208xi32, #tpu.memory_space<vmem>> -> memref<200xi32, #tpu.memory_space<vmem>>
      %dma_wait3A_632 = arith.constant 0 : i32
      %dma_wait3A_633 = tpu.memref_slice %arg8[%dma_wait3A_629, %dma_wait3A_632] : memref<4096x200xi32, #tpu.memory_space<hbm>> -> memref<1x200xi32, #tpu.memory_space<hbm>>
      %dma_wait3A_634 = tpu.memref_squeeze %dma_wait3A_633 : memref<1x200xi32, #tpu.memory_space<hbm>> -> memref<200xi32, #tpu.memory_space<hbm>>
      %dma_wait3A_635 = arith.constant 0 : i32
      %dma_wait3A_636 = tpu.memref_slice %arg40[%dma_wait3A_635] : memref<208xi32, #tpu.memory_space<vmem>> -> memref<200xi32, #tpu.memory_space<vmem>>
      %dma_wait3A_637 = arith.constant 0 : i32
      %dma_wait3A_638 = tpu.memref_slice %arg8[%dma_wait3A_629, %dma_wait3A_637] : memref<4096x200xi32, #tpu.memory_space<hbm>> -> memref<1x200xi32, #tpu.memory_space<hbm>>
      %dma_wait3A_639 = tpu.memref_squeeze %dma_wait3A_638 : memref<1x200xi32, #tpu.memory_space<hbm>> -> memref<200xi32, #tpu.memory_space<hbm>>
      tpu.wait_dma2 semaphore(%arg56 : memref<!tpu.dma_semaphore, #tpu.memory_space<semaphore_mem>>) src(%dma_wait3A_639 : memref<200xi32, #tpu.memory_space<hbm>>) dst(%dma_wait3A_636 : memref<200xi32, #tpu.memory_space<vmem>>)
      %dma_wait3A_640 = arith.constant 0 : i32
      %dma_wait3A_641 = arith.constant 0 : i32
      %dma_wait3A_642 = tpu.memref_slice %arg41[%dma_wait3A_641] : memref<208xi32, #tpu.memory_space<vmem>> -> memref<200xi32, #tpu.memory_space<vmem>>
      %dma_wait3A_643 = arith.constant 0 : i32
      %dma_wait3A_644 = tpu.memref_slice %arg9[%dma_wait3A_640, %dma_wait3A_643] : memref<4096x200xi32, #tpu.memory_space<hbm>> -> memref<1x200xi32, #tpu.memory_space<hbm>>
      %dma_wait3A_645 = tpu.memref_squeeze %dma_wait3A_644 : memref<1x200xi32, #tpu.memory_space<hbm>> -> memref<200xi32, #tpu.memory_space<hbm>>
      %dma_wait3A_646 = arith.constant 0 : i32
      %dma_wait3A_647 = tpu.memref_slice %arg41[%dma_wait3A_646] : memref<208xi32, #tpu.memory_space<vmem>> -> memref<200xi32, #tpu.memory_space<vmem>>
      %dma_wait3A_648 = arith.constant 0 : i32
      %dma_wait3A_649 = tpu.memref_slice %arg9[%dma_wait3A_640, %dma_wait3A_648] : memref<4096x200xi32, #tpu.memory_space<hbm>> -> memref<1x200xi32, #tpu.memory_space<hbm>>
      %dma_wait3A_650 = tpu.memref_squeeze %dma_wait3A_649 : memref<1x200xi32, #tpu.memory_space<hbm>> -> memref<200xi32, #tpu.memory_space<hbm>>
      tpu.wait_dma2 semaphore(%arg56 : memref<!tpu.dma_semaphore, #tpu.memory_space<semaphore_mem>>) src(%dma_wait3A_650 : memref<200xi32, #tpu.memory_space<hbm>>) dst(%dma_wait3A_647 : memref<200xi32, #tpu.memory_space<vmem>>)
      %dma_wait3A_651 = arith.constant 0 : i32
      %dma_wait3A_652 = arith.constant 0 : i32
      %dma_wait3A_653 = tpu.memref_slice %arg42[%dma_wait3A_652] : memref<208xi32, #tpu.memory_space<vmem>> -> memref<200xi32, #tpu.memory_space<vmem>>
      %dma_wait3A_654 = arith.constant 0 : i32
      %dma_wait3A_655 = tpu.memref_slice %arg10[%dma_wait3A_651, %dma_wait3A_654] : memref<4096x200xi32, #tpu.memory_space<hbm>> -> memref<1x200xi32, #tpu.memory_space<hbm>>
      %dma_wait3A_656 = tpu.memref_squeeze %dma_wait3A_655 : memref<1x200xi32, #tpu.memory_space<hbm>> -> memref<200xi32, #tpu.memory_space<hbm>>
      %dma_wait3A_657 = arith.constant 0 : i32
      %dma_wait3A_658 = tpu.memref_slice %arg42[%dma_wait3A_657] : memref<208xi32, #tpu.memory_space<vmem>> -> memref<200xi32, #tpu.memory_space<vmem>>
      %dma_wait3A_659 = arith.constant 0 : i32
      %dma_wait3A_660 = tpu.memref_slice %arg10[%dma_wait3A_651, %dma_wait3A_659] : memref<4096x200xi32, #tpu.memory_space<hbm>> -> memref<1x200xi32, #tpu.memory_space<hbm>>
      %dma_wait3A_661 = tpu.memref_squeeze %dma_wait3A_660 : memref<1x200xi32, #tpu.memory_space<hbm>> -> memref<200xi32, #tpu.memory_space<hbm>>
      tpu.wait_dma2 semaphore(%arg56 : memref<!tpu.dma_semaphore, #tpu.memory_space<semaphore_mem>>) src(%dma_wait3A_661 : memref<200xi32, #tpu.memory_space<hbm>>) dst(%dma_wait3A_658 : memref<200xi32, #tpu.memory_space<vmem>>)
      %scan3A_662 = arith.constant 0 : i32
      %scan3A_663 = arith.constant 0 : i32
      %scan3A_664 = arith.constant 13 : i32
      %scan3A_665 = arith.addi %scan3A_663, %scan3A_664 : i32
      %scan3A_666 = arith.constant 1 : i32
      scf.for %scan3A_1130 = %scan3A_663 to %scan3A_665 step %scan3A_666  : i32 {
        %mul3A_1131 = arith.constant 16 : i32
        %mul3A_1132 = arith.muli %scan3A_1130, %mul3A_1131 : i32
        %get3A = arith.index_cast %mul3A_1132 : i32 to index
        %get3A_1133 = tpu.vector_load %arg34[%get3A] {strides = array<i32>} : memref<208xi32, #tpu.memory_space<vmem>>, vector<16xi32>,
        %get3A_1134 = arith.index_cast %mul3A_1132 : i32 to index
        %get3A_1135 = tpu.vector_load %arg35[%get3A_1134] {strides = array<i32>} : memref<208xi32, #tpu.memory_space<vmem>>, vector<16xi32>,
        %get3A_1136 = arith.index_cast %mul3A_1132 : i32 to index
        %get3A_1137 = tpu.vector_load %arg36[%get3A_1136] {strides = array<i32>} : memref<208xi32, #tpu.memory_space<vmem>>, vector<16xi32>,
        %get3A_1138 = arith.index_cast %mul3A_1132 : i32 to index
        %get3A_1139 = tpu.vector_load %arg37[%get3A_1138] {strides = array<i32>} : memref<208xi32, #tpu.memory_space<vmem>>, vector<16xi32>,
        %get3A_1140 = arith.index_cast %mul3A_1132 : i32 to index
        %get3A_1141 = tpu.vector_load %arg38[%get3A_1140] {strides = array<i32>} : memref<208xi32, #tpu.memory_space<vmem>>, vector<16xi32>,
        %get3A_1142 = arith.index_cast %mul3A_1132 : i32 to index
        %get3A_1143 = tpu.vector_load %arg39[%get3A_1142] {strides = array<i32>} : memref<208xi32, #tpu.memory_space<vmem>>, vector<16xi32>,
        %get3A_1144 = arith.index_cast %mul3A_1132 : i32 to index
        %get3A_1145 = tpu.vector_load %arg40[%get3A_1144] {strides = array<i32>} : memref<208xi32, #tpu.memory_space<vmem>>, vector<16xi32>,
        %get3A_1146 = arith.index_cast %mul3A_1132 : i32 to index
        %get3A_1147 = tpu.vector_load %arg41[%get3A_1146] {strides = array<i32>} : memref<208xi32, #tpu.memory_space<vmem>>, vector<16xi32>,
        %get3A_1148 = arith.index_cast %mul3A_1132 : i32 to index
        %get3A_1149 = tpu.vector_load %arg42[%get3A_1148] {strides = array<i32>} : memref<208xi32, #tpu.memory_space<vmem>>, vector<16xi32>,
        %mul3A_1150 = arith.constant 19 : i32
        %mul3A_1151 = vector.broadcast %mul3A_1150 : i32 to vector<16xi32>
        %mul3A_1152 = arith.muli %get3A_1133, %mul3A_1151 : vector<16xi32>
        %add3A_1153 = arith.addi %mul3A_1152, %get3A_1135 : vector<16xi32>
        %mul3A_1154 = arith.constant 19 : i32
        %mul3A_1155 = vector.broadcast %mul3A_1154 : i32 to vector<16xi32>
        %mul3A_1156 = arith.muli %add3A_1153, %mul3A_1155 : vector<16xi32>
        %add3A_1157 = arith.addi %mul3A_1156, %get3A_1137 : vector<16xi32>
        %swap3A_1158 = arith.index_cast %mul3A_1132 : i32 to index
        %swap3A_1159 = tpu.vector_load %arg45[%swap3A_1158] {strides = array<i32>} : memref<208xi32, #tpu.memory_space<vmem>>, vector<16xi32>,
        tpu.vector_store %arg45[%swap3A_1158], %add3A_1157 {strides = array<i32>} : memref<208xi32, #tpu.memory_space<vmem>>, vector<16xi32>,
        %mul3A_1160 = arith.constant 2 : i32
        %mul3A_1161 = vector.broadcast %mul3A_1160 : i32 to vector<16xi32>
        %mul3A_1162 = arith.muli %get3A_1139, %mul3A_1161 : vector<16xi32>
        %add3A_1163 = arith.addi %mul3A_1162, %get3A_1141 : vector<16xi32>
        %mul3A_1164 = arith.constant 2 : i32
        %mul3A_1165 = vector.broadcast %mul3A_1164 : i32 to vector<16xi32>
        %mul3A_1166 = arith.muli %add3A_1163, %mul3A_1165 : vector<16xi32>
        %add3A_1167 = arith.addi %mul3A_1166, %get3A_1143 : vector<16xi32>
        %mul3A_1168 = arith.constant 2 : i32
        %mul3A_1169 = vector.broadcast %mul3A_1168 : i32 to vector<16xi32>
        %mul3A_1170 = arith.muli %add3A_1167, %mul3A_1169 : vector<16xi32>
        %add3A_1171 = arith.addi %mul3A_1170, %get3A_1145 : vector<16xi32>
        %mul3A_1172 = arith.constant 2 : i32
        %mul3A_1173 = vector.broadcast %mul3A_1172 : i32 to vector<16xi32>
        %mul3A_1174 = arith.muli %add3A_1171, %mul3A_1173 : vector<16xi32>
        %add3A_1175 = arith.addi %mul3A_1174, %get3A_1147 : vector<16xi32>
        %mul3A_1176 = arith.constant 11 : i32
        %mul3A_1177 = vector.broadcast %mul3A_1176 : i32 to vector<16xi32>
        %mul3A_1178 = arith.muli %add3A_1175, %mul3A_1177 : vector<16xi32>
        %add3A_1179 = arith.addi %mul3A_1178, %get3A_1149 : vector<16xi32>
        %swap3A_1180 = arith.index_cast %mul3A_1132 : i32 to index
        %swap3A_1181 = tpu.vector_load %arg46[%swap3A_1180] {strides = array<i32>} : memref<208xi32, #tpu.memory_space<vmem>>, vector<16xi32>,
        tpu.vector_store %arg46[%swap3A_1180], %add3A_1179 {strides = array<i32>} : memref<208xi32, #tpu.memory_space<vmem>>, vector<16xi32>,
      }
      %scan3A_667 = arith.constant 13 : i32
      %ge3A_668 = arith.constant 1 : i32
      %ge3A_669 = arith.cmpi sge, %scan3A_342, %ge3A_668 : i32
      %convert_element_type3A_670 = arith.extui %ge3A_669 : i1 to i32
      %cond3A_671 = arith.constant 0 : i32
      %cond3A_672 = arith.cmpi ne, %convert_element_type3A_670, %cond3A_671 : i32
      scf.if %cond3A_672 {
        %dma_wait3A_1130 = arith.constant 0 : i32
        %dma_wait3A_1131 = arith.constant 0 : i32
        %dma_wait3A_1132 = arith.constant 0 : i32
        %dma_wait3A_1133 = tpu.memref_slice %arg49[%dma_wait3A_1131, %dma_wait3A_1132] : memref<208x48xf32, #tpu.memory_space<vmem>> -> memref<200x48xf32, #tpu.memory_space<vmem>>
        %dma_wait3A_1134 = arith.constant 0 : i32
        %dma_wait3A_1135 = arith.constant 0 : i32
        %dma_wait3A_1136 = tpu.memref_slice %arg20[%dma_wait3A_1130, %dma_wait3A_1134, %dma_wait3A_1135] : memref<4096x200x128xf32, #tpu.memory_space<hbm>> -> memref<1x200x48xf32, #tpu.memory_space<hbm>>
        %dma_wait3A_1137 = tpu.memref_squeeze %dma_wait3A_1136 : memref<1x200x48xf32, #tpu.memory_space<hbm>> -> memref<200x48xf32, #tpu.memory_space<hbm>>
        %dma_wait3A_1138 = arith.constant 0 : i32
        %dma_wait3A_1139 = arith.constant 0 : i32
        %dma_wait3A_1140 = tpu.memref_slice %arg20[%dma_wait3A_1130, %dma_wait3A_1138, %dma_wait3A_1139] : memref<4096x200x128xf32, #tpu.memory_space<hbm>> -> memref<1x200x48xf32, #tpu.memory_space<hbm>>
        %dma_wait3A_1141 = tpu.memref_squeeze %dma_wait3A_1140 : memref<1x200x48xf32, #tpu.memory_space<hbm>> -> memref<200x48xf32, #tpu.memory_space<hbm>>
        %dma_wait3A_1142 = arith.constant 0 : i32
        %dma_wait3A_1143 = arith.constant 0 : i32
        %dma_wait3A_1144 = tpu.memref_slice %arg49[%dma_wait3A_1142, %dma_wait3A_1143] : memref<208x48xf32, #tpu.memory_space<vmem>> -> memref<200x48xf32, #tpu.memory_space<vmem>>
        tpu.wait_dma2 semaphore(%arg62 : memref<!tpu.dma_semaphore, #tpu.memory_space<semaphore_mem>>) src(%dma_wait3A_1144 : memref<200x48xf32, #tpu.memory_space<vmem>>) dst(%dma_wait3A_1141 : memref<200x48xf32, #tpu.memory_space<hbm>>)
        %dma_wait3A_1145 = arith.constant 0 : i32
        %dma_wait3A_1146 = arith.constant 0 : i32
        %dma_wait3A_1147 = arith.constant 0 : i32
        %dma_wait3A_1148 = tpu.memref_slice %arg50[%dma_wait3A_1146, %dma_wait3A_1147] : memref<208x48xf32, #tpu.memory_space<vmem>> -> memref<200x48xf32, #tpu.memory_space<vmem>>
        %dma_wait3A_1149 = arith.constant 0 : i32
        %dma_wait3A_1150 = arith.constant 48 : i32
        %dma_wait3A_1151 = tpu.memref_slice %arg20[%dma_wait3A_1145, %dma_wait3A_1149, %dma_wait3A_1150] : memref<4096x200x128xf32, #tpu.memory_space<hbm>> -> memref<1x200x48xf32, #tpu.memory_space<hbm>>
        %dma_wait3A_1152 = tpu.memref_squeeze %dma_wait3A_1151 : memref<1x200x48xf32, #tpu.memory_space<hbm>> -> memref<200x48xf32, #tpu.memory_space<hbm>>
        %dma_wait3A_1153 = arith.constant 0 : i32
        %dma_wait3A_1154 = arith.constant 48 : i32
        %dma_wait3A_1155 = tpu.memref_slice %arg20[%dma_wait3A_1145, %dma_wait3A_1153, %dma_wait3A_1154] : memref<4096x200x128xf32, #tpu.memory_space<hbm>> -> memref<1x200x48xf32, #tpu.memory_space<hbm>>
        %dma_wait3A_1156 = tpu.memref_squeeze %dma_wait3A_1155 : memref<1x200x48xf32, #tpu.memory_space<hbm>> -> memref<200x48xf32, #tpu.memory_space<hbm>>
        %dma_wait3A_1157 = arith.constant 0 : i32
        %dma_wait3A_1158 = arith.constant 0 : i32
        %dma_wait3A_1159 = tpu.memref_slice %arg50[%dma_wait3A_1157, %dma_wait3A_1158] : memref<208x48xf32, #tpu.memory_space<vmem>> -> memref<200x48xf32, #tpu.memory_space<vmem>>
        tpu.wait_dma2 semaphore(%arg62 : memref<!tpu.dma_semaphore, #tpu.memory_space<semaphore_mem>>) src(%dma_wait3A_1159 : memref<200x48xf32, #tpu.memory_space<vmem>>) dst(%dma_wait3A_1156 : memref<200x48xf32, #tpu.memory_space<hbm>>)
      } else {
      }
      %dma_start3A_673 = arith.constant 0 : i32
      %dma_start3A_674 = arith.constant 0 : i32
      %dma_start3A_675 = tpu.memref_slice %arg21[%dma_start3A_673, %dma_start3A_674] : memref<1083x48xf32, #tpu.memory_space<vmem_shared>> -> memref<1083x48xf32, #tpu.memory_space<vmem_shared>>
      tpu.enqueue_indirect_dma source(%dma_start3A_675 : memref<1083x48xf32, #tpu.memory_space<vmem_shared>>) target(%arg49 : memref<208x48xf32, #tpu.memory_space<vmem>>) offsets(%arg45 : memref<208xi32, #tpu.memory_space<vmem>>) semaphore(%arg58 : memref<!tpu.dma_semaphore, #tpu.memory_space<semaphore_mem>>)
      %dma_start3A_676 = arith.constant 0 : i32
      %dma_start3A_677 = arith.constant 0 : i32
      %dma_start3A_678 = tpu.memref_slice %arg22[%dma_start3A_676, %dma_start3A_677] : memref<528x48xf32, #tpu.memory_space<vmem_shared>> -> memref<528x48xf32, #tpu.memory_space<vmem_shared>>
      tpu.enqueue_indirect_dma source(%dma_start3A_678 : memref<528x48xf32, #tpu.memory_space<vmem_shared>>) target(%arg50 : memref<208x48xf32, #tpu.memory_space<vmem>>) offsets(%arg46 : memref<208xi32, #tpu.memory_space<vmem>>) semaphore(%arg58 : memref<!tpu.dma_semaphore, #tpu.memory_space<semaphore_mem>>)
      %ge3A_679 = arith.constant 1 : i32
      %ge3A_680 = arith.cmpi sge, %scan3A_342, %ge3A_679 : i32
      %or3A_681 = arith.constant true
      %or3A_682 = arith.ori %ge3A_680, %or3A_681 : i1
      %convert_element_type3A_683 = arith.extui %or3A_682 : i1 to i32
      %cond3A_684 = arith.constant 0 : i32
      %cond3A_685 = arith.cmpi ne, %convert_element_type3A_683, %cond3A_684 : i32
      scf.if %cond3A_685 {
        %dma_wait3A_1130 = arith.constant 0 : i32
        %dma_wait3A_1131 = arith.constant 0 : i32
        %dma_wait3A_1132 = tpu.memref_slice %arg21[%dma_wait3A_1130, %dma_wait3A_1131] : memref<1083x48xf32, #tpu.memory_space<vmem_shared>> -> memref<1083x48xf32, #tpu.memory_space<vmem_shared>>
        tpu.wait_indirect_dma semaphore(%arg57 : memref<!tpu.dma_semaphore, #tpu.memory_space<semaphore_mem>>) src(%dma_wait3A_1132 : memref<1083x48xf32, #tpu.memory_space<vmem_shared>>) dst(%arg47 : memref<208x48xf32, #tpu.memory_space<vmem>>)
        %dma_wait3A_1133 = arith.constant 0 : i32
        %dma_wait3A_1134 = arith.constant 0 : i32
        %dma_wait3A_1135 = tpu.memref_slice %arg22[%dma_wait3A_1133, %dma_wait3A_1134] : memref<528x48xf32, #tpu.memory_space<vmem_shared>> -> memref<528x48xf32, #tpu.memory_space<vmem_shared>>
        tpu.wait_indirect_dma semaphore(%arg57 : memref<!tpu.dma_semaphore, #tpu.memory_space<semaphore_mem>>) src(%dma_wait3A_1135 : memref<528x48xf32, #tpu.memory_space<vmem_shared>>) dst(%arg48 : memref<208x48xf32, #tpu.memory_space<vmem>>)
        %sub3A_1136 = arith.constant 1 : i32
        %sub3A_1137 = arith.subi %add3A_562, %sub3A_1136 : i32
        %add3A_1138 = arith.addi %mul3A_2, %sub3A_1137 : i32
        %dma_start3A_1139 = arith.constant 0 : i32
        %dma_start3A_1140 = arith.constant 0 : i32
        %dma_start3A_1141 = tpu.memref_slice %arg47[%dma_start3A_1139, %dma_start3A_1140] : memref<208x48xf32, #tpu.memory_space<vmem>> -> memref<200x48xf32, #tpu.memory_space<vmem>>
        %dma_start3A_1142 = arith.constant 0 : i32
        %dma_start3A_1143 = arith.constant 0 : i32
        %dma_start3A_1144 = tpu.memref_slice %arg20[%add3A_1138, %dma_start3A_1142, %dma_start3A_1143] : memref<4096x200x128xf32, #tpu.memory_space<hbm>> -> memref<1x200x48xf32, #tpu.memory_space<hbm>>
        %dma_start3A_1145 = tpu.memref_squeeze %dma_start3A_1144 : memref<1x200x48xf32, #tpu.memory_space<hbm>> -> memref<200x48xf32, #tpu.memory_space<hbm>>
        %dma_start3A_1146 = arith.constant 0 : i32
        %dma_start3A_1147 = arith.constant 0 : i32
        %dma_start3A_1148 = tpu.memref_slice %arg20[%add3A_1138, %dma_start3A_1146, %dma_start3A_1147] : memref<4096x200x128xf32, #tpu.memory_space<hbm>> -> memref<1x200x48xf32, #tpu.memory_space<hbm>>
        %dma_start3A_1149 = tpu.memref_squeeze %dma_start3A_1148 : memref<1x200x48xf32, #tpu.memory_space<hbm>> -> memref<200x48xf32, #tpu.memory_space<hbm>>
        %dma_start3A_1150 = arith.constant 0 : i32
        %dma_start3A_1151 = arith.constant 0 : i32
        %dma_start3A_1152 = tpu.memref_slice %arg47[%dma_start3A_1150, %dma_start3A_1151] : memref<208x48xf32, #tpu.memory_space<vmem>> -> memref<200x48xf32, #tpu.memory_space<vmem>>
        tpu.enqueue_dma source(%dma_start3A_1152 : memref<200x48xf32, #tpu.memory_space<vmem>>) target(%dma_start3A_1149 : memref<200x48xf32, #tpu.memory_space<hbm>>) target_semaphore(%arg61 : memref<!tpu.dma_semaphore, #tpu.memory_space<semaphore_mem>>)
        %dma_start3A_1153 = arith.constant 0 : i32
        %dma_start3A_1154 = arith.constant 0 : i32
        %dma_start3A_1155 = tpu.memref_slice %arg48[%dma_start3A_1153, %dma_start3A_1154] : memref<208x48xf32, #tpu.memory_space<vmem>> -> memref<200x48xf32, #tpu.memory_space<vmem>>
        %dma_start3A_1156 = arith.constant 0 : i32
        %dma_start3A_1157 = arith.constant 48 : i32
        %dma_start3A_1158 = tpu.memref_slice %arg20[%add3A_1138, %dma_start3A_1156, %dma_start3A_1157] : memref<4096x200x128xf32, #tpu.memory_space<hbm>> -> memref<1x200x48xf32, #tpu.memory_space<hbm>>
        %dma_start3A_1159 = tpu.memref_squeeze %dma_start3A_1158 : memref<1x200x48xf32, #tpu.memory_space<hbm>> -> memref<200x48xf32, #tpu.memory_space<hbm>>
        %dma_start3A_1160 = arith.constant 0 : i32
        %dma_start3A_1161 = arith.constant 48 : i32
        %dma_start3A_1162 = tpu.memref_slice %arg20[%add3A_1138, %dma_start3A_1160, %dma_start3A_1161] : memref<4096x200x128xf32, #tpu.memory_space<hbm>> -> memref<1x200x48xf32, #tpu.memory_space<hbm>>
        %dma_start3A_1163 = tpu.memref_squeeze %dma_start3A_1162 : memref<1x200x48xf32, #tpu.memory_space<hbm>> -> memref<200x48xf32, #tpu.memory_space<hbm>>
        %dma_start3A_1164 = arith.constant 0 : i32
        %dma_start3A_1165 = arith.constant 0 : i32
        %dma_start3A_1166 = tpu.memref_slice %arg48[%dma_start3A_1164, %dma_start3A_1165] : memref<208x48xf32, #tpu.memory_space<vmem>> -> memref<200x48xf32, #tpu.memory_space<vmem>>
        tpu.enqueue_dma source(%dma_start3A_1166 : memref<200x48xf32, #tpu.memory_space<vmem>>) target(%dma_start3A_1163 : memref<200x48xf32, #tpu.memory_space<hbm>>) target_semaphore(%arg61 : memref<!tpu.dma_semaphore, #tpu.memory_space<semaphore_mem>>)
      } else {
      }
      %add3A_686 = arith.constant 1 : i32
      %add3A_687 = arith.addi %add3A_562, %add3A_686 : i32
      %add3A_688 = arith.addi %mul3A_2, %add3A_687 : i32
      %dma_start3A_689 = arith.constant 0 : i32
      %dma_start3A_690 = tpu.memref_slice %arg25[%dma_start3A_689] : memref<208xi32, #tpu.memory_space<vmem>> -> memref<200xi32, #tpu.memory_space<vmem>>
      %dma_start3A_691 = arith.constant 0 : i32
      %dma_start3A_692 = tpu.memref_slice %arg2[%add3A_688, %dma_start3A_691] : memref<4096x200xi32, #tpu.memory_space<hbm>> -> memref<1x200xi32, #tpu.memory_space<hbm>>
      %dma_start3A_693 = tpu.memref_squeeze %dma_start3A_692 : memref<1x200xi32, #tpu.memory_space<hbm>> -> memref<200xi32, #tpu.memory_space<hbm>>
      %dma_start3A_694 = arith.constant 0 : i32
      %dma_start3A_695 = tpu.memref_slice %arg25[%dma_start3A_694] : memref<208xi32, #tpu.memory_space<vmem>> -> memref<200xi32, #tpu.memory_space<vmem>>
      %dma_start3A_696 = arith.constant 0 : i32
      %dma_start3A_697 = tpu.memref_slice %arg2[%add3A_688, %dma_start3A_696] : memref<4096x200xi32, #tpu.memory_space<hbm>> -> memref<1x200xi32, #tpu.memory_space<hbm>>
      %dma_start3A_698 = tpu.memref_squeeze %dma_start3A_697 : memref<1x200xi32, #tpu.memory_space<hbm>> -> memref<200xi32, #tpu.memory_space<hbm>>
      tpu.enqueue_dma source(%dma_start3A_698 : memref<200xi32, #tpu.memory_space<hbm>>) target(%dma_start3A_695 : memref<200xi32, #tpu.memory_space<vmem>>) target_semaphore(%arg55 : memref<!tpu.dma_semaphore, #tpu.memory_space<semaphore_mem>>)
      %dma_start3A_699 = arith.constant 0 : i32
      %dma_start3A_700 = tpu.memref_slice %arg26[%dma_start3A_699] : memref<208xi32, #tpu.memory_space<vmem>> -> memref<200xi32, #tpu.memory_space<vmem>>
      %dma_start3A_701 = arith.constant 0 : i32
      %dma_start3A_702 = tpu.memref_slice %arg3[%add3A_688, %dma_start3A_701] : memref<4096x200xi32, #tpu.memory_space<hbm>> -> memref<1x200xi32, #tpu.memory_space<hbm>>
      %dma_start3A_703 = tpu.memref_squeeze %dma_start3A_702 : memref<1x200xi32, #tpu.memory_space<hbm>> -> memref<200xi32, #tpu.memory_space<hbm>>
      %dma_start3A_704 = arith.constant 0 : i32
      %dma_start3A_705 = tpu.memref_slice %arg26[%dma_start3A_704] : memref<208xi32, #tpu.memory_space<vmem>> -> memref<200xi32, #tpu.memory_space<vmem>>
      %dma_start3A_706 = arith.constant 0 : i32
      %dma_start3A_707 = tpu.memref_slice %arg3[%add3A_688, %dma_start3A_706] : memref<4096x200xi32, #tpu.memory_space<hbm>> -> memref<1x200xi32, #tpu.memory_space<hbm>>
      %dma_start3A_708 = tpu.memref_squeeze %dma_start3A_707 : memref<1x200xi32, #tpu.memory_space<hbm>> -> memref<200xi32, #tpu.memory_space<hbm>>
      tpu.enqueue_dma source(%dma_start3A_708 : memref<200xi32, #tpu.memory_space<hbm>>) target(%dma_start3A_705 : memref<200xi32, #tpu.memory_space<vmem>>) target_semaphore(%arg55 : memref<!tpu.dma_semaphore, #tpu.memory_space<semaphore_mem>>)
      %dma_start3A_709 = arith.constant 0 : i32
      %dma_start3A_710 = tpu.memref_slice %arg27[%dma_start3A_709] : memref<208xi32, #tpu.memory_space<vmem>> -> memref<200xi32, #tpu.memory_space<vmem>>
      %dma_start3A_711 = arith.constant 0 : i32
      %dma_start3A_712 = tpu.memref_slice %arg4[%add3A_688, %dma_start3A_711] : memref<4096x200xi32, #tpu.memory_space<hbm>> -> memref<1x200xi32, #tpu.memory_space<hbm>>
      %dma_start3A_713 = tpu.memref_squeeze %dma_start3A_712 : memref<1x200xi32, #tpu.memory_space<hbm>> -> memref<200xi32, #tpu.memory_space<hbm>>
      %dma_start3A_714 = arith.constant 0 : i32
      %dma_start3A_715 = tpu.memref_slice %arg27[%dma_start3A_714] : memref<208xi32, #tpu.memory_space<vmem>> -> memref<200xi32, #tpu.memory_space<vmem>>
      %dma_start3A_716 = arith.constant 0 : i32
      %dma_start3A_717 = tpu.memref_slice %arg4[%add3A_688, %dma_start3A_716] : memref<4096x200xi32, #tpu.memory_space<hbm>> -> memref<1x200xi32, #tpu.memory_space<hbm>>
      %dma_start3A_718 = tpu.memref_squeeze %dma_start3A_717 : memref<1x200xi32, #tpu.memory_space<hbm>> -> memref<200xi32, #tpu.memory_space<hbm>>
      tpu.enqueue_dma source(%dma_start3A_718 : memref<200xi32, #tpu.memory_space<hbm>>) target(%dma_start3A_715 : memref<200xi32, #tpu.memory_space<vmem>>) target_semaphore(%arg55 : memref<!tpu.dma_semaphore, #tpu.memory_space<semaphore_mem>>)
      %dma_start3A_719 = arith.constant 0 : i32
      %dma_start3A_720 = tpu.memref_slice %arg28[%dma_start3A_719] : memref<208xi32, #tpu.memory_space<vmem>> -> memref<200xi32, #tpu.memory_space<vmem>>
      %dma_start3A_721 = arith.constant 0 : i32
      %dma_start3A_722 = tpu.memref_slice %arg5[%add3A_688, %dma_start3A_721] : memref<4096x200xi32, #tpu.memory_space<hbm>> -> memref<1x200xi32, #tpu.memory_space<hbm>>
      %dma_start3A_723 = tpu.memref_squeeze %dma_start3A_722 : memref<1x200xi32, #tpu.memory_space<hbm>> -> memref<200xi32, #tpu.memory_space<hbm>>
      %dma_start3A_724 = arith.constant 0 : i32
      %dma_start3A_725 = tpu.memref_slice %arg28[%dma_start3A_724] : memref<208xi32, #tpu.memory_space<vmem>> -> memref<200xi32, #tpu.memory_space<vmem>>
      %dma_start3A_726 = arith.constant 0 : i32
      %dma_start3A_727 = tpu.memref_slice %arg5[%add3A_688, %dma_start3A_726] : memref<4096x200xi32, #tpu.memory_space<hbm>> -> memref<1x200xi32, #tpu.memory_space<hbm>>
      %dma_start3A_728 = tpu.memref_squeeze %dma_start3A_727 : memref<1x200xi32, #tpu.memory_space<hbm>> -> memref<200xi32, #tpu.memory_space<hbm>>
      tpu.enqueue_dma source(%dma_start3A_728 : memref<200xi32, #tpu.memory_space<hbm>>) target(%dma_start3A_725 : memref<200xi32, #tpu.memory_space<vmem>>) target_semaphore(%arg55 : memref<!tpu.dma_semaphore, #tpu.memory_space<semaphore_mem>>)
      %dma_start3A_729 = arith.constant 0 : i32
      %dma_start3A_730 = tpu.memref_slice %arg29[%dma_start3A_729] : memref<208xi32, #tpu.memory_space<vmem>> -> memref<200xi32, #tpu.memory_space<vmem>>
      %dma_start3A_731 = arith.constant 0 : i32
      %dma_start3A_732 = tpu.memref_slice %arg6[%add3A_688, %dma_start3A_731] : memref<4096x200xi32, #tpu.memory_space<hbm>> -> memref<1x200xi32, #tpu.memory_space<hbm>>
      %dma_start3A_733 = tpu.memref_squeeze %dma_start3A_732 : memref<1x200xi32, #tpu.memory_space<hbm>> -> memref<200xi32, #tpu.memory_space<hbm>>
      %dma_start3A_734 = arith.constant 0 : i32
      %dma_start3A_735 = tpu.memref_slice %arg29[%dma_start3A_734] : memref<208xi32, #tpu.memory_space<vmem>> -> memref<200xi32, #tpu.memory_space<vmem>>
      %dma_start3A_736 = arith.constant 0 : i32
      %dma_start3A_737 = tpu.memref_slice %arg6[%add3A_688, %dma_start3A_736] : memref<4096x200xi32, #tpu.memory_space<hbm>> -> memref<1x200xi32, #tpu.memory_space<hbm>>
      %dma_start3A_738 = tpu.memref_squeeze %dma_start3A_737 : memref<1x200xi32, #tpu.memory_space<hbm>> -> memref<200xi32, #tpu.memory_space<hbm>>
      tpu.enqueue_dma source(%dma_start3A_738 : memref<200xi32, #tpu.memory_space<hbm>>) target(%dma_start3A_735 : memref<200xi32, #tpu.memory_space<vmem>>) target_semaphore(%arg55 : memref<!tpu.dma_semaphore, #tpu.memory_space<semaphore_mem>>)
      %dma_start3A_739 = arith.constant 0 : i32
      %dma_start3A_740 = tpu.memref_slice %arg30[%dma_start3A_739] : memref<208xi32, #tpu.memory_space<vmem>> -> memref<200xi32, #tpu.memory_space<vmem>>
      %dma_start3A_741 = arith.constant 0 : i32
      %dma_start3A_742 = tpu.memref_slice %arg7[%add3A_688, %dma_start3A_741] : memref<4096x200xi32, #tpu.memory_space<hbm>> -> memref<1x200xi32, #tpu.memory_space<hbm>>
      %dma_start3A_743 = tpu.memref_squeeze %dma_start3A_742 : memref<1x200xi32, #tpu.memory_space<hbm>> -> memref<200xi32, #tpu.memory_space<hbm>>
      %dma_start3A_744 = arith.constant 0 : i32
      %dma_start3A_745 = tpu.memref_slice %arg30[%dma_start3A_744] : memref<208xi32, #tpu.memory_space<vmem>> -> memref<200xi32, #tpu.memory_space<vmem>>
      %dma_start3A_746 = arith.constant 0 : i32
      %dma_start3A_747 = tpu.memref_slice %arg7[%add3A_688, %dma_start3A_746] : memref<4096x200xi32, #tpu.memory_space<hbm>> -> memref<1x200xi32, #tpu.memory_space<hbm>>
      %dma_start3A_748 = tpu.memref_squeeze %dma_start3A_747 : memref<1x200xi32, #tpu.memory_space<hbm>> -> memref<200xi32, #tpu.memory_space<hbm>>
      tpu.enqueue_dma source(%dma_start3A_748 : memref<200xi32, #tpu.memory_space<hbm>>) target(%dma_start3A_745 : memref<200xi32, #tpu.memory_space<vmem>>) target_semaphore(%arg55 : memref<!tpu.dma_semaphore, #tpu.memory_space<semaphore_mem>>)
      %dma_start3A_749 = arith.constant 0 : i32
      %dma_start3A_750 = tpu.memref_slice %arg31[%dma_start3A_749] : memref<208xi32, #tpu.memory_space<vmem>> -> memref<200xi32, #tpu.memory_space<vmem>>
      %dma_start3A_751 = arith.constant 0 : i32
      %dma_start3A_752 = tpu.memref_slice %arg8[%add3A_688, %dma_start3A_751] : memref<4096x200xi32, #tpu.memory_space<hbm>> -> memref<1x200xi32, #tpu.memory_space<hbm>>
      %dma_start3A_753 = tpu.memref_squeeze %dma_start3A_752 : memref<1x200xi32, #tpu.memory_space<hbm>> -> memref<200xi32, #tpu.memory_space<hbm>>
      %dma_start3A_754 = arith.constant 0 : i32
      %dma_start3A_755 = tpu.memref_slice %arg31[%dma_start3A_754] : memref<208xi32, #tpu.memory_space<vmem>> -> memref<200xi32, #tpu.memory_space<vmem>>
      %dma_start3A_756 = arith.constant 0 : i32
      %dma_start3A_757 = tpu.memref_slice %arg8[%add3A_688, %dma_start3A_756] : memref<4096x200xi32, #tpu.memory_space<hbm>> -> memref<1x200xi32, #tpu.memory_space<hbm>>
      %dma_start3A_758 = tpu.memref_squeeze %dma_start3A_757 : memref<1x200xi32, #tpu.memory_space<hbm>> -> memref<200xi32, #tpu.memory_space<hbm>>
      tpu.enqueue_dma source(%dma_start3A_758 : memref<200xi32, #tpu.memory_space<hbm>>) target(%dma_start3A_755 : memref<200xi32, #tpu.memory_space<vmem>>) target_semaphore(%arg55 : memref<!tpu.dma_semaphore, #tpu.memory_space<semaphore_mem>>)
      %dma_start3A_759 = arith.constant 0 : i32
      %dma_start3A_760 = tpu.memref_slice %arg32[%dma_start3A_759] : memref<208xi32, #tpu.memory_space<vmem>> -> memref<200xi32, #tpu.memory_space<vmem>>
      %dma_start3A_761 = arith.constant 0 : i32
      %dma_start3A_762 = tpu.memref_slice %arg9[%add3A_688, %dma_start3A_761] : memref<4096x200xi32, #tpu.memory_space<hbm>> -> memref<1x200xi32, #tpu.memory_space<hbm>>
      %dma_start3A_763 = tpu.memref_squeeze %dma_start3A_762 : memref<1x200xi32, #tpu.memory_space<hbm>> -> memref<200xi32, #tpu.memory_space<hbm>>
      %dma_start3A_764 = arith.constant 0 : i32
      %dma_start3A_765 = tpu.memref_slice %arg32[%dma_start3A_764] : memref<208xi32, #tpu.memory_space<vmem>> -> memref<200xi32, #tpu.memory_space<vmem>>
      %dma_start3A_766 = arith.constant 0 : i32
      %dma_start3A_767 = tpu.memref_slice %arg9[%add3A_688, %dma_start3A_766] : memref<4096x200xi32, #tpu.memory_space<hbm>> -> memref<1x200xi32, #tpu.memory_space<hbm>>
      %dma_start3A_768 = tpu.memref_squeeze %dma_start3A_767 : memref<1x200xi32, #tpu.memory_space<hbm>> -> memref<200xi32, #tpu.memory_space<hbm>>
      tpu.enqueue_dma source(%dma_start3A_768 : memref<200xi32, #tpu.memory_space<hbm>>) target(%dma_start3A_765 : memref<200xi32, #tpu.memory_space<vmem>>) target_semaphore(%arg55 : memref<!tpu.dma_semaphore, #tpu.memory_space<semaphore_mem>>)
      %dma_start3A_769 = arith.constant 0 : i32
      %dma_start3A_770 = tpu.memref_slice %arg33[%dma_start3A_769] : memref<208xi32, #tpu.memory_space<vmem>> -> memref<200xi32, #tpu.memory_space<vmem>>
      %dma_start3A_771 = arith.constant 0 : i32
      %dma_start3A_772 = tpu.memref_slice %arg10[%add3A_688, %dma_start3A_771] : memref<4096x200xi32, #tpu.memory_space<hbm>> -> memref<1x200xi32, #tpu.memory_space<hbm>>
      %dma_start3A_773 = tpu.memref_squeeze %dma_start3A_772 : memref<1x200xi32, #tpu.memory_space<hbm>> -> memref<200xi32, #tpu.memory_space<hbm>>
      %dma_start3A_774 = arith.constant 0 : i32
      %dma_start3A_775 = tpu.memref_slice %arg33[%dma_start3A_774] : memref<208xi32, #tpu.memory_space<vmem>> -> memref<200xi32, #tpu.memory_space<vmem>>
      %dma_start3A_776 = arith.constant 0 : i32
      %dma_start3A_777 = tpu.memref_slice %arg10[%add3A_688, %dma_start3A_776] : memref<4096x200xi32, #tpu.memory_space<hbm>> -> memref<1x200xi32, #tpu.memory_space<hbm>>
      %dma_start3A_778 = tpu.memref_squeeze %dma_start3A_777 : memref<1x200xi32, #tpu.memory_space<hbm>> -> memref<200xi32, #tpu.memory_space<hbm>>
      tpu.enqueue_dma source(%dma_start3A_778 : memref<200xi32, #tpu.memory_space<hbm>>) target(%dma_start3A_775 : memref<200xi32, #tpu.memory_space<vmem>>) target_semaphore(%arg55 : memref<!tpu.dma_semaphore, #tpu.memory_space<semaphore_mem>>)
      %mul3A_779 = arith.constant 4 : i32
      %mul3A_780 = arith.muli %scan3A_342, %mul3A_779 : i32
      %add3A_781 = arith.constant 2 : i32
      %add3A_782 = arith.addi %mul3A_780, %add3A_781 : i32
      %dma_wait3A_783 = arith.constant 0 : i32
      %dma_wait3A_784 = arith.constant 0 : i32
      %dma_wait3A_785 = tpu.memref_slice %arg25[%dma_wait3A_784] : memref<208xi32, #tpu.memory_space<vmem>> -> memref<200xi32, #tpu.memory_space<vmem>>
      %dma_wait3A_786 = arith.constant 0 : i32
      %dma_wait3A_787 = tpu.memref_slice %arg2[%dma_wait3A_783, %dma_wait3A_786] : memref<4096x200xi32, #tpu.memory_space<hbm>> -> memref<1x200xi32, #tpu.memory_space<hbm>>
      %dma_wait3A_788 = tpu.memref_squeeze %dma_wait3A_787 : memref<1x200xi32, #tpu.memory_space<hbm>> -> memref<200xi32, #tpu.memory_space<hbm>>
      %dma_wait3A_789 = arith.constant 0 : i32
      %dma_wait3A_790 = tpu.memref_slice %arg25[%dma_wait3A_789] : memref<208xi32, #tpu.memory_space<vmem>> -> memref<200xi32, #tpu.memory_space<vmem>>
      %dma_wait3A_791 = arith.constant 0 : i32
      %dma_wait3A_792 = tpu.memref_slice %arg2[%dma_wait3A_783, %dma_wait3A_791] : memref<4096x200xi32, #tpu.memory_space<hbm>> -> memref<1x200xi32, #tpu.memory_space<hbm>>
      %dma_wait3A_793 = tpu.memref_squeeze %dma_wait3A_792 : memref<1x200xi32, #tpu.memory_space<hbm>> -> memref<200xi32, #tpu.memory_space<hbm>>
      tpu.wait_dma2 semaphore(%arg55 : memref<!tpu.dma_semaphore, #tpu.memory_space<semaphore_mem>>) src(%dma_wait3A_793 : memref<200xi32, #tpu.memory_space<hbm>>) dst(%dma_wait3A_790 : memref<200xi32, #tpu.memory_space<vmem>>)
      %dma_wait3A_794 = arith.constant 0 : i32
      %dma_wait3A_795 = arith.constant 0 : i32
      %dma_wait3A_796 = tpu.memref_slice %arg26[%dma_wait3A_795] : memref<208xi32, #tpu.memory_space<vmem>> -> memref<200xi32, #tpu.memory_space<vmem>>
      %dma_wait3A_797 = arith.constant 0 : i32
      %dma_wait3A_798 = tpu.memref_slice %arg3[%dma_wait3A_794, %dma_wait3A_797] : memref<4096x200xi32, #tpu.memory_space<hbm>> -> memref<1x200xi32, #tpu.memory_space<hbm>>
      %dma_wait3A_799 = tpu.memref_squeeze %dma_wait3A_798 : memref<1x200xi32, #tpu.memory_space<hbm>> -> memref<200xi32, #tpu.memory_space<hbm>>
      %dma_wait3A_800 = arith.constant 0 : i32
      %dma_wait3A_801 = tpu.memref_slice %arg26[%dma_wait3A_800] : memref<208xi32, #tpu.memory_space<vmem>> -> memref<200xi32, #tpu.memory_space<vmem>>
      %dma_wait3A_802 = arith.constant 0 : i32
      %dma_wait3A_803 = tpu.memref_slice %arg3[%dma_wait3A_794, %dma_wait3A_802] : memref<4096x200xi32, #tpu.memory_space<hbm>> -> memref<1x200xi32, #tpu.memory_space<hbm>>
      %dma_wait3A_804 = tpu.memref_squeeze %dma_wait3A_803 : memref<1x200xi32, #tpu.memory_space<hbm>> -> memref<200xi32, #tpu.memory_space<hbm>>
      tpu.wait_dma2 semaphore(%arg55 : memref<!tpu.dma_semaphore, #tpu.memory_space<semaphore_mem>>) src(%dma_wait3A_804 : memref<200xi32, #tpu.memory_space<hbm>>) dst(%dma_wait3A_801 : memref<200xi32, #tpu.memory_space<vmem>>)
      %dma_wait3A_805 = arith.constant 0 : i32
      %dma_wait3A_806 = arith.constant 0 : i32
      %dma_wait3A_807 = tpu.memref_slice %arg27[%dma_wait3A_806] : memref<208xi32, #tpu.memory_space<vmem>> -> memref<200xi32, #tpu.memory_space<vmem>>
      %dma_wait3A_808 = arith.constant 0 : i32
      %dma_wait3A_809 = tpu.memref_slice %arg4[%dma_wait3A_805, %dma_wait3A_808] : memref<4096x200xi32, #tpu.memory_space<hbm>> -> memref<1x200xi32, #tpu.memory_space<hbm>>
      %dma_wait3A_810 = tpu.memref_squeeze %dma_wait3A_809 : memref<1x200xi32, #tpu.memory_space<hbm>> -> memref<200xi32, #tpu.memory_space<hbm>>
      %dma_wait3A_811 = arith.constant 0 : i32
      %dma_wait3A_812 = tpu.memref_slice %arg27[%dma_wait3A_811] : memref<208xi32, #tpu.memory_space<vmem>> -> memref<200xi32, #tpu.memory_space<vmem>>
      %dma_wait3A_813 = arith.constant 0 : i32
      %dma_wait3A_814 = tpu.memref_slice %arg4[%dma_wait3A_805, %dma_wait3A_813] : memref<4096x200xi32, #tpu.memory_space<hbm>> -> memref<1x200xi32, #tpu.memory_space<hbm>>
      %dma_wait3A_815 = tpu.memref_squeeze %dma_wait3A_814 : memref<1x200xi32, #tpu.memory_space<hbm>> -> memref<200xi32, #tpu.memory_space<hbm>>
      tpu.wait_dma2 semaphore(%arg55 : memref<!tpu.dma_semaphore, #tpu.memory_space<semaphore_mem>>) src(%dma_wait3A_815 : memref<200xi32, #tpu.memory_space<hbm>>) dst(%dma_wait3A_812 : memref<200xi32, #tpu.memory_space<vmem>>)
      %dma_wait3A_816 = arith.constant 0 : i32
      %dma_wait3A_817 = arith.constant 0 : i32
      %dma_wait3A_818 = tpu.memref_slice %arg28[%dma_wait3A_817] : memref<208xi32, #tpu.memory_space<vmem>> -> memref<200xi32, #tpu.memory_space<vmem>>
      %dma_wait3A_819 = arith.constant 0 : i32
      %dma_wait3A_820 = tpu.memref_slice %arg5[%dma_wait3A_816, %dma_wait3A_819] : memref<4096x200xi32, #tpu.memory_space<hbm>> -> memref<1x200xi32, #tpu.memory_space<hbm>>
      %dma_wait3A_821 = tpu.memref_squeeze %dma_wait3A_820 : memref<1x200xi32, #tpu.memory_space<hbm>> -> memref<200xi32, #tpu.memory_space<hbm>>
      %dma_wait3A_822 = arith.constant 0 : i32
      %dma_wait3A_823 = tpu.memref_slice %arg28[%dma_wait3A_822] : memref<208xi32, #tpu.memory_space<vmem>> -> memref<200xi32, #tpu.memory_space<vmem>>
      %dma_wait3A_824 = arith.constant 0 : i32
      %dma_wait3A_825 = tpu.memref_slice %arg5[%dma_wait3A_816, %dma_wait3A_824] : memref<4096x200xi32, #tpu.memory_space<hbm>> -> memref<1x200xi32, #tpu.memory_space<hbm>>
      %dma_wait3A_826 = tpu.memref_squeeze %dma_wait3A_825 : memref<1x200xi32, #tpu.memory_space<hbm>> -> memref<200xi32, #tpu.memory_space<hbm>>
      tpu.wait_dma2 semaphore(%arg55 : memref<!tpu.dma_semaphore, #tpu.memory_space<semaphore_mem>>) src(%dma_wait3A_826 : memref<200xi32, #tpu.memory_space<hbm>>) dst(%dma_wait3A_823 : memref<200xi32, #tpu.memory_space<vmem>>)
      %dma_wait3A_827 = arith.constant 0 : i32
      %dma_wait3A_828 = arith.constant 0 : i32
      %dma_wait3A_829 = tpu.memref_slice %arg29[%dma_wait3A_828] : memref<208xi32, #tpu.memory_space<vmem>> -> memref<200xi32, #tpu.memory_space<vmem>>
      %dma_wait3A_830 = arith.constant 0 : i32
      %dma_wait3A_831 = tpu.memref_slice %arg6[%dma_wait3A_827, %dma_wait3A_830] : memref<4096x200xi32, #tpu.memory_space<hbm>> -> memref<1x200xi32, #tpu.memory_space<hbm>>
      %dma_wait3A_832 = tpu.memref_squeeze %dma_wait3A_831 : memref<1x200xi32, #tpu.memory_space<hbm>> -> memref<200xi32, #tpu.memory_space<hbm>>
      %dma_wait3A_833 = arith.constant 0 : i32
      %dma_wait3A_834 = tpu.memref_slice %arg29[%dma_wait3A_833] : memref<208xi32, #tpu.memory_space<vmem>> -> memref<200xi32, #tpu.memory_space<vmem>>
      %dma_wait3A_835 = arith.constant 0 : i32
      %dma_wait3A_836 = tpu.memref_slice %arg6[%dma_wait3A_827, %dma_wait3A_835] : memref<4096x200xi32, #tpu.memory_space<hbm>> -> memref<1x200xi32, #tpu.memory_space<hbm>>
      %dma_wait3A_837 = tpu.memref_squeeze %dma_wait3A_836 : memref<1x200xi32, #tpu.memory_space<hbm>> -> memref<200xi32, #tpu.memory_space<hbm>>
      tpu.wait_dma2 semaphore(%arg55 : memref<!tpu.dma_semaphore, #tpu.memory_space<semaphore_mem>>) src(%dma_wait3A_837 : memref<200xi32, #tpu.memory_space<hbm>>) dst(%dma_wait3A_834 : memref<200xi32, #tpu.memory_space<vmem>>)
      %dma_wait3A_838 = arith.constant 0 : i32
      %dma_wait3A_839 = arith.constant 0 : i32
      %dma_wait3A_840 = tpu.memref_slice %arg30[%dma_wait3A_839] : memref<208xi32, #tpu.memory_space<vmem>> -> memref<200xi32, #tpu.memory_space<vmem>>
      %dma_wait3A_841 = arith.constant 0 : i32
      %dma_wait3A_842 = tpu.memref_slice %arg7[%dma_wait3A_838, %dma_wait3A_841] : memref<4096x200xi32, #tpu.memory_space<hbm>> -> memref<1x200xi32, #tpu.memory_space<hbm>>
      %dma_wait3A_843 = tpu.memref_squeeze %dma_wait3A_842 : memref<1x200xi32, #tpu.memory_space<hbm>> -> memref<200xi32, #tpu.memory_space<hbm>>
      %dma_wait3A_844 = arith.constant 0 : i32
      %dma_wait3A_845 = tpu.memref_slice %arg30[%dma_wait3A_844] : memref<208xi32, #tpu.memory_space<vmem>> -> memref<200xi32, #tpu.memory_space<vmem>>
      %dma_wait3A_846 = arith.constant 0 : i32
      %dma_wait3A_847 = tpu.memref_slice %arg7[%dma_wait3A_838, %dma_wait3A_846] : memref<4096x200xi32, #tpu.memory_space<hbm>> -> memref<1x200xi32, #tpu.memory_space<hbm>>
      %dma_wait3A_848 = tpu.memref_squeeze %dma_wait3A_847 : memref<1x200xi32, #tpu.memory_space<hbm>> -> memref<200xi32, #tpu.memory_space<hbm>>
      tpu.wait_dma2 semaphore(%arg55 : memref<!tpu.dma_semaphore, #tpu.memory_space<semaphore_mem>>) src(%dma_wait3A_848 : memref<200xi32, #tpu.memory_space<hbm>>) dst(%dma_wait3A_845 : memref<200xi32, #tpu.memory_space<vmem>>)
      %dma_wait3A_849 = arith.constant 0 : i32
      %dma_wait3A_850 = arith.constant 0 : i32
      %dma_wait3A_851 = tpu.memref_slice %arg31[%dma_wait3A_850] : memref<208xi32, #tpu.memory_space<vmem>> -> memref<200xi32, #tpu.memory_space<vmem>>
      %dma_wait3A_852 = arith.constant 0 : i32
      %dma_wait3A_853 = tpu.memref_slice %arg8[%dma_wait3A_849, %dma_wait3A_852] : memref<4096x200xi32, #tpu.memory_space<hbm>> -> memref<1x200xi32, #tpu.memory_space<hbm>>
      %dma_wait3A_854 = tpu.memref_squeeze %dma_wait3A_853 : memref<1x200xi32, #tpu.memory_space<hbm>> -> memref<200xi32, #tpu.memory_space<hbm>>
      %dma_wait3A_855 = arith.constant 0 : i32
      %dma_wait3A_856 = tpu.memref_slice %arg31[%dma_wait3A_855] : memref<208xi32, #tpu.memory_space<vmem>> -> memref<200xi32, #tpu.memory_space<vmem>>
      %dma_wait3A_857 = arith.constant 0 : i32
      %dma_wait3A_858 = tpu.memref_slice %arg8[%dma_wait3A_849, %dma_wait3A_857] : memref<4096x200xi32, #tpu.memory_space<hbm>> -> memref<1x200xi32, #tpu.memory_space<hbm>>
      %dma_wait3A_859 = tpu.memref_squeeze %dma_wait3A_858 : memref<1x200xi32, #tpu.memory_space<hbm>> -> memref<200xi32, #tpu.memory_space<hbm>>
      tpu.wait_dma2 semaphore(%arg55 : memref<!tpu.dma_semaphore, #tpu.memory_space<semaphore_mem>>) src(%dma_wait3A_859 : memref<200xi32, #tpu.memory_space<hbm>>) dst(%dma_wait3A_856 : memref<200xi32, #tpu.memory_space<vmem>>)
      %dma_wait3A_860 = arith.constant 0 : i32
      %dma_wait3A_861 = arith.constant 0 : i32
      %dma_wait3A_862 = tpu.memref_slice %arg32[%dma_wait3A_861] : memref<208xi32, #tpu.memory_space<vmem>> -> memref<200xi32, #tpu.memory_space<vmem>>
      %dma_wait3A_863 = arith.constant 0 : i32
      %dma_wait3A_864 = tpu.memref_slice %arg9[%dma_wait3A_860, %dma_wait3A_863] : memref<4096x200xi32, #tpu.memory_space<hbm>> -> memref<1x200xi32, #tpu.memory_space<hbm>>
      %dma_wait3A_865 = tpu.memref_squeeze %dma_wait3A_864 : memref<1x200xi32, #tpu.memory_space<hbm>> -> memref<200xi32, #tpu.memory_space<hbm>>
      %dma_wait3A_866 = arith.constant 0 : i32
      %dma_wait3A_867 = tpu.memref_slice %arg32[%dma_wait3A_866] : memref<208xi32, #tpu.memory_space<vmem>> -> memref<200xi32, #tpu.memory_space<vmem>>
      %dma_wait3A_868 = arith.constant 0 : i32
      %dma_wait3A_869 = tpu.memref_slice %arg9[%dma_wait3A_860, %dma_wait3A_868] : memref<4096x200xi32, #tpu.memory_space<hbm>> -> memref<1x200xi32, #tpu.memory_space<hbm>>
      %dma_wait3A_870 = tpu.memref_squeeze %dma_wait3A_869 : memref<1x200xi32, #tpu.memory_space<hbm>> -> memref<200xi32, #tpu.memory_space<hbm>>
      tpu.wait_dma2 semaphore(%arg55 : memref<!tpu.dma_semaphore, #tpu.memory_space<semaphore_mem>>) src(%dma_wait3A_870 : memref<200xi32, #tpu.memory_space<hbm>>) dst(%dma_wait3A_867 : memref<200xi32, #tpu.memory_space<vmem>>)
      %dma_wait3A_871 = arith.constant 0 : i32
      %dma_wait3A_872 = arith.constant 0 : i32
      %dma_wait3A_873 = tpu.memref_slice %arg33[%dma_wait3A_872] : memref<208xi32, #tpu.memory_space<vmem>> -> memref<200xi32, #tpu.memory_space<vmem>>
      %dma_wait3A_874 = arith.constant 0 : i32
      %dma_wait3A_875 = tpu.memref_slice %arg10[%dma_wait3A_871, %dma_wait3A_874] : memref<4096x200xi32, #tpu.memory_space<hbm>> -> memref<1x200xi32, #tpu.memory_space<hbm>>
      %dma_wait3A_876 = tpu.memref_squeeze %dma_wait3A_875 : memref<1x200xi32, #tpu.memory_space<hbm>> -> memref<200xi32, #tpu.memory_space<hbm>>
      %dma_wait3A_877 = arith.constant 0 : i32
      %dma_wait3A_878 = tpu.memref_slice %arg33[%dma_wait3A_877] : memref<208xi32, #tpu.memory_space<vmem>> -> memref<200xi32, #tpu.memory_space<vmem>>
      %dma_wait3A_879 = arith.constant 0 : i32
      %dma_wait3A_880 = tpu.memref_slice %arg10[%dma_wait3A_871, %dma_wait3A_879] : memref<4096x200xi32, #tpu.memory_space<hbm>> -> memref<1x200xi32, #tpu.memory_space<hbm>>
      %dma_wait3A_881 = tpu.memref_squeeze %dma_wait3A_880 : memref<1x200xi32, #tpu.memory_space<hbm>> -> memref<200xi32, #tpu.memory_space<hbm>>
      tpu.wait_dma2 semaphore(%arg55 : memref<!tpu.dma_semaphore, #tpu.memory_space<semaphore_mem>>) src(%dma_wait3A_881 : memref<200xi32, #tpu.memory_space<hbm>>) dst(%dma_wait3A_878 : memref<200xi32, #tpu.memory_space<vmem>>)
      %scan3A_882 = arith.constant 0 : i32
      %scan3A_883 = arith.constant 0 : i32
      %scan3A_884 = arith.constant 13 : i32
      %scan3A_885 = arith.addi %scan3A_883, %scan3A_884 : i32
      %scan3A_886 = arith.constant 1 : i32
      scf.for %scan3A_1130 = %scan3A_883 to %scan3A_885 step %scan3A_886  : i32 {
        %mul3A_1131 = arith.constant 16 : i32
        %mul3A_1132 = arith.muli %scan3A_1130, %mul3A_1131 : i32
        %get3A = arith.index_cast %mul3A_1132 : i32 to index
        %get3A_1133 = tpu.vector_load %arg25[%get3A] {strides = array<i32>} : memref<208xi32, #tpu.memory_space<vmem>>, vector<16xi32>,
        %get3A_1134 = arith.index_cast %mul3A_1132 : i32 to index
        %get3A_1135 = tpu.vector_load %arg26[%get3A_1134] {strides = array<i32>} : memref<208xi32, #tpu.memory_space<vmem>>, vector<16xi32>,
        %get3A_1136 = arith.index_cast %mul3A_1132 : i32 to index
        %get3A_1137 = tpu.vector_load %arg27[%get3A_1136] {strides = array<i32>} : memref<208xi32, #tpu.memory_space<vmem>>, vector<16xi32>,
        %get3A_1138 = arith.index_cast %mul3A_1132 : i32 to index
        %get3A_1139 = tpu.vector_load %arg28[%get3A_1138] {strides = array<i32>} : memref<208xi32, #tpu.memory_space<vmem>>, vector<16xi32>,
        %get3A_1140 = arith.index_cast %mul3A_1132 : i32 to index
        %get3A_1141 = tpu.vector_load %arg29[%get3A_1140] {strides = array<i32>} : memref<208xi32, #tpu.memory_space<vmem>>, vector<16xi32>,
        %get3A_1142 = arith.index_cast %mul3A_1132 : i32 to index
        %get3A_1143 = tpu.vector_load %arg30[%get3A_1142] {strides = array<i32>} : memref<208xi32, #tpu.memory_space<vmem>>, vector<16xi32>,
        %get3A_1144 = arith.index_cast %mul3A_1132 : i32 to index
        %get3A_1145 = tpu.vector_load %arg31[%get3A_1144] {strides = array<i32>} : memref<208xi32, #tpu.memory_space<vmem>>, vector<16xi32>,
        %get3A_1146 = arith.index_cast %mul3A_1132 : i32 to index
        %get3A_1147 = tpu.vector_load %arg32[%get3A_1146] {strides = array<i32>} : memref<208xi32, #tpu.memory_space<vmem>>, vector<16xi32>,
        %get3A_1148 = arith.index_cast %mul3A_1132 : i32 to index
        %get3A_1149 = tpu.vector_load %arg33[%get3A_1148] {strides = array<i32>} : memref<208xi32, #tpu.memory_space<vmem>>, vector<16xi32>,
        %mul3A_1150 = arith.constant 19 : i32
        %mul3A_1151 = vector.broadcast %mul3A_1150 : i32 to vector<16xi32>
        %mul3A_1152 = arith.muli %get3A_1133, %mul3A_1151 : vector<16xi32>
        %add3A_1153 = arith.addi %mul3A_1152, %get3A_1135 : vector<16xi32>
        %mul3A_1154 = arith.constant 19 : i32
        %mul3A_1155 = vector.broadcast %mul3A_1154 : i32 to vector<16xi32>
        %mul3A_1156 = arith.muli %add3A_1153, %mul3A_1155 : vector<16xi32>
        %add3A_1157 = arith.addi %mul3A_1156, %get3A_1137 : vector<16xi32>
        %swap3A_1158 = arith.index_cast %mul3A_1132 : i32 to index
        %swap3A_1159 = tpu.vector_load %arg43[%swap3A_1158] {strides = array<i32>} : memref<208xi32, #tpu.memory_space<vmem>>, vector<16xi32>,
        tpu.vector_store %arg43[%swap3A_1158], %add3A_1157 {strides = array<i32>} : memref<208xi32, #tpu.memory_space<vmem>>, vector<16xi32>,
        %mul3A_1160 = arith.constant 2 : i32
        %mul3A_1161 = vector.broadcast %mul3A_1160 : i32 to vector<16xi32>
        %mul3A_1162 = arith.muli %get3A_1139, %mul3A_1161 : vector<16xi32>
        %add3A_1163 = arith.addi %mul3A_1162, %get3A_1141 : vector<16xi32>
        %mul3A_1164 = arith.constant 2 : i32
        %mul3A_1165 = vector.broadcast %mul3A_1164 : i32 to vector<16xi32>
        %mul3A_1166 = arith.muli %add3A_1163, %mul3A_1165 : vector<16xi32>
        %add3A_1167 = arith.addi %mul3A_1166, %get3A_1143 : vector<16xi32>
        %mul3A_1168 = arith.constant 2 : i32
        %mul3A_1169 = vector.broadcast %mul3A_1168 : i32 to vector<16xi32>
        %mul3A_1170 = arith.muli %add3A_1167, %mul3A_1169 : vector<16xi32>
        %add3A_1171 = arith.addi %mul3A_1170, %get3A_1145 : vector<16xi32>
        %mul3A_1172 = arith.constant 2 : i32
        %mul3A_1173 = vector.broadcast %mul3A_1172 : i32 to vector<16xi32>
        %mul3A_1174 = arith.muli %add3A_1171, %mul3A_1173 : vector<16xi32>
        %add3A_1175 = arith.addi %mul3A_1174, %get3A_1147 : vector<16xi32>
        %mul3A_1176 = arith.constant 11 : i32
        %mul3A_1177 = vector.broadcast %mul3A_1176 : i32 to vector<16xi32>
        %mul3A_1178 = arith.muli %add3A_1175, %mul3A_1177 : vector<16xi32>
        %add3A_1179 = arith.addi %mul3A_1178, %get3A_1149 : vector<16xi32>
        %swap3A_1180 = arith.index_cast %mul3A_1132 : i32 to index
        %swap3A_1181 = tpu.vector_load %arg44[%swap3A_1180] {strides = array<i32>} : memref<208xi32, #tpu.memory_space<vmem>>, vector<16xi32>,
        tpu.vector_store %arg44[%swap3A_1180], %add3A_1179 {strides = array<i32>} : memref<208xi32, #tpu.memory_space<vmem>>, vector<16xi32>,
      }
      %scan3A_887 = arith.constant 13 : i32
      %ge3A_888 = arith.constant 1 : i32
      %ge3A_889 = arith.cmpi sge, %scan3A_342, %ge3A_888 : i32
      %convert_element_type3A_890 = arith.extui %ge3A_889 : i1 to i32
      %cond3A_891 = arith.constant 0 : i32
      %cond3A_892 = arith.cmpi ne, %convert_element_type3A_890, %cond3A_891 : i32
      scf.if %cond3A_892 {
        %dma_wait3A_1130 = arith.constant 0 : i32
        %dma_wait3A_1131 = arith.constant 0 : i32
        %dma_wait3A_1132 = arith.constant 0 : i32
        %dma_wait3A_1133 = tpu.memref_slice %arg51[%dma_wait3A_1131, %dma_wait3A_1132] : memref<208x48xf32, #tpu.memory_space<vmem>> -> memref<200x48xf32, #tpu.memory_space<vmem>>
        %dma_wait3A_1134 = arith.constant 0 : i32
        %dma_wait3A_1135 = arith.constant 0 : i32
        %dma_wait3A_1136 = tpu.memref_slice %arg20[%dma_wait3A_1130, %dma_wait3A_1134, %dma_wait3A_1135] : memref<4096x200x128xf32, #tpu.memory_space<hbm>> -> memref<1x200x48xf32, #tpu.memory_space<hbm>>
        %dma_wait3A_1137 = tpu.memref_squeeze %dma_wait3A_1136 : memref<1x200x48xf32, #tpu.memory_space<hbm>> -> memref<200x48xf32, #tpu.memory_space<hbm>>
        %dma_wait3A_1138 = arith.constant 0 : i32
        %dma_wait3A_1139 = arith.constant 0 : i32
        %dma_wait3A_1140 = tpu.memref_slice %arg20[%dma_wait3A_1130, %dma_wait3A_1138, %dma_wait3A_1139] : memref<4096x200x128xf32, #tpu.memory_space<hbm>> -> memref<1x200x48xf32, #tpu.memory_space<hbm>>
        %dma_wait3A_1141 = tpu.memref_squeeze %dma_wait3A_1140 : memref<1x200x48xf32, #tpu.memory_space<hbm>> -> memref<200x48xf32, #tpu.memory_space<hbm>>
        %dma_wait3A_1142 = arith.constant 0 : i32
        %dma_wait3A_1143 = arith.constant 0 : i32
        %dma_wait3A_1144 = tpu.memref_slice %arg51[%dma_wait3A_1142, %dma_wait3A_1143] : memref<208x48xf32, #tpu.memory_space<vmem>> -> memref<200x48xf32, #tpu.memory_space<vmem>>
        tpu.wait_dma2 semaphore(%arg63 : memref<!tpu.dma_semaphore, #tpu.memory_space<semaphore_mem>>) src(%dma_wait3A_1144 : memref<200x48xf32, #tpu.memory_space<vmem>>) dst(%dma_wait3A_1141 : memref<200x48xf32, #tpu.memory_space<hbm>>)
        %dma_wait3A_1145 = arith.constant 0 : i32
        %dma_wait3A_1146 = arith.constant 0 : i32
        %dma_wait3A_1147 = arith.constant 0 : i32
        %dma_wait3A_1148 = tpu.memref_slice %arg52[%dma_wait3A_1146, %dma_wait3A_1147] : memref<208x48xf32, #tpu.memory_space<vmem>> -> memref<200x48xf32, #tpu.memory_space<vmem>>
        %dma_wait3A_1149 = arith.constant 0 : i32
        %dma_wait3A_1150 = arith.constant 48 : i32
        %dma_wait3A_1151 = tpu.memref_slice %arg20[%dma_wait3A_1145, %dma_wait3A_1149, %dma_wait3A_1150] : memref<4096x200x128xf32, #tpu.memory_space<hbm>> -> memref<1x200x48xf32, #tpu.memory_space<hbm>>
        %dma_wait3A_1152 = tpu.memref_squeeze %dma_wait3A_1151 : memref<1x200x48xf32, #tpu.memory_space<hbm>> -> memref<200x48xf32, #tpu.memory_space<hbm>>
        %dma_wait3A_1153 = arith.constant 0 : i32
        %dma_wait3A_1154 = arith.constant 48 : i32
        %dma_wait3A_1155 = tpu.memref_slice %arg20[%dma_wait3A_1145, %dma_wait3A_1153, %dma_wait3A_1154] : memref<4096x200x128xf32, #tpu.memory_space<hbm>> -> memref<1x200x48xf32, #tpu.memory_space<hbm>>
        %dma_wait3A_1156 = tpu.memref_squeeze %dma_wait3A_1155 : memref<1x200x48xf32, #tpu.memory_space<hbm>> -> memref<200x48xf32, #tpu.memory_space<hbm>>
        %dma_wait3A_1157 = arith.constant 0 : i32
        %dma_wait3A_1158 = arith.constant 0 : i32
        %dma_wait3A_1159 = tpu.memref_slice %arg52[%dma_wait3A_1157, %dma_wait3A_1158] : memref<208x48xf32, #tpu.memory_space<vmem>> -> memref<200x48xf32, #tpu.memory_space<vmem>>
        tpu.wait_dma2 semaphore(%arg63 : memref<!tpu.dma_semaphore, #tpu.memory_space<semaphore_mem>>) src(%dma_wait3A_1159 : memref<200x48xf32, #tpu.memory_space<vmem>>) dst(%dma_wait3A_1156 : memref<200x48xf32, #tpu.memory_space<hbm>>)
      } else {
      }
      %dma_start3A_893 = arith.constant 0 : i32
      %dma_start3A_894 = arith.constant 0 : i32
      %dma_start3A_895 = tpu.memref_slice %arg21[%dma_start3A_893, %dma_start3A_894] : memref<1083x48xf32, #tpu.memory_space<vmem_shared>> -> memref<1083x48xf32, #tpu.memory_space<vmem_shared>>
      tpu.enqueue_indirect_dma source(%dma_start3A_895 : memref<1083x48xf32, #tpu.memory_space<vmem_shared>>) target(%arg51 : memref<208x48xf32, #tpu.memory_space<vmem>>) offsets(%arg43 : memref<208xi32, #tpu.memory_space<vmem>>) semaphore(%arg59 : memref<!tpu.dma_semaphore, #tpu.memory_space<semaphore_mem>>)
      %dma_start3A_896 = arith.constant 0 : i32
      %dma_start3A_897 = arith.constant 0 : i32
      %dma_start3A_898 = tpu.memref_slice %arg22[%dma_start3A_896, %dma_start3A_897] : memref<528x48xf32, #tpu.memory_space<vmem_shared>> -> memref<528x48xf32, #tpu.memory_space<vmem_shared>>
      tpu.enqueue_indirect_dma source(%dma_start3A_898 : memref<528x48xf32, #tpu.memory_space<vmem_shared>>) target(%arg52 : memref<208x48xf32, #tpu.memory_space<vmem>>) offsets(%arg44 : memref<208xi32, #tpu.memory_space<vmem>>) semaphore(%arg59 : memref<!tpu.dma_semaphore, #tpu.memory_space<semaphore_mem>>)
      %ge3A_899 = arith.constant 1 : i32
      %ge3A_900 = arith.cmpi sge, %scan3A_342, %ge3A_899 : i32
      %or3A_901 = arith.constant true
      %or3A_902 = arith.ori %ge3A_900, %or3A_901 : i1
      %convert_element_type3A_903 = arith.extui %or3A_902 : i1 to i32
      %cond3A_904 = arith.constant 0 : i32
      %cond3A_905 = arith.cmpi ne, %convert_element_type3A_903, %cond3A_904 : i32
      scf.if %cond3A_905 {
        %dma_wait3A_1130 = arith.constant 0 : i32
        %dma_wait3A_1131 = arith.constant 0 : i32
        %dma_wait3A_1132 = tpu.memref_slice %arg21[%dma_wait3A_1130, %dma_wait3A_1131] : memref<1083x48xf32, #tpu.memory_space<vmem_shared>> -> memref<1083x48xf32, #tpu.memory_space<vmem_shared>>
        tpu.wait_indirect_dma semaphore(%arg58 : memref<!tpu.dma_semaphore, #tpu.memory_space<semaphore_mem>>) src(%dma_wait3A_1132 : memref<1083x48xf32, #tpu.memory_space<vmem_shared>>) dst(%arg49 : memref<208x48xf32, #tpu.memory_space<vmem>>)
        %dma_wait3A_1133 = arith.constant 0 : i32
        %dma_wait3A_1134 = arith.constant 0 : i32
        %dma_wait3A_1135 = tpu.memref_slice %arg22[%dma_wait3A_1133, %dma_wait3A_1134] : memref<528x48xf32, #tpu.memory_space<vmem_shared>> -> memref<528x48xf32, #tpu.memory_space<vmem_shared>>
        tpu.wait_indirect_dma semaphore(%arg58 : memref<!tpu.dma_semaphore, #tpu.memory_space<semaphore_mem>>) src(%dma_wait3A_1135 : memref<528x48xf32, #tpu.memory_space<vmem_shared>>) dst(%arg50 : memref<208x48xf32, #tpu.memory_space<vmem>>)
        %sub3A_1136 = arith.constant 1 : i32
        %sub3A_1137 = arith.subi %add3A_782, %sub3A_1136 : i32
        %add3A_1138 = arith.addi %mul3A_2, %sub3A_1137 : i32
        %dma_start3A_1139 = arith.constant 0 : i32
        %dma_start3A_1140 = arith.constant 0 : i32
        %dma_start3A_1141 = tpu.memref_slice %arg49[%dma_start3A_1139, %dma_start3A_1140] : memref<208x48xf32, #tpu.memory_space<vmem>> -> memref<200x48xf32, #tpu.memory_space<vmem>>
        %dma_start3A_1142 = arith.constant 0 : i32
        %dma_start3A_1143 = arith.constant 0 : i32
        %dma_start3A_1144 = tpu.memref_slice %arg20[%add3A_1138, %dma_start3A_1142, %dma_start3A_1143] : memref<4096x200x128xf32, #tpu.memory_space<hbm>> -> memref<1x200x48xf32, #tpu.memory_space<hbm>>
        %dma_start3A_1145 = tpu.memref_squeeze %dma_start3A_1144 : memref<1x200x48xf32, #tpu.memory_space<hbm>> -> memref<200x48xf32, #tpu.memory_space<hbm>>
        %dma_start3A_1146 = arith.constant 0 : i32
        %dma_start3A_1147 = arith.constant 0 : i32
        %dma_start3A_1148 = tpu.memref_slice %arg20[%add3A_1138, %dma_start3A_1146, %dma_start3A_1147] : memref<4096x200x128xf32, #tpu.memory_space<hbm>> -> memref<1x200x48xf32, #tpu.memory_space<hbm>>
        %dma_start3A_1149 = tpu.memref_squeeze %dma_start3A_1148 : memref<1x200x48xf32, #tpu.memory_space<hbm>> -> memref<200x48xf32, #tpu.memory_space<hbm>>
        %dma_start3A_1150 = arith.constant 0 : i32
        %dma_start3A_1151 = arith.constant 0 : i32
        %dma_start3A_1152 = tpu.memref_slice %arg49[%dma_start3A_1150, %dma_start3A_1151] : memref<208x48xf32, #tpu.memory_space<vmem>> -> memref<200x48xf32, #tpu.memory_space<vmem>>
        tpu.enqueue_dma source(%dma_start3A_1152 : memref<200x48xf32, #tpu.memory_space<vmem>>) target(%dma_start3A_1149 : memref<200x48xf32, #tpu.memory_space<hbm>>) target_semaphore(%arg62 : memref<!tpu.dma_semaphore, #tpu.memory_space<semaphore_mem>>)
        %dma_start3A_1153 = arith.constant 0 : i32
        %dma_start3A_1154 = arith.constant 0 : i32
        %dma_start3A_1155 = tpu.memref_slice %arg50[%dma_start3A_1153, %dma_start3A_1154] : memref<208x48xf32, #tpu.memory_space<vmem>> -> memref<200x48xf32, #tpu.memory_space<vmem>>
        %dma_start3A_1156 = arith.constant 0 : i32
        %dma_start3A_1157 = arith.constant 48 : i32
        %dma_start3A_1158 = tpu.memref_slice %arg20[%add3A_1138, %dma_start3A_1156, %dma_start3A_1157] : memref<4096x200x128xf32, #tpu.memory_space<hbm>> -> memref<1x200x48xf32, #tpu.memory_space<hbm>>
        %dma_start3A_1159 = tpu.memref_squeeze %dma_start3A_1158 : memref<1x200x48xf32, #tpu.memory_space<hbm>> -> memref<200x48xf32, #tpu.memory_space<hbm>>
        %dma_start3A_1160 = arith.constant 0 : i32
        %dma_start3A_1161 = arith.constant 48 : i32
        %dma_start3A_1162 = tpu.memref_slice %arg20[%add3A_1138, %dma_start3A_1160, %dma_start3A_1161] : memref<4096x200x128xf32, #tpu.memory_space<hbm>> -> memref<1x200x48xf32, #tpu.memory_space<hbm>>
        %dma_start3A_1163 = tpu.memref_squeeze %dma_start3A_1162 : memref<1x200x48xf32, #tpu.memory_space<hbm>> -> memref<200x48xf32, #tpu.memory_space<hbm>>
        %dma_start3A_1164 = arith.constant 0 : i32
        %dma_start3A_1165 = arith.constant 0 : i32
        %dma_start3A_1166 = tpu.memref_slice %arg50[%dma_start3A_1164, %dma_start3A_1165] : memref<208x48xf32, #tpu.memory_space<vmem>> -> memref<200x48xf32, #tpu.memory_space<vmem>>
        tpu.enqueue_dma source(%dma_start3A_1166 : memref<200x48xf32, #tpu.memory_space<vmem>>) target(%dma_start3A_1163 : memref<200x48xf32, #tpu.memory_space<hbm>>) target_semaphore(%arg62 : memref<!tpu.dma_semaphore, #tpu.memory_space<semaphore_mem>>)
      } else {
      }
      %add3A_906 = arith.constant 1 : i32
      %add3A_907 = arith.addi %add3A_782, %add3A_906 : i32
      %add3A_908 = arith.addi %mul3A_2, %add3A_907 : i32
      %dma_start3A_909 = arith.constant 0 : i32
      %dma_start3A_910 = tpu.memref_slice %arg34[%dma_start3A_909] : memref<208xi32, #tpu.memory_space<vmem>> -> memref<200xi32, #tpu.memory_space<vmem>>
      %dma_start3A_911 = arith.constant 0 : i32
      %dma_start3A_912 = tpu.memref_slice %arg2[%add3A_908, %dma_start3A_911] : memref<4096x200xi32, #tpu.memory_space<hbm>> -> memref<1x200xi32, #tpu.memory_space<hbm>>
      %dma_start3A_913 = tpu.memref_squeeze %dma_start3A_912 : memref<1x200xi32, #tpu.memory_space<hbm>> -> memref<200xi32, #tpu.memory_space<hbm>>
      %dma_start3A_914 = arith.constant 0 : i32
      %dma_start3A_915 = tpu.memref_slice %arg34[%dma_start3A_914] : memref<208xi32, #tpu.memory_space<vmem>> -> memref<200xi32, #tpu.memory_space<vmem>>
      %dma_start3A_916 = arith.constant 0 : i32
      %dma_start3A_917 = tpu.memref_slice %arg2[%add3A_908, %dma_start3A_916] : memref<4096x200xi32, #tpu.memory_space<hbm>> -> memref<1x200xi32, #tpu.memory_space<hbm>>
      %dma_start3A_918 = tpu.memref_squeeze %dma_start3A_917 : memref<1x200xi32, #tpu.memory_space<hbm>> -> memref<200xi32, #tpu.memory_space<hbm>>
      tpu.enqueue_dma source(%dma_start3A_918 : memref<200xi32, #tpu.memory_space<hbm>>) target(%dma_start3A_915 : memref<200xi32, #tpu.memory_space<vmem>>) target_semaphore(%arg56 : memref<!tpu.dma_semaphore, #tpu.memory_space<semaphore_mem>>)
      %dma_start3A_919 = arith.constant 0 : i32
      %dma_start3A_920 = tpu.memref_slice %arg35[%dma_start3A_919] : memref<208xi32, #tpu.memory_space<vmem>> -> memref<200xi32, #tpu.memory_space<vmem>>
      %dma_start3A_921 = arith.constant 0 : i32
      %dma_start3A_922 = tpu.memref_slice %arg3[%add3A_908, %dma_start3A_921] : memref<4096x200xi32, #tpu.memory_space<hbm>> -> memref<1x200xi32, #tpu.memory_space<hbm>>
      %dma_start3A_923 = tpu.memref_squeeze %dma_start3A_922 : memref<1x200xi32, #tpu.memory_space<hbm>> -> memref<200xi32, #tpu.memory_space<hbm>>
      %dma_start3A_924 = arith.constant 0 : i32
      %dma_start3A_925 = tpu.memref_slice %arg35[%dma_start3A_924] : memref<208xi32, #tpu.memory_space<vmem>> -> memref<200xi32, #tpu.memory_space<vmem>>
      %dma_start3A_926 = arith.constant 0 : i32
      %dma_start3A_927 = tpu.memref_slice %arg3[%add3A_908, %dma_start3A_926] : memref<4096x200xi32, #tpu.memory_space<hbm>> -> memref<1x200xi32, #tpu.memory_space<hbm>>
      %dma_start3A_928 = tpu.memref_squeeze %dma_start3A_927 : memref<1x200xi32, #tpu.memory_space<hbm>> -> memref<200xi32, #tpu.memory_space<hbm>>
      tpu.enqueue_dma source(%dma_start3A_928 : memref<200xi32, #tpu.memory_space<hbm>>) target(%dma_start3A_925 : memref<200xi32, #tpu.memory_space<vmem>>) target_semaphore(%arg56 : memref<!tpu.dma_semaphore, #tpu.memory_space<semaphore_mem>>)
      %dma_start3A_929 = arith.constant 0 : i32
      %dma_start3A_930 = tpu.memref_slice %arg36[%dma_start3A_929] : memref<208xi32, #tpu.memory_space<vmem>> -> memref<200xi32, #tpu.memory_space<vmem>>
      %dma_start3A_931 = arith.constant 0 : i32
      %dma_start3A_932 = tpu.memref_slice %arg4[%add3A_908, %dma_start3A_931] : memref<4096x200xi32, #tpu.memory_space<hbm>> -> memref<1x200xi32, #tpu.memory_space<hbm>>
      %dma_start3A_933 = tpu.memref_squeeze %dma_start3A_932 : memref<1x200xi32, #tpu.memory_space<hbm>> -> memref<200xi32, #tpu.memory_space<hbm>>
      %dma_start3A_934 = arith.constant 0 : i32
      %dma_start3A_935 = tpu.memref_slice %arg36[%dma_start3A_934] : memref<208xi32, #tpu.memory_space<vmem>> -> memref<200xi32, #tpu.memory_space<vmem>>
      %dma_start3A_936 = arith.constant 0 : i32
      %dma_start3A_937 = tpu.memref_slice %arg4[%add3A_908, %dma_start3A_936] : memref<4096x200xi32, #tpu.memory_space<hbm>> -> memref<1x200xi32, #tpu.memory_space<hbm>>
      %dma_start3A_938 = tpu.memref_squeeze %dma_start3A_937 : memref<1x200xi32, #tpu.memory_space<hbm>> -> memref<200xi32, #tpu.memory_space<hbm>>
      tpu.enqueue_dma source(%dma_start3A_938 : memref<200xi32, #tpu.memory_space<hbm>>) target(%dma_start3A_935 : memref<200xi32, #tpu.memory_space<vmem>>) target_semaphore(%arg56 : memref<!tpu.dma_semaphore, #tpu.memory_space<semaphore_mem>>)
      %dma_start3A_939 = arith.constant 0 : i32
      %dma_start3A_940 = tpu.memref_slice %arg37[%dma_start3A_939] : memref<208xi32, #tpu.memory_space<vmem>> -> memref<200xi32, #tpu.memory_space<vmem>>
      %dma_start3A_941 = arith.constant 0 : i32
      %dma_start3A_942 = tpu.memref_slice %arg5[%add3A_908, %dma_start3A_941] : memref<4096x200xi32, #tpu.memory_space<hbm>> -> memref<1x200xi32, #tpu.memory_space<hbm>>
      %dma_start3A_943 = tpu.memref_squeeze %dma_start3A_942 : memref<1x200xi32, #tpu.memory_space<hbm>> -> memref<200xi32, #tpu.memory_space<hbm>>
      %dma_start3A_944 = arith.constant 0 : i32
      %dma_start3A_945 = tpu.memref_slice %arg37[%dma_start3A_944] : memref<208xi32, #tpu.memory_space<vmem>> -> memref<200xi32, #tpu.memory_space<vmem>>
      %dma_start3A_946 = arith.constant 0 : i32
      %dma_start3A_947 = tpu.memref_slice %arg5[%add3A_908, %dma_start3A_946] : memref<4096x200xi32, #tpu.memory_space<hbm>> -> memref<1x200xi32, #tpu.memory_space<hbm>>
      %dma_start3A_948 = tpu.memref_squeeze %dma_start3A_947 : memref<1x200xi32, #tpu.memory_space<hbm>> -> memref<200xi32, #tpu.memory_space<hbm>>
      tpu.enqueue_dma source(%dma_start3A_948 : memref<200xi32, #tpu.memory_space<hbm>>) target(%dma_start3A_945 : memref<200xi32, #tpu.memory_space<vmem>>) target_semaphore(%arg56 : memref<!tpu.dma_semaphore, #tpu.memory_space<semaphore_mem>>)
      %dma_start3A_949 = arith.constant 0 : i32
      %dma_start3A_950 = tpu.memref_slice %arg38[%dma_start3A_949] : memref<208xi32, #tpu.memory_space<vmem>> -> memref<200xi32, #tpu.memory_space<vmem>>
      %dma_start3A_951 = arith.constant 0 : i32
      %dma_start3A_952 = tpu.memref_slice %arg6[%add3A_908, %dma_start3A_951] : memref<4096x200xi32, #tpu.memory_space<hbm>> -> memref<1x200xi32, #tpu.memory_space<hbm>>
      %dma_start3A_953 = tpu.memref_squeeze %dma_start3A_952 : memref<1x200xi32, #tpu.memory_space<hbm>> -> memref<200xi32, #tpu.memory_space<hbm>>
      %dma_start3A_954 = arith.constant 0 : i32
      %dma_start3A_955 = tpu.memref_slice %arg38[%dma_start3A_954] : memref<208xi32, #tpu.memory_space<vmem>> -> memref<200xi32, #tpu.memory_space<vmem>>
      %dma_start3A_956 = arith.constant 0 : i32
      %dma_start3A_957 = tpu.memref_slice %arg6[%add3A_908, %dma_start3A_956] : memref<4096x200xi32, #tpu.memory_space<hbm>> -> memref<1x200xi32, #tpu.memory_space<hbm>>
      %dma_start3A_958 = tpu.memref_squeeze %dma_start3A_957 : memref<1x200xi32, #tpu.memory_space<hbm>> -> memref<200xi32, #tpu.memory_space<hbm>>
      tpu.enqueue_dma source(%dma_start3A_958 : memref<200xi32, #tpu.memory_space<hbm>>) target(%dma_start3A_955 : memref<200xi32, #tpu.memory_space<vmem>>) target_semaphore(%arg56 : memref<!tpu.dma_semaphore, #tpu.memory_space<semaphore_mem>>)
      %dma_start3A_959 = arith.constant 0 : i32
      %dma_start3A_960 = tpu.memref_slice %arg39[%dma_start3A_959] : memref<208xi32, #tpu.memory_space<vmem>> -> memref<200xi32, #tpu.memory_space<vmem>>
      %dma_start3A_961 = arith.constant 0 : i32
      %dma_start3A_962 = tpu.memref_slice %arg7[%add3A_908, %dma_start3A_961] : memref<4096x200xi32, #tpu.memory_space<hbm>> -> memref<1x200xi32, #tpu.memory_space<hbm>>
      %dma_start3A_963 = tpu.memref_squeeze %dma_start3A_962 : memref<1x200xi32, #tpu.memory_space<hbm>> -> memref<200xi32, #tpu.memory_space<hbm>>
      %dma_start3A_964 = arith.constant 0 : i32
      %dma_start3A_965 = tpu.memref_slice %arg39[%dma_start3A_964] : memref<208xi32, #tpu.memory_space<vmem>> -> memref<200xi32, #tpu.memory_space<vmem>>
      %dma_start3A_966 = arith.constant 0 : i32
      %dma_start3A_967 = tpu.memref_slice %arg7[%add3A_908, %dma_start3A_966] : memref<4096x200xi32, #tpu.memory_space<hbm>> -> memref<1x200xi32, #tpu.memory_space<hbm>>
      %dma_start3A_968 = tpu.memref_squeeze %dma_start3A_967 : memref<1x200xi32, #tpu.memory_space<hbm>> -> memref<200xi32, #tpu.memory_space<hbm>>
      tpu.enqueue_dma source(%dma_start3A_968 : memref<200xi32, #tpu.memory_space<hbm>>) target(%dma_start3A_965 : memref<200xi32, #tpu.memory_space<vmem>>) target_semaphore(%arg56 : memref<!tpu.dma_semaphore, #tpu.memory_space<semaphore_mem>>)
      %dma_start3A_969 = arith.constant 0 : i32
      %dma_start3A_970 = tpu.memref_slice %arg40[%dma_start3A_969] : memref<208xi32, #tpu.memory_space<vmem>> -> memref<200xi32, #tpu.memory_space<vmem>>
      %dma_start3A_971 = arith.constant 0 : i32
      %dma_start3A_972 = tpu.memref_slice %arg8[%add3A_908, %dma_start3A_971] : memref<4096x200xi32, #tpu.memory_space<hbm>> -> memref<1x200xi32, #tpu.memory_space<hbm>>
      %dma_start3A_973 = tpu.memref_squeeze %dma_start3A_972 : memref<1x200xi32, #tpu.memory_space<hbm>> -> memref<200xi32, #tpu.memory_space<hbm>>
      %dma_start3A_974 = arith.constant 0 : i32
      %dma_start3A_975 = tpu.memref_slice %arg40[%dma_start3A_974] : memref<208xi32, #tpu.memory_space<vmem>> -> memref<200xi32, #tpu.memory_space<vmem>>
      %dma_start3A_976 = arith.constant 0 : i32
      %dma_start3A_977 = tpu.memref_slice %arg8[%add3A_908, %dma_start3A_976] : memref<4096x200xi32, #tpu.memory_space<hbm>> -> memref<1x200xi32, #tpu.memory_space<hbm>>
      %dma_start3A_978 = tpu.memref_squeeze %dma_start3A_977 : memref<1x200xi32, #tpu.memory_space<hbm>> -> memref<200xi32, #tpu.memory_space<hbm>>
      tpu.enqueue_dma source(%dma_start3A_978 : memref<200xi32, #tpu.memory_space<hbm>>) target(%dma_start3A_975 : memref<200xi32, #tpu.memory_space<vmem>>) target_semaphore(%arg56 : memref<!tpu.dma_semaphore, #tpu.memory_space<semaphore_mem>>)
      %dma_start3A_979 = arith.constant 0 : i32
      %dma_start3A_980 = tpu.memref_slice %arg41[%dma_start3A_979] : memref<208xi32, #tpu.memory_space<vmem>> -> memref<200xi32, #tpu.memory_space<vmem>>
      %dma_start3A_981 = arith.constant 0 : i32
      %dma_start3A_982 = tpu.memref_slice %arg9[%add3A_908, %dma_start3A_981] : memref<4096x200xi32, #tpu.memory_space<hbm>> -> memref<1x200xi32, #tpu.memory_space<hbm>>
      %dma_start3A_983 = tpu.memref_squeeze %dma_start3A_982 : memref<1x200xi32, #tpu.memory_space<hbm>> -> memref<200xi32, #tpu.memory_space<hbm>>
      %dma_start3A_984 = arith.constant 0 : i32
      %dma_start3A_985 = tpu.memref_slice %arg41[%dma_start3A_984] : memref<208xi32, #tpu.memory_space<vmem>> -> memref<200xi32, #tpu.memory_space<vmem>>
      %dma_start3A_986 = arith.constant 0 : i32
      %dma_start3A_987 = tpu.memref_slice %arg9[%add3A_908, %dma_start3A_986] : memref<4096x200xi32, #tpu.memory_space<hbm>> -> memref<1x200xi32, #tpu.memory_space<hbm>>
      %dma_start3A_988 = tpu.memref_squeeze %dma_start3A_987 : memref<1x200xi32, #tpu.memory_space<hbm>> -> memref<200xi32, #tpu.memory_space<hbm>>
      tpu.enqueue_dma source(%dma_start3A_988 : memref<200xi32, #tpu.memory_space<hbm>>) target(%dma_start3A_985 : memref<200xi32, #tpu.memory_space<vmem>>) target_semaphore(%arg56 : memref<!tpu.dma_semaphore, #tpu.memory_space<semaphore_mem>>)
      %dma_start3A_989 = arith.constant 0 : i32
      %dma_start3A_990 = tpu.memref_slice %arg42[%dma_start3A_989] : memref<208xi32, #tpu.memory_space<vmem>> -> memref<200xi32, #tpu.memory_space<vmem>>
      %dma_start3A_991 = arith.constant 0 : i32
      %dma_start3A_992 = tpu.memref_slice %arg10[%add3A_908, %dma_start3A_991] : memref<4096x200xi32, #tpu.memory_space<hbm>> -> memref<1x200xi32, #tpu.memory_space<hbm>>
      %dma_start3A_993 = tpu.memref_squeeze %dma_start3A_992 : memref<1x200xi32, #tpu.memory_space<hbm>> -> memref<200xi32, #tpu.memory_space<hbm>>
      %dma_start3A_994 = arith.constant 0 : i32
      %dma_start3A_995 = tpu.memref_slice %arg42[%dma_start3A_994] : memref<208xi32, #tpu.memory_space<vmem>> -> memref<200xi32, #tpu.memory_space<vmem>>
      %dma_start3A_996 = arith.constant 0 : i32
      %dma_start3A_997 = tpu.memref_slice %arg10[%add3A_908, %dma_start3A_996] : memref<4096x200xi32, #tpu.memory_space<hbm>> -> memref<1x200xi32, #tpu.memory_space<hbm>>
      %dma_start3A_998 = tpu.memref_squeeze %dma_start3A_997 : memref<1x200xi32, #tpu.memory_space<hbm>> -> memref<200xi32, #tpu.memory_space<hbm>>
      tpu.enqueue_dma source(%dma_start3A_998 : memref<200xi32, #tpu.memory_space<hbm>>) target(%dma_start3A_995 : memref<200xi32, #tpu.memory_space<vmem>>) target_semaphore(%arg56 : memref<!tpu.dma_semaphore, #tpu.memory_space<semaphore_mem>>)
      %mul3A_999 = arith.constant 4 : i32
      %mul3A_1000 = arith.muli %scan3A_342, %mul3A_999 : i32
      %add3A_1001 = arith.constant 3 : i32
      %add3A_1002 = arith.addi %mul3A_1000, %add3A_1001 : i32
      %dma_wait3A_1003 = arith.constant 0 : i32
      %dma_wait3A_1004 = arith.constant 0 : i32
      %dma_wait3A_1005 = tpu.memref_slice %arg34[%dma_wait3A_1004] : memref<208xi32, #tpu.memory_space<vmem>> -> memref<200xi32, #tpu.memory_space<vmem>>
      %dma_wait3A_1006 = arith.constant 0 : i32
      %dma_wait3A_1007 = tpu.memref_slice %arg2[%dma_wait3A_1003, %dma_wait3A_1006] : memref<4096x200xi32, #tpu.memory_space<hbm>> -> memref<1x200xi32, #tpu.memory_space<hbm>>
      %dma_wait3A_1008 = tpu.memref_squeeze %dma_wait3A_1007 : memref<1x200xi32, #tpu.memory_space<hbm>> -> memref<200xi32, #tpu.memory_space<hbm>>
      %dma_wait3A_1009 = arith.constant 0 : i32
      %dma_wait3A_1010 = tpu.memref_slice %arg34[%dma_wait3A_1009] : memref<208xi32, #tpu.memory_space<vmem>> -> memref<200xi32, #tpu.memory_space<vmem>>
      %dma_wait3A_1011 = arith.constant 0 : i32
      %dma_wait3A_1012 = tpu.memref_slice %arg2[%dma_wait3A_1003, %dma_wait3A_1011] : memref<4096x200xi32, #tpu.memory_space<hbm>> -> memref<1x200xi32, #tpu.memory_space<hbm>>
      %dma_wait3A_1013 = tpu.memref_squeeze %dma_wait3A_1012 : memref<1x200xi32, #tpu.memory_space<hbm>> -> memref<200xi32, #tpu.memory_space<hbm>>
      tpu.wait_dma2 semaphore(%arg56 : memref<!tpu.dma_semaphore, #tpu.memory_space<semaphore_mem>>) src(%dma_wait3A_1013 : memref<200xi32, #tpu.memory_space<hbm>>) dst(%dma_wait3A_1010 : memref<200xi32, #tpu.memory_space<vmem>>)
      %dma_wait3A_1014 = arith.constant 0 : i32
      %dma_wait3A_1015 = arith.constant 0 : i32
      %dma_wait3A_1016 = tpu.memref_slice %arg35[%dma_wait3A_1015] : memref<208xi32, #tpu.memory_space<vmem>> -> memref<200xi32, #tpu.memory_space<vmem>>
      %dma_wait3A_1017 = arith.constant 0 : i32
      %dma_wait3A_1018 = tpu.memref_slice %arg3[%dma_wait3A_1014, %dma_wait3A_1017] : memref<4096x200xi32, #tpu.memory_space<hbm>> -> memref<1x200xi32, #tpu.memory_space<hbm>>
      %dma_wait3A_1019 = tpu.memref_squeeze %dma_wait3A_1018 : memref<1x200xi32, #tpu.memory_space<hbm>> -> memref<200xi32, #tpu.memory_space<hbm>>
      %dma_wait3A_1020 = arith.constant 0 : i32
      %dma_wait3A_1021 = tpu.memref_slice %arg35[%dma_wait3A_1020] : memref<208xi32, #tpu.memory_space<vmem>> -> memref<200xi32, #tpu.memory_space<vmem>>
      %dma_wait3A_1022 = arith.constant 0 : i32
      %dma_wait3A_1023 = tpu.memref_slice %arg3[%dma_wait3A_1014, %dma_wait3A_1022] : memref<4096x200xi32, #tpu.memory_space<hbm>> -> memref<1x200xi32, #tpu.memory_space<hbm>>
      %dma_wait3A_1024 = tpu.memref_squeeze %dma_wait3A_1023 : memref<1x200xi32, #tpu.memory_space<hbm>> -> memref<200xi32, #tpu.memory_space<hbm>>
      tpu.wait_dma2 semaphore(%arg56 : memref<!tpu.dma_semaphore, #tpu.memory_space<semaphore_mem>>) src(%dma_wait3A_1024 : memref<200xi32, #tpu.memory_space<hbm>>) dst(%dma_wait3A_1021 : memref<200xi32, #tpu.memory_space<vmem>>)
      %dma_wait3A_1025 = arith.constant 0 : i32
      %dma_wait3A_1026 = arith.constant 0 : i32
      %dma_wait3A_1027 = tpu.memref_slice %arg36[%dma_wait3A_1026] : memref<208xi32, #tpu.memory_space<vmem>> -> memref<200xi32, #tpu.memory_space<vmem>>
      %dma_wait3A_1028 = arith.constant 0 : i32
      %dma_wait3A_1029 = tpu.memref_slice %arg4[%dma_wait3A_1025, %dma_wait3A_1028] : memref<4096x200xi32, #tpu.memory_space<hbm>> -> memref<1x200xi32, #tpu.memory_space<hbm>>
      %dma_wait3A_1030 = tpu.memref_squeeze %dma_wait3A_1029 : memref<1x200xi32, #tpu.memory_space<hbm>> -> memref<200xi32, #tpu.memory_space<hbm>>
      %dma_wait3A_1031 = arith.constant 0 : i32
      %dma_wait3A_1032 = tpu.memref_slice %arg36[%dma_wait3A_1031] : memref<208xi32, #tpu.memory_space<vmem>> -> memref<200xi32, #tpu.memory_space<vmem>>
      %dma_wait3A_1033 = arith.constant 0 : i32
      %dma_wait3A_1034 = tpu.memref_slice %arg4[%dma_wait3A_1025, %dma_wait3A_1033] : memref<4096x200xi32, #tpu.memory_space<hbm>> -> memref<1x200xi32, #tpu.memory_space<hbm>>
      %dma_wait3A_1035 = tpu.memref_squeeze %dma_wait3A_1034 : memref<1x200xi32, #tpu.memory_space<hbm>> -> memref<200xi32, #tpu.memory_space<hbm>>
      tpu.wait_dma2 semaphore(%arg56 : memref<!tpu.dma_semaphore, #tpu.memory_space<semaphore_mem>>) src(%dma_wait3A_1035 : memref<200xi32, #tpu.memory_space<hbm>>) dst(%dma_wait3A_1032 : memref<200xi32, #tpu.memory_space<vmem>>)
      %dma_wait3A_1036 = arith.constant 0 : i32
      %dma_wait3A_1037 = arith.constant 0 : i32
      %dma_wait3A_1038 = tpu.memref_slice %arg37[%dma_wait3A_1037] : memref<208xi32, #tpu.memory_space<vmem>> -> memref<200xi32, #tpu.memory_space<vmem>>
      %dma_wait3A_1039 = arith.constant 0 : i32
      %dma_wait3A_1040 = tpu.memref_slice %arg5[%dma_wait3A_1036, %dma_wait3A_1039] : memref<4096x200xi32, #tpu.memory_space<hbm>> -> memref<1x200xi32, #tpu.memory_space<hbm>>
      %dma_wait3A_1041 = tpu.memref_squeeze %dma_wait3A_1040 : memref<1x200xi32, #tpu.memory_space<hbm>> -> memref<200xi32, #tpu.memory_space<hbm>>
      %dma_wait3A_1042 = arith.constant 0 : i32
      %dma_wait3A_1043 = tpu.memref_slice %arg37[%dma_wait3A_1042] : memref<208xi32, #tpu.memory_space<vmem>> -> memref<200xi32, #tpu.memory_space<vmem>>
      %dma_wait3A_1044 = arith.constant 0 : i32
      %dma_wait3A_1045 = tpu.memref_slice %arg5[%dma_wait3A_1036, %dma_wait3A_1044] : memref<4096x200xi32, #tpu.memory_space<hbm>> -> memref<1x200xi32, #tpu.memory_space<hbm>>
      %dma_wait3A_1046 = tpu.memref_squeeze %dma_wait3A_1045 : memref<1x200xi32, #tpu.memory_space<hbm>> -> memref<200xi32, #tpu.memory_space<hbm>>
      tpu.wait_dma2 semaphore(%arg56 : memref<!tpu.dma_semaphore, #tpu.memory_space<semaphore_mem>>) src(%dma_wait3A_1046 : memref<200xi32, #tpu.memory_space<hbm>>) dst(%dma_wait3A_1043 : memref<200xi32, #tpu.memory_space<vmem>>)
      %dma_wait3A_1047 = arith.constant 0 : i32
      %dma_wait3A_1048 = arith.constant 0 : i32
      %dma_wait3A_1049 = tpu.memref_slice %arg38[%dma_wait3A_1048] : memref<208xi32, #tpu.memory_space<vmem>> -> memref<200xi32, #tpu.memory_space<vmem>>
      %dma_wait3A_1050 = arith.constant 0 : i32
      %dma_wait3A_1051 = tpu.memref_slice %arg6[%dma_wait3A_1047, %dma_wait3A_1050] : memref<4096x200xi32, #tpu.memory_space<hbm>> -> memref<1x200xi32, #tpu.memory_space<hbm>>
      %dma_wait3A_1052 = tpu.memref_squeeze %dma_wait3A_1051 : memref<1x200xi32, #tpu.memory_space<hbm>> -> memref<200xi32, #tpu.memory_space<hbm>>
      %dma_wait3A_1053 = arith.constant 0 : i32
      %dma_wait3A_1054 = tpu.memref_slice %arg38[%dma_wait3A_1053] : memref<208xi32, #tpu.memory_space<vmem>> -> memref<200xi32, #tpu.memory_space<vmem>>
      %dma_wait3A_1055 = arith.constant 0 : i32
      %dma_wait3A_1056 = tpu.memref_slice %arg6[%dma_wait3A_1047, %dma_wait3A_1055] : memref<4096x200xi32, #tpu.memory_space<hbm>> -> memref<1x200xi32, #tpu.memory_space<hbm>>
      %dma_wait3A_1057 = tpu.memref_squeeze %dma_wait3A_1056 : memref<1x200xi32, #tpu.memory_space<hbm>> -> memref<200xi32, #tpu.memory_space<hbm>>
      tpu.wait_dma2 semaphore(%arg56 : memref<!tpu.dma_semaphore, #tpu.memory_space<semaphore_mem>>) src(%dma_wait3A_1057 : memref<200xi32, #tpu.memory_space<hbm>>) dst(%dma_wait3A_1054 : memref<200xi32, #tpu.memory_space<vmem>>)
      %dma_wait3A_1058 = arith.constant 0 : i32
      %dma_wait3A_1059 = arith.constant 0 : i32
      %dma_wait3A_1060 = tpu.memref_slice %arg39[%dma_wait3A_1059] : memref<208xi32, #tpu.memory_space<vmem>> -> memref<200xi32, #tpu.memory_space<vmem>>
      %dma_wait3A_1061 = arith.constant 0 : i32
      %dma_wait3A_1062 = tpu.memref_slice %arg7[%dma_wait3A_1058, %dma_wait3A_1061] : memref<4096x200xi32, #tpu.memory_space<hbm>> -> memref<1x200xi32, #tpu.memory_space<hbm>>
      %dma_wait3A_1063 = tpu.memref_squeeze %dma_wait3A_1062 : memref<1x200xi32, #tpu.memory_space<hbm>> -> memref<200xi32, #tpu.memory_space<hbm>>
      %dma_wait3A_1064 = arith.constant 0 : i32
      %dma_wait3A_1065 = tpu.memref_slice %arg39[%dma_wait3A_1064] : memref<208xi32, #tpu.memory_space<vmem>> -> memref<200xi32, #tpu.memory_space<vmem>>
      %dma_wait3A_1066 = arith.constant 0 : i32
      %dma_wait3A_1067 = tpu.memref_slice %arg7[%dma_wait3A_1058, %dma_wait3A_1066] : memref<4096x200xi32, #tpu.memory_space<hbm>> -> memref<1x200xi32, #tpu.memory_space<hbm>>
      %dma_wait3A_1068 = tpu.memref_squeeze %dma_wait3A_1067 : memref<1x200xi32, #tpu.memory_space<hbm>> -> memref<200xi32, #tpu.memory_space<hbm>>
      tpu.wait_dma2 semaphore(%arg56 : memref<!tpu.dma_semaphore, #tpu.memory_space<semaphore_mem>>) src(%dma_wait3A_1068 : memref<200xi32, #tpu.memory_space<hbm>>) dst(%dma_wait3A_1065 : memref<200xi32, #tpu.memory_space<vmem>>)
      %dma_wait3A_1069 = arith.constant 0 : i32
      %dma_wait3A_1070 = arith.constant 0 : i32
      %dma_wait3A_1071 = tpu.memref_slice %arg40[%dma_wait3A_1070] : memref<208xi32, #tpu.memory_space<vmem>> -> memref<200xi32, #tpu.memory_space<vmem>>
      %dma_wait3A_1072 = arith.constant 0 : i32
      %dma_wait3A_1073 = tpu.memref_slice %arg8[%dma_wait3A_1069, %dma_wait3A_1072] : memref<4096x200xi32, #tpu.memory_space<hbm>> -> memref<1x200xi32, #tpu.memory_space<hbm>>
      %dma_wait3A_1074 = tpu.memref_squeeze %dma_wait3A_1073 : memref<1x200xi32, #tpu.memory_space<hbm>> -> memref<200xi32, #tpu.memory_space<hbm>>
      %dma_wait3A_1075 = arith.constant 0 : i32
      %dma_wait3A_1076 = tpu.memref_slice %arg40[%dma_wait3A_1075] : memref<208xi32, #tpu.memory_space<vmem>> -> memref<200xi32, #tpu.memory_space<vmem>>
      %dma_wait3A_1077 = arith.constant 0 : i32
      %dma_wait3A_1078 = tpu.memref_slice %arg8[%dma_wait3A_1069, %dma_wait3A_1077] : memref<4096x200xi32, #tpu.memory_space<hbm>> -> memref<1x200xi32, #tpu.memory_space<hbm>>
      %dma_wait3A_1079 = tpu.memref_squeeze %dma_wait3A_1078 : memref<1x200xi32, #tpu.memory_space<hbm>> -> memref<200xi32, #tpu.memory_space<hbm>>
      tpu.wait_dma2 semaphore(%arg56 : memref<!tpu.dma_semaphore, #tpu.memory_space<semaphore_mem>>) src(%dma_wait3A_1079 : memref<200xi32, #tpu.memory_space<hbm>>) dst(%dma_wait3A_1076 : memref<200xi32, #tpu.memory_space<vmem>>)
      %dma_wait3A_1080 = arith.constant 0 : i32
      %dma_wait3A_1081 = arith.constant 0 : i32
      %dma_wait3A_1082 = tpu.memref_slice %arg41[%dma_wait3A_1081] : memref<208xi32, #tpu.memory_space<vmem>> -> memref<200xi32, #tpu.memory_space<vmem>>
      %dma_wait3A_1083 = arith.constant 0 : i32
      %dma_wait3A_1084 = tpu.memref_slice %arg9[%dma_wait3A_1080, %dma_wait3A_1083] : memref<4096x200xi32, #tpu.memory_space<hbm>> -> memref<1x200xi32, #tpu.memory_space<hbm>>
      %dma_wait3A_1085 = tpu.memref_squeeze %dma_wait3A_1084 : memref<1x200xi32, #tpu.memory_space<hbm>> -> memref<200xi32, #tpu.memory_space<hbm>>
      %dma_wait3A_1086 = arith.constant 0 : i32
      %dma_wait3A_1087 = tpu.memref_slice %arg41[%dma_wait3A_1086] : memref<208xi32, #tpu.memory_space<vmem>> -> memref<200xi32, #tpu.memory_space<vmem>>
      %dma_wait3A_1088 = arith.constant 0 : i32
      %dma_wait3A_1089 = tpu.memref_slice %arg9[%dma_wait3A_1080, %dma_wait3A_1088] : memref<4096x200xi32, #tpu.memory_space<hbm>> -> memref<1x200xi32, #tpu.memory_space<hbm>>
      %dma_wait3A_1090 = tpu.memref_squeeze %dma_wait3A_1089 : memref<1x200xi32, #tpu.memory_space<hbm>> -> memref<200xi32, #tpu.memory_space<hbm>>
      tpu.wait_dma2 semaphore(%arg56 : memref<!tpu.dma_semaphore, #tpu.memory_space<semaphore_mem>>) src(%dma_wait3A_1090 : memref<200xi32, #tpu.memory_space<hbm>>) dst(%dma_wait3A_1087 : memref<200xi32, #tpu.memory_space<vmem>>)
      %dma_wait3A_1091 = arith.constant 0 : i32
      %dma_wait3A_1092 = arith.constant 0 : i32
      %dma_wait3A_1093 = tpu.memref_slice %arg42[%dma_wait3A_1092] : memref<208xi32, #tpu.memory_space<vmem>> -> memref<200xi32, #tpu.memory_space<vmem>>
      %dma_wait3A_1094 = arith.constant 0 : i32
      %dma_wait3A_1095 = tpu.memref_slice %arg10[%dma_wait3A_1091, %dma_wait3A_1094] : memref<4096x200xi32, #tpu.memory_space<hbm>> -> memref<1x200xi32, #tpu.memory_space<hbm>>
      %dma_wait3A_1096 = tpu.memref_squeeze %dma_wait3A_1095 : memref<1x200xi32, #tpu.memory_space<hbm>> -> memref<200xi32, #tpu.memory_space<hbm>>
      %dma_wait3A_1097 = arith.constant 0 : i32
      %dma_wait3A_1098 = tpu.memref_slice %arg42[%dma_wait3A_1097] : memref<208xi32, #tpu.memory_space<vmem>> -> memref<200xi32, #tpu.memory_space<vmem>>
      %dma_wait3A_1099 = arith.constant 0 : i32
      %dma_wait3A_1100 = tpu.memref_slice %arg10[%dma_wait3A_1091, %dma_wait3A_1099] : memref<4096x200xi32, #tpu.memory_space<hbm>> -> memref<1x200xi32, #tpu.memory_space<hbm>>
      %dma_wait3A_1101 = tpu.memref_squeeze %dma_wait3A_1100 : memref<1x200xi32, #tpu.memory_space<hbm>> -> memref<200xi32, #tpu.memory_space<hbm>>
      tpu.wait_dma2 semaphore(%arg56 : memref<!tpu.dma_semaphore, #tpu.memory_space<semaphore_mem>>) src(%dma_wait3A_1101 : memref<200xi32, #tpu.memory_space<hbm>>) dst(%dma_wait3A_1098 : memref<200xi32, #tpu.memory_space<vmem>>)
      %scan3A_1102 = arith.constant 0 : i32
      %scan3A_1103 = arith.constant 0 : i32
      %scan3A_1104 = arith.constant 13 : i32
      %scan3A_1105 = arith.addi %scan3A_1103, %scan3A_1104 : i32
      %scan3A_1106 = arith.constant 1 : i32
      scf.for %scan3A_1130 = %scan3A_1103 to %scan3A_1105 step %scan3A_1106  : i32 {
        %mul3A_1131 = arith.constant 16 : i32
        %mul3A_1132 = arith.muli %scan3A_1130, %mul3A_1131 : i32
        %get3A = arith.index_cast %mul3A_1132 : i32 to index
        %get3A_1133 = tpu.vector_load %arg34[%get3A] {strides = array<i32>} : memref<208xi32, #tpu.memory_space<vmem>>, vector<16xi32>,
        %get3A_1134 = arith.index_cast %mul3A_1132 : i32 to index
        %get3A_1135 = tpu.vector_load %arg35[%get3A_1134] {strides = array<i32>} : memref<208xi32, #tpu.memory_space<vmem>>, vector<16xi32>,
        %get3A_1136 = arith.index_cast %mul3A_1132 : i32 to index
        %get3A_1137 = tpu.vector_load %arg36[%get3A_1136] {strides = array<i32>} : memref<208xi32, #tpu.memory_space<vmem>>, vector<16xi32>,
        %get3A_1138 = arith.index_cast %mul3A_1132 : i32 to index
        %get3A_1139 = tpu.vector_load %arg37[%get3A_1138] {strides = array<i32>} : memref<208xi32, #tpu.memory_space<vmem>>, vector<16xi32>,
        %get3A_1140 = arith.index_cast %mul3A_1132 : i32 to index
        %get3A_1141 = tpu.vector_load %arg38[%get3A_1140] {strides = array<i32>} : memref<208xi32, #tpu.memory_space<vmem>>, vector<16xi32>,
        %get3A_1142 = arith.index_cast %mul3A_1132 : i32 to index
        %get3A_1143 = tpu.vector_load %arg39[%get3A_1142] {strides = array<i32>} : memref<208xi32, #tpu.memory_space<vmem>>, vector<16xi32>,
        %get3A_1144 = arith.index_cast %mul3A_1132 : i32 to index
        %get3A_1145 = tpu.vector_load %arg40[%get3A_1144] {strides = array<i32>} : memref<208xi32, #tpu.memory_space<vmem>>, vector<16xi32>,
        %get3A_1146 = arith.index_cast %mul3A_1132 : i32 to index
        %get3A_1147 = tpu.vector_load %arg41[%get3A_1146] {strides = array<i32>} : memref<208xi32, #tpu.memory_space<vmem>>, vector<16xi32>,
        %get3A_1148 = arith.index_cast %mul3A_1132 : i32 to index
        %get3A_1149 = tpu.vector_load %arg42[%get3A_1148] {strides = array<i32>} : memref<208xi32, #tpu.memory_space<vmem>>, vector<16xi32>,
        %mul3A_1150 = arith.constant 19 : i32
        %mul3A_1151 = vector.broadcast %mul3A_1150 : i32 to vector<16xi32>
        %mul3A_1152 = arith.muli %get3A_1133, %mul3A_1151 : vector<16xi32>
        %add3A_1153 = arith.addi %mul3A_1152, %get3A_1135 : vector<16xi32>
        %mul3A_1154 = arith.constant 19 : i32
        %mul3A_1155 = vector.broadcast %mul3A_1154 : i32 to vector<16xi32>
        %mul3A_1156 = arith.muli %add3A_1153, %mul3A_1155 : vector<16xi32>
        %add3A_1157 = arith.addi %mul3A_1156, %get3A_1137 : vector<16xi32>
        %swap3A_1158 = arith.index_cast %mul3A_1132 : i32 to index
        %swap3A_1159 = tpu.vector_load %arg45[%swap3A_1158] {strides = array<i32>} : memref<208xi32, #tpu.memory_space<vmem>>, vector<16xi32>,
        tpu.vector_store %arg45[%swap3A_1158], %add3A_1157 {strides = array<i32>} : memref<208xi32, #tpu.memory_space<vmem>>, vector<16xi32>,
        %mul3A_1160 = arith.constant 2 : i32
        %mul3A_1161 = vector.broadcast %mul3A_1160 : i32 to vector<16xi32>
        %mul3A_1162 = arith.muli %get3A_1139, %mul3A_1161 : vector<16xi32>
        %add3A_1163 = arith.addi %mul3A_1162, %get3A_1141 : vector<16xi32>
        %mul3A_1164 = arith.constant 2 : i32
        %mul3A_1165 = vector.broadcast %mul3A_1164 : i32 to vector<16xi32>
        %mul3A_1166 = arith.muli %add3A_1163, %mul3A_1165 : vector<16xi32>
        %add3A_1167 = arith.addi %mul3A_1166, %get3A_1143 : vector<16xi32>
        %mul3A_1168 = arith.constant 2 : i32
        %mul3A_1169 = vector.broadcast %mul3A_1168 : i32 to vector<16xi32>
        %mul3A_1170 = arith.muli %add3A_1167, %mul3A_1169 : vector<16xi32>
        %add3A_1171 = arith.addi %mul3A_1170, %get3A_1145 : vector<16xi32>
        %mul3A_1172 = arith.constant 2 : i32
        %mul3A_1173 = vector.broadcast %mul3A_1172 : i32 to vector<16xi32>
        %mul3A_1174 = arith.muli %add3A_1171, %mul3A_1173 : vector<16xi32>
        %add3A_1175 = arith.addi %mul3A_1174, %get3A_1147 : vector<16xi32>
        %mul3A_1176 = arith.constant 11 : i32
        %mul3A_1177 = vector.broadcast %mul3A_1176 : i32 to vector<16xi32>
        %mul3A_1178 = arith.muli %add3A_1175, %mul3A_1177 : vector<16xi32>
        %add3A_1179 = arith.addi %mul3A_1178, %get3A_1149 : vector<16xi32>
        %swap3A_1180 = arith.index_cast %mul3A_1132 : i32 to index
        %swap3A_1181 = tpu.vector_load %arg46[%swap3A_1180] {strides = array<i32>} : memref<208xi32, #tpu.memory_space<vmem>>, vector<16xi32>,
        tpu.vector_store %arg46[%swap3A_1180], %add3A_1179 {strides = array<i32>} : memref<208xi32, #tpu.memory_space<vmem>>, vector<16xi32>,
      }
      %scan3A_1107 = arith.constant 13 : i32
      %ge3A_1108 = arith.constant 1 : i32
      %ge3A_1109 = arith.cmpi sge, %scan3A_342, %ge3A_1108 : i32
      %convert_element_type3A_1110 = arith.extui %ge3A_1109 : i1 to i32
      %cond3A_1111 = arith.constant 0 : i32
      %cond3A_1112 = arith.cmpi ne, %convert_element_type3A_1110, %cond3A_1111 : i32
      scf.if %cond3A_1112 {
        %dma_wait3A_1130 = arith.constant 0 : i32
        %dma_wait3A_1131 = arith.constant 0 : i32
        %dma_wait3A_1132 = arith.constant 0 : i32
        %dma_wait3A_1133 = tpu.memref_slice %arg53[%dma_wait3A_1131, %dma_wait3A_1132] : memref<208x48xf32, #tpu.memory_space<vmem>> -> memref<200x48xf32, #tpu.memory_space<vmem>>
        %dma_wait3A_1134 = arith.constant 0 : i32
        %dma_wait3A_1135 = arith.constant 0 : i32
        %dma_wait3A_1136 = tpu.memref_slice %arg20[%dma_wait3A_1130, %dma_wait3A_1134, %dma_wait3A_1135] : memref<4096x200x128xf32, #tpu.memory_space<hbm>> -> memref<1x200x48xf32, #tpu.memory_space<hbm>>
        %dma_wait3A_1137 = tpu.memref_squeeze %dma_wait3A_1136 : memref<1x200x48xf32, #tpu.memory_space<hbm>> -> memref<200x48xf32, #tpu.memory_space<hbm>>
        %dma_wait3A_1138 = arith.constant 0 : i32
        %dma_wait3A_1139 = arith.constant 0 : i32
        %dma_wait3A_1140 = tpu.memref_slice %arg20[%dma_wait3A_1130, %dma_wait3A_1138, %dma_wait3A_1139] : memref<4096x200x128xf32, #tpu.memory_space<hbm>> -> memref<1x200x48xf32, #tpu.memory_space<hbm>>
        %dma_wait3A_1141 = tpu.memref_squeeze %dma_wait3A_1140 : memref<1x200x48xf32, #tpu.memory_space<hbm>> -> memref<200x48xf32, #tpu.memory_space<hbm>>
        %dma_wait3A_1142 = arith.constant 0 : i32
        %dma_wait3A_1143 = arith.constant 0 : i32
        %dma_wait3A_1144 = tpu.memref_slice %arg53[%dma_wait3A_1142, %dma_wait3A_1143] : memref<208x48xf32, #tpu.memory_space<vmem>> -> memref<200x48xf32, #tpu.memory_space<vmem>>
        tpu.wait_dma2 semaphore(%arg64 : memref<!tpu.dma_semaphore, #tpu.memory_space<semaphore_mem>>) src(%dma_wait3A_1144 : memref<200x48xf32, #tpu.memory_space<vmem>>) dst(%dma_wait3A_1141 : memref<200x48xf32, #tpu.memory_space<hbm>>)
        %dma_wait3A_1145 = arith.constant 0 : i32
        %dma_wait3A_1146 = arith.constant 0 : i32
        %dma_wait3A_1147 = arith.constant 0 : i32
        %dma_wait3A_1148 = tpu.memref_slice %arg54[%dma_wait3A_1146, %dma_wait3A_1147] : memref<208x48xf32, #tpu.memory_space<vmem>> -> memref<200x48xf32, #tpu.memory_space<vmem>>
        %dma_wait3A_1149 = arith.constant 0 : i32
        %dma_wait3A_1150 = arith.constant 48 : i32
        %dma_wait3A_1151 = tpu.memref_slice %arg20[%dma_wait3A_1145, %dma_wait3A_1149, %dma_wait3A_1150] : memref<4096x200x128xf32, #tpu.memory_space<hbm>> -> memref<1x200x48xf32, #tpu.memory_space<hbm>>
        %dma_wait3A_1152 = tpu.memref_squeeze %dma_wait3A_1151 : memref<1x200x48xf32, #tpu.memory_space<hbm>> -> memref<200x48xf32, #tpu.memory_space<hbm>>
        %dma_wait3A_1153 = arith.constant 0 : i32
        %dma_wait3A_1154 = arith.constant 48 : i32
        %dma_wait3A_1155 = tpu.memref_slice %arg20[%dma_wait3A_1145, %dma_wait3A_1153, %dma_wait3A_1154] : memref<4096x200x128xf32, #tpu.memory_space<hbm>> -> memref<1x200x48xf32, #tpu.memory_space<hbm>>
        %dma_wait3A_1156 = tpu.memref_squeeze %dma_wait3A_1155 : memref<1x200x48xf32, #tpu.memory_space<hbm>> -> memref<200x48xf32, #tpu.memory_space<hbm>>
        %dma_wait3A_1157 = arith.constant 0 : i32
        %dma_wait3A_1158 = arith.constant 0 : i32
        %dma_wait3A_1159 = tpu.memref_slice %arg54[%dma_wait3A_1157, %dma_wait3A_1158] : memref<208x48xf32, #tpu.memory_space<vmem>> -> memref<200x48xf32, #tpu.memory_space<vmem>>
        tpu.wait_dma2 semaphore(%arg64 : memref<!tpu.dma_semaphore, #tpu.memory_space<semaphore_mem>>) src(%dma_wait3A_1159 : memref<200x48xf32, #tpu.memory_space<vmem>>) dst(%dma_wait3A_1156 : memref<200x48xf32, #tpu.memory_space<hbm>>)
      } else {
      }
      %dma_start3A_1113 = arith.constant 0 : i32
      %dma_start3A_1114 = arith.constant 0 : i32
      %dma_start3A_1115 = tpu.memref_slice %arg21[%dma_start3A_1113, %dma_start3A_1114] : memref<1083x48xf32, #tpu.memory_space<vmem_shared>> -> memref<1083x48xf32, #tpu.memory_space<vmem_shared>>
      tpu.enqueue_indirect_dma source(%dma_start3A_1115 : memref<1083x48xf32, #tpu.memory_space<vmem_shared>>) target(%arg53 : memref<208x48xf32, #tpu.memory_space<vmem>>) offsets(%arg45 : memref<208xi32, #tpu.memory_space<vmem>>) semaphore(%arg60 : memref<!tpu.dma_semaphore, #tpu.memory_space<semaphore_mem>>)
      %dma_start3A_1116 = arith.constant 0 : i32
      %dma_start3A_1117 = arith.constant 0 : i32
      %dma_start3A_1118 = tpu.memref_slice %arg22[%dma_start3A_1116, %dma_start3A_1117] : memref<528x48xf32, #tpu.memory_space<vmem_shared>> -> memref<528x48xf32, #tpu.memory_space<vmem_shared>>
      tpu.enqueue_indirect_dma source(%dma_start3A_1118 : memref<528x48xf32, #tpu.memory_space<vmem_shared>>) target(%arg54 : memref<208x48xf32, #tpu.memory_space<vmem>>) offsets(%arg46 : memref<208xi32, #tpu.memory_space<vmem>>) semaphore(%arg60 : memref<!tpu.dma_semaphore, #tpu.memory_space<semaphore_mem>>)
      %ge3A_1119 = arith.constant 1 : i32
      %ge3A_1120 = arith.cmpi sge, %scan3A_342, %ge3A_1119 : i32
      %or3A_1121 = arith.constant true
      %or3A_1122 = arith.ori %ge3A_1120, %or3A_1121 : i1
      %convert_element_type3A_1123 = arith.extui %or3A_1122 : i1 to i32
      %cond3A_1124 = arith.constant 0 : i32
      %cond3A_1125 = arith.cmpi ne, %convert_element_type3A_1123, %cond3A_1124 : i32
      scf.if %cond3A_1125 {
        %dma_wait3A_1130 = arith.constant 0 : i32
        %dma_wait3A_1131 = arith.constant 0 : i32
        %dma_wait3A_1132 = tpu.memref_slice %arg21[%dma_wait3A_1130, %dma_wait3A_1131] : memref<1083x48xf32, #tpu.memory_space<vmem_shared>> -> memref<1083x48xf32, #tpu.memory_space<vmem_shared>>
        tpu.wait_indirect_dma semaphore(%arg59 : memref<!tpu.dma_semaphore, #tpu.memory_space<semaphore_mem>>) src(%dma_wait3A_1132 : memref<1083x48xf32, #tpu.memory_space<vmem_shared>>) dst(%arg51 : memref<208x48xf32, #tpu.memory_space<vmem>>)
        %dma_wait3A_1133 = arith.constant 0 : i32
        %dma_wait3A_1134 = arith.constant 0 : i32
        %dma_wait3A_1135 = tpu.memref_slice %arg22[%dma_wait3A_1133, %dma_wait3A_1134] : memref<528x48xf32, #tpu.memory_space<vmem_shared>> -> memref<528x48xf32, #tpu.memory_space<vmem_shared>>
        tpu.wait_indirect_dma semaphore(%arg59 : memref<!tpu.dma_semaphore, #tpu.memory_space<semaphore_mem>>) src(%dma_wait3A_1135 : memref<528x48xf32, #tpu.memory_space<vmem_shared>>) dst(%arg52 : memref<208x48xf32, #tpu.memory_space<vmem>>)
        %sub3A_1136 = arith.constant 1 : i32
        %sub3A_1137 = arith.subi %add3A_1002, %sub3A_1136 : i32
        %add3A_1138 = arith.addi %mul3A_2, %sub3A_1137 : i32
        %dma_start3A_1139 = arith.constant 0 : i32
        %dma_start3A_1140 = arith.constant 0 : i32
        %dma_start3A_1141 = tpu.memref_slice %arg51[%dma_start3A_1139, %dma_start3A_1140] : memref<208x48xf32, #tpu.memory_space<vmem>> -> memref<200x48xf32, #tpu.memory_space<vmem>>
        %dma_start3A_1142 = arith.constant 0 : i32
        %dma_start3A_1143 = arith.constant 0 : i32
        %dma_start3A_1144 = tpu.memref_slice %arg20[%add3A_1138, %dma_start3A_1142, %dma_start3A_1143] : memref<4096x200x128xf32, #tpu.memory_space<hbm>> -> memref<1x200x48xf32, #tpu.memory_space<hbm>>
        %dma_start3A_1145 = tpu.memref_squeeze %dma_start3A_1144 : memref<1x200x48xf32, #tpu.memory_space<hbm>> -> memref<200x48xf32, #tpu.memory_space<hbm>>
        %dma_start3A_1146 = arith.constant 0 : i32
        %dma_start3A_1147 = arith.constant 0 : i32
        %dma_start3A_1148 = tpu.memref_slice %arg20[%add3A_1138, %dma_start3A_1146, %dma_start3A_1147] : memref<4096x200x128xf32, #tpu.memory_space<hbm>> -> memref<1x200x48xf32, #tpu.memory_space<hbm>>
        %dma_start3A_1149 = tpu.memref_squeeze %dma_start3A_1148 : memref<1x200x48xf32, #tpu.memory_space<hbm>> -> memref<200x48xf32, #tpu.memory_space<hbm>>
        %dma_start3A_1150 = arith.constant 0 : i32
        %dma_start3A_1151 = arith.constant 0 : i32
        %dma_start3A_1152 = tpu.memref_slice %arg51[%dma_start3A_1150, %dma_start3A_1151] : memref<208x48xf32, #tpu.memory_space<vmem>> -> memref<200x48xf32, #tpu.memory_space<vmem>>
        tpu.enqueue_dma source(%dma_start3A_1152 : memref<200x48xf32, #tpu.memory_space<vmem>>) target(%dma_start3A_1149 : memref<200x48xf32, #tpu.memory_space<hbm>>) target_semaphore(%arg63 : memref<!tpu.dma_semaphore, #tpu.memory_space<semaphore_mem>>)
        %dma_start3A_1153 = arith.constant 0 : i32
        %dma_start3A_1154 = arith.constant 0 : i32
        %dma_start3A_1155 = tpu.memref_slice %arg52[%dma_start3A_1153, %dma_start3A_1154] : memref<208x48xf32, #tpu.memory_space<vmem>> -> memref<200x48xf32, #tpu.memory_space<vmem>>
        %dma_start3A_1156 = arith.constant 0 : i32
        %dma_start3A_1157 = arith.constant 48 : i32
        %dma_start3A_1158 = tpu.memref_slice %arg20[%add3A_1138, %dma_start3A_1156, %dma_start3A_1157] : memref<4096x200x128xf32, #tpu.memory_space<hbm>> -> memref<1x200x48xf32, #tpu.memory_space<hbm>>
        %dma_start3A_1159 = tpu.memref_squeeze %dma_start3A_1158 : memref<1x200x48xf32, #tpu.memory_space<hbm>> -> memref<200x48xf32, #tpu.memory_space<hbm>>
        %dma_start3A_1160 = arith.constant 0 : i32
        %dma_start3A_1161 = arith.constant 48 : i32
        %dma_start3A_1162 = tpu.memref_slice %arg20[%add3A_1138, %dma_start3A_1160, %dma_start3A_1161] : memref<4096x200x128xf32, #tpu.memory_space<hbm>> -> memref<1x200x48xf32, #tpu.memory_space<hbm>>
        %dma_start3A_1163 = tpu.memref_squeeze %dma_start3A_1162 : memref<1x200x48xf32, #tpu.memory_space<hbm>> -> memref<200x48xf32, #tpu.memory_space<hbm>>
        %dma_start3A_1164 = arith.constant 0 : i32
        %dma_start3A_1165 = arith.constant 0 : i32
        %dma_start3A_1166 = tpu.memref_slice %arg52[%dma_start3A_1164, %dma_start3A_1165] : memref<208x48xf32, #tpu.memory_space<vmem>> -> memref<200x48xf32, #tpu.memory_space<vmem>>
        tpu.enqueue_dma source(%dma_start3A_1166 : memref<200x48xf32, #tpu.memory_space<vmem>>) target(%dma_start3A_1163 : memref<200x48xf32, #tpu.memory_space<hbm>>) target_semaphore(%arg63 : memref<!tpu.dma_semaphore, #tpu.memory_space<semaphore_mem>>)
      } else {
      }
      %lt3A = arith.constant 31 : i32
      %lt3A_1126 = arith.cmpi slt, %scan3A_342, %lt3A : i32
      %convert_element_type3A_1127 = arith.extui %lt3A_1126 : i1 to i32
      %cond3A_1128 = arith.constant 0 : i32
      %cond3A_1129 = arith.cmpi ne, %convert_element_type3A_1127, %cond3A_1128 : i32
      scf.if %cond3A_1129 {
        %add3A_1130 = arith.constant 1 : i32
        %add3A_1131 = arith.addi %add3A_1002, %add3A_1130 : i32
        %add3A_1132 = arith.addi %mul3A_2, %add3A_1131 : i32
        %dma_start3A_1133 = arith.constant 0 : i32
        %dma_start3A_1134 = tpu.memref_slice %arg25[%dma_start3A_1133] : memref<208xi32, #tpu.memory_space<vmem>> -> memref<200xi32, #tpu.memory_space<vmem>>
        %dma_start3A_1135 = arith.constant 0 : i32
        %dma_start3A_1136 = tpu.memref_slice %arg2[%add3A_1132, %dma_start3A_1135] : memref<4096x200xi32, #tpu.memory_space<hbm>> -> memref<1x200xi32, #tpu.memory_space<hbm>>
        %dma_start3A_1137 = tpu.memref_squeeze %dma_start3A_1136 : memref<1x200xi32, #tpu.memory_space<hbm>> -> memref<200xi32, #tpu.memory_space<hbm>>
        %dma_start3A_1138 = arith.constant 0 : i32
        %dma_start3A_1139 = tpu.memref_slice %arg25[%dma_start3A_1138] : memref<208xi32, #tpu.memory_space<vmem>> -> memref<200xi32, #tpu.memory_space<vmem>>
        %dma_start3A_1140 = arith.constant 0 : i32
        %dma_start3A_1141 = tpu.memref_slice %arg2[%add3A_1132, %dma_start3A_1140] : memref<4096x200xi32, #tpu.memory_space<hbm>> -> memref<1x200xi32, #tpu.memory_space<hbm>>
        %dma_start3A_1142 = tpu.memref_squeeze %dma_start3A_1141 : memref<1x200xi32, #tpu.memory_space<hbm>> -> memref<200xi32, #tpu.memory_space<hbm>>
        tpu.enqueue_dma source(%dma_start3A_1142 : memref<200xi32, #tpu.memory_space<hbm>>) target(%dma_start3A_1139 : memref<200xi32, #tpu.memory_space<vmem>>) target_semaphore(%arg55 : memref<!tpu.dma_semaphore, #tpu.memory_space<semaphore_mem>>)
        %dma_start3A_1143 = arith.constant 0 : i32
        %dma_start3A_1144 = tpu.memref_slice %arg26[%dma_start3A_1143] : memref<208xi32, #tpu.memory_space<vmem>> -> memref<200xi32, #tpu.memory_space<vmem>>
        %dma_start3A_1145 = arith.constant 0 : i32
        %dma_start3A_1146 = tpu.memref_slice %arg3[%add3A_1132, %dma_start3A_1145] : memref<4096x200xi32, #tpu.memory_space<hbm>> -> memref<1x200xi32, #tpu.memory_space<hbm>>
        %dma_start3A_1147 = tpu.memref_squeeze %dma_start3A_1146 : memref<1x200xi32, #tpu.memory_space<hbm>> -> memref<200xi32, #tpu.memory_space<hbm>>
        %dma_start3A_1148 = arith.constant 0 : i32
        %dma_start3A_1149 = tpu.memref_slice %arg26[%dma_start3A_1148] : memref<208xi32, #tpu.memory_space<vmem>> -> memref<200xi32, #tpu.memory_space<vmem>>
        %dma_start3A_1150 = arith.constant 0 : i32
        %dma_start3A_1151 = tpu.memref_slice %arg3[%add3A_1132, %dma_start3A_1150] : memref<4096x200xi32, #tpu.memory_space<hbm>> -> memref<1x200xi32, #tpu.memory_space<hbm>>
        %dma_start3A_1152 = tpu.memref_squeeze %dma_start3A_1151 : memref<1x200xi32, #tpu.memory_space<hbm>> -> memref<200xi32, #tpu.memory_space<hbm>>
        tpu.enqueue_dma source(%dma_start3A_1152 : memref<200xi32, #tpu.memory_space<hbm>>) target(%dma_start3A_1149 : memref<200xi32, #tpu.memory_space<vmem>>) target_semaphore(%arg55 : memref<!tpu.dma_semaphore, #tpu.memory_space<semaphore_mem>>)
        %dma_start3A_1153 = arith.constant 0 : i32
        %dma_start3A_1154 = tpu.memref_slice %arg27[%dma_start3A_1153] : memref<208xi32, #tpu.memory_space<vmem>> -> memref<200xi32, #tpu.memory_space<vmem>>
        %dma_start3A_1155 = arith.constant 0 : i32
        %dma_start3A_1156 = tpu.memref_slice %arg4[%add3A_1132, %dma_start3A_1155] : memref<4096x200xi32, #tpu.memory_space<hbm>> -> memref<1x200xi32, #tpu.memory_space<hbm>>
        %dma_start3A_1157 = tpu.memref_squeeze %dma_start3A_1156 : memref<1x200xi32, #tpu.memory_space<hbm>> -> memref<200xi32, #tpu.memory_space<hbm>>
        %dma_start3A_1158 = arith.constant 0 : i32
        %dma_start3A_1159 = tpu.memref_slice %arg27[%dma_start3A_1158] : memref<208xi32, #tpu.memory_space<vmem>> -> memref<200xi32, #tpu.memory_space<vmem>>
        %dma_start3A_1160 = arith.constant 0 : i32
        %dma_start3A_1161 = tpu.memref_slice %arg4[%add3A_1132, %dma_start3A_1160] : memref<4096x200xi32, #tpu.memory_space<hbm>> -> memref<1x200xi32, #tpu.memory_space<hbm>>
        %dma_start3A_1162 = tpu.memref_squeeze %dma_start3A_1161 : memref<1x200xi32, #tpu.memory_space<hbm>> -> memref<200xi32, #tpu.memory_space<hbm>>
        tpu.enqueue_dma source(%dma_start3A_1162 : memref<200xi32, #tpu.memory_space<hbm>>) target(%dma_start3A_1159 : memref<200xi32, #tpu.memory_space<vmem>>) target_semaphore(%arg55 : memref<!tpu.dma_semaphore, #tpu.memory_space<semaphore_mem>>)
        %dma_start3A_1163 = arith.constant 0 : i32
        %dma_start3A_1164 = tpu.memref_slice %arg28[%dma_start3A_1163] : memref<208xi32, #tpu.memory_space<vmem>> -> memref<200xi32, #tpu.memory_space<vmem>>
        %dma_start3A_1165 = arith.constant 0 : i32
        %dma_start3A_1166 = tpu.memref_slice %arg5[%add3A_1132, %dma_start3A_1165] : memref<4096x200xi32, #tpu.memory_space<hbm>> -> memref<1x200xi32, #tpu.memory_space<hbm>>
        %dma_start3A_1167 = tpu.memref_squeeze %dma_start3A_1166 : memref<1x200xi32, #tpu.memory_space<hbm>> -> memref<200xi32, #tpu.memory_space<hbm>>
        %dma_start3A_1168 = arith.constant 0 : i32
        %dma_start3A_1169 = tpu.memref_slice %arg28[%dma_start3A_1168] : memref<208xi32, #tpu.memory_space<vmem>> -> memref<200xi32, #tpu.memory_space<vmem>>
        %dma_start3A_1170 = arith.constant 0 : i32
        %dma_start3A_1171 = tpu.memref_slice %arg5[%add3A_1132, %dma_start3A_1170] : memref<4096x200xi32, #tpu.memory_space<hbm>> -> memref<1x200xi32, #tpu.memory_space<hbm>>
        %dma_start3A_1172 = tpu.memref_squeeze %dma_start3A_1171 : memref<1x200xi32, #tpu.memory_space<hbm>> -> memref<200xi32, #tpu.memory_space<hbm>>
        tpu.enqueue_dma source(%dma_start3A_1172 : memref<200xi32, #tpu.memory_space<hbm>>) target(%dma_start3A_1169 : memref<200xi32, #tpu.memory_space<vmem>>) target_semaphore(%arg55 : memref<!tpu.dma_semaphore, #tpu.memory_space<semaphore_mem>>)
        %dma_start3A_1173 = arith.constant 0 : i32
        %dma_start3A_1174 = tpu.memref_slice %arg29[%dma_start3A_1173] : memref<208xi32, #tpu.memory_space<vmem>> -> memref<200xi32, #tpu.memory_space<vmem>>
        %dma_start3A_1175 = arith.constant 0 : i32
        %dma_start3A_1176 = tpu.memref_slice %arg6[%add3A_1132, %dma_start3A_1175] : memref<4096x200xi32, #tpu.memory_space<hbm>> -> memref<1x200xi32, #tpu.memory_space<hbm>>
        %dma_start3A_1177 = tpu.memref_squeeze %dma_start3A_1176 : memref<1x200xi32, #tpu.memory_space<hbm>> -> memref<200xi32, #tpu.memory_space<hbm>>
        %dma_start3A_1178 = arith.constant 0 : i32
        %dma_start3A_1179 = tpu.memref_slice %arg29[%dma_start3A_1178] : memref<208xi32, #tpu.memory_space<vmem>> -> memref<200xi32, #tpu.memory_space<vmem>>
        %dma_start3A_1180 = arith.constant 0 : i32
        %dma_start3A_1181 = tpu.memref_slice %arg6[%add3A_1132, %dma_start3A_1180] : memref<4096x200xi32, #tpu.memory_space<hbm>> -> memref<1x200xi32, #tpu.memory_space<hbm>>
        %dma_start3A_1182 = tpu.memref_squeeze %dma_start3A_1181 : memref<1x200xi32, #tpu.memory_space<hbm>> -> memref<200xi32, #tpu.memory_space<hbm>>
        tpu.enqueue_dma source(%dma_start3A_1182 : memref<200xi32, #tpu.memory_space<hbm>>) target(%dma_start3A_1179 : memref<200xi32, #tpu.memory_space<vmem>>) target_semaphore(%arg55 : memref<!tpu.dma_semaphore, #tpu.memory_space<semaphore_mem>>)
        %dma_start3A_1183 = arith.constant 0 : i32
        %dma_start3A_1184 = tpu.memref_slice %arg30[%dma_start3A_1183] : memref<208xi32, #tpu.memory_space<vmem>> -> memref<200xi32, #tpu.memory_space<vmem>>
        %dma_start3A_1185 = arith.constant 0 : i32
        %dma_start3A_1186 = tpu.memref_slice %arg7[%add3A_1132, %dma_start3A_1185] : memref<4096x200xi32, #tpu.memory_space<hbm>> -> memref<1x200xi32, #tpu.memory_space<hbm>>
        %dma_start3A_1187 = tpu.memref_squeeze %dma_start3A_1186 : memref<1x200xi32, #tpu.memory_space<hbm>> -> memref<200xi32, #tpu.memory_space<hbm>>
        %dma_start3A_1188 = arith.constant 0 : i32
        %dma_start3A_1189 = tpu.memref_slice %arg30[%dma_start3A_1188] : memref<208xi32, #tpu.memory_space<vmem>> -> memref<200xi32, #tpu.memory_space<vmem>>
        %dma_start3A_1190 = arith.constant 0 : i32
        %dma_start3A_1191 = tpu.memref_slice %arg7[%add3A_1132, %dma_start3A_1190] : memref<4096x200xi32, #tpu.memory_space<hbm>> -> memref<1x200xi32, #tpu.memory_space<hbm>>
        %dma_start3A_1192 = tpu.memref_squeeze %dma_start3A_1191 : memref<1x200xi32, #tpu.memory_space<hbm>> -> memref<200xi32, #tpu.memory_space<hbm>>
        tpu.enqueue_dma source(%dma_start3A_1192 : memref<200xi32, #tpu.memory_space<hbm>>) target(%dma_start3A_1189 : memref<200xi32, #tpu.memory_space<vmem>>) target_semaphore(%arg55 : memref<!tpu.dma_semaphore, #tpu.memory_space<semaphore_mem>>)
        %dma_start3A_1193 = arith.constant 0 : i32
        %dma_start3A_1194 = tpu.memref_slice %arg31[%dma_start3A_1193] : memref<208xi32, #tpu.memory_space<vmem>> -> memref<200xi32, #tpu.memory_space<vmem>>
        %dma_start3A_1195 = arith.constant 0 : i32
        %dma_start3A_1196 = tpu.memref_slice %arg8[%add3A_1132, %dma_start3A_1195] : memref<4096x200xi32, #tpu.memory_space<hbm>> -> memref<1x200xi32, #tpu.memory_space<hbm>>
        %dma_start3A_1197 = tpu.memref_squeeze %dma_start3A_1196 : memref<1x200xi32, #tpu.memory_space<hbm>> -> memref<200xi32, #tpu.memory_space<hbm>>
        %dma_start3A_1198 = arith.constant 0 : i32
        %dma_start3A_1199 = tpu.memref_slice %arg31[%dma_start3A_1198] : memref<208xi32, #tpu.memory_space<vmem>> -> memref<200xi32, #tpu.memory_space<vmem>>
        %dma_start3A_1200 = arith.constant 0 : i32
        %dma_start3A_1201 = tpu.memref_slice %arg8[%add3A_1132, %dma_start3A_1200] : memref<4096x200xi32, #tpu.memory_space<hbm>> -> memref<1x200xi32, #tpu.memory_space<hbm>>
        %dma_start3A_1202 = tpu.memref_squeeze %dma_start3A_1201 : memref<1x200xi32, #tpu.memory_space<hbm>> -> memref<200xi32, #tpu.memory_space<hbm>>
        tpu.enqueue_dma source(%dma_start3A_1202 : memref<200xi32, #tpu.memory_space<hbm>>) target(%dma_start3A_1199 : memref<200xi32, #tpu.memory_space<vmem>>) target_semaphore(%arg55 : memref<!tpu.dma_semaphore, #tpu.memory_space<semaphore_mem>>)
        %dma_start3A_1203 = arith.constant 0 : i32
        %dma_start3A_1204 = tpu.memref_slice %arg32[%dma_start3A_1203] : memref<208xi32, #tpu.memory_space<vmem>> -> memref<200xi32, #tpu.memory_space<vmem>>
        %dma_start3A_1205 = arith.constant 0 : i32
        %dma_start3A_1206 = tpu.memref_slice %arg9[%add3A_1132, %dma_start3A_1205] : memref<4096x200xi32, #tpu.memory_space<hbm>> -> memref<1x200xi32, #tpu.memory_space<hbm>>
        %dma_start3A_1207 = tpu.memref_squeeze %dma_start3A_1206 : memref<1x200xi32, #tpu.memory_space<hbm>> -> memref<200xi32, #tpu.memory_space<hbm>>
        %dma_start3A_1208 = arith.constant 0 : i32
        %dma_start3A_1209 = tpu.memref_slice %arg32[%dma_start3A_1208] : memref<208xi32, #tpu.memory_space<vmem>> -> memref<200xi32, #tpu.memory_space<vmem>>
        %dma_start3A_1210 = arith.constant 0 : i32
        %dma_start3A_1211 = tpu.memref_slice %arg9[%add3A_1132, %dma_start3A_1210] : memref<4096x200xi32, #tpu.memory_space<hbm>> -> memref<1x200xi32, #tpu.memory_space<hbm>>
        %dma_start3A_1212 = tpu.memref_squeeze %dma_start3A_1211 : memref<1x200xi32, #tpu.memory_space<hbm>> -> memref<200xi32, #tpu.memory_space<hbm>>
        tpu.enqueue_dma source(%dma_start3A_1212 : memref<200xi32, #tpu.memory_space<hbm>>) target(%dma_start3A_1209 : memref<200xi32, #tpu.memory_space<vmem>>) target_semaphore(%arg55 : memref<!tpu.dma_semaphore, #tpu.memory_space<semaphore_mem>>)
        %dma_start3A_1213 = arith.constant 0 : i32
        %dma_start3A_1214 = tpu.memref_slice %arg33[%dma_start3A_1213] : memref<208xi32, #tpu.memory_space<vmem>> -> memref<200xi32, #tpu.memory_space<vmem>>
        %dma_start3A_1215 = arith.constant 0 : i32
        %dma_start3A_1216 = tpu.memref_slice %arg10[%add3A_1132, %dma_start3A_1215] : memref<4096x200xi32, #tpu.memory_space<hbm>> -> memref<1x200xi32, #tpu.memory_space<hbm>>
        %dma_start3A_1217 = tpu.memref_squeeze %dma_start3A_1216 : memref<1x200xi32, #tpu.memory_space<hbm>> -> memref<200xi32, #tpu.memory_space<hbm>>
        %dma_start3A_1218 = arith.constant 0 : i32
        %dma_start3A_1219 = tpu.memref_slice %arg33[%dma_start3A_1218] : memref<208xi32, #tpu.memory_space<vmem>> -> memref<200xi32, #tpu.memory_space<vmem>>
        %dma_start3A_1220 = arith.constant 0 : i32
        %dma_start3A_1221 = tpu.memref_slice %arg10[%add3A_1132, %dma_start3A_1220] : memref<4096x200xi32, #tpu.memory_space<hbm>> -> memref<1x200xi32, #tpu.memory_space<hbm>>
        %dma_start3A_1222 = tpu.memref_squeeze %dma_start3A_1221 : memref<1x200xi32, #tpu.memory_space<hbm>> -> memref<200xi32, #tpu.memory_space<hbm>>
        tpu.enqueue_dma source(%dma_start3A_1222 : memref<200xi32, #tpu.memory_space<hbm>>) target(%dma_start3A_1219 : memref<200xi32, #tpu.memory_space<vmem>>) target_semaphore(%arg55 : memref<!tpu.dma_semaphore, #tpu.memory_space<semaphore_mem>>)
      } else {
      }
    }
    %scan3A_186 = arith.constant 32 : i32
    %dma_wait3A = arith.constant 0 : i32
    %dma_wait3A_187 = arith.constant 0 : i32
    %dma_wait3A_188 = tpu.memref_slice %arg21[%dma_wait3A, %dma_wait3A_187] : memref<1083x48xf32, #tpu.memory_space<vmem_shared>> -> memref<1083x48xf32, #tpu.memory_space<vmem_shared>>
    tpu.wait_indirect_dma semaphore(%arg60 : memref<!tpu.dma_semaphore, #tpu.memory_space<semaphore_mem>>) src(%dma_wait3A_188 : memref<1083x48xf32, #tpu.memory_space<vmem_shared>>) dst(%arg53 : memref<208x48xf32, #tpu.memory_space<vmem>>)
    %dma_wait3A_189 = arith.constant 0 : i32
    %dma_wait3A_190 = arith.constant 0 : i32
    %dma_wait3A_191 = tpu.memref_slice %arg22[%dma_wait3A_189, %dma_wait3A_190] : memref<528x48xf32, #tpu.memory_space<vmem_shared>> -> memref<528x48xf32, #tpu.memory_space<vmem_shared>>
    tpu.wait_indirect_dma semaphore(%arg60 : memref<!tpu.dma_semaphore, #tpu.memory_space<semaphore_mem>>) src(%dma_wait3A_191 : memref<528x48xf32, #tpu.memory_space<vmem_shared>>) dst(%arg54 : memref<208x48xf32, #tpu.memory_space<vmem>>)
    %add3A_192 = arith.constant 127 : i32
    %add3A_193 = arith.addi %mul3A_2, %add3A_192 : i32
    %dma_start3A_194 = arith.constant 0 : i32
    %dma_start3A_195 = arith.constant 0 : i32
    %dma_start3A_196 = tpu.memref_slice %arg53[%dma_start3A_194, %dma_start3A_195] : memref<208x48xf32, #tpu.memory_space<vmem>> -> memref<200x48xf32, #tpu.memory_space<vmem>>
    %dma_start3A_197 = arith.constant 0 : i32
    %dma_start3A_198 = arith.constant 0 : i32
    %dma_start3A_199 = tpu.memref_slice %arg20[%add3A_193, %dma_start3A_197, %dma_start3A_198] : memref<4096x200x128xf32, #tpu.memory_space<hbm>> -> memref<1x200x48xf32, #tpu.memory_space<hbm>>
    %dma_start3A_200 = tpu.memref_squeeze %dma_start3A_199 : memref<1x200x48xf32, #tpu.memory_space<hbm>> -> memref<200x48xf32, #tpu.memory_space<hbm>>
    %dma_start3A_201 = arith.constant 0 : i32
    %dma_start3A_202 = arith.constant 0 : i32
    %dma_start3A_203 = tpu.memref_slice %arg20[%add3A_193, %dma_start3A_201, %dma_start3A_202] : memref<4096x200x128xf32, #tpu.memory_space<hbm>> -> memref<1x200x48xf32, #tpu.memory_space<hbm>>
    %dma_start3A_204 = tpu.memref_squeeze %dma_start3A_203 : memref<1x200x48xf32, #tpu.memory_space<hbm>> -> memref<200x48xf32, #tpu.memory_space<hbm>>
    %dma_start3A_205 = arith.constant 0 : i32
    %dma_start3A_206 = arith.constant 0 : i32
    %dma_start3A_207 = tpu.memref_slice %arg53[%dma_start3A_205, %dma_start3A_206] : memref<208x48xf32, #tpu.memory_space<vmem>> -> memref<200x48xf32, #tpu.memory_space<vmem>>
    tpu.enqueue_dma source(%dma_start3A_207 : memref<200x48xf32, #tpu.memory_space<vmem>>) target(%dma_start3A_204 : memref<200x48xf32, #tpu.memory_space<hbm>>) target_semaphore(%arg64 : memref<!tpu.dma_semaphore, #tpu.memory_space<semaphore_mem>>)
    %dma_start3A_208 = arith.constant 0 : i32
    %dma_start3A_209 = arith.constant 0 : i32
    %dma_start3A_210 = tpu.memref_slice %arg54[%dma_start3A_208, %dma_start3A_209] : memref<208x48xf32, #tpu.memory_space<vmem>> -> memref<200x48xf32, #tpu.memory_space<vmem>>
    %dma_start3A_211 = arith.constant 0 : i32
    %dma_start3A_212 = arith.constant 48 : i32
    %dma_start3A_213 = tpu.memref_slice %arg20[%add3A_193, %dma_start3A_211, %dma_start3A_212] : memref<4096x200x128xf32, #tpu.memory_space<hbm>> -> memref<1x200x48xf32, #tpu.memory_space<hbm>>
    %dma_start3A_214 = tpu.memref_squeeze %dma_start3A_213 : memref<1x200x48xf32, #tpu.memory_space<hbm>> -> memref<200x48xf32, #tpu.memory_space<hbm>>
    %dma_start3A_215 = arith.constant 0 : i32
    %dma_start3A_216 = arith.constant 48 : i32
    %dma_start3A_217 = tpu.memref_slice %arg20[%add3A_193, %dma_start3A_215, %dma_start3A_216] : memref<4096x200x128xf32, #tpu.memory_space<hbm>> -> memref<1x200x48xf32, #tpu.memory_space<hbm>>
    %dma_start3A_218 = tpu.memref_squeeze %dma_start3A_217 : memref<1x200x48xf32, #tpu.memory_space<hbm>> -> memref<200x48xf32, #tpu.memory_space<hbm>>
    %dma_start3A_219 = arith.constant 0 : i32
    %dma_start3A_220 = arith.constant 0 : i32
    %dma_start3A_221 = tpu.memref_slice %arg54[%dma_start3A_219, %dma_start3A_220] : memref<208x48xf32, #tpu.memory_space<vmem>> -> memref<200x48xf32, #tpu.memory_space<vmem>>
    tpu.enqueue_dma source(%dma_start3A_221 : memref<200x48xf32, #tpu.memory_space<vmem>>) target(%dma_start3A_218 : memref<200x48xf32, #tpu.memory_space<hbm>>) target_semaphore(%arg64 : memref<!tpu.dma_semaphore, #tpu.memory_space<semaphore_mem>>)
    %dma_wait3A_222 = arith.constant 0 : i32
    %dma_wait3A_223 = arith.constant 0 : i32
    %dma_wait3A_224 = arith.constant 0 : i32
    %dma_wait3A_225 = tpu.memref_slice %arg47[%dma_wait3A_223, %dma_wait3A_224] : memref<208x48xf32, #tpu.memory_space<vmem>> -> memref<200x48xf32, #tpu.memory_space<vmem>>
    %dma_wait3A_226 = arith.constant 0 : i32
    %dma_wait3A_227 = arith.constant 0 : i32
    %dma_wait3A_228 = tpu.memref_slice %arg20[%dma_wait3A_222, %dma_wait3A_226, %dma_wait3A_227] : memref<4096x200x128xf32, #tpu.memory_space<hbm>> -> memref<1x200x48xf32, #tpu.memory_space<hbm>>
    %dma_wait3A_229 = tpu.memref_squeeze %dma_wait3A_228 : memref<1x200x48xf32, #tpu.memory_space<hbm>> -> memref<200x48xf32, #tpu.memory_space<hbm>>
    %dma_wait3A_230 = arith.constant 0 : i32
    %dma_wait3A_231 = arith.constant 0 : i32
    %dma_wait3A_232 = tpu.memref_slice %arg20[%dma_wait3A_222, %dma_wait3A_230, %dma_wait3A_231] : memref<4096x200x128xf32, #tpu.memory_space<hbm>> -> memref<1x200x48xf32, #tpu.memory_space<hbm>>
    %dma_wait3A_233 = tpu.memref_squeeze %dma_wait3A_232 : memref<1x200x48xf32, #tpu.memory_space<hbm>> -> memref<200x48xf32, #tpu.memory_space<hbm>>
    %dma_wait3A_234 = arith.constant 0 : i32
    %dma_wait3A_235 = arith.constant 0 : i32
    %dma_wait3A_236 = tpu.memref_slice %arg47[%dma_wait3A_234, %dma_wait3A_235] : memref<208x48xf32, #tpu.memory_space<vmem>> -> memref<200x48xf32, #tpu.memory_space<vmem>>
    tpu.wait_dma2 semaphore(%arg61 : memref<!tpu.dma_semaphore, #tpu.memory_space<semaphore_mem>>) src(%dma_wait3A_236 : memref<200x48xf32, #tpu.memory_space<vmem>>) dst(%dma_wait3A_233 : memref<200x48xf32, #tpu.memory_space<hbm>>)
    %dma_wait3A_237 = arith.constant 0 : i32
    %dma_wait3A_238 = arith.constant 0 : i32
    %dma_wait3A_239 = arith.constant 0 : i32
    %dma_wait3A_240 = tpu.memref_slice %arg48[%dma_wait3A_238, %dma_wait3A_239] : memref<208x48xf32, #tpu.memory_space<vmem>> -> memref<200x48xf32, #tpu.memory_space<vmem>>
    %dma_wait3A_241 = arith.constant 0 : i32
    %dma_wait3A_242 = arith.constant 48 : i32
    %dma_wait3A_243 = tpu.memref_slice %arg20[%dma_wait3A_237, %dma_wait3A_241, %dma_wait3A_242] : memref<4096x200x128xf32, #tpu.memory_space<hbm>> -> memref<1x200x48xf32, #tpu.memory_space<hbm>>
    %dma_wait3A_244 = tpu.memref_squeeze %dma_wait3A_243 : memref<1x200x48xf32, #tpu.memory_space<hbm>> -> memref<200x48xf32, #tpu.memory_space<hbm>>
    %dma_wait3A_245 = arith.constant 0 : i32
    %dma_wait3A_246 = arith.constant 48 : i32
    %dma_wait3A_247 = tpu.memref_slice %arg20[%dma_wait3A_237, %dma_wait3A_245, %dma_wait3A_246] : memref<4096x200x128xf32, #tpu.memory_space<hbm>> -> memref<1x200x48xf32, #tpu.memory_space<hbm>>
    %dma_wait3A_248 = tpu.memref_squeeze %dma_wait3A_247 : memref<1x200x48xf32, #tpu.memory_space<hbm>> -> memref<200x48xf32, #tpu.memory_space<hbm>>
    %dma_wait3A_249 = arith.constant 0 : i32
    %dma_wait3A_250 = arith.constant 0 : i32
    %dma_wait3A_251 = tpu.memref_slice %arg48[%dma_wait3A_249, %dma_wait3A_250] : memref<208x48xf32, #tpu.memory_space<vmem>> -> memref<200x48xf32, #tpu.memory_space<vmem>>
    tpu.wait_dma2 semaphore(%arg61 : memref<!tpu.dma_semaphore, #tpu.memory_space<semaphore_mem>>) src(%dma_wait3A_251 : memref<200x48xf32, #tpu.memory_space<vmem>>) dst(%dma_wait3A_248 : memref<200x48xf32, #tpu.memory_space<hbm>>)
    %dma_wait3A_252 = arith.constant 0 : i32
    %dma_wait3A_253 = arith.constant 0 : i32
    %dma_wait3A_254 = arith.constant 0 : i32
    %dma_wait3A_255 = tpu.memref_slice %arg49[%dma_wait3A_253, %dma_wait3A_254] : memref<208x48xf32, #tpu.memory_space<vmem>> -> memref<200x48xf32, #tpu.memory_space<vmem>>
    %dma_wait3A_256 = arith.constant 0 : i32
    %dma_wait3A_257 = arith.constant 0 : i32
    %dma_wait3A_258 = tpu.memref_slice %arg20[%dma_wait3A_252, %dma_wait3A_256, %dma_wait3A_257] : memref<4096x200x128xf32, #tpu.memory_space<hbm>> -> memref<1x200x48xf32, #tpu.memory_space<hbm>>
    %dma_wait3A_259 = tpu.memref_squeeze %dma_wait3A_258 : memref<1x200x48xf32, #tpu.memory_space<hbm>> -> memref<200x48xf32, #tpu.memory_space<hbm>>
    %dma_wait3A_260 = arith.constant 0 : i32
    %dma_wait3A_261 = arith.constant 0 : i32
    %dma_wait3A_262 = tpu.memref_slice %arg20[%dma_wait3A_252, %dma_wait3A_260, %dma_wait3A_261] : memref<4096x200x128xf32, #tpu.memory_space<hbm>> -> memref<1x200x48xf32, #tpu.memory_space<hbm>>
    %dma_wait3A_263 = tpu.memref_squeeze %dma_wait3A_262 : memref<1x200x48xf32, #tpu.memory_space<hbm>> -> memref<200x48xf32, #tpu.memory_space<hbm>>
    %dma_wait3A_264 = arith.constant 0 : i32
    %dma_wait3A_265 = arith.constant 0 : i32
    %dma_wait3A_266 = tpu.memref_slice %arg49[%dma_wait3A_264, %dma_wait3A_265] : memref<208x48xf32, #tpu.memory_space<vmem>> -> memref<200x48xf32, #tpu.memory_space<vmem>>
    tpu.wait_dma2 semaphore(%arg62 : memref<!tpu.dma_semaphore, #tpu.memory_space<semaphore_mem>>) src(%dma_wait3A_266 : memref<200x48xf32, #tpu.memory_space<vmem>>) dst(%dma_wait3A_263 : memref<200x48xf32, #tpu.memory_space<hbm>>)
    %dma_wait3A_267 = arith.constant 0 : i32
    %dma_wait3A_268 = arith.constant 0 : i32
    %dma_wait3A_269 = arith.constant 0 : i32
    %dma_wait3A_270 = tpu.memref_slice %arg50[%dma_wait3A_268, %dma_wait3A_269] : memref<208x48xf32, #tpu.memory_space<vmem>> -> memref<200x48xf32, #tpu.memory_space<vmem>>
    %dma_wait3A_271 = arith.constant 0 : i32
    %dma_wait3A_272 = arith.constant 48 : i32
    %dma_wait3A_273 = tpu.memref_slice %arg20[%dma_wait3A_267, %dma_wait3A_271, %dma_wait3A_272] : memref<4096x200x128xf32, #tpu.memory_space<hbm>> -> memref<1x200x48xf32, #tpu.memory_space<hbm>>
    %dma_wait3A_274 = tpu.memref_squeeze %dma_wait3A_273 : memref<1x200x48xf32, #tpu.memory_space<hbm>> -> memref<200x48xf32, #tpu.memory_space<hbm>>
    %dma_wait3A_275 = arith.constant 0 : i32
    %dma_wait3A_276 = arith.constant 48 : i32
    %dma_wait3A_277 = tpu.memref_slice %arg20[%dma_wait3A_267, %dma_wait3A_275, %dma_wait3A_276] : memref<4096x200x128xf32, #tpu.memory_space<hbm>> -> memref<1x200x48xf32, #tpu.memory_space<hbm>>
    %dma_wait3A_278 = tpu.memref_squeeze %dma_wait3A_277 : memref<1x200x48xf32, #tpu.memory_space<hbm>> -> memref<200x48xf32, #tpu.memory_space<hbm>>
    %dma_wait3A_279 = arith.constant 0 : i32
    %dma_wait3A_280 = arith.constant 0 : i32
    %dma_wait3A_281 = tpu.memref_slice %arg50[%dma_wait3A_279, %dma_wait3A_280] : memref<208x48xf32, #tpu.memory_space<vmem>> -> memref<200x48xf32, #tpu.memory_space<vmem>>
    tpu.wait_dma2 semaphore(%arg62 : memref<!tpu.dma_semaphore, #tpu.memory_space<semaphore_mem>>) src(%dma_wait3A_281 : memref<200x48xf32, #tpu.memory_space<vmem>>) dst(%dma_wait3A_278 : memref<200x48xf32, #tpu.memory_space<hbm>>)
    %dma_wait3A_282 = arith.constant 0 : i32
    %dma_wait3A_283 = arith.constant 0 : i32
    %dma_wait3A_284 = arith.constant 0 : i32
    %dma_wait3A_285 = tpu.memref_slice %arg51[%dma_wait3A_283, %dma_wait3A_284] : memref<208x48xf32, #tpu.memory_space<vmem>> -> memref<200x48xf32, #tpu.memory_space<vmem>>
    %dma_wait3A_286 = arith.constant 0 : i32
    %dma_wait3A_287 = arith.constant 0 : i32
    %dma_wait3A_288 = tpu.memref_slice %arg20[%dma_wait3A_282, %dma_wait3A_286, %dma_wait3A_287] : memref<4096x200x128xf32, #tpu.memory_space<hbm>> -> memref<1x200x48xf32, #tpu.memory_space<hbm>>
    %dma_wait3A_289 = tpu.memref_squeeze %dma_wait3A_288 : memref<1x200x48xf32, #tpu.memory_space<hbm>> -> memref<200x48xf32, #tpu.memory_space<hbm>>
    %dma_wait3A_290 = arith.constant 0 : i32
    %dma_wait3A_291 = arith.constant 0 : i32
    %dma_wait3A_292 = tpu.memref_slice %arg20[%dma_wait3A_282, %dma_wait3A_290, %dma_wait3A_291] : memref<4096x200x128xf32, #tpu.memory_space<hbm>> -> memref<1x200x48xf32, #tpu.memory_space<hbm>>
    %dma_wait3A_293 = tpu.memref_squeeze %dma_wait3A_292 : memref<1x200x48xf32, #tpu.memory_space<hbm>> -> memref<200x48xf32, #tpu.memory_space<hbm>>
    %dma_wait3A_294 = arith.constant 0 : i32
    %dma_wait3A_295 = arith.constant 0 : i32
    %dma_wait3A_296 = tpu.memref_slice %arg51[%dma_wait3A_294, %dma_wait3A_295] : memref<208x48xf32, #tpu.memory_space<vmem>> -> memref<200x48xf32, #tpu.memory_space<vmem>>
    tpu.wait_dma2 semaphore(%arg63 : memref<!tpu.dma_semaphore, #tpu.memory_space<semaphore_mem>>) src(%dma_wait3A_296 : memref<200x48xf32, #tpu.memory_space<vmem>>) dst(%dma_wait3A_293 : memref<200x48xf32, #tpu.memory_space<hbm>>)
    %dma_wait3A_297 = arith.constant 0 : i32
    %dma_wait3A_298 = arith.constant 0 : i32
    %dma_wait3A_299 = arith.constant 0 : i32
    %dma_wait3A_300 = tpu.memref_slice %arg52[%dma_wait3A_298, %dma_wait3A_299] : memref<208x48xf32, #tpu.memory_space<vmem>> -> memref<200x48xf32, #tpu.memory_space<vmem>>
    %dma_wait3A_301 = arith.constant 0 : i32
    %dma_wait3A_302 = arith.constant 48 : i32
    %dma_wait3A_303 = tpu.memref_slice %arg20[%dma_wait3A_297, %dma_wait3A_301, %dma_wait3A_302] : memref<4096x200x128xf32, #tpu.memory_space<hbm>> -> memref<1x200x48xf32, #tpu.memory_space<hbm>>
    %dma_wait3A_304 = tpu.memref_squeeze %dma_wait3A_303 : memref<1x200x48xf32, #tpu.memory_space<hbm>> -> memref<200x48xf32, #tpu.memory_space<hbm>>
    %dma_wait3A_305 = arith.constant 0 : i32
    %dma_wait3A_306 = arith.constant 48 : i32
    %dma_wait3A_307 = tpu.memref_slice %arg20[%dma_wait3A_297, %dma_wait3A_305, %dma_wait3A_306] : memref<4096x200x128xf32, #tpu.memory_space<hbm>> -> memref<1x200x48xf32, #tpu.memory_space<hbm>>
    %dma_wait3A_308 = tpu.memref_squeeze %dma_wait3A_307 : memref<1x200x48xf32, #tpu.memory_space<hbm>> -> memref<200x48xf32, #tpu.memory_space<hbm>>
    %dma_wait3A_309 = arith.constant 0 : i32
    %dma_wait3A_310 = arith.constant 0 : i32
    %dma_wait3A_311 = tpu.memref_slice %arg52[%dma_wait3A_309, %dma_wait3A_310] : memref<208x48xf32, #tpu.memory_space<vmem>> -> memref<200x48xf32, #tpu.memory_space<vmem>>
    tpu.wait_dma2 semaphore(%arg63 : memref<!tpu.dma_semaphore, #tpu.memory_space<semaphore_mem>>) src(%dma_wait3A_311 : memref<200x48xf32, #tpu.memory_space<vmem>>) dst(%dma_wait3A_308 : memref<200x48xf32, #tpu.memory_space<hbm>>)
    %dma_wait3A_312 = arith.constant 0 : i32
    %dma_wait3A_313 = arith.constant 0 : i32
    %dma_wait3A_314 = arith.constant 0 : i32
    %dma_wait3A_315 = tpu.memref_slice %arg53[%dma_wait3A_313, %dma_wait3A_314] : memref<208x48xf32, #tpu.memory_space<vmem>> -> memref<200x48xf32, #tpu.memory_space<vmem>>
    %dma_wait3A_316 = arith.constant 0 : i32
    %dma_wait3A_317 = arith.constant 0 : i32
    %dma_wait3A_318 = tpu.memref_slice %arg20[%dma_wait3A_312, %dma_wait3A_316, %dma_wait3A_317] : memref<4096x200x128xf32, #tpu.memory_space<hbm>> -> memref<1x200x48xf32, #tpu.memory_space<hbm>>
    %dma_wait3A_319 = tpu.memref_squeeze %dma_wait3A_318 : memref<1x200x48xf32, #tpu.memory_space<hbm>> -> memref<200x48xf32, #tpu.memory_space<hbm>>
    %dma_wait3A_320 = arith.constant 0 : i32
    %dma_wait3A_321 = arith.constant 0 : i32
    %dma_wait3A_322 = tpu.memref_slice %arg20[%dma_wait3A_312, %dma_wait3A_320, %dma_wait3A_321] : memref<4096x200x128xf32, #tpu.memory_space<hbm>> -> memref<1x200x48xf32, #tpu.memory_space<hbm>>
    %dma_wait3A_323 = tpu.memref_squeeze %dma_wait3A_322 : memref<1x200x48xf32, #tpu.memory_space<hbm>> -> memref<200x48xf32, #tpu.memory_space<hbm>>
    %dma_wait3A_324 = arith.constant 0 : i32
    %dma_wait3A_325 = arith.constant 0 : i32
    %dma_wait3A_326 = tpu.memref_slice %arg53[%dma_wait3A_324, %dma_wait3A_325] : memref<208x48xf32, #tpu.memory_space<vmem>> -> memref<200x48xf32, #tpu.memory_space<vmem>>
    tpu.wait_dma2 semaphore(%arg64 : memref<!tpu.dma_semaphore, #tpu.memory_space<semaphore_mem>>) src(%dma_wait3A_326 : memref<200x48xf32, #tpu.memory_space<vmem>>) dst(%dma_wait3A_323 : memref<200x48xf32, #tpu.memory_space<hbm>>)
    %dma_wait3A_327 = arith.constant 0 : i32
    %dma_wait3A_328 = arith.constant 0 : i32
    %dma_wait3A_329 = arith.constant 0 : i32
    %dma_wait3A_330 = tpu.memref_slice %arg54[%dma_wait3A_328, %dma_wait3A_329] : memref<208x48xf32, #tpu.memory_space<vmem>> -> memref<200x48xf32, #tpu.memory_space<vmem>>
    %dma_wait3A_331 = arith.constant 0 : i32
    %dma_wait3A_332 = arith.constant 48 : i32
    %dma_wait3A_333 = tpu.memref_slice %arg20[%dma_wait3A_327, %dma_wait3A_331, %dma_wait3A_332] : memref<4096x200x128xf32, #tpu.memory_space<hbm>> -> memref<1x200x48xf32, #tpu.memory_space<hbm>>
    %dma_wait3A_334 = tpu.memref_squeeze %dma_wait3A_333 : memref<1x200x48xf32, #tpu.memory_space<hbm>> -> memref<200x48xf32, #tpu.memory_space<hbm>>
    %dma_wait3A_335 = arith.constant 0 : i32
    %dma_wait3A_336 = arith.constant 48 : i32
    %dma_wait3A_337 = tpu.memref_slice %arg20[%dma_wait3A_327, %dma_wait3A_335, %dma_wait3A_336] : memref<4096x200x128xf32, #tpu.memory_space<hbm>> -> memref<1x200x48xf32, #tpu.memory_space<hbm>>
    %dma_wait3A_338 = tpu.memref_squeeze %dma_wait3A_337 : memref<1x200x48xf32, #tpu.memory_space<hbm>> -> memref<200x48xf32, #tpu.memory_space<hbm>>
    %dma_wait3A_339 = arith.constant 0 : i32
    %dma_wait3A_340 = arith.constant 0 : i32
    %dma_wait3A_341 = tpu.memref_slice %arg54[%dma_wait3A_339, %dma_wait3A_340] : memref<208x48xf32, #tpu.memory_space<vmem>> -> memref<200x48xf32, #tpu.memory_space<vmem>>
    tpu.wait_dma2 semaphore(%arg64 : memref<!tpu.dma_semaphore, #tpu.memory_space<semaphore_mem>>) src(%dma_wait3A_341 : memref<200x48xf32, #tpu.memory_space<vmem>>) dst(%dma_wait3A_338 : memref<200x48xf32, #tpu.memory_space<hbm>>)
    return
  }
}

</mosaic_0001>

<sc_bundles>
// kernel: kernel.3.cloned.1.call-start
scs
__scs_entry_jumppad:
0x0: {  	(pc) =	sbr.rel $0x88, $3  }
0x1: {  	(tag) =	ssettag $0x0;
	lr =	simm.s32 $0x1  }
0x2: {  	[smem:$0x3F8F] =	sst lr;
	_ =	strace $0xD0000000  }
0x3: {  	_ = 	snop  }
0x4: {  	_ = 	snop  }
0x5: {  	_ = 	snop  }
0x6: {  	_ = 	snop  }
0x7: {  	_ = 	snop  }
__scs_overlays_trampoline_lowered:
0x8: {  	[smem:$0x3F9E] =	sst s0  }
0x9: {  	[smem:$0x3F9F] =	sst s1  }
0xa: {  	[smem:$0x3FA0] =	sst s2  }
0xb: {  	[smem:$0x3FA1] =	sst s3  }
0xc: {  	[smem:$0x3FA2] =	sst s4  }
0xd: {  	[smem:$0x3FA3] =	sst s5  }
0xe: {  	[smem:$0x3FA4] =	sst s6  }
0xf: {  	[smem:$0x3FA5] =	sst s7  }
0x10: {  	[smem:$0x3FA6] =	sst s8  }
0x11: {  	[smem:$0x3FA7] =	sst s9;
	s0 =	simm.s32 @!p0 $0x0  }
0x12: {  	s1 =	sld [smem:$0x3F8D];
	s0 =	simm.s32 @p0 $0x1  }
0x13: {  	[smem:$0x3FA8] =	sst s0;
	s0 =	simm.s32 @!p1 $0x0  }
0x14: {  	s2 =	sld [smem:$0x3F8C];
	s0 =	simm.s32 @p1 $0x1  }
0x15: {  	[smem:$0x3FA9] =	sst s0;
	s0 =	simm.s32 @!p2 $0x0  }
0x16: {  	s3 =	sld [smem:$0x3FDB];
	s0 =	simm.s32 @p2 $0x1  }
0x17: {  	s4 =	simm.s32 $0x1BF5;
	[smem:$0x3FAB] =	sst s0  }
0x18: {  	s0 =	sld [smem:$0x3F8E];
	_ =	swait.ge [sflag:s4], $0x0  }
0x19: {  	s7 =	sld [smem:$0x3F8F]  }
0x1a: {  	s8 =	sadd.s32 $0xFFFFE003, lr  }
0x1b: {  	s9 =	sadd.s32 $0xFFFFFEF7, lr;
	s5 =	simm.s32 $0xFFFFFFFF;
	p2 =	slt.u32 s8, $0xFFFFF086  }
0x1c: {  	p1 =	slt.u32 s9, $0xF7A;
	s5 =	simm.s32 @!p2 $0x0  }
0x1d: {  	s5 =	simm.s32 @p1 $0x1;
	p0 =	seq.s32 s7, s2  }
0x1e: {  	s7 =	smul.u32 @!p0 $0xF7A, s2;
	p2 =	seq.s32 @!p0 s5, $0x0  }
0x1f: {  	s9 =	smul.u32 $0xF7A, s1;
	s8 =	simm.s32 @!p0 $0x1BF5;
	p2 =	por !p2, p0  }
0x20: {  	[sflag:s8] =	ssyncset.s32 @!p0 $0xFFFFF086;
	s6 =	sadd.s32 @!p0 s3, s7;
	s7 =	simm.s32 @!p0 $0x108  }
0x21: {  	s3 =	sadd.s32 s3, s9;
	s6 =	sadd.s32 @!p0 $0x88, s6;
	s7 =	simm.s32 @p2 $0x1082  }
0x22: {  	[simem:s7], [sflag:s8] =	dma.local @!p0 [hbm:s6], $0xF7A  }
0x23: {  	s9 =	sor.u32 $0xD0000000, s2;
	s6 =	simm.s32 $0x108;
	_ =	swait.ge @!p0 [sflag:s8], $0x0  }
0x24: {  	s3 =	sadd.s32 $0x88, s3;
	s6 =	simm.s32 @!p1 $0x1082;
	[sflag:s4] =	ssyncset.s32 $0xFFFFF086  }
0x25: {  	[simem:s6], [sflag:s4] =	dma.local [hbm:s3], $0xF7A  }
0x26: {  	[smem:$0x3F8F] =	sst s1;
	(tag) =	ssettag s2;
	_ =	strace s9  }
0x27: {  	s1 =	sld [smem:$0x3F9F]  }
0x28: {  	s2 =	sld [smem:$0x3FA0]  }
0x29: {  	s4 =	sld [smem:$0x3FA2]  }
0x2a: {  	p0 =	seq.s32 s5, $0x0;
	s5 =	sld [smem:$0x3FA3]  }
0x2b: {  	s6 =	sld [smem:$0x3FA4]  }
0x2c: {  	s7 =	sld [smem:$0x3FA5]  }
0x2d: {  	s3 =	simm.s32 $0x108;
	s8 =	sld [smem:$0x3FA6]  }
0x2e: {  	s3 =	simm.s32 @!p0 $0x1082;
	s9 =	sld [smem:$0x3FA7]  }
0x2f: {  	lr =	sadd.s32 s0, s3;
	s0 =	sld [smem:$0x3F9E]  }
0x30: {  	s3 =	sld [smem:$0x3FA1]  }
0x31: {  	[smem:$0x3FAA] =	sst s10  }
0x32: {  	s10 =	sld [smem:$0x3FA8];
	_ =	sdelay $0x3  }
0x33: {  	p0 =	seq.s32 s10, $0x1;
	s10 =	sld [smem:$0x3FAA];
	_ =	sdelay $0x3  }
0x34: {  	[smem:$0x3FAA] =	sst s10  }
0x35: {  	s10 =	sld [smem:$0x3FA9];
	_ =	sdelay $0x3  }
0x36: {  	p1 =	seq.s32 s10, $0x1;
	s10 =	sld [smem:$0x3FAA];
	_ =	sdelay $0x3  }
0x37: {  	[smem:$0x3FAA] =	sst s10  }
0x38: {  	s10 =	sld [smem:$0x3FAB]  }
0x39: {  	_ = 	snop;
	(pc) =	sbr.ind lr, $3  }
0x3a: {  	_ = 	snop  }
0x3b: {  	_ = 	snop  }
0x3c: {  	p2 =	seq.s32 s10, $0x1;
	s10 =	sld [smem:$0x3FAA]  }
0x3d: {  	_ =	shalt  }
0x3e: {  	_ =	shalt  }
0x3f: {  	_ =	shalt  }
0x40: {  	_ =	shalt  }
0x41: {  	_ =	shalt  }
0x42: {  	_ =	shalt  }
0x43: {  	_ =	shalt  }
0x44: {  	_ =	shalt  }
0x45: {  	_ =	shalt  }
0x46: {  	_ =	shalt  }
0x47: {  	_ =	shalt  }
0x48: {  	_ =	shalt  }
0x49: {  	_ =	shalt  }
0x4a: {  	_ =	shalt  }
0x4b: {  	_ =	shalt  }
0x4c: {  	_ =	shalt  }
0x4d: {  	_ =	shalt  }
0x4e: {  	_ =	shalt  }
0x4f: {  	_ =	shalt  }
0x50: {  	_ =	shalt  }
0x51: {  	_ =	shalt  }
0x52: {  	_ =	shalt  }
0x53: {  	_ =	shalt  }
0x54: {  	_ =	shalt  }
0x55: {  	_ =	shalt  }
0x56: {  	_ =	shalt  }
0x57: {  	_ =	shalt  }
0x58: {  	_ =	shalt  }
0x59: {  	_ =	shalt  }
0x5a: {  	_ =	shalt  }
0x5b: {  	_ =	shalt  }
0x5c: {  	_ =	shalt  }
0x5d: {  	_ =	shalt  }
0x5e: {  	_ =	shalt  }
0x5f: {  	_ =	shalt  }
0x60: {  	_ =	shalt  }
0x61: {  	_ =	shalt  }
0x62: {  	_ =	shalt  }
0x63: {  	_ =	shalt  }
0x64: {  	_ =	shalt  }
0x65: {  	_ =	shalt  }
0x66: {  	_ =	shalt  }
0x67: {  	_ =	shalt  }
0x68: {  	_ =	shalt  }
0x69: {  	_ =	shalt  }
0x6a: {  	_ =	shalt  }
0x6b: {  	_ =	shalt  }
0x6c: {  	_ =	shalt  }
0x6d: {  	_ =	shalt  }
0x6e: {  	_ =	shalt  }
0x6f: {  	_ =	shalt  }
0x70: {  	_ =	shalt  }
0x71: {  	_ =	shalt  }
0x72: {  	_ =	shalt  }
0x73: {  	_ =	shalt  }
0x74: {  	_ =	shalt  }
0x75: {  	_ =	shalt  }
0x76: {  	_ =	shalt  }
0x77: {  	_ =	shalt  }
0x78: {  	_ =	shalt  }
0x79: {  	_ =	shalt  }
0x7a: {  	_ =	shalt  }
0x7b: {  	_ =	shalt  }
0x7c: {  	_ =	shalt  }
0x7d: {  	_ =	shalt  }
0x7e: {  	_ =	shalt  }
0x7f: {  	_ =	shalt  }
0x80: {  	_ =	shalt  }
0x81: {  	_ =	shalt  }
0x82: {  	_ =	shalt  }
0x83: {  	_ =	shalt  }
0x84: {  	_ =	shalt  }
0x85: {  	_ =	shalt  }
0x86: {  	_ =	shalt  }
0x87: {  	_ =	shalt  }
.Lfunc_end0:
.L_simem_size_0:
called_computation.1_lowered:
.L_overlay_start_0:
0x88: {  	s2 =	sld [smem:$0x3FD9]  }
0x89: {  	s3 =	sld [smem:$0x3FFE];
	_ =	sdelay $0x1  }
0x8a: {  	s1 =	srdreg.scid  }
0x8b: {  	s0 =	sand.u32 $0x1, s1  }
0x8c: {  	s17 =	sshll.u32 s0, $0xA;
	s2 =	sadd.s32 s3, s2  }
0x8d: {  	s2 =	sadd.s32 s2, s17  }
0x8e: {  	[smem:$0x3FB6] =	sst s2  }
0x8f: {  	_ = 	snop  }
0x90: {  	s2 =	sld [smem:$0x3FD0];
	(tm) =	ssettm $0x1  }
0x91: {  	s18 =	sld [smem:$0x3FFB];
	_ =	sdelay $0x3  }
0x92: {  	_ =	strace s18  }
0x93: {  	s3 =	sld [smem:$0x3FFC];
	_ =	sdelay $0x3  }
0x94: {  	_ =	strace s3  }
0x95: {  	s3 =	sld [smem:$0x3FFD];
	_ =	sdelay $0x3  }
0x96: {  	_ =	strace s3  }
0x97: {  	_ =	strace $0x8FFFFFFF  }
0x98: {  	s19 =	sld [smem:$0x3FDB];
	_ =	sdelay $0x1  }
0x99: {  	s4 =	simm.s32 $_scs_section_size  }
0x9a: {  	s5 =	simm.s32 $_size__tile_overlayer_lowered;
	s6 =	simm.s32 $_tile_overlayer_lowered  }
0x9b: {  	s22 =	simm.s32 $0x1BFF;
	s21 =	sshll.u32 s6, $0x1;
	s3 =	sadd.s32 s4, s19  }
0x9c: {  	s7 =	simm.s32 $0x0;
	s20 =	sshll.u32 s5, $0x1;
	s5 =	sadd.s32 s21, s3  }
0x9d: {  	[timem:s7], [sflag:s22] =	dma.local [hbm:s5], s20  }
0x9e: {  	_ =	swait.ge [sflag:s22], s20  }
0x9f: {  	s4 =	ssub.s32 $0x0, s20;
	[sflag:s22] =	ssyncset.done $0x0  }
0xa0: {  	[sflag:s22] =	ssyncadd.s32 s4;
	_ =	sdelay $0x1  }
0xa1: {  	s23 =	simm.s32 $0x1B8B  }
0xa2: {  	_ =	swait.ge [sflag:s23], $0x1  }
0xa3: {  	[sflag:s23] =	ssyncset.done $0x0  }
0xa4: {  	s25 =	simm.s32 $0x1B8E;
	s24 =	sld [smem:$0x3FFE];
	[sflag:s23] =	ssyncadd.s32 $0xFFFFFFFF  }
0xa5: {  	s26 =	simm.s32 $execute0_lowered;
	[smem:$0x3FD2] =	sst s25  }
0xa6: {  	s5 =	sshll.u32 s26, $0x1;
	_ =	strace $0x80000046;
	[dreg:$0x1] =	wrdreg $0xFFFFFFFF  }
0xa7: {  	s28 =	simm.s32 $_size_execute0_lowered;
	s3 =	sadd.s32 s3, s5;
	[dreg:$0x0] =	wrdreg $0x0  }
0xa8: {  	s5 =	sshll.u32 s28, $0x1;
	[dreg:$0x2] =	wrdreg s3  }
0xa9: {  	[dreg:$0x3] =	wrdreg s5  }
0xaa: {  	[dreg:$0x4] =	wrdreg $0xC0  }
0xab: {  	_ =	task [dreg:s7], $0x5FFFF  }
0xac: {  	[dreg:$0x1] =	wrdreg $0xFFFFFFFF  }
0xad: {  	[dreg:$0x0] =	wrdreg $0x60  }
0xae: {  	[dreg:$0x2] =	wrdreg s2  }
0xaf: {  	[dreg:$0x3] =	wrdreg s24  }
0xb0: {  	[dreg:$0x4] =	wrdreg $0x0  }
0xb1: {  	[dreg:$0x5] =	wrdreg $0xCB80  }
0xb2: {  	[dreg:$0x6] =	wrdreg $0x9  }
0xb3: {  	_ =	task.clear_ibuf [dreg:s7], $0x7FFFF;
	_ =	strace $0x90000046  }
0xb4: {  	s29 =	simm.s32 $0x9;
	_ =	strace $0x80000048  }
0xb5: {  	_ =	swait.ge [sflag:s29], $0x1  }
0xb6: {  	[sflag:s29] =	ssyncadd.s32 $0xFFFFFFFF  }
0xb7: {  	_ =	strace $0x90000048  }
0xb8: {  	_ =	sfence  }
0xb9: {  	s30 =	sld [smem:$0x0];
	_ =	sdelay $0x2  }
0xba: {  	s31 =	sshll.u32 s1, $0xD;
	s1 =	sshrl.u32 s1, $0x2  }
0xbb: {  	s3 =	sand.u32 $0x4000, s31;
	s1 =	sadd.s32 s1, s30  }
0xbc: {  	s0 =	sor.u32 s3, s0;
	s1 =	sshll.u32 s1, $0x11  }
0xbd: {  	s0 =	sor.u32 s1, s0  }
0xbe: {  	s0 =	sadd.s32 $0x8F2B, s0  }
0xbf: {  	[sflag:s0] =	ssyncadd.remote.s32 $0x1  }
0xc0: {  	_ =	sfence.sel $0xFFFF  }
0xc1: {  	[dreg:$0x0] =	wrdreg $0xFFFFFFFF;
	(pc) =	sbr.abs _section_cstart, $3  }
0xc2: {  	[dreg:$0x1] =	wrdreg $0xFFFFFFFF  }
0xc3: {  	_ =	task.clear_ibuf [dreg:s7], $0x2FFFF;
	_ =	strace $0x9FFFFFFF  }
0xc4: {  	(tm) =	ssettm $0x7FFFFFFF  }
0xc5: {  	_ =	shalt  }
tec
execute0_lowered:
.L_overlay_start_1:
0x0: {  	(tag) =	ssettag $0x1  }
0x1: {  	s12 =	rddreg [dreg:$0x0]  }
0x2: {  	s0 =	rddreg [dreg:$0x1]  }
0x3: {  	s16 =	rddreg [dreg:$0x2]  }
0x4: {  	s18 =	rddreg [dreg:$0x3];
	s4 =	simm.s32 $0x0;
	s1 =	srdreg.scid  }
0x5: {  	s14 =	stileid.u32;
	s28 =	simm.s32 $0x2;
	[smem:$0x7FF] =	sst s4  }
0x6: {  	s5 =	sadd.s32 $0x1BA00, s0;
	s6 =	sadd.s32 $0x2A00, s0;
	s19 =	sadd.s32 $0x34A00, s0  }
0x7: {  	s20 =	sadd.s32 $0x4DA00, s0;
	s21 =	sadd.s32 $0x66A00, s0;
	s22 =	sadd.s32 $0x7FA00, s0  }
0x8: {  	s1 =	sand.u32 $0x1, s1;
	s2 =	sshll.u32 s14, $0x8;
	s23 =	smul.u32 $0x44, s14  }
0x9: {  	_ =	strace $0x80000047;
	s3 =	sshll.u32 s1, $0x7;
	s1 =	ssub.s32 $0x2, s1  }
0xa: {  	[smem:$0x7FB] =	sst s6;
	s17 =	sor.u32 s3, s2;
	s7 =	sshrl.u32 s1, $0x1  }
0xb: {  	s9 =	ssub.s32 $0x43B, s23;
	[dreg:$0x5] =	wrdreg s23;
	s8 =	smul.u32 $0x19, s17  }
0xc: {  	s1 =	ssub.s32 s1, s7;
	s10 =	smin.u32 s9, $0x44;
	[dreg:$0x6] =	wrdreg s17  }
0xd: {  	s24 =	sadd.s32 $0x98A00, s0;
	[dreg:$0x7] =	wrdreg s10;
	s1 =	smax.u32 s1, $0x1  }
0xe: {  	s25 =	sadd.s32 $0xB1A00, s0;
	s11 =	sadd.s32 s12, s8;
	[dreg:$0x1c] =	wrdreg s1  }
0xf: {  	s30 =	smul.u32 $0x21, s14;
	s12 =	sadd.s32 s5, s8;
	[dreg:$0x8] =	wrdreg s11  }
0x10: {  	s9 =	smov.u32 s19;
	s13 =	sadd.s32 s6, s8;
	[dreg:$0x9] =	wrdreg s12  }
0x11: {  	s7 =	smov.u32 s25;
	s15 =	sadd.s32 s19, s8;
	[dreg:$0xa] =	wrdreg s13  }
0x12: {  	s10 =	smov.u32 s20;
	s19 =	sadd.s32 s20, s8;
	[dreg:$0xb] =	wrdreg s15  }
0x13: {  	s20 =	smul.u32 $0x6400, s17;
	s26 =	sadd.s32 s24, s8;
	[dreg:$0xc] =	wrdreg s19  }
0x14: {  	s31 =	sadd.s32 s25, s8;
	s6 =	sadd.s32 $0x1800, s0;
	[dreg:$0xf] =	wrdreg s26  }
0x15: {  	s25 =	sadd.s32 $0x2200, s0;
	s11 =	smov.u32 s21;
	[dreg:$0x10] =	wrdreg s31  }
0x16: {  	s21 =	sadd.s32 s21, s8;
	s13 =	smov.u32 s22;
	[dreg:$0x11] =	wrdreg s6  }
0x17: {  	s22 =	sadd.s32 s22, s8;
	s15 =	smov.u32 s24;
	[dreg:$0x18] =	wrdreg s25  }
0x18: {  	s26 =	sadd.s32 $0xCAA00, s0;
	s8 =	sadd.s32 $0x2800, s0;
	[dreg:$0xd] =	wrdreg s21  }
0x19: {  	s12 =	sadd.s32 $0x2600, s0;
	s19 =	sadd.s32 $0x1A00, s0;
	[dreg:$0xe] =	wrdreg s22  }
0x1a: {  	s24 =	smul.u32 $0x440, s14;
	s31 =	sadd.s32 $0x2400, s0;
	[dreg:$0x12] =	wrdreg s8  }
0x1b: {  	s6 =	smul.u32 $0x3300, s14;
	s25 =	sadd.s32 $0xFFFFFFFF, s17;
	[dreg:$0x13] =	wrdreg s12  }
0x1c: {  	s2 =	sshrl.u32 s20, $0x3;
	[dreg:$0x14] =	wrdreg s19;
	s20 =	sadd.s32 $0x1C00, s0  }
0x1d: {  	s21 =	sadd.s32 $0x1E00, s0;
	s22 =	sadd.s32 $0x2000, s0;
	[dreg:$0x19] =	wrdreg s31  }
0x1e: {  	s19 =	smul.u32 $0x18C0, s14;
	[smem:$0x7FC] =	sst s25;
	s31 =	sor.u32 $0x4, s17  }
0x1f: {  	s8 =	simm.s32 $0x12E8;
	s17 =	simm.s32 $0xB;
	[dreg:$0x15] =	wrdreg s20  }
0x20: {  	s25 =	simm.s32 $0x22E8;
	s2 =	sadd.s32 s26, s2;
	[dreg:$0x16] =	wrdreg s21  }
0x21: {  	[dreg:$0x17] =	wrdreg s22;
	s20 =	sadd.s32 $0xCAA06, s0;
	s21 =	smul.u32 $0x108, s14  }
0x22: {  	s22 =	sadd.s32 $0x160, s24;
	s24 =	sshrl.u32 s6, $0x2;
	[smem:$0x7FD] =	sst s31  }
0x23: {  	s6 =	simm.s32 $0x2B08;
	s12 =	sadd.s32 $0x63380, s2;
	[dreg:$0x1d] =	wrdreg s22  }
.Ltmp0:
0x24: {  	s2 =	sadd.s32 $0x63386, s2;
	[dreg:$0x1a] =	wrdreg s12;
	(pc) =	sbr.rel .LBB2_1-.Ltmp0, $4  }
0x25: {  	s0 =	sshrl.u32 s19, $0x2;
	s19 =	simm.s32 $0x2628;
	[dreg:$0x1b] =	wrdreg s2  }
0x26: {  	s2 =	sadd.s32 s24, s16;
	s1 =	sadd.s32 $0x2E8, s21;
	s29 =	sadd.s32 s0, s18  }
0x27: {  	v0 =	vlaneseq.u32;
	s24 =	simm.s32 $0x2488;
	s21 =	simm.s32 $0x27C8;
	[dreg:$0x1e] =	wrdreg s2  }
0x28: {  	vm0 =	vmmov $0xff;
	v2 =	vimm.s32 $0x0;
	v1 =	vand.u32 $0x7, v0;
	s12 =	simm.s32 $0x1;
	[dreg:$0x1f] =	wrdreg s1;
	s2 =	simm.s32 $0x0  }
.LBB2_24:
0x29: {  	s0 =	simm.s32 $0x6  }
0x2a: {  	_ =	swait.ge [sflag:s0], $0x2700  }
0x2b: {  	[sflag:s0] =	ssyncset.done $0x0  }
0x2c: {  	[sflag:s0] =	ssyncadd.s32 $0xFFFFD900  }
0x2d: {  	_ =	swait.ge [sflag:s0], $0x2700  }
0x2e: {  	s1 =	simm.s32 $0x30;
	s2 =	simm.s32 $0x80;
	[sflag:s0] =	ssyncset.done $0x0  }
0x2f: {  	s3 =	simm.s32 $0x11EC8;
	s22 =	rddreg [dreg:$0x1a];
	[sflag:s0] =	ssyncadd.s32 $0xFFFFD900  }
0x30: {  	[hbm4b:s22+s1] =	stream.strided.scatter [tilespmem:s3], [sflag:$0xA], $0x2580, s2, s1, $0x38;
	[tilespmem:$0x16CC8] =	vst v63  }
0x31: {  	s31 =	simm.s32 $0x145C8;
	s23 =	rddreg [dreg:$0x1b]  }
0x32: {  	[hbm4b:s23+s1] =	stream.strided.scatter [tilespmem:s31], [sflag:$0xA], $0x2580, s2, s1, $0x38;
	[tilespmem:$0x16CC8] =	vst v63  }
0x33: {  	s2 =	simm.s32 $0x7  }
0x34: {  	_ =	swait.ge [sflag:s2], $0x2580  }
0x35: {  	[sflag:s2] =	ssyncset.done $0x0  }
0x36: {  	[sflag:s2] =	ssyncadd.s32 $0xFFFFDA80  }
0x37: {  	_ =	swait.ge [sflag:s2], $0x2580  }
0x38: {  	[sflag:s2] =	ssyncset.done $0x0  }
0x39: {  	s3 =	simm.s32 $0x8;
	[sflag:s2] =	ssyncadd.s32 $0xFFFFDA80  }
0x3a: {  	_ =	swait.ge [sflag:s3], $0x2580  }
0x3b: {  	[sflag:s3] =	ssyncset.done $0x0  }
0x3c: {  	[sflag:s3] =	ssyncadd.s32 $0xFFFFDA80  }
0x3d: {  	_ =	swait.ge [sflag:s3], $0x2580  }
0x3e: {  	[sflag:s3] =	ssyncset.done $0x0  }
0x3f: {  	s14 =	simm.s32 $0x9;
	[sflag:s3] =	ssyncadd.s32 $0xFFFFDA80  }
0x40: {  	_ =	swait.ge [sflag:s14], $0x2580  }
0x41: {  	[sflag:s14] =	ssyncset.done $0x0  }
0x42: {  	[sflag:s14] =	ssyncadd.s32 $0xFFFFDA80  }
0x43: {  	_ =	swait.ge [sflag:s14], $0x2580  }
0x44: {  	[sflag:s14] =	ssyncset.done $0x0  }
0x45: {  	s22 =	simm.s32 $0xA;
	[sflag:s14] =	ssyncadd.s32 $0xFFFFDA80  }
0x46: {  	_ =	swait.ge [sflag:s22], $0x2580  }
0x47: {  	[sflag:s22] =	ssyncset.done $0x0  }
0x48: {  	[sflag:s22] =	ssyncadd.s32 $0xFFFFDA80  }
0x49: {  	_ =	swait.ge [sflag:s22], $0x2580  }
0x4a: {  	s23 =	sld [smem:$0x7FA];
	_ =	sdelay $0x2  }
0x4b: {  	s31 =	rddreg [dreg:$0x1c];
	s2 =	sadd.s32 $0x1, s23  }
0x4c: {  	p0 =	sne.s32 s2, s31  }
.Ltmp1:
0x4d: {  	_ = 	snop;
	(pc) =	sbr.rel @!p0 .LBB2_25-.Ltmp1, $3  }
0x4e: {  	_ =	sdelay $0x1  }
0x4f: {  	[sflag:s22] =	ssyncset.done $0x0  }
0x50: {  	[sflag:s22] =	ssyncadd.s32 $0xFFFFDA80;
	s23 =	rddreg [dreg:$0x5]  }
.LBB2_1:
0x51: {  	[smem:$0x7FA] =	sst s2  }
0x52: {  	s0 =	rddreg [dreg:$0x11]  }
0x53: {  	[tilespmem:s8], [sflag:$0xB] =	stream.linear.gather [hbm4b:s0+s4], $0x30, $0x38;
	[tilespmem:$0x16CC8] =	vst v63  }
0x54: {  	_ =	swait.ge [sflag:s17], $0x30  }
0x55: {  	[sflag:s17] =	ssyncset.done $0x0  }
0x56: {  	s1 =	simm.s32 $0x1318;
	s3 =	rddreg [dreg:$0x12];
	[sflag:s17] =	ssyncadd.s32 $0xFFFFFFD0  }
0x57: {  	[tilespmem:s1], [sflag:$0xB] =	stream.linear.gather [hbm4b:s3+s4], $0x130, $0x38;
	[tilespmem:$0x16CC8] =	vst v63  }
0x58: {  	_ =	swait.ge [sflag:s17], $0x130  }
0x59: {  	[sflag:s17] =	ssyncset.done $0x0  }
0x5a: {  	s22 =	simm.s32 $0x1448;
	s14 =	rddreg [dreg:$0x13];
	[sflag:s17] =	ssyncadd.s32 $0xFFFFFED0  }
0x5b: {  	[tilespmem:s22], [sflag:$0xB] =	stream.linear.gather [hbm4b:s14+s4], $0x130, $0x38;
	[tilespmem:$0x16CC8] =	vst v63  }
0x5c: {  	_ =	swait.ge [sflag:s17], $0x130  }
0x5d: {  	[sflag:s17] =	ssyncset.done $0x0  }
0x5e: {  	s3 =	simm.s32 $0x1578;
	s2 =	rddreg [dreg:$0x14];
	[sflag:s17] =	ssyncadd.s32 $0xFFFFFED0  }
0x5f: {  	[tilespmem:s3], [sflag:$0xB] =	stream.linear.gather [hbm4b:s2+s4], $0x18, $0x38;
	[tilespmem:$0x16CC8] =	vst v63  }
0x60: {  	_ =	swait.ge [sflag:s17], $0x18  }
0x61: {  	[sflag:s17] =	ssyncset.done $0x0  }
0x62: {  	s22 =	simm.s32 $0x1590;
	s14 =	rddreg [dreg:$0x15];
	[sflag:s17] =	ssyncadd.s32 $0xFFFFFFE8  }
0x63: {  	[tilespmem:s22], [sflag:$0xB] =	stream.linear.gather [hbm4b:s14+s4], $0x10, $0x38;
	[tilespmem:$0x16CC8] =	vst v63  }
0x64: {  	_ =	swait.ge [sflag:s17], $0x10  }
0x65: {  	[sflag:s17] =	ssyncset.done $0x0  }
0x66: {  	s3 =	simm.s32 $0x15A0;
	s2 =	rddreg [dreg:$0x16];
	[sflag:s17] =	ssyncadd.s32 $0xFFFFFFF0  }
0x67: {  	[tilespmem:s3], [sflag:$0xB] =	stream.linear.gather [hbm4b:s2+s4], $0x10, $0x38;
	[tilespmem:$0x16CC8] =	vst v63  }
0x68: {  	_ =	swait.ge [sflag:s17], $0x10  }
0x69: {  	[sflag:s17] =	ssyncset.done $0x0  }
0x6a: {  	s22 =	simm.s32 $0x15B0;
	s14 =	rddreg [dreg:$0x17];
	[sflag:s17] =	ssyncadd.s32 $0xFFFFFFF0  }
0x6b: {  	[tilespmem:s22], [sflag:$0xB] =	stream.linear.gather [hbm4b:s14+s4], $0x10, $0x38;
	[tilespmem:$0x16CC8] =	vst v63  }
0x6c: {  	_ =	swait.ge [sflag:s17], $0x10  }
0x6d: {  	[sflag:s17] =	ssyncset.done $0x0  }
0x6e: {  	s2 =	simm.s32 $0x15C0;
	s1 =	rddreg [dreg:$0x18];
	[sflag:s17] =	ssyncadd.s32 $0xFFFFFFF0  }
0x6f: {  	[tilespmem:s2], [sflag:$0xB] =	stream.linear.gather [hbm4b:s1+s4], $0x10, $0x38;
	[tilespmem:$0x16CC8] =	vst v63  }
0x70: {  	_ =	swait.ge [sflag:s17], $0x10  }
0x71: {  	[sflag:s17] =	ssyncset.done $0x0  }
0x72: {  	s14 =	simm.s32 $0x15D0;
	s3 =	rddreg [dreg:$0x19];
	[sflag:s17] =	ssyncadd.s32 $0xFFFFFFF0  }
0x73: {  	[tilespmem:s14], [sflag:$0xB] =	stream.linear.gather [hbm4b:s3+s4], $0x58, $0x38;
	[tilespmem:$0x16CC8] =	vst v63  }
0x74: {  	_ =	swait.ge [sflag:s17], $0x58  }
0x75: {  	s22 =	rddreg [dreg:$0x7]  }
0x76: {  	p1 =	sne.s32 s22, $0x1  }
.Ltmp2:
0x77: {  	_ = 	snop;
	(pc) =	sbr.rel @!p1 .LBB2_2-.Ltmp2, $3  }
0x78: {  	_ =	sdelay $0x1  }
0x79: {  	s31 =	simm.s32 $0x1648;
	p0 =	por $0x0, $0x0;
	[sflag:s17] =	ssyncset.done $0x0  }
0x7a: {  	s2 =	smulhi.u32 $0x6B1490AB, s23;
	[sflag:s17] =	ssyncadd.s32 $0xFFFFFFA8;
	s1 =	sadd.s32 $0xFFFFFFFF, s22  }
0x7b: {  	s3 =	smulhi.u32 $0xAF286BCB, s23;
	_ =	sdelay $0x1  }
0x7c: {  	s14 =	ssub.s32 s23, s2;
	s22 =	ssub.s32 s23, s3  }
0x7d: {  	s14 =	sshrl.u32 s14, $0x1;
	s22 =	sshrl.u32 s22, $0x1  }
0x7e: {  	s14 =	sadd.s32 s2, s14;
	s3 =	sadd.s32 s3, s22  }
0x7f: {  	s2 =	sshrl.u32 s14, $0x4;
	s3 =	sshrl.u32 s3, $0x4  }
0x80: {  	s2 =	sand.u32 $0xFFFFFF0, s2;
	s22 =	smulhi.u32 $0xD79435F, s3  }
0x81: {  	v3 =	vor.u32 s2, v0  }
0x82: {  	s0 =	smul.u32 $0x13, s22;
	_ =	sdelay $0x1  }
0x83: {  	s2 =	ssub.s32 s3, s0  }
0x84: {  	s2 =	sshll.u32 s2, $0x4  }
0x85: {  	v3 =	vld.idx.msk [tilespmem:v3+s8+$0x0], $0xffff;
	s2 =	sadd.s32 $0x30, s2  }
0x86: {  	v4 =	vor.u32 s2, v0  }
0x87: {  	p1 =	sne.s32 s1, $0x1  }
.Ltmp3:
0x88: {  	_ = 	snop;
	(pc) =	sbr.rel @!p1 .LBB2_4-.Ltmp3, $4  }
0x89: {  	s14 =	smul.u32 $0x130, s3  }
0x8a: {  	s22 =	rddreg [dreg:$0x1d];
	[tilespmem:s31+$0xFFFFFFE0] =	vst v3  }
0x8b: {  	s1 =	sadd.s32 $0xFFFFFFFF, s1;
	s23 =	sadd.s32 $0x1, s23;
	s3 =	ssub.s32 s22, s14;
	v3 =	vld.idx.msk [tilespmem:v4+s8+$0x0], $0xffff  }
0x8c: {  	p0 =	por $0x1, $0x1;
	s14 =	simm.s32 $0x1648;
	s2 =	smulhi.u32 $0x6B1490AB, s23;
	v4 =	vor.u32 s3, v0  }
.LBB2_5:
0x8d: {  	p1 =	sne.s32 s1, $0x1;
	s3 =	smulhi.u32 $0xAF286BCB, s23  }
0x8e: {  	s31 =	ssub.s32 s23, s2  }
0x8f: {  	s0 =	ssub.s32 s23, s3;
	s31 =	sshrl.u32 s31, $0x1  }
0x90: {  	s0 =	sshrl.u32 s0, $0x1;
	s2 =	sadd.s32 s2, s31;
	[tilespmem:s14+$0xFFFFFFF0] =	vst v3  }
0x91: {  	s0 =	sadd.s32 s3, s0;
	s2 =	sshrl.u32 s2, $0x4;
	v3 =	vld.idx.msk [tilespmem:v4+s8+$0x0], $0xffff  }
0x92: {  	s0 =	sshrl.u32 s0, $0x4;
	s2 =	sand.u32 $0xFFFFFF0, s2  }
0x93: {  	s3 =	smulhi.u32 $0xD79435F, s0;
	v4 =	vor.u32 s2, v0;
	_ =	sdelay $0x1  }
0x94: {  	s2 =	smul.u32 $0x13, s3;
	_ =	sdelay $0x1  }
0x95: {  	s2 =	ssub.s32 s0, s2;
	[tilespmem:s14+$0x0] =	vst v3  }
0x96: {  	s2 =	sshll.u32 s2, $0x4;
	v3 =	vld.idx.msk [tilespmem:v4+s8+$0x0], $0xffff  }
0x97: {  	s2 =	sadd.s32 $0x30, s2  }
0x98: {  	v4 =	vor.u32 s2, v0;
	_ =	sdelay $0x2  }
.Ltmp4:
0x99: {  	s14 =	sadd.s32 $0x30, s14;
	(pc) =	sbr.rel @p1 .LBB2_5-.Ltmp4, $4  }
0x9a: {  	s0 =	smul.u32 $0x130, s0;
	[tilespmem:s14+$0xFFFFFFE0] =	vst v3  }
0x9b: {  	s22 =	sadd.s32 $0x10, s22;
	v3 =	vld.idx.msk [tilespmem:v4+s8+$0x0], $0xffff  }
0x9c: {  	s23 =	sadd.s32 $0x1, s23;
	s0 =	ssub.s32 s22, s0  }
0x9d: {  	s1 =	sadd.s32 $0xFFFFFFFF, s1;
	s2 =	smulhi.u32 $0x6B1490AB, s23;
	v4 =	vor.u32 s0, v0  }
0x9e: {  	s31 =	simm.s32 $0x1648  }
.LBB2_7:
0x9f: {  	s0 =	smulhi.u32 $0xAF286BCB, s23;
	_ =	sdelay $0x1  }
0xa0: {  	s1 =	ssub.s32 s23, s2;
	s3 =	ssub.s32 s23, s0  }
0xa1: {  	s1 =	sshrl.u32 s1, $0x1;
	s3 =	sshrl.u32 s3, $0x1  }
0xa2: {  	s1 =	sadd.s32 s2, s1;
	s0 =	sadd.s32 s0, s3  }
0xa3: {  	[tilespmem:s14+$0xFFFFFFF0] =	vst @p0 v3;
	s1 =	sshrl.u32 s1, $0x4;
	s0 =	sshrl.u32 s0, $0x4  }
0xa4: {  	v3 =	vld.idx.msk @p0 [tilespmem:v4+s8+$0x0], $0xffff;
	s1 =	sand.u32 $0xFFFFFF0, s1;
	s3 =	smulhi.u32 $0xD79435F, s0  }
0xa5: {  	v61 =	vor.u32 s1, v0  }
0xa6: {  	s23 =	smul.u32 $0x13, s3;
	_ =	sdelay $0x1  }
0xa7: {  	s1 =	ssub.s32 s0, s23  }
0xa8: {  	[tilespmem:s14+$0x0] =	vst @p0 v3;
	s1 =	sshll.u32 s1, $0x4  }
0xa9: {  	v3 =	vld.idx.msk [tilespmem:v61+s8+$0x0], $0xffff;
	s1 =	sadd.s32 $0x30, s1  }
0xaa: {  	v62 =	vor.u32 s1, v0;
	_ =	sdelay $0x1  }
0xab: {  	s2 =	rddreg [dreg:$0x1d];
	s1 =	sadd.s32 @p0 $0x30, s14  }
0xac: {  	s0 =	smul.u32 $0x130, s0;
	s31 =	smov.u32 @p0 s1;
	s1 =	sadd.s32 @p0 $0x10, s22  }
0xad: {  	[tilespmem:s31+$0xFFFFFFE0] =	vst v3;
	s2 =	smov.u32 @p0 s1  }
0xae: {  	s0 =	ssub.s32 s2, s0;
	v3 =	vld.idx.msk [tilespmem:v62+s8+$0x0], $0xffff  }
0xaf: {  	v63 =	vor.u32 s0, v0;
	_ =	sdelay $0x3  }
0xb0: {  	[tilespmem:s31+$0xFFFFFFF0] =	vst v3  }
0xb1: {  	v3 =	vld.idx.msk [tilespmem:v63+s8+$0x0], $0xffff;
	_ =	sdelay $0x3  }
0xb2: {  	s1 =	rddreg [dreg:$0x1e]  }
0xb3: {  	s2 =	rddreg [dreg:$0x7];
	s0 =	simm.s32 $0x1628;
	[tilespmem:s31+$0x0] =	vst v3  }
.LBB2_8:
0xb4: {  	p0 =	sne.s32 s2, $0x1  }
.Ltmp5:
0xb5: {  	_ = 	snop;
	(pc) =	sbr.rel @p0 .LBB2_8-.Ltmp5, $4  }
0xb6: {  	[spmem:s1] =	stream.linear.scatter [tilespmem:s0], [sflag:$0xB], $0x30, $0x38;
	[tilespmem:$0x16CC8] =	vst v63  }
0xb7: {  	_ =	swait.ge [sflag:s17], $0x30  }
0xb8: {  	s0 =	sadd.s32 $0x30, s0;
	[sflag:s17] =	ssyncset.done $0x0  }
0xb9: {  	s1 =	sadd.s32 $0x30, s1;
	s2 =	sadd.s32 $0xFFFFFFFF, s2;
	[sflag:s17] =	ssyncadd.s32 $0xFFFFFFD0  }
0xba: {  	s0 =	sadd.s32 $0x0, s30  }
0xbb: {  	s0 =	smulhi.u32 $0xBA2E8BA3, s0;
	_ =	sdelay $0x1  }
0xbc: {  	s1 =	sshrl.u32 s0, $0x6  }
0xbd: {  	s1 =	sand.u32 $0x1, s1  }
0xbe: {  	s2 =	simm.s32 $0x2B0;
	s14 =	sshrl.u32 s0, $0x4;
	p0 =	seq.s32 s1, $0x1  }
0xbf: {  	s3 =	sand.u32 $0xFFFFFF8, s14;
	s2 =	simm.s32 @!p0 $0x2A8  }
0xc0: {  	s3 =	sadd.s32 $0x290, s3;
	v3 =	vmov s2  }
0xc1: {  	v3 =	vsel vm0, s3, v3  }
0xc2: {  	v3 =	vor.u32 v1, v3  }
0xc3: {  	s22 =	sshrl.u32 s0, $0x5;
	s1 =	sand.u32 $0x1, s14  }
0xc4: {  	p0 =	seq.s32 s1, $0x1;
	s1 =	simm.s32 $0x2D0;
	s2 =	sand.u32 $0x1, s22  }
0xc5: {  	s1 =	simm.s32 @!p0 $0x2C8;
	p1 =	seq.s32 s2, $0x1;
	s2 =	simm.s32 $0x2C0  }
0xc6: {  	v4 =	vmov s1;
	s2 =	simm.s32 @!p1 $0x2B8  }
0xc7: {  	s23 =	smulhi.u32 $0xBA2E8BA3, s30;
	v4 =	vsel vm0, s2, v4;
	v3 =	vld.idx.msk [tilespmem:v3+s8+$0x0], $0xffff  }
0xc8: {  	v4 =	vor.u32 v1, v4  }
0xc9: {  	s31 =	sshrl.u32 s0, $0x3;
	s1 =	sshrl.u32 s23, $0x3  }
0xca: {  	s0 =	simm.s32 $0x1648;
	s22 =	smov.u32 s30;
	s1 =	smul.u32 $0x58, s1  }
0xcb: {  	s23 =	rddreg [dreg:$0x1f];
	s3 =	simm.s32 $0x2E0;
	s2 =	sand.u32 $0x1, s31  }
0xcc: {  	s14 =	ssub.s32 s23, s1;
	p0 =	seq.s32 s2, $0x1;
	s2 =	sadd.s32 $0x1, s30;
	[tilespmem:s0+$0xFFFFFFE0] =	vst v3  }
0xcd: {  	s1 =	simm.s32 $0x2;
	s3 =	simm.s32 @!p0 $0x2D8;
	v3 =	vld.idx.msk [tilespmem:v4+s8+$0x0], $0xffff;
	v4 =	vmov s14;
	s14 =	smov.u32 s23  }
.LBB2_10:
0xce: {  	p0 =	sne.s32 s1, $0x20;
	s2 =	smulhi.u32 $0xBA2E8BA3, s2;
	v4 =	vsel vm0, s3, v4  }
0xcf: {  	v4 =	vor.u32 v1, v4  }
0xd0: {  	s3 =	sshrl.u32 s2, $0x6  }
0xd1: {  	s3 =	sand.u32 $0x1, s3  }
0xd2: {  	s31 =	simm.s32 $0x2B0;
	p1 =	seq.s32 s3, $0x1;
	s3 =	sshrl.u32 s2, $0x4  }
0xd3: {  	s23 =	sand.u32 $0xFFFFFF8, s3;
	s31 =	simm.s32 @!p1 $0x2A8;
	[tilespmem:s0+$0xFFFFFFF0] =	vst v3  }
0xd4: {  	s23 =	sadd.s32 $0x290, s23;
	v3 =	vmov s31;
	v4 =	vld.idx.msk [tilespmem:v4+s8+$0x0], $0xffff  }
0xd5: {  	v3 =	vsel vm0, s23, v3  }
0xd6: {  	v3 =	vor.u32 v1, v3;
	_ =	sdelay $0x1  }
0xd7: {  	s3 =	sand.u32 $0x1, s3;
	s23 =	sshrl.u32 s2, $0x5  }
0xd8: {  	p1 =	seq.s32 s3, $0x1;
	s3 =	simm.s32 $0x2D0;
	s23 =	sand.u32 $0x1, s23  }
0xd9: {  	s3 =	simm.s32 @!p1 $0x2C8;
	p2 =	seq.s32 s23, $0x1;
	s23 =	simm.s32 $0x2C0;
	[tilespmem:s0+$0x0] =	vst v4  }
0xda: {  	s22 =	sadd.s32 $0x1, s22;
	s23 =	simm.s32 @!p2 $0x2B8;
	v4 =	vmov s3;
	v3 =	vld.idx.msk [tilespmem:v3+s8+$0x0], $0xffff  }
0xdb: {  	s3 =	smulhi.u32 $0xBA2E8BA3, s22;
	v4 =	vsel vm0, s23, v4  }
0xdc: {  	v4 =	vor.u32 v1, v4  }
.Ltmp6:
0xdd: {  	s3 =	sshrl.u32 s3, $0x3;
	(pc) =	sbr.rel @p0 .LBB2_10-.Ltmp6, $4  }
0xde: {  	s2 =	sshrl.u32 s2, $0x3;
	s3 =	smul.u32 $0x58, s3  }
0xdf: {  	s14 =	sadd.s32 $0x8, s14;
	s2 =	sand.u32 $0x1, s2;
	s0 =	sadd.s32 $0x30, s0  }
0xe0: {  	p1 =	seq.s32 s2, $0x1;
	s23 =	ssub.s32 s14, s3;
	s3 =	simm.s32 $0x2E0;
	[tilespmem:s0+$0xFFFFFFE0] =	vst v3  }
0xe1: {  	s2 =	sadd.s32 s1, s30;
	s1 =	sadd.s32 $0x1, s1;
	s3 =	simm.s32 @!p1 $0x2D8;
	v3 =	vld.idx.msk [tilespmem:v4+s8+$0x0], $0xffff;
	v4 =	vmov s23  }
0xe2: {  	s1 =	smulhi.u32 $0xBA2E8BA3, s2  }
0xe3: {  	v4 =	vsel vm0, s3, v4  }
0xe4: {  	v4 =	vor.u32 v1, v4;
	s2 =	sshrl.u32 s1, $0x6  }
0xe5: {  	s2 =	sand.u32 $0x1, s2  }
0xe6: {  	s3 =	simm.s32 $0x2B0;
	s31 =	sshrl.u32 s1, $0x4;
	p0 =	seq.s32 s2, $0x1  }
0xe7: {  	s23 =	sand.u32 $0xFFFFFF8, s31;
	s3 =	simm.s32 @!p0 $0x2A8  }
0xe8: {  	[tilespmem:s0+$0xFFFFFFF0] =	vst v3;
	s23 =	sadd.s32 $0x290, s23;
	v3 =	vmov s3  }
0xe9: {  	v4 =	vld.idx.msk [tilespmem:v4+s8+$0x0], $0xffff;
	v3 =	vsel vm0, s23, v3  }
0xea: {  	v3 =	vor.u32 v1, v3  }
0xeb: {  	s22 =	sadd.s32 $0x1, s22;
	s2 =	sand.u32 $0x1, s31;
	s23 =	sshrl.u32 s1, $0x5  }
0xec: {  	p0 =	seq.s32 s2, $0x1;
	s2 =	simm.s32 $0x2D0;
	s3 =	sand.u32 $0x1, s23  }
0xed: {  	s2 =	simm.s32 @!p0 $0x2C8;
	p1 =	seq.s32 s3, $0x1;
	s3 =	simm.s32 $0x2C0  }
0xee: {  	s31 =	smulhi.u32 $0xBA2E8BA3, s22;
	v63 =	vmov s2;
	s3 =	simm.s32 @!p1 $0x2B8;
	[tilespmem:s0+$0x0] =	vst v4  }
0xef: {  	v4 =	vsel vm0, s3, v63;
	v3 =	vld.idx.msk [tilespmem:v3+s8+$0x0], $0xffff  }
0xf0: {  	s2 =	sshrl.u32 s31, $0x3;
	v4 =	vor.u32 v1, v4  }
0xf1: {  	s1 =	sshrl.u32 s1, $0x3;
	s2 =	smul.u32 $0x58, s2  }
0xf2: {  	s14 =	sadd.s32 $0x8, s14;
	s22 =	sadd.s32 $0x30, s0;
	s1 =	sand.u32 $0x1, s1  }
0xf3: {  	p0 =	seq.s32 s1, $0x1;
	s1 =	simm.s32 $0x2E0;
	s2 =	ssub.s32 s14, s2  }
0xf4: {  	s1 =	simm.s32 @!p0 $0x2D8;
	[tilespmem:s22+$0xFFFFFFE0] =	vst v3;
	v3 =	vmov s2  }
0xf5: {  	v4 =	vld.idx.msk [tilespmem:v4+s8+$0x0], $0xffff;
	v3 =	vsel vm0, s1, v3  }
0xf6: {  	v3 =	vor.u32 v1, v3;
	_ =	sdelay $0x3  }
0xf7: {  	[tilespmem:s22+$0xFFFFFFF0] =	vst v4  }
0xf8: {  	v3 =	vld.idx.msk [tilespmem:v3+s8+$0x0], $0xffff;
	_ =	sdelay $0x4  }
0xf9: {  	s31 =	simm.s32 $0x1628;
	s23 =	sadd.s32 $0x0, s29;
	[tilespmem:s22+$0x0] =	vst v3  }
0xfa: {  	[spmem:s23] =	stream.linear.scatter [tilespmem:s31], [sflag:$0xB], $0x30, $0x38;
	[tilespmem:$0x16CC8] =	vst v63  }
0xfb: {  	s0 =	simm.s32 $0xC0;
	_ =	swait.ge [sflag:s17], $0x30  }
.LBB2_12:
0xfc: {  	s1 =	sshra.s32 s0, $0x2  }
0xfd: {  	[sflag:s17] =	ssyncset.done $0x0;
	p0 =	sne.s32 s0, $0x1800;
	s2 =	sadd.s32 s1, s29  }
.Ltmp7:
0xfe: {  	s1 =	sadd.s32 $0x1628, s1;
	[sflag:s17] =	ssyncadd.s32 $0xFFFFFFD0;
	(pc) =	sbr.rel @p0 .LBB2_12-.Ltmp7, $3  }
0xff: {  	[spmem:s2] =	stream.linear.scatter [tilespmem:s1], [sflag:$0xB], $0x30, $0x38;
	[tilespmem:$0x16CC8] =	vst v63  }
0x100: {  	s0 =	sadd.s32 $0xC0, s0;
	_ =	sdelay $0x1  }
0x101: {  	_ =	swait.ge [sflag:s17], $0x30  }
0x102: {  	[sflag:s17] =	ssyncset.done $0x0  }
0x103: {  	[sflag:s17] =	ssyncadd.s32 $0xFFFFFFD0  }
0x104: {  	[bflag:$0x0] =	sbarrier.arrive $0xFFFF  }
0x105: {  	[tilespmem:$0x23A8] =	vst v2  }
0x106: {  	[tilespmem:$0x2478] =	vst v2  }
0x107: {  	[tilespmem:$0x2548] =	vst v2  }
0x108: {  	[tilespmem:$0x2618] =	vst v2  }
0x109: {  	[tilespmem:$0x26E8] =	vst v2  }
0x10a: {  	[tilespmem:$0x27B8] =	vst v2  }
0x10b: {  	[tilespmem:$0x2888] =	vst v2  }
0x10c: {  	[tilespmem:$0x2958] =	vst v2  }
0x10d: {  	[tilespmem:$0x2A28] =	vst v2  }
0x10e: {  	[tilespmem:$0x2AF8] =	vst v2  }
0x10f: {  	[tilespmem:$0x2BC8] =	vst v2  }
0x110: {  	[tilespmem:$0x2C98] =	vst v2  }
0x111: {  	[tilespmem:$0x2D68] =	vst v2  }
0x112: {  	[tilespmem:$0x2E38] =	vst v2  }
0x113: {  	[tilespmem:$0x2F08] =	vst v2  }
0x114: {  	[tilespmem:$0x2FD8] =	vst v2  }
0x115: {  	[tilespmem:$0x30A8] =	vst v2  }
0x116: {  	s14 =	simm.s32 $0x0;
	[tilespmem:$0x3178] =	vst v2;
	s0 =	rddreg [dreg:$0x8]  }
0x117: {  	[tilespmem:s25], [sflag:$0x1] =	stream.linear.gather [hbm4b:s0+s14], $0xC8, $0x38;
	[tilespmem:$0x16CC8] =	vst v63  }
0x118: {  	s1 =	simm.s32 $0x23B8;
	s22 =	rddreg [dreg:$0x9]  }
0x119: {  	[tilespmem:s1], [sflag:$0x1] =	stream.linear.gather [hbm4b:s22+s14], $0xC8, $0x38;
	[tilespmem:$0x16CC8] =	vst v63  }
0x11a: {  	s23 =	rddreg [dreg:$0xa]  }
0x11b: {  	[tilespmem:s24], [sflag:$0x1] =	stream.linear.gather [hbm4b:s23+s14], $0xC8, $0x38;
	[tilespmem:$0x16CC8] =	vst v63  }
0x11c: {  	s31 =	simm.s32 $0x2558;
	s25 =	rddreg [dreg:$0xb]  }
0x11d: {  	[tilespmem:s31], [sflag:$0x1] =	stream.linear.gather [hbm4b:s25+s14], $0xC8, $0x38;
	[tilespmem:$0x16CC8] =	vst v63  }
0x11e: {  	s2 =	rddreg [dreg:$0xc]  }
0x11f: {  	[tilespmem:s19], [sflag:$0x1] =	stream.linear.gather [hbm4b:s2+s14], $0xC8, $0x38;
	[tilespmem:$0x16CC8] =	vst v63  }
0x120: {  	s3 =	rddreg [dreg:$0xd];
	s19 =	simm.s32 $0x26F8  }
0x121: {  	[tilespmem:s19], [sflag:$0x1] =	stream.linear.gather [hbm4b:s3+s14], $0xC8, $0x38;
	[tilespmem:$0x16CC8] =	vst v63  }
0x122: {  	s22 =	rddreg [dreg:$0xe]  }
0x123: {  	[tilespmem:s21], [sflag:$0x1] =	stream.linear.gather [hbm4b:s22+s14], $0xC8, $0x38;
	[tilespmem:$0x16CC8] =	vst v63  }
0x124: {  	s23 =	rddreg [dreg:$0xf];
	s24 =	simm.s32 $0x2898  }
0x125: {  	[tilespmem:s24], [sflag:$0x1] =	stream.linear.gather [hbm4b:s23+s14], $0xC8, $0x38;
	[tilespmem:$0x16CC8] =	vst v63  }
0x126: {  	s25 =	rddreg [dreg:$0x10];
	s31 =	simm.s32 $0x2968  }
0x127: {  	[tilespmem:s31], [sflag:$0x1] =	stream.linear.gather [hbm4b:s25+s14], $0xC8, $0x38;
	[tilespmem:$0x16CC8] =	vst v63  }
.LBB2_14:
0x128: {  	_ =	swait.ge [sflag:s12], $0xC8  }
0x129: {  	[sflag:s12] =	ssyncset.done $0x0  }
0x12a: {  	[sflag:s12] =	ssyncadd.s32 $0xFFFFFF38  }
0x12b: {  	_ =	swait.ge [sflag:s12], $0xC8  }
0x12c: {  	[sflag:s12] =	ssyncset.done $0x0  }
0x12d: {  	[sflag:s12] =	ssyncadd.s32 $0xFFFFFF38  }
0x12e: {  	_ =	swait.ge [sflag:s12], $0xC8  }
0x12f: {  	[sflag:s12] =	ssyncset.done $0x0  }
0x130: {  	[sflag:s12] =	ssyncadd.s32 $0xFFFFFF38  }
0x131: {  	_ =	swait.ge [sflag:s12], $0xC8  }
0x132: {  	[sflag:s12] =	ssyncset.done $0x0  }
0x133: {  	[sflag:s12] =	ssyncadd.s32 $0xFFFFFF38  }
0x134: {  	_ =	swait.ge [sflag:s12], $0xC8  }
0x135: {  	[sflag:s12] =	ssyncset.done $0x0  }
0x136: {  	[sflag:s12] =	ssyncadd.s32 $0xFFFFFF38  }
0x137: {  	_ =	swait.ge [sflag:s12], $0xC8  }
0x138: {  	[sflag:s12] =	ssyncset.done $0x0  }
0x139: {  	[sflag:s12] =	ssyncadd.s32 $0xFFFFFF38  }
0x13a: {  	_ =	swait.ge [sflag:s12], $0xC8  }
0x13b: {  	[sflag:s12] =	ssyncset.done $0x0  }
0x13c: {  	[sflag:s12] =	ssyncadd.s32 $0xFFFFFF38  }
0x13d: {  	_ =	swait.ge [sflag:s12], $0xC8  }
0x13e: {  	[sflag:s12] =	ssyncset.done $0x0  }
0x13f: {  	[sflag:s12] =	ssyncadd.s32 $0xFFFFFF38  }
0x140: {  	_ =	swait.ge [sflag:s12], $0xC8  }
0x141: {  	[sflag:s12] =	ssyncset.done $0x0  }
0x142: {  	s1 =	simm.s32 $0x0;
	[sflag:s12] =	ssyncadd.s32 $0xFFFFFF38  }
0x143: {  	v3 =	vld [tilespmem:s1+$0x2558]  }
0x144: {  	v6 =	vld [tilespmem:s1+$0x2628]  }
0x145: {  	v8 =	vld [tilespmem:s1+$0x26F8]  }
0x146: {  	v9 =	vld [tilespmem:s1+$0x27C8]  }
0x147: {  	v10 =	vld [tilespmem:s1+$0x2898]  }
0x148: {  	v5 =	vld [tilespmem:s1+$0x22E8]  }
0x149: {  	v4 =	vld [tilespmem:s1+$0x23B8];
	v7 =	vshll.u32 v3, $0x2;
	v6 =	vshll.u32 v6, $0x1  }
0x14a: {  	v3 =	vld [tilespmem:s1+$0x2488];
	v6 =	vadd.s32 v7, v6  }
0x14b: {  	s0 =	simm.s32 $0x10;
	v9 =	vshll.u32 v9, $0x1;
	v7 =	vld [tilespmem:s1+$0x2968];
	v8 =	vadd.s32 v8, v6  }
0x14c: {  	s2 =	simm.s32 $0x80;
	v9 =	vadd.s32 v9, v10;
	v6 =	vld [tilespmem:s0+$0x2558];
	v8 =	vshll.u32 v8, $0x2  }
.LBB2_15:
0x14d: {  	p0 =	sne.s32 s2, $0x300;
	v10 =	vld [tilespmem:s0+$0x2628];
	v5 =	vmul.u32 $0x13, v5;
	v8 =	vadd.s32 v8, v9  }
0x14e: {  	v9 =	vld [tilespmem:s0+$0x26F8];
	v8 =	vmul.u32 $0xB, v8  }
0x14f: {  	v11 =	vld [tilespmem:s0+$0x27C8];
	v4 =	vadd.s32 v4, v5  }
0x150: {  	v12 =	vld [tilespmem:s0+$0x2898];
	v13 =	vmul.u32 $0x13, v4;
	v4 =	vadd.s32 v7, v8  }
.Ltmp8:
0x151: {  	v5 =	vld [tilespmem:s0+$0x22E8];
	[tilespmem:s1+$0x3258] =	vst v4;
	(pc) =	sbr.rel @p0 .LBB2_15-.Ltmp8, $4  }
0x152: {  	v6 =	vshll.u32 v6, $0x2;
	v4 =	vld [tilespmem:s0+$0x23B8];
	v7 =	vshll.u32 v10, $0x1;
	v8 =	vadd.s32 v3, v13  }
0x153: {  	v3 =	vld [tilespmem:s0+$0x2488];
	v6 =	vadd.s32 v6, v7;
	[tilespmem:s1+$0x3188] =	vst v8;
	s1 =	smov.u32 s0  }
0x154: {  	s0 =	sshra.s32 s2, $0x2;
	v7 =	vld [tilespmem:s1+$0x2968];
	v8 =	vadd.s32 v9, v6;
	v9 =	vshll.u32 v11, $0x1  }
0x155: {  	s2 =	sadd.s32 $0x40, s2;
	v6 =	vld [tilespmem:s0+$0x2558];
	v8 =	vshll.u32 v8, $0x2;
	v9 =	vadd.s32 v9, v12  }
0x156: {  	v10 =	vld [tilespmem:s0+$0x2628]  }
0x157: {  	v8 =	vadd.s32 v8, v9;
	v9 =	vld [tilespmem:s0+$0x26F8];
	v5 =	vmul.u32 $0x13, v5  }
0x158: {  	v11 =	vld [tilespmem:s0+$0x27C8];
	v8 =	vmul.u32 $0xB, v8  }
0x159: {  	v12 =	vld [tilespmem:s0+$0x2898];
	v4 =	vadd.s32 v4, v5  }
0x15a: {  	v5 =	vadd.s32 v7, v8;
	v7 =	vld [tilespmem:s0+$0x22E8];
	v4 =	vmul.u32 $0x13, v4  }
0x15b: {  	[tilespmem:s1+$0x3258] =	vst v5  }
0x15c: {  	v6 =	vshll.u32 v6, $0x2;
	v5 =	vld [tilespmem:s0+$0x23B8];
	v8 =	vshll.u32 v10, $0x1;
	v3 =	vadd.s32 v3, v4  }
0x15d: {  	v4 =	vld [tilespmem:s0+$0x2488];
	v6 =	vadd.s32 v6, v8;
	[tilespmem:s1+$0x3188] =	vst v3  }
0x15e: {  	v8 =	vshll.u32 v11, $0x1;
	v3 =	vld [tilespmem:s0+$0x2968];
	v6 =	vadd.s32 v9, v6  }
0x15f: {  	v8 =	vadd.s32 v8, v12;
	v6 =	vshll.u32 v6, $0x2;
	v7 =	vmul.u32 $0x13, v7  }
0x160: {  	v6 =	vadd.s32 v6, v8  }
0x161: {  	v6 =	vmul.u32 $0xB, v6;
	v5 =	vadd.s32 v5, v7  }
0x162: {  	v5 =	vmul.u32 $0x13, v5  }
0x163: {  	v3 =	vadd.s32 v3, v6  }
0x164: {  	p0 =	seq.s32 s14, $0x0;
	[tilespmem:s0+$0x3258] =	vst v3;
	v3 =	vadd.s32 v4, v5  }
0x165: {  	s2 =	simm.s32 @p0 $0x34C8;
	s1 =	simm.s32 @p0 $0x3188;
	[tilespmem:s0+$0x3188] =	vst v3;
	s0 =	simm.s32 @p0 $0xD0  }
0x166: {  	[tilespmem:s2], [sflag:$0x3] =	stream.indirect.gather @p0 [spmem:s16], $0x30, s1, s0, $0xb8;
	[tilespmem:$0x16CC8] =	vst v63  }
0x167: {  	s1 =	simm.s32 @p0 $0x3258;
	s2 =	simm.s32 @p0 $0x5BC8  }
0x168: {  	[tilespmem:s2], [sflag:$0x3] =	stream.indirect.gather @p0 [spmem:s18], $0x30, s1, s0, $0xb8;
	[tilespmem:$0x16CC8] =	vst v63  }
0x169: {  	s0 =	simm.s32 @!p0 $0x7  }
0x16a: {  	_ =	swait.ge @!p0 [sflag:s0], $0x2580  }
0x16b: {  	[sflag:s0] =	ssyncset.done @!p0 $0x0  }
0x16c: {  	[sflag:s0] =	ssyncadd.s32 @!p0 $0xFFFFDA80  }
0x16d: {  	_ =	swait.ge @!p0 [sflag:s0], $0x2580  }
0x16e: {  	s1 =	simm.s32 @!p0 $0x3188;
	[sflag:s0] =	ssyncset.done @!p0 $0x0  }
0x16f: {  	s2 =	simm.s32 @!p0 $0x34C8;
	[sflag:s0] =	ssyncadd.s32 @!p0 $0xFFFFDA80;
	s0 =	simm.s32 @!p0 $0xD0  }
0x170: {  	[tilespmem:s2], [sflag:$0x3] =	stream.indirect.gather @!p0 [spmem:s16], $0x30, s1, s0, $0xb8;
	[tilespmem:$0x16CC8] =	vst v63  }
0x171: {  	s1 =	simm.s32 @!p0 $0x3258;
	s2 =	simm.s32 @!p0 $0x5BC8  }
0x172: {  	[tilespmem:s2], [sflag:$0x3] =	stream.indirect.gather @!p0 [spmem:s18], $0x30, s1, s0, $0xb8;
	[tilespmem:$0x16CC8] =	vst v63  }
0x173: {  	s1 =	simm.s32 @!p0 $0x6  }
0x174: {  	_ =	swait.ge @!p0 [sflag:s1], $0x2700  }
0x175: {  	s2 =	sld [smem:$0x7FC];
	_ =	sdelay $0x1  }
0x176: {  	s0 =	sshll.u32 s14, $0x2  }
0x177: {  	[sflag:s1] =	ssyncset.done @!p0 $0x0;
	s2 =	sadd.s32 @!p0 s0, s2  }
0x178: {  	s3 =	simm.s32 @!p0 $0x30;
	[sflag:s1] =	ssyncadd.s32 @!p0 $0xFFFFD900;
	s2 =	smul.u32 @!p0 $0x6400, s2  }
0x179: {  	s23 =	simm.s32 @!p0 $0x80;
	s22 =	simm.s32 @!p0 $0x11EC8;
	_ =	swait.ge @!p0 [sflag:s1], $0x2700  }
0x17a: {  	[sflag:s1] =	ssyncset.done @!p0 $0x0;
	s24 =	rddreg [dreg:$0x6];
	s2 =	sshrl.u32 @!p0 s2, $0x3  }
0x17b: {  	[sflag:s1] =	ssyncadd.s32 @!p0 $0xFFFFD900;
	s31 =	sor.u32 s0, s24;
	s1 =	sadd.s32 @!p0 s26, s2  }
0x17c: {  	[hbm4b:s1+s3] =	stream.strided.scatter @!p0 [tilespmem:s22], [sflag:$0xA], $0x2580, s23, s3, $0x38;
	[tilespmem:$0x16CC8] =	vst v63  }
0x17d: {  	s25 =	smov.u32 s16;
	s22 =	sor.u32 $0x1, s31  }
0x17e: {  	s1 =	sadd.s32 @!p0 s2, s20;
	s2 =	simm.s32 @!p0 $0x145C8;
	s16 =	smul.u32 $0x19, s22  }
0x17f: {  	[hbm4b:s1+s3] =	stream.strided.scatter @!p0 [tilespmem:s2], [sflag:$0xA], $0x2580, s23, s3, $0x38;
	[tilespmem:$0x16CC8] =	vst v63  }
0x180: {  	s19 =	simm.s32 $0x2A38;
	s3 =	rddreg [dreg:$0x0]  }
0x181: {  	s2 =	simm.s32 $0x0;
	s23 =	sld [smem:$0x7FB];
	s1 =	sadd.s32 s3, s16  }
0x182: {  	[tilespmem:s19], [sflag:$0x2] =	stream.linear.gather [hbm4b:s1+s2], $0xC8, $0x38;
	[tilespmem:$0x16CC8] =	vst v63  }
0x183: {  	s21 =	sadd.s32 s5, s16  }
0x184: {  	[tilespmem:s6], [sflag:$0x2] =	stream.linear.gather [hbm4b:s21+s2], $0xC8, $0x38;
	[tilespmem:$0x16CC8] =	vst v63  }
0x185: {  	s24 =	simm.s32 $0x2BD8;
	s1 =	sadd.s32 s23, s16  }
0x186: {  	[tilespmem:s24], [sflag:$0x2] =	stream.linear.gather [hbm4b:s1+s2], $0xC8, $0x38;
	[tilespmem:$0x16CC8] =	vst v63  }
0x187: {  	s3 =	sadd.s32 s9, s16;
	s6 =	simm.s32 $0x2CA8  }
0x188: {  	[tilespmem:s6], [sflag:$0x2] =	stream.linear.gather [hbm4b:s3+s2], $0xC8, $0x38;
	[tilespmem:$0x16CC8] =	vst v63  }
0x189: {  	s19 =	sadd.s32 s10, s16;
	s21 =	simm.s32 $0x2D78  }
0x18a: {  	[tilespmem:s21], [sflag:$0x2] =	stream.linear.gather [hbm4b:s19+s2], $0xC8, $0x38;
	[tilespmem:$0x16CC8] =	vst v63  }
0x18b: {  	s23 =	sadd.s32 s11, s16;
	s24 =	simm.s32 $0x2E48  }
0x18c: {  	[tilespmem:s24], [sflag:$0x2] =	stream.linear.gather [hbm4b:s23+s2], $0xC8, $0x38;
	[tilespmem:$0x16CC8] =	vst v63  }
0x18d: {  	s3 =	sadd.s32 s13, s16;
	s6 =	simm.s32 $0x2F18  }
0x18e: {  	[tilespmem:s6], [sflag:$0x2] =	stream.linear.gather [hbm4b:s3+s2], $0xC8, $0x38;
	[tilespmem:$0x16CC8] =	vst v63  }
0x18f: {  	s19 =	sadd.s32 s15, s16;
	s21 =	simm.s32 $0x2FE8  }
0x190: {  	[tilespmem:s21], [sflag:$0x2] =	stream.linear.gather [hbm4b:s19+s2], $0xC8, $0x38;
	[tilespmem:$0x16CC8] =	vst v63  }
0x191: {  	s23 =	sadd.s32 s7, s16;
	s24 =	simm.s32 $0x30B8  }
0x192: {  	[tilespmem:s24], [sflag:$0x2] =	stream.linear.gather [hbm4b:s23+s2], $0xC8, $0x38;
	[tilespmem:$0x16CC8] =	vst v63  }
0x193: {  	_ =	swait.ge [sflag:s28], $0xC8  }
0x194: {  	[sflag:s28] =	ssyncset.done $0x0  }
0x195: {  	[sflag:s28] =	ssyncadd.s32 $0xFFFFFF38  }
0x196: {  	_ =	swait.ge [sflag:s28], $0xC8  }
0x197: {  	[sflag:s28] =	ssyncset.done $0x0  }
0x198: {  	[sflag:s28] =	ssyncadd.s32 $0xFFFFFF38  }
0x199: {  	_ =	swait.ge [sflag:s28], $0xC8  }
0x19a: {  	[sflag:s28] =	ssyncset.done $0x0  }
0x19b: {  	[sflag:s28] =	ssyncadd.s32 $0xFFFFFF38  }
0x19c: {  	_ =	swait.ge [sflag:s28], $0xC8  }
0x19d: {  	[sflag:s28] =	ssyncset.done $0x0  }
0x19e: {  	[sflag:s28] =	ssyncadd.s32 $0xFFFFFF38  }
0x19f: {  	_ =	swait.ge [sflag:s28], $0xC8  }
0x1a0: {  	[sflag:s28] =	ssyncset.done $0x0  }
0x1a1: {  	[sflag:s28] =	ssyncadd.s32 $0xFFFFFF38  }
0x1a2: {  	_ =	swait.ge [sflag:s28], $0xC8  }
0x1a3: {  	[sflag:s28] =	ssyncset.done $0x0  }
0x1a4: {  	[sflag:s28] =	ssyncadd.s32 $0xFFFFFF38  }
0x1a5: {  	_ =	swait.ge [sflag:s28], $0xC8  }
0x1a6: {  	[sflag:s28] =	ssyncset.done $0x0  }
0x1a7: {  	[sflag:s28] =	ssyncadd.s32 $0xFFFFFF38  }
0x1a8: {  	_ =	swait.ge [sflag:s28], $0xC8  }
0x1a9: {  	[sflag:s28] =	ssyncset.done $0x0  }
0x1aa: {  	[sflag:s28] =	ssyncadd.s32 $0xFFFFFF38  }
0x1ab: {  	_ =	swait.ge [sflag:s28], $0xC8  }
0x1ac: {  	[sflag:s28] =	ssyncset.done $0x0  }
0x1ad: {  	s1 =	simm.s32 $0x0;
	[sflag:s28] =	ssyncadd.s32 $0xFFFFFF38  }
0x1ae: {  	v3 =	vld [tilespmem:s1+$0x2CA8]  }
0x1af: {  	v6 =	vld [tilespmem:s1+$0x2D78]  }
0x1b0: {  	v8 =	vld [tilespmem:s1+$0x2E48]  }
0x1b1: {  	v9 =	vld [tilespmem:s1+$0x2F18]  }
0x1b2: {  	v10 =	vld [tilespmem:s1+$0x2FE8]  }
0x1b3: {  	v5 =	vld [tilespmem:s1+$0x2A38]  }
0x1b4: {  	v4 =	vld [tilespmem:s1+$0x2B08];
	v7 =	vshll.u32 v3, $0x2;
	v6 =	vshll.u32 v6, $0x1  }
0x1b5: {  	v3 =	vld [tilespmem:s1+$0x2BD8];
	v6 =	vadd.s32 v7, v6  }
0x1b6: {  	s23 =	simm.s32 $0x10;
	v9 =	vshll.u32 v9, $0x1;
	v7 =	vld [tilespmem:s1+$0x30B8];
	v8 =	vadd.s32 v8, v6  }
0x1b7: {  	s2 =	simm.s32 $0x80;
	v9 =	vadd.s32 v9, v10;
	v6 =	vld [tilespmem:s23+$0x2CA8];
	v8 =	vshll.u32 v8, $0x2  }
.LBB2_17:
0x1b8: {  	p1 =	sne.s32 s2, $0x300;
	v10 =	vld [tilespmem:s23+$0x2D78];
	v5 =	vmul.u32 $0x13, v5;
	v8 =	vadd.s32 v8, v9  }
0x1b9: {  	v9 =	vld [tilespmem:s23+$0x2E48];
	v8 =	vmul.u32 $0xB, v8  }
0x1ba: {  	v11 =	vld [tilespmem:s23+$0x2F18];
	v4 =	vadd.s32 v4, v5  }
0x1bb: {  	v12 =	vld [tilespmem:s23+$0x2FE8];
	v13 =	vmul.u32 $0x13, v4;
	v4 =	vadd.s32 v7, v8  }
.Ltmp9:
0x1bc: {  	v5 =	vld [tilespmem:s23+$0x2A38];
	[tilespmem:s1+$0x33F8] =	vst v4;
	(pc) =	sbr.rel @p1 .LBB2_17-.Ltmp9, $4  }
0x1bd: {  	v6 =	vshll.u32 v6, $0x2;
	v4 =	vld [tilespmem:s23+$0x2B08];
	v7 =	vshll.u32 v10, $0x1;
	v8 =	vadd.s32 v3, v13  }
0x1be: {  	v3 =	vld [tilespmem:s23+$0x2BD8];
	v6 =	vadd.s32 v6, v7;
	[tilespmem:s1+$0x3328] =	vst v8;
	s1 =	smov.u32 s23  }
0x1bf: {  	s23 =	sshra.s32 s2, $0x2;
	v7 =	vld [tilespmem:s1+$0x30B8];
	v8 =	vadd.s32 v9, v6;
	v9 =	vshll.u32 v11, $0x1  }
0x1c0: {  	s2 =	sadd.s32 $0x40, s2;
	v6 =	vld [tilespmem:s23+$0x2CA8];
	v8 =	vshll.u32 v8, $0x2;
	v9 =	vadd.s32 v9, v12  }
0x1c1: {  	v10 =	vld [tilespmem:s23+$0x2D78]  }
0x1c2: {  	v8 =	vadd.s32 v8, v9;
	v9 =	vld [tilespmem:s23+$0x2E48];
	v5 =	vmul.u32 $0x13, v5  }
0x1c3: {  	v11 =	vld [tilespmem:s23+$0x2F18];
	v8 =	vmul.u32 $0xB, v8  }
0x1c4: {  	v12 =	vld [tilespmem:s23+$0x2FE8];
	v4 =	vadd.s32 v4, v5  }
0x1c5: {  	v5 =	vadd.s32 v7, v8;
	v7 =	vld [tilespmem:s23+$0x2A38];
	v4 =	vmul.u32 $0x13, v4  }
0x1c6: {  	[tilespmem:s1+$0x33F8] =	vst v5  }
0x1c7: {  	v6 =	vshll.u32 v6, $0x2;
	v5 =	vld [tilespmem:s23+$0x2B08];
	v8 =	vshll.u32 v10, $0x1;
	v3 =	vadd.s32 v3, v4  }
0x1c8: {  	v4 =	vld [tilespmem:s23+$0x2BD8];
	v6 =	vadd.s32 v6, v8;
	[tilespmem:s1+$0x3328] =	vst v3  }
0x1c9: {  	v8 =	vshll.u32 v11, $0x1;
	v3 =	vld [tilespmem:s23+$0x30B8];
	v6 =	vadd.s32 v9, v6  }
0x1ca: {  	v8 =	vadd.s32 v8, v12;
	v6 =	vshll.u32 v6, $0x2;
	v7 =	vmul.u32 $0x13, v7  }
0x1cb: {  	v6 =	vadd.s32 v6, v8  }
0x1cc: {  	v6 =	vmul.u32 $0xB, v6;
	v5 =	vadd.s32 v5, v7  }
0x1cd: {  	v5 =	vmul.u32 $0x13, v5  }
0x1ce: {  	v3 =	vadd.s32 v3, v6  }
0x1cf: {  	[tilespmem:s23+$0x33F8] =	vst v3;
	v3 =	vadd.s32 v4, v5  }
0x1d0: {  	s1 =	simm.s32 @!p0 $0x8;
	[tilespmem:s23+$0x3328] =	vst v3  }
0x1d1: {  	_ =	swait.ge @!p0 [sflag:s1], $0x2580  }
0x1d2: {  	[sflag:s1] =	ssyncset.done @!p0 $0x0  }
0x1d3: {  	[sflag:s1] =	ssyncadd.s32 @!p0 $0xFFFFDA80  }
0x1d4: {  	_ =	swait.ge @!p0 [sflag:s1], $0x2580  }
0x1d5: {  	s24 =	simm.s32 $0xD0;
	[sflag:s1] =	ssyncset.done @!p0 $0x0  }
0x1d6: {  	s2 =	simm.s32 $0x3328;
	s3 =	simm.s32 $0x82C8;
	[sflag:s1] =	ssyncadd.s32 @!p0 $0xFFFFDA80  }
0x1d7: {  	[tilespmem:s3], [sflag:$0x4] =	stream.indirect.gather [spmem:s25], $0x30, s2, s24, $0xb8;
	[tilespmem:$0x16CC8] =	vst v63  }
0x1d8: {  	s6 =	simm.s32 $0xA9C8;
	s19 =	simm.s32 $0x3;
	s3 =	simm.s32 $0x33F8  }
0x1d9: {  	[tilespmem:s6], [sflag:$0x4] =	stream.indirect.gather [spmem:s18], $0x30, s3, s24, $0xb8;
	[tilespmem:$0x16CC8] =	vst v63  }
0x1da: {  	_ =	swait.ge [sflag:s19], $0x2700  }
0x1db: {  	[sflag:s19] =	ssyncset.done $0x0  }
0x1dc: {  	s21 =	smul.u32 $0xC80, s31;
	[sflag:s19] =	ssyncadd.s32 $0xFFFFD900  }
0x1dd: {  	s16 =	smov.u32 s25;
	_ =	swait.ge [sflag:s19], $0x2700  }
0x1de: {  	s23 =	sadd.s32 s26, s21;
	s24 =	simm.s32 $0x30;
	[sflag:s19] =	ssyncset.done $0x0  }
0x1df: {  	s6 =	simm.s32 $0x80;
	[sflag:s19] =	ssyncadd.s32 $0xFFFFD900;
	s19 =	simm.s32 $0x34C8  }
0x1e0: {  	[hbm4b:s23+s24] =	stream.strided.scatter [tilespmem:s19], [sflag:$0x7], $0x2580, s6, s24, $0x38;
	[tilespmem:$0x16CC8] =	vst v63  }
0x1e1: {  	s1 =	sadd.s32 s21, s20;
	s23 =	sor.u32 $0x2, s31;
	s3 =	rddreg [dreg:$0x0]  }
0x1e2: {  	s25 =	simm.s32 $0x5BC8;
	s19 =	sld [smem:$0x7FB];
	s2 =	smul.u32 $0x19, s23  }
0x1e3: {  	[hbm4b:s1+s24] =	stream.strided.scatter [tilespmem:s25], [sflag:$0x7], $0x2580, s6, s24, $0x38;
	[tilespmem:$0x16CC8] =	vst v63  }
0x1e4: {  	s25 =	simm.s32 $0x22E8;
	s1 =	sadd.s32 s3, s2;
	s3 =	simm.s32 $0x0  }
0x1e5: {  	[tilespmem:s25], [sflag:$0x1] =	stream.linear.gather [hbm4b:s1+s3], $0xC8, $0x38;
	[tilespmem:$0x16CC8] =	vst v63  }
0x1e6: {  	s6 =	smov.u32 s5;
	s24 =	simm.s32 $0x23B8;
	s5 =	sadd.s32 s5, s2  }
0x1e7: {  	[tilespmem:s24], [sflag:$0x1] =	stream.linear.gather [hbm4b:s5+s3], $0xC8, $0x38;
	[tilespmem:$0x16CC8] =	vst v63  }
0x1e8: {  	s1 =	sadd.s32 s19, s2;
	s24 =	simm.s32 $0x2488  }
0x1e9: {  	[tilespmem:s24], [sflag:$0x1] =	stream.linear.gather [hbm4b:s1+s3], $0xC8, $0x38;
	[tilespmem:$0x16CC8] =	vst v63  }
0x1ea: {  	s21 =	sadd.s32 s9, s2;
	s5 =	simm.s32 $0x2558  }
0x1eb: {  	[tilespmem:s5], [sflag:$0x1] =	stream.linear.gather [hbm4b:s21+s3], $0xC8, $0x38;
	[tilespmem:$0x16CC8] =	vst v63  }
0x1ec: {  	s19 =	simm.s32 $0x2628;
	s21 =	sadd.s32 s10, s2  }
0x1ed: {  	[tilespmem:s19], [sflag:$0x1] =	stream.linear.gather [hbm4b:s21+s3], $0xC8, $0x38;
	[tilespmem:$0x16CC8] =	vst v63  }
0x1ee: {  	s5 =	sadd.s32 s11, s2;
	s21 =	simm.s32 $0x26F8  }
0x1ef: {  	[tilespmem:s21], [sflag:$0x1] =	stream.linear.gather [hbm4b:s5+s3], $0xC8, $0x38;
	[tilespmem:$0x16CC8] =	vst v63  }
0x1f0: {  	s5 =	sadd.s32 s13, s2;
	s21 =	simm.s32 $0x27C8  }
0x1f1: {  	[tilespmem:s21], [sflag:$0x1] =	stream.linear.gather [hbm4b:s5+s3], $0xC8, $0x38;
	[tilespmem:$0x16CC8] =	vst v63  }
0x1f2: {  	s1 =	sadd.s32 s15, s2;
	s5 =	simm.s32 $0x2898  }
0x1f3: {  	[tilespmem:s5], [sflag:$0x1] =	stream.linear.gather [hbm4b:s1+s3], $0xC8, $0x38;
	[tilespmem:$0x16CC8] =	vst v63  }
0x1f4: {  	s2 =	sadd.s32 s7, s2;
	s5 =	simm.s32 $0x2968  }
0x1f5: {  	[tilespmem:s5], [sflag:$0x1] =	stream.linear.gather [hbm4b:s2+s3], $0xC8, $0x38;
	[tilespmem:$0x16CC8] =	vst v63  }
0x1f6: {  	_ =	swait.ge [sflag:s12], $0xC8  }
0x1f7: {  	[sflag:s12] =	ssyncset.done $0x0  }
0x1f8: {  	[sflag:s12] =	ssyncadd.s32 $0xFFFFFF38  }
0x1f9: {  	_ =	swait.ge [sflag:s12], $0xC8  }
0x1fa: {  	[sflag:s12] =	ssyncset.done $0x0  }
0x1fb: {  	[sflag:s12] =	ssyncadd.s32 $0xFFFFFF38  }
0x1fc: {  	_ =	swait.ge [sflag:s12], $0xC8  }
0x1fd: {  	[sflag:s12] =	ssyncset.done $0x0  }
0x1fe: {  	[sflag:s12] =	ssyncadd.s32 $0xFFFFFF38  }
0x1ff: {  	_ =	swait.ge [sflag:s12], $0xC8  }
0x200: {  	[sflag:s12] =	ssyncset.done $0x0  }
0x201: {  	[sflag:s12] =	ssyncadd.s32 $0xFFFFFF38  }
0x202: {  	_ =	swait.ge [sflag:s12], $0xC8  }
0x203: {  	[sflag:s12] =	ssyncset.done $0x0  }
0x204: {  	[sflag:s12] =	ssyncadd.s32 $0xFFFFFF38  }
0x205: {  	_ =	swait.ge [sflag:s12], $0xC8  }
0x206: {  	[sflag:s12] =	ssyncset.done $0x0  }
0x207: {  	[sflag:s12] =	ssyncadd.s32 $0xFFFFFF38  }
0x208: {  	_ =	swait.ge [sflag:s12], $0xC8  }
0x209: {  	[sflag:s12] =	ssyncset.done $0x0  }
0x20a: {  	[sflag:s12] =	ssyncadd.s32 $0xFFFFFF38  }
0x20b: {  	_ =	swait.ge [sflag:s12], $0xC8  }
0x20c: {  	[sflag:s12] =	ssyncset.done $0x0  }
0x20d: {  	[sflag:s12] =	ssyncadd.s32 $0xFFFFFF38  }
0x20e: {  	_ =	swait.ge [sflag:s12], $0xC8  }
0x20f: {  	[sflag:s12] =	ssyncset.done $0x0  }
0x210: {  	s2 =	simm.s32 $0x0;
	[sflag:s12] =	ssyncadd.s32 $0xFFFFFF38  }
0x211: {  	v3 =	vld [tilespmem:s2+$0x2558]  }
0x212: {  	v6 =	vld [tilespmem:s2+$0x2628]  }
0x213: {  	v8 =	vld [tilespmem:s2+$0x26F8]  }
0x214: {  	v9 =	vld [tilespmem:s2+$0x27C8]  }
0x215: {  	v10 =	vld [tilespmem:s2+$0x2898]  }
0x216: {  	v5 =	vld [tilespmem:s2+$0x22E8]  }
0x217: {  	v4 =	vld [tilespmem:s2+$0x23B8];
	v7 =	vshll.u32 v3, $0x2;
	v6 =	vshll.u32 v6, $0x1  }
0x218: {  	v3 =	vld [tilespmem:s2+$0x2488];
	v6 =	vadd.s32 v7, v6  }
0x219: {  	s1 =	simm.s32 $0x10;
	v9 =	vshll.u32 v9, $0x1;
	v7 =	vld [tilespmem:s2+$0x2968];
	v8 =	vadd.s32 v8, v6  }
0x21a: {  	s3 =	simm.s32 $0x80;
	v9 =	vadd.s32 v9, v10;
	v6 =	vld [tilespmem:s1+$0x2558];
	v8 =	vshll.u32 v8, $0x2  }
.LBB2_19:
0x21b: {  	p1 =	sne.s32 s3, $0x300;
	v10 =	vld [tilespmem:s1+$0x2628];
	v5 =	vmul.u32 $0x13, v5;
	v8 =	vadd.s32 v8, v9  }
0x21c: {  	v9 =	vld [tilespmem:s1+$0x26F8];
	v8 =	vmul.u32 $0xB, v8  }
0x21d: {  	v11 =	vld [tilespmem:s1+$0x27C8];
	v4 =	vadd.s32 v4, v5  }
0x21e: {  	v12 =	vld [tilespmem:s1+$0x2898];
	v13 =	vmul.u32 $0x13, v4;
	v4 =	vadd.s32 v7, v8  }
.Ltmp10:
0x21f: {  	v5 =	vld [tilespmem:s1+$0x22E8];
	[tilespmem:s2+$0x3258] =	vst v4;
	(pc) =	sbr.rel @p1 .LBB2_19-.Ltmp10, $4  }
0x220: {  	v6 =	vshll.u32 v6, $0x2;
	v4 =	vld [tilespmem:s1+$0x23B8];
	v7 =	vshll.u32 v10, $0x1;
	v8 =	vadd.s32 v3, v13  }
0x221: {  	v3 =	vld [tilespmem:s1+$0x2488];
	v6 =	vadd.s32 v6, v7;
	[tilespmem:s2+$0x3188] =	vst v8;
	s2 =	smov.u32 s1  }
0x222: {  	s1 =	sshra.s32 s3, $0x2;
	v7 =	vld [tilespmem:s2+$0x2968];
	v8 =	vadd.s32 v9, v6;
	v9 =	vshll.u32 v11, $0x1  }
0x223: {  	s3 =	sadd.s32 $0x40, s3;
	v6 =	vld [tilespmem:s1+$0x2558];
	v8 =	vshll.u32 v8, $0x2;
	v9 =	vadd.s32 v9, v12  }
0x224: {  	v10 =	vld [tilespmem:s1+$0x2628]  }
0x225: {  	v8 =	vadd.s32 v8, v9;
	v9 =	vld [tilespmem:s1+$0x26F8];
	v5 =	vmul.u32 $0x13, v5  }
0x226: {  	v11 =	vld [tilespmem:s1+$0x27C8];
	v8 =	vmul.u32 $0xB, v8  }
0x227: {  	v12 =	vld [tilespmem:s1+$0x2898];
	v4 =	vadd.s32 v4, v5  }
0x228: {  	v5 =	vadd.s32 v7, v8;
	v7 =	vld [tilespmem:s1+$0x22E8];
	v4 =	vmul.u32 $0x13, v4  }
0x229: {  	[tilespmem:s2+$0x3258] =	vst v5  }
0x22a: {  	v6 =	vshll.u32 v6, $0x2;
	v5 =	vld [tilespmem:s1+$0x23B8];
	v8 =	vshll.u32 v10, $0x1;
	v3 =	vadd.s32 v3, v4  }
0x22b: {  	v4 =	vld [tilespmem:s1+$0x2488];
	[tilespmem:s2+$0x3188] =	vst v3;
	v3 =	vadd.s32 v6, v8  }
0x22c: {  	v8 =	vshll.u32 v11, $0x1;
	v6 =	vld [tilespmem:s1+$0x2968];
	v3 =	vadd.s32 v9, v3  }
0x22d: {  	v8 =	vadd.s32 v8, v12;
	v3 =	vshll.u32 v3, $0x2;
	v7 =	vmul.u32 $0x13, v7  }
0x22e: {  	v3 =	vadd.s32 v3, v8  }
0x22f: {  	v3 =	vmul.u32 $0xB, v3;
	v5 =	vadd.s32 v5, v7  }
0x230: {  	v5 =	vmul.u32 $0x13, v5  }
0x231: {  	v3 =	vadd.s32 v6, v3  }
0x232: {  	[tilespmem:s1+$0x3258] =	vst v3;
	v3 =	vadd.s32 v4, v5  }
0x233: {  	[tilespmem:s1+$0x3188] =	vst v3;
	s1 =	simm.s32 @!p0 $0x9  }
0x234: {  	_ =	swait.ge @!p0 [sflag:s1], $0x2580  }
0x235: {  	[sflag:s1] =	ssyncset.done @!p0 $0x0  }
0x236: {  	[sflag:s1] =	ssyncadd.s32 @!p0 $0xFFFFDA80  }
0x237: {  	_ =	swait.ge @!p0 [sflag:s1], $0x2580  }
0x238: {  	s5 =	simm.s32 $0x3188;
	[sflag:s1] =	ssyncset.done @!p0 $0x0  }
0x239: {  	s3 =	simm.s32 $0xD0C8;
	[sflag:s1] =	ssyncadd.s32 @!p0 $0xFFFFDA80;
	s1 =	simm.s32 $0xD0  }
0x23a: {  	[tilespmem:s3], [sflag:$0x5] =	stream.indirect.gather [spmem:s16], $0x30, s5, s1, $0xb8;
	[tilespmem:$0x16CC8] =	vst v63  }
0x23b: {  	s3 =	simm.s32 $0x3258;
	s5 =	simm.s32 $0xF7C8  }
0x23c: {  	[tilespmem:s5], [sflag:$0x5] =	stream.indirect.gather [spmem:s18], $0x30, s3, s1, $0xb8;
	[tilespmem:$0x16CC8] =	vst v63  }
0x23d: {  	s5 =	simm.s32 $0x4  }
0x23e: {  	_ =	swait.ge [sflag:s5], $0x2700  }
0x23f: {  	[sflag:s5] =	ssyncset.done $0x0  }
0x240: {  	[sflag:s5] =	ssyncadd.s32 $0xFFFFD900  }
0x241: {  	s1 =	smul.u32 $0xC80, s22;
	_ =	swait.ge [sflag:s5], $0x2700  }
0x242: {  	s3 =	simm.s32 $0x82C8;
	s22 =	simm.s32 $0x80;
	[sflag:s5] =	ssyncset.done $0x0  }
0x243: {  	s2 =	sadd.s32 s26, s1;
	[sflag:s5] =	ssyncadd.s32 $0xFFFFD900;
	s5 =	simm.s32 $0x30  }
0x244: {  	[hbm4b:s2+s5] =	stream.strided.scatter [tilespmem:s3], [sflag:$0x8], $0x2580, s22, s5, $0x38;
	[tilespmem:$0x16CC8] =	vst v63  }
0x245: {  	s1 =	sadd.s32 s1, s20;
	s2 =	smul.u32 $0x19, s31;
	s31 =	simm.s32 $0xA9C8  }
0x246: {  	[hbm4b:s1+s5] =	stream.strided.scatter [tilespmem:s31], [sflag:$0x8], $0x2580, s22, s5, $0x38;
	[tilespmem:$0x16CC8] =	vst v63  }
0x247: {  	s1 =	sadd.s32 $0x4B, s2;
	s5 =	rddreg [dreg:$0x0]  }
0x248: {  	s3 =	simm.s32 $0x0;
	s22 =	simm.s32 $0x2A38;
	s2 =	sadd.s32 s5, s1  }
0x249: {  	[tilespmem:s22], [sflag:$0x2] =	stream.linear.gather [hbm4b:s2+s3], $0xC8, $0x38;
	[tilespmem:$0x16CC8] =	vst v63  }
0x24a: {  	s22 =	sld [smem:$0x7FB]  }
0x24b: {  	s5 =	smov.u32 s6;
	s31 =	sadd.s32 s6, s1;
	s6 =	simm.s32 $0x2B08  }
0x24c: {  	[tilespmem:s6], [sflag:$0x2] =	stream.linear.gather [hbm4b:s31+s3], $0xC8, $0x38;
	[tilespmem:$0x16CC8] =	vst v63  }
0x24d: {  	s31 =	simm.s32 $0x2BD8;
	s2 =	sadd.s32 s22, s1  }
0x24e: {  	[tilespmem:s31], [sflag:$0x2] =	stream.linear.gather [hbm4b:s2+s3], $0xC8, $0x38;
	[tilespmem:$0x16CC8] =	vst v63  }
0x24f: {  	s22 =	sadd.s32 s9, s1;
	s31 =	simm.s32 $0x2CA8  }
0x250: {  	[tilespmem:s31], [sflag:$0x2] =	stream.linear.gather [hbm4b:s22+s3], $0xC8, $0x38;
	[tilespmem:$0x16CC8] =	vst v63  }
0x251: {  	s22 =	sadd.s32 s10, s1;
	s31 =	simm.s32 $0x2D78  }
0x252: {  	[tilespmem:s31], [sflag:$0x2] =	stream.linear.gather [hbm4b:s22+s3], $0xC8, $0x38;
	[tilespmem:$0x16CC8] =	vst v63  }
0x253: {  	s22 =	sadd.s32 s11, s1;
	s31 =	simm.s32 $0x2E48  }
0x254: {  	[tilespmem:s31], [sflag:$0x2] =	stream.linear.gather [hbm4b:s22+s3], $0xC8, $0x38;
	[tilespmem:$0x16CC8] =	vst v63  }
0x255: {  	s22 =	sadd.s32 s13, s1;
	s31 =	simm.s32 $0x2F18  }
0x256: {  	[tilespmem:s31], [sflag:$0x2] =	stream.linear.gather [hbm4b:s22+s3], $0xC8, $0x38;
	[tilespmem:$0x16CC8] =	vst v63  }
0x257: {  	s22 =	sadd.s32 s15, s1;
	s31 =	simm.s32 $0x2FE8  }
0x258: {  	[tilespmem:s31], [sflag:$0x2] =	stream.linear.gather [hbm4b:s22+s3], $0xC8, $0x38;
	[tilespmem:$0x16CC8] =	vst v63  }
0x259: {  	s1 =	sadd.s32 s7, s1;
	s31 =	simm.s32 $0x30B8  }
0x25a: {  	[tilespmem:s31], [sflag:$0x2] =	stream.linear.gather [hbm4b:s1+s3], $0xC8, $0x38;
	[tilespmem:$0x16CC8] =	vst v63  }
0x25b: {  	_ =	swait.ge [sflag:s28], $0xC8  }
0x25c: {  	[sflag:s28] =	ssyncset.done $0x0  }
0x25d: {  	[sflag:s28] =	ssyncadd.s32 $0xFFFFFF38  }
0x25e: {  	_ =	swait.ge [sflag:s28], $0xC8  }
0x25f: {  	[sflag:s28] =	ssyncset.done $0x0  }
0x260: {  	[sflag:s28] =	ssyncadd.s32 $0xFFFFFF38  }
0x261: {  	_ =	swait.ge [sflag:s28], $0xC8  }
0x262: {  	[sflag:s28] =	ssyncset.done $0x0  }
0x263: {  	[sflag:s28] =	ssyncadd.s32 $0xFFFFFF38  }
0x264: {  	_ =	swait.ge [sflag:s28], $0xC8  }
0x265: {  	[sflag:s28] =	ssyncset.done $0x0  }
0x266: {  	[sflag:s28] =	ssyncadd.s32 $0xFFFFFF38  }
0x267: {  	_ =	swait.ge [sflag:s28], $0xC8  }
0x268: {  	[sflag:s28] =	ssyncset.done $0x0  }
0x269: {  	[sflag:s28] =	ssyncadd.s32 $0xFFFFFF38  }
0x26a: {  	_ =	swait.ge [sflag:s28], $0xC8  }
0x26b: {  	[sflag:s28] =	ssyncset.done $0x0  }
0x26c: {  	[sflag:s28] =	ssyncadd.s32 $0xFFFFFF38  }
0x26d: {  	_ =	swait.ge [sflag:s28], $0xC8  }
0x26e: {  	[sflag:s28] =	ssyncset.done $0x0  }
0x26f: {  	[sflag:s28] =	ssyncadd.s32 $0xFFFFFF38  }
0x270: {  	_ =	swait.ge [sflag:s28], $0xC8  }
0x271: {  	[sflag:s28] =	ssyncset.done $0x0  }
0x272: {  	[sflag:s28] =	ssyncadd.s32 $0xFFFFFF38  }
0x273: {  	_ =	swait.ge [sflag:s28], $0xC8  }
0x274: {  	[sflag:s28] =	ssyncset.done $0x0  }
0x275: {  	s22 =	simm.s32 $0x0;
	[sflag:s28] =	ssyncadd.s32 $0xFFFFFF38  }
0x276: {  	v3 =	vld [tilespmem:s22+$0x2CA8]  }
0x277: {  	v6 =	vld [tilespmem:s22+$0x2D78]  }
0x278: {  	v8 =	vld [tilespmem:s22+$0x2E48]  }
0x279: {  	v9 =	vld [tilespmem:s22+$0x2F18]  }
0x27a: {  	v10 =	vld [tilespmem:s22+$0x2FE8]  }
0x27b: {  	v5 =	vld [tilespmem:s22+$0x2A38]  }
0x27c: {  	v4 =	vld [tilespmem:s22+$0x2B08];
	v7 =	vshll.u32 v3, $0x2;
	v6 =	vshll.u32 v6, $0x1  }
0x27d: {  	v3 =	vld [tilespmem:s22+$0x2BD8];
	v6 =	vadd.s32 v7, v6  }
0x27e: {  	s1 =	simm.s32 $0x10;
	v9 =	vshll.u32 v9, $0x1;
	v7 =	vld [tilespmem:s22+$0x30B8];
	v8 =	vadd.s32 v8, v6  }
0x27f: {  	s2 =	simm.s32 $0x80;
	v9 =	vadd.s32 v9, v10;
	v6 =	vld [tilespmem:s1+$0x2CA8];
	v8 =	vshll.u32 v8, $0x2  }
.LBB2_21:
0x280: {  	p1 =	sne.s32 s2, $0x300;
	v10 =	vld [tilespmem:s1+$0x2D78];
	v5 =	vmul.u32 $0x13, v5;
	v8 =	vadd.s32 v8, v9  }
0x281: {  	v9 =	vld [tilespmem:s1+$0x2E48];
	v8 =	vmul.u32 $0xB, v8  }
0x282: {  	v11 =	vld [tilespmem:s1+$0x2F18];
	v4 =	vadd.s32 v4, v5  }
0x283: {  	v12 =	vld [tilespmem:s1+$0x2FE8];
	v13 =	vmul.u32 $0x13, v4;
	v4 =	vadd.s32 v7, v8  }
.Ltmp11:
0x284: {  	v5 =	vld [tilespmem:s1+$0x2A38];
	[tilespmem:s22+$0x33F8] =	vst v4;
	(pc) =	sbr.rel @p1 .LBB2_21-.Ltmp11, $4  }
0x285: {  	v6 =	vshll.u32 v6, $0x2;
	v4 =	vld [tilespmem:s1+$0x2B08];
	v7 =	vshll.u32 v10, $0x1;
	v8 =	vadd.s32 v3, v13  }
0x286: {  	v3 =	vld [tilespmem:s1+$0x2BD8];
	v6 =	vadd.s32 v6, v7;
	[tilespmem:s22+$0x3328] =	vst v8;
	s22 =	smov.u32 s1  }
0x287: {  	s1 =	sshra.s32 s2, $0x2;
	v7 =	vld [tilespmem:s22+$0x30B8];
	v8 =	vadd.s32 v9, v6;
	v9 =	vshll.u32 v11, $0x1  }
0x288: {  	s2 =	sadd.s32 $0x40, s2;
	v6 =	vld [tilespmem:s1+$0x2CA8];
	v8 =	vshll.u32 v8, $0x2;
	v9 =	vadd.s32 v9, v12  }
0x289: {  	v10 =	vld [tilespmem:s1+$0x2D78]  }
0x28a: {  	v8 =	vadd.s32 v8, v9;
	v58 =	vld [tilespmem:s1+$0x2E48];
	v5 =	vmul.u32 $0x13, v5  }
0x28b: {  	v11 =	vld [tilespmem:s1+$0x2F18];
	v8 =	vmul.u32 $0xB, v8  }
0x28c: {  	v12 =	vld [tilespmem:s1+$0x2FE8];
	v4 =	vadd.s32 v4, v5  }
0x28d: {  	v60 =	vld [tilespmem:s1+$0x2A38];
	v59 =	vadd.s32 v7, v8;
	v4 =	vmul.u32 $0x13, v4  }
0x28e: {  	[tilespmem:s22+$0x33F8] =	vst v59  }
0x28f: {  	v6 =	vshll.u32 v6, $0x2;
	v5 =	vld [tilespmem:s1+$0x2B08];
	v61 =	vshll.u32 v10, $0x1;
	v3 =	vadd.s32 v3, v4  }
0x290: {  	v62 =	vld [tilespmem:s1+$0x2BD8];
	v6 =	vadd.s32 v6, v61;
	[tilespmem:s22+$0x3328] =	vst v3  }
0x291: {  	v63 =	vshll.u32 v11, $0x1;
	v3 =	vld [tilespmem:s1+$0x30B8];
	v6 =	vadd.s32 v58, v6  }
0x292: {  	v7 =	vmul.u32 $0x13, v60;
	v8 =	vadd.s32 v63, v12;
	v6 =	vshll.u32 v6, $0x2  }
0x293: {  	v6 =	vadd.s32 v6, v8  }
0x294: {  	v6 =	vmul.u32 $0xB, v6;
	v5 =	vadd.s32 v5, v7  }
0x295: {  	v5 =	vmul.u32 $0x13, v5  }
0x296: {  	v3 =	vadd.s32 v3, v6  }
0x297: {  	[tilespmem:s1+$0x33F8] =	vst v3;
	v3 =	vadd.s32 v62, v5  }
0x298: {  	[tilespmem:s1+$0x3328] =	vst v3;
	s1 =	simm.s32 @!p0 $0xA  }
0x299: {  	_ =	swait.ge @!p0 [sflag:s1], $0x2580  }
0x29a: {  	[sflag:s1] =	ssyncset.done @!p0 $0x0  }
0x29b: {  	[sflag:s1] =	ssyncadd.s32 @!p0 $0xFFFFDA80  }
0x29c: {  	_ =	swait.ge @!p0 [sflag:s1], $0x2580  }
0x29d: {  	s2 =	simm.s32 $0x3328;
	[sflag:s1] =	ssyncset.done @!p0 $0x0  }
0x29e: {  	s3 =	simm.s32 $0x11EC8;
	[sflag:s1] =	ssyncadd.s32 @!p0 $0xFFFFDA80;
	s1 =	simm.s32 $0xD0  }
0x29f: {  	[tilespmem:s3], [sflag:$0x6] =	stream.indirect.gather [spmem:s16], $0x30, s2, s1, $0xb8;
	[tilespmem:$0x16CC8] =	vst v63  }
0x2a0: {  	s31 =	simm.s32 $0x145C8;
	s22 =	simm.s32 $0x33F8  }
0x2a1: {  	[tilespmem:s31], [sflag:$0x6] =	stream.indirect.gather [spmem:s18], $0x30, s22, s1, $0xb8;
	[tilespmem:$0x16CC8] =	vst v63  }
0x2a2: {  	s22 =	simm.s32 $0x5  }
0x2a3: {  	_ =	swait.ge [sflag:s22], $0x2700  }
0x2a4: {  	[sflag:s22] =	ssyncset.done $0x0  }
0x2a5: {  	p0 =	seq.s32 s14, $0x1F;
	[sflag:s22] =	ssyncadd.s32 $0xFFFFD900  }
0x2a6: {  	s3 =	simm.s32 $0x30;
	s1 =	smul.u32 $0xC80, s23;
	_ =	swait.ge [sflag:s22], $0x2700  }
.Ltmp12:
0x2a7: {  	s31 =	simm.s32 $0xD0C8;
	[sflag:s22] =	ssyncset.done $0x0;
	(pc) =	sbr.rel @p0 .LBB2_24-.Ltmp12, $4  }
0x2a8: {  	s23 =	sadd.s32 s26, s1;
	[sflag:s22] =	ssyncadd.s32 $0xFFFFD900;
	s22 =	simm.s32 $0x80  }
0x2a9: {  	[hbm4b:s23+s3] =	stream.strided.scatter [tilespmem:s31], [sflag:$0x9], $0x2580, s22, s3, $0x38;
	[tilespmem:$0x16CC8] =	vst v63  }
0x2aa: {  	s1 =	sadd.s32 s1, s20;
	s31 =	simm.s32 $0xF7C8  }
0x2ab: {  	[hbm4b:s1+s3] =	stream.strided.scatter [tilespmem:s31], [sflag:$0x9], $0x2580, s22, s3, $0x38;
	[tilespmem:$0x16CC8] =	vst v63  }
0x2ac: {  	s1 =	sld [smem:$0x7FD];
	_ =	sdelay $0x2  }
0x2ad: {  	s0 =	sadd.s32 s0, s1  }
0x2ae: {  	s0 =	smul.u32 $0x19, s0  }
0x2af: {  	s3 =	rddreg [dreg:$0x0]  }
0x2b0: {  	s23 =	sld [smem:$0x7FB];
	s1 =	sadd.s32 s3, s0  }
0x2b1: {  	[tilespmem:s25], [sflag:$0x1] =	stream.linear.gather [hbm4b:s1+s4], $0xC8, $0x38;
	[tilespmem:$0x16CC8] =	vst v63  }
0x2b2: {  	s2 =	simm.s32 $0x23B8;
	s22 =	sadd.s32 s5, s0  }
0x2b3: {  	[tilespmem:s2], [sflag:$0x1] =	stream.linear.gather [hbm4b:s22+s4], $0xC8, $0x38;
	[tilespmem:$0x16CC8] =	vst v63  }
0x2b4: {  	s1 =	sadd.s32 s23, s0  }
0x2b5: {  	[tilespmem:s24], [sflag:$0x1] =	stream.linear.gather [hbm4b:s1+s4], $0xC8, $0x38;
	[tilespmem:$0x16CC8] =	vst v63  }
0x2b6: {  	s31 =	simm.s32 $0x2558;
	s25 =	sadd.s32 s9, s0  }
0x2b7: {  	[tilespmem:s31], [sflag:$0x1] =	stream.linear.gather [hbm4b:s25+s4], $0xC8, $0x38;
	[tilespmem:$0x16CC8] =	vst v63  }
0x2b8: {  	s3 =	sadd.s32 s10, s0  }
0x2b9: {  	[tilespmem:s19], [sflag:$0x1] =	stream.linear.gather [hbm4b:s3+s4], $0xC8, $0x38;
	[tilespmem:$0x16CC8] =	vst v63  }
0x2ba: {  	s22 =	simm.s32 $0x26F8;
	s19 =	sadd.s32 s11, s0  }
0x2bb: {  	[tilespmem:s22], [sflag:$0x1] =	stream.linear.gather [hbm4b:s19+s4], $0xC8, $0x38;
	[tilespmem:$0x16CC8] =	vst v63  }
0x2bc: {  	s23 =	sadd.s32 s13, s0  }
0x2bd: {  	[tilespmem:s21], [sflag:$0x1] =	stream.linear.gather [hbm4b:s23+s4], $0xC8, $0x38;
	[tilespmem:$0x16CC8] =	vst v63  }
.Ltmp13:
0x2be: {  	_ = 	snop;
	(pc) =	sbr.rel .LBB2_14-.Ltmp13, $4  }
0x2bf: {  	s24 =	sadd.s32 s15, s0;
	s25 =	simm.s32 $0x2898  }
0x2c0: {  	[tilespmem:s25], [sflag:$0x1] =	stream.linear.gather [hbm4b:s24+s4], $0xC8, $0x38;
	[tilespmem:$0x16CC8] =	vst v63  }
0x2c1: {  	s14 =	sadd.s32 $0x1, s14;
	s31 =	simm.s32 $0x2968;
	s0 =	sadd.s32 s7, s0  }
0x2c2: {  	[tilespmem:s31], [sflag:$0x1] =	stream.linear.gather [hbm4b:s0+s4], $0xC8, $0x38;
	[tilespmem:$0x16CC8] =	vst v63  }
.LBB2_2:
.Ltmp14:
0x2c3: {  	(pc) =	sbr.rel .LBB2_7-.Ltmp14, $2  }
0x2c4: {  	_ =	sdelay $0x2  }
0x2c5: {  	s14 =	simm.s32 $0x1648;
	s22 =	rddreg [dreg:$0x1d]  }
.LBB2_4:
.Ltmp15:
0x2c6: {  	(pc) =	sbr.rel .LBB2_7-.Ltmp15, $2  }
0x2c7: {  	_ =	sdelay $0x2  }
0x2c8: {  	s14 =	simm.s32 $0x1648;
	s22 =	rddreg [dreg:$0x1d];
	s31 =	simm.s32 $0x1648  }
.LBB2_25:
0x2c9: {  	_ =	sfence.sel $0x180000  }
0x2ca: {  	[bflag:$0x0] =	sbarrier.arrive $0xFFFF  }
0x2cb: {  	_ =	strace $0x90000047  }
0x2cc: {  	s0 =	stileid.u32;
	[bflag:$0x2] =	sbarrier.arrive $0xFFFF  }
0x2cd: {  	p0 =	sne.s32 s0, $0x0;
	s0 =	rddreg [dreg:$0x4]  }
0x2ce: {  	s0 =	sadd.s32 @!p0 $0x100000, s0  }
0x2cf: {  	[sflag:s0] =	ssyncadd.tile.s32 @!p0 $0x1;
	_ =	shalt  }
.Lfunc_end2:
_tile_overlayer_lowered:
.L_overlay_start_2:
0x2d0: {  	(tag) =	ssettag $0x2  }
0x2d1: {  	s0 =	rddreg [dreg:$0x0];
	s2 =	stileid.u32  }
0x2d2: {  	s1 =	rddreg [dreg:$0x1];
	p0 =	sne.s32 s2, $0x0  }
0x2d3: {  	s3 =	rddreg [dreg:$0x2];
	[bflag:$0x3] =	sbarrier.arrive $0xFFFF;
	s2 =	simm.s32 @!p0 $0x1C0B  }
0x2d4: {  	[timem:s3], [sflag:s2] =	dma.local @!p0 [hbm:s0], s1  }
0x2d5: {  	s0 =	simm.s32 @!p0 $0xB  }
0x2d6: {  	_ =	swait.ge @!p0 [sflag:s0], s1  }
0x2d7: {  	s1 =	ssub.s32 @!p0 $0x0, s1;
	[sflag:s0] =	ssyncset.done @!p0 $0x0  }
0x2d8: {  	[sflag:s0] =	ssyncadd.s32 @!p0 s1  }
0x2d9: {  	[bflag:$0x3] =	sbarrier.arrive $0xFFFF  }
0x2da: {  	_ =	shalt  }

// kernel: sparse-core-data-format-call.cloned.1.call-start
scs
called_computation_lowered:
.L_overlay_start_0:
0x0: {  	s2 =	sld [smem:$0x3FD9]  }
0x1: {  	s3 =	sld [smem:$0x3FFE];
	_ =	sdelay $0x1  }
0x2: {  	s1 =	srdreg.scid  }
0x3: {  	s0 =	sand.u32 $0x1, s1  }
0x4: {  	s18 =	sshll.u32 s0, $0xA;
	s2 =	sadd.s32 s3, s2  }
0x5: {  	s2 =	sadd.s32 s2, s18  }
0x6: {  	[smem:$0x3FB6] =	sst s2  }
0x7: {  	_ = 	snop  }
0x8: {  	s2 =	sld [smem:$0x3FD0];
	(tm) =	ssettm $0x1  }
0x9: {  	s19 =	sld [smem:$0x3FFB];
	_ =	sdelay $0x3  }
0xa: {  	_ =	strace s19  }
0xb: {  	s3 =	sld [smem:$0x3FFC];
	_ =	sdelay $0x3  }
0xc: {  	_ =	strace s3  }
0xd: {  	s3 =	sld [smem:$0x3FFD];
	_ =	sdelay $0x3  }
0xe: {  	_ =	strace s3  }
0xf: {  	_ =	strace $0x8FFFFFFF  }
0x10: {  	s20 =	sld [smem:$0x3FDB];
	_ =	sdelay $0x1  }
0x11: {  	s4 =	simm.s32 $_scs_section_size  }
0x12: {  	s5 =	simm.s32 $_size__tile_overlayer_lowered;
	s6 =	simm.s32 $_tile_overlayer_lowered  }
0x13: {  	s23 =	simm.s32 $0x1BFF;
	s22 =	sshll.u32 s6, $0x1;
	s3 =	sadd.s32 s4, s20  }
0x14: {  	s7 =	simm.s32 $0x0;
	s21 =	sshll.u32 s5, $0x1;
	s5 =	sadd.s32 s22, s3  }
0x15: {  	[timem:s7], [sflag:s23] =	dma.local [hbm:s5], s21  }
0x16: {  	_ =	swait.ge [sflag:s23], s21  }
0x17: {  	s4 =	ssub.s32 $0x0, s21;
	[sflag:s23] =	ssyncset.done $0x0  }
0x18: {  	[sflag:s23] =	ssyncadd.s32 s4;
	_ =	sdelay $0x1  }
0x19: {  	s24 =	simm.s32 $0x1B8B  }
0x1a: {  	_ =	swait.ge [sflag:s24], $0x1  }
0x1b: {  	[sflag:s24] =	ssyncset.done $0x0  }
0x1c: {  	s26 =	simm.s32 $0x1B8E;
	s25 =	sld [smem:$0x3FFE];
	[sflag:s24] =	ssyncadd.s32 $0xFFFFFFFF  }
0x1d: {  	s27 =	simm.s32 $execute0_lowered;
	[smem:$0x3FD2] =	sst s26  }
0x1e: {  	s5 =	sshll.u32 s27, $0x1;
	_ =	strace $0x80000049;
	[dreg:$0x1] =	wrdreg $0xFFFFFFFF  }
0x1f: {  	s28 =	simm.s32 $_size_execute0_lowered;
	s3 =	sadd.s32 s3, s5;
	[dreg:$0x0] =	wrdreg $0x0  }
0x20: {  	s5 =	sshll.u32 s28, $0x1;
	[dreg:$0x2] =	wrdreg s3  }
0x21: {  	[dreg:$0x3] =	wrdreg s5  }
0x22: {  	[dreg:$0x4] =	wrdreg $0xC0  }
0x23: {  	_ =	task [dreg:s7], $0x5FFFF  }
0x24: {  	[dreg:$0x1] =	wrdreg $0xFFFFFFFF  }
0x25: {  	[dreg:$0x0] =	wrdreg $0x60  }
0x26: {  	[dreg:$0x2] =	wrdreg s25  }
0x27: {  	[dreg:$0x3] =	wrdreg s2  }
0x28: {  	[dreg:$0x4] =	wrdreg $0x9  }
0x29: {  	_ =	task.clear_ibuf [dreg:s7], $0x5FFFF;
	_ =	strace $0x90000049  }
0x2a: {  	s29 =	simm.s32 $0x9;
	_ =	strace $0x8000004B  }
0x2b: {  	_ =	swait.ge [sflag:s29], $0x1  }
0x2c: {  	[sflag:s29] =	ssyncadd.s32 $0xFFFFFFFF  }
0x2d: {  	_ =	strace $0x9000004B  }
0x2e: {  	_ =	sfence  }
0x2f: {  	s30 =	sld [smem:$0x0];
	_ =	sdelay $0x2  }
0x30: {  	s31 =	sshll.u32 s1, $0xD;
	s1 =	sshrl.u32 s1, $0x2  }
0x31: {  	s3 =	sand.u32 $0x4000, s31;
	s1 =	sadd.s32 s1, s30  }
0x32: {  	s0 =	sor.u32 s3, s0;
	s1 =	sshll.u32 s1, $0x11  }
0x33: {  	s0 =	sor.u32 s1, s0  }
0x34: {  	s0 =	sadd.s32 $0x8F2B, s0  }
0x35: {  	[sflag:s0] =	ssyncadd.remote.s32 $0x1  }
0x36: {  	_ =	sfence.sel $0xFFFF  }
0x37: {  	[dreg:$0x0] =	wrdreg $0xFFFFFFFF;
	(pc) =	sbr.abs _section_cstart, $3  }
0x38: {  	[dreg:$0x1] =	wrdreg $0xFFFFFFFF  }
0x39: {  	_ =	task.clear_ibuf [dreg:s7], $0x2FFFF;
	_ =	strace $0x9FFFFFFF  }
0x3a: {  	(tm) =	ssettm $0x7FFFFFFF  }
0x3b: {  	_ =	shalt  }
tec
execute0_lowered:
.L_overlay_start_1:
0x0: {  	(tag) =	ssettag $0x1  }
0x1: {  	s0 =	srdreg.scid  }
0x2: {  	s1 =	sshll.u32 s0, $0x4  }
0x3: {  	s6 =	rddreg [dreg:$0x0];
	s0 =	stileid.u32;
	s1 =	sand.u32 $0x10, s1  }
0x4: {  	s3 =	rddreg [dreg:$0x1];
	s1 =	sor.u32 s0, s1  }
0x5: {  	s5 =	simm.s32 $0x1;
	s31 =	simm.s32 $0x2;
	s2 =	sshll.u32 s1, $0x7  }
0x6: {  	s15 =	simm.s32 $0x0;
	s8 =	simm.s32 $0x8000;
	s4 =	ssub.s32 $0x1000, s2  }
0x7: {  	s14 =	simm.s32 $0x0;
	s9 =	simm.s32 $0x0;
	s30 =	sand.u32 $0xF80, s4  }
0x8: {  	s10 =	simm.s32 $0x0;
	s11 =	simm.s32 $0x0;
	p0 =	sne.s32 s30, $0x0  }
.Ltmp0:
0x9: {  	s7 =	sshrl.u32 s4, $0xC;
	s5 =	simm.s32 @!p0 $0x0;
	(pc) =	sbr.rel .LBB1_1-.Ltmp0, $4  }
0xa: {  	s13 =	simm.s32 $0x0;
	s1 =	rddreg [dreg:$0x2];
	s5 =	sadd.s32 s5, s7  }
0xb: {  	_ =	strace $0x8000004A;
	s4 =	simm.s32 $0x1;
	s5 =	smul.u32 $0xC8, s5  }
0xc: {  	s6 =	sadd.s32 $0xCAA00, s6;
	s12 =	smov.u32 s2;
	[sflag:s4] =	ssyncpa.u1 $0x0  }
0xd: {  	[sflag:s31] =	ssyncpa.u1 $0x0;
	p0 =	por $0x0, $0x0;
	s7 =	sor.u32 $0x1, s5  }
.LBB1_4:
0xe: {  	s20 =	sshra.s32 s20, $0x2;
	s28 =	sshll.u32 s10, $0x3;
	p1 =	sgt.s32 s9, $0xC7  }
0xf: {  	s21 =	smov.u32 s9;
	s23 =	sshra.s32 s9, $0x1F;
	s24 =	smov.u32 s10  }
0x10: {  	v5 =	vld [tilespmem:s17+$0xFFFFFFD0];
	[tilespmem:s18+$0x2040 ss:$0x81] =	vst.msk $0xffff, v4;
	s25 =	sshra.s32 s10, $0x1F;
	s26 =	sand.u32 $0x78, s10;
	s19 =	sadd.s32 s20, s19  }
0x11: {  	v58 =	vld [tilespmem:s17+$0xFFFFFFE0];
	[tilespmem:s18+$0x2850 ss:$0x81] =	vst.msk $0xffff, v3;
	s22 =	sshrl.u32 s28, $0xC;
	s21 =	simm.s32 @!p1 $0xC7;
	s23 =	sand.u32 s23, s9  }
0x12: {  	v59 =	vld [tilespmem:s17+$0xFFFFFFF0];
	[tilespmem:s18+$0x3060 ss:$0x81] =	vst.msk $0xffff, v2;
	p1 =	sgt.s32 s10, $0xF80;
	s29 =	sand.u32 s25, s10;
	s20 =	sand.u32 $0xC00, s28  }
0x13: {  	v60 =	vld [tilespmem:s17+$0x0];
	[tilespmem:s18+$0x0 ss:$0x81] =	vst.msk $0xffff, v0;
	s28 =	smul.u32 $0xC000, s9;
	s21 =	ssub.s32 s21, s23;
	s24 =	simm.s32 @!p1 $0xF80  }
0x14: {  	v61 =	vld [tilespmem:s17+$0x10];
	s30 =	smulhi.u32 $0x2AAAAAB, s22;
	[tilespmem:s19+$0x3870 ss:$0x81] =	vst.msk $0xffff, v1;
	s20 =	sor.u32 s26, s20;
	s31 =	ssub.s32 $0xC8, s21  }
0x15: {  	v62 =	vld [tilespmem:s17+$0x20];
	s23 =	ssub.s32 s24, s29;
	s21 =	sadd.s32 $0xFFFFFF39, s21;
	s25 =	smul.u32 $0x60, s31;
	[tilespmem:s19+$0x810 ss:$0x81] =	vst.msk $0xffff, v5  }
0x16: {  	v63 =	vld [tilespmem:s17+$0xFFFFFFC0];
	s18 =	smul.u32 $0x60, s30;
	p1 =	sgt.s32 s21, $0x0;
	s27 =	sadd.s32 $0xFFFFF080, s23;
	[tilespmem:s19+$0x1020 ss:$0x81] =	vst.msk $0xffff, v58  }
0x17: {  	s17 =	ssub.s32 $0x1000, s23;
	[tilespmem:s19+$0x1830 ss:$0x81] =	vst.msk $0xffff, v59;
	s25 =	simm.s32 @p1 $0x0;
	p1 =	sgt.s32 s27, $0x7F  }
0x18: {  	s29 =	sand.u32 $0x7, s10;
	[tilespmem:s19+$0x2040 ss:$0x81] =	vst.msk $0xffff, v60;
	s18 =	ssub.s32 s22, s18;
	s17 =	simm.s32 @p1 $0x0  }
0x19: {  	s21 =	sadd.s32 s3, s28;
	[tilespmem:s19+$0x2850 ss:$0x81] =	vst.msk $0xffff, v61;
	s18 =	sshll.u32 s18, $0x9;
	s17 =	smul.u32 s17, s25  }
0x1a: {  	s20 =	sshrl.u32 s20, $0x3;
	s30 =	sshll.u32 s29, $0x12;
	[tilespmem:s19+$0x3060 ss:$0x81] =	vst.msk $0xffff, v62;
	s18 =	sadd.s32 s18, s21  }
0x1b: {  	[tilespmem:s19+$0x0 ss:$0x81] =	vst.msk $0xffff, v63;
	s31 =	sor.u32 $0x400, s30;
	s18 =	sadd.s32 s20, s18;
	s17 =	sand.u32 $0x3FFFFFE0, s17  }
0x1c: {  	[hbm4b:s18+s31] =	stream.strided.scatter [tilespmem:s16], [sflag:$0x2], s17, s8, s31, $0x20;
	[tilespmem:$0x10100] =	vst v63  }
.LBB1_5:
0x1d: {  	p1 =	slt.u32 s13, $0x2  }
0x1e: {  	s17 =	smov.u32 s15;
	p2 =	sgt.s32 @!p1 s15, $0xC7;
	s16 =	sshra.s32 @!p1 s15, $0x1F  }
0x1f: {  	p3 =	sgt.s32 @!p1 s14, $0xF80;
	s18 =	sshra.s32 @!p1 s14, $0x1F;
	p2 =	por !p2, p1  }
0x20: {  	s15 =	sand.u32 @!p1 s16, s15;
	p3 =	por !p3, p1;
	s16 =	smov.u32 s14  }
0x21: {  	s14 =	sand.u32 @!p1 s18, s14;
	s17 =	simm.s32 @p2 $0xC7;
	s16 =	simm.s32 @p3 $0xF80  }
0x22: {  	s18 =	smov.u32 s12;
	s15 =	ssub.s32 @!p1 s17, s15;
	s14 =	ssub.s32 @!p1 s16, s14  }
0x23: {  	s16 =	sadd.s32 @!p1 $0xFFFFFF39, s15;
	s15 =	ssub.s32 @!p1 $0xC8, s15;
	s17 =	sadd.s32 @!p1 $0xFFFFF080, s14  }
0x24: {  	p2 =	sgt.s32 @!p1 s16, $0x0;
	s15 =	smul.u32 @!p1 $0x60, s15;
	p3 =	sgt.s32 @!p1 s17, $0x7F  }
0x25: {  	s14 =	ssub.s32 @!p1 $0x1000, s14;
	p2 =	por !p2, p1;
	p3 =	por !p3, p1  }
0x26: {  	s16 =	sadd.s32 $0x1, s11;
	s15 =	simm.s32 @!p2 $0x0;
	s14 =	simm.s32 @!p3 $0x0  }
0x27: {  	p2 =	sgt.s32 s16, $0xC7;
	s14 =	smul.u32 @!p1 s14, s15;
	s15 =	sadd.s32 $0x1000, s12  }
0x28: {  	s18 =	smov.u32 @p2 s15  }
0x29: {  	s16 =	simm.s32 @p2 $0x0;
	p2 =	sgt.s32 s18, $0xFFF  }
0x2a: {  	s18 =	smov.u32 @p2 s2;
	p2 =	sne.s32 s13, s7  }
.Ltmp1:
0x2b: {  	p0 =	por !p0, !p0;
	s17 =	simm.s32 @!p1 $0x2;
	(pc) =	sbr.rel @!p2 .LBB1_6-.Ltmp1, $4  }
0x2c: {  	s15 =	smov.u32 s9;
	s9 =	smov.u32 s11;
	s14 =	sand.u32 @!p1 $0x3FFFFFE0, s14  }
0x2d: {  	s11 =	smov.u32 s16;
	_ =	swait.ge @!p1 [sflag:s17], s14;
	s19 =	ssub.s32 @!p1 $0x0, s14  }
0x2e: {  	s14 =	smov.u32 s10;
	s13 =	sadd.s32 $0x1, s13;
	[sflag:s17] =	ssyncset.done @!p1 $0x0  }
0x2f: {  	s10 =	smov.u32 s12;
	s12 =	smov.u32 s18;
	[sflag:s17] =	ssyncadd.s32 @!p1 s19  }
.LBB1_1:
0x30: {  	p1 =	sge.u32 s13, s5  }
0x31: {  	s16 =	sand.u32 @!p1 $0x1FFFFFF, s11  }
0x32: {  	s17 =	smulhi.u32 @!p1 $0x147AE15, s16;
	_ =	sdelay $0x1  }
0x33: {  	s17 =	smul.u32 @!p1 $0xC8, s17  }
0x34: {  	s18 =	sxor.u32 @!p1 $0xFFFFFFFF, s13;
	s19 =	smul.u32 @!p1 $0xC80, s12  }
0x35: {  	s31 =	sadd.s32 $0xFFFFFFFF, s13;
	s18 =	sshll.u32 @!p1 s18, $0xE;
	s16 =	ssub.s32 @!p1 s16, s17  }
0x36: {  	s17 =	sand.u32 @!p1 $0x4000, s18;
	s18 =	sadd.s32 @!p1 s6, s19;
	s16 =	sshll.u32 @!p1 s16, $0x4  }
0x37: {  	s19 =	simm.s32 @!p1 $0x6400;
	s16 =	sadd.s32 @!p1 s16, s18;
	s18 =	simm.s32 @!p1 $0x80  }
0x38: {  	[tilespmem:s17], [sflag:$0x1] =	stream.strided.gather @!p1 [hbm4b:s16+s18], $0x4000, s19, s18, $0x38;
	[tilespmem:$0x10100] =	vst v63  }
0x39: {  	p1 =	sge.u32 s31, s5  }
.Ltmp2:
0x3a: {  	_ = 	snop;
	(pc) =	sbr.rel @p1 .LBB1_5-.Ltmp2, $1  }
0x3b: {  	_ =	sdelay $0x3  }
0x3c: {  	s16 =	simm.s32 $0x1  }
0x3d: {  	_ =	swait.ge [sflag:s4], $0x4000;
	s16 =	simm.s32 @!p0 $0x0  }
0x3e: {  	[sflag:s4] =	ssyncset.done $0x0;
	s17 =	sshll.u32 s16, $0xE  }
0x3f: {  	[sflag:s4] =	ssyncadd.s32 $0xFFFFC000;
	s17 =	sor.u32 $0x40, s17  }
0x40: {  	s16 =	smul.u32 $0x10200, s16;
	v0 =	vld [tilespmem:s17+$0x30]  }
0x41: {  	v1 =	vld [tilespmem:s17+$0xFFFFFFD0]  }
0x42: {  	s16 =	sshrl.u32 s16, $0x2;
	v5 =	vld [tilespmem:s17+$0xFFFFFFE0]  }
0x43: {  	v6 =	vld [tilespmem:s17+$0xFFFFFFF0];
	s19 =	sor.u32 $0x8000, s16  }
0x44: {  	s31 =	sand.u32 $0x1, s13;
	v4 =	vld [tilespmem:s17+$0x0];
	s18 =	sadd.s32 $0x0, s19  }
0x45: {  	v3 =	vld [tilespmem:s17+$0x10];
	s16 =	smul.u32 $0x10200, s31;
	[tilespmem:s18+$0x3870 ss:$0x81] =	vst.msk $0xffff, v0  }
0x46: {  	v2 =	vld [tilespmem:s17+$0x20];
	[tilespmem:s18+$0x810 ss:$0x81] =	vst.msk $0xffff, v1  }
0x47: {  	s16 =	sshrl.u32 s16, $0x2;
	v0 =	vld [tilespmem:s17+$0xFFFFFFC0];
	[tilespmem:s18+$0x1020 ss:$0x81] =	vst.msk $0xffff, v5;
	s17 =	sadd.s32 $0x80, s17  }
0x48: {  	s20 =	simm.s32 $0x4;
	s21 =	simm.s32 $0x8;
	s16 =	sor.u32 $0x8000, s16;
	[tilespmem:s18+$0x1830 ss:$0x81] =	vst.msk $0xffff, v6;
	v1 =	vld [tilespmem:s17+$0x30]  }
.LBB1_3:
0x49: {  	p1 =	sne.s32 s21, $0x1FC;
	v5 =	vld [tilespmem:s17+$0xFFFFFFD0];
	[tilespmem:s18+$0x2040 ss:$0x81] =	vst.msk $0xffff, v4  }
0x4a: {  	v6 =	vld [tilespmem:s17+$0xFFFFFFE0];
	[tilespmem:s18+$0x2850 ss:$0x81] =	vst.msk $0xffff, v3  }
0x4b: {  	s22 =	sshra.s32 s20, $0x2;
	s20 =	smov.u32 s21;
	v7 =	vld [tilespmem:s17+$0xFFFFFFF0];
	[tilespmem:s18+$0x3060 ss:$0x81] =	vst.msk $0xffff, v2  }
.Ltmp3:
0x4c: {  	v4 =	vld [tilespmem:s17+$0x0];
	[tilespmem:s18+$0x0 ss:$0x81] =	vst.msk $0xffff, v0;
	s18 =	sadd.s32 s22, s19;
	(pc) =	sbr.rel @p1 .LBB1_3-.Ltmp3, $4  }
0x4d: {  	v3 =	vld [tilespmem:s17+$0x10];
	[tilespmem:s18+$0x3870 ss:$0x81] =	vst.msk $0xffff, v1  }
0x4e: {  	[tilespmem:s18+$0x810 ss:$0x81] =	vst.msk $0xffff, v5;
	v2 =	vld [tilespmem:s17+$0x20]  }
0x4f: {  	v0 =	vld [tilespmem:s17+$0xFFFFFFC0];
	[tilespmem:s18+$0x1020 ss:$0x81] =	vst.msk $0xffff, v6;
	s17 =	sadd.s32 $0x80, s17  }
0x50: {  	s21 =	sadd.s32 $0x4, s21;
	v1 =	vld [tilespmem:s17+$0x30];
	[tilespmem:s18+$0x1830 ss:$0x81] =	vst.msk $0xffff, v7  }
.Ltmp4:
0x51: {  	_ = 	snop;
	(pc) =	sbr.rel .LBB1_4-.Ltmp4, $1  }
0x52: {  	_ =	sdelay $0x3  }
.LBB1_6:
0x53: {  	_ =	sfence.sel $0x180000  }
0x54: {  	s2 =	simm.s32 $0x1;
	[bflag:$0x0] =	sbarrier.arrive $0xFFFF  }
0x55: {  	s31 =	simm.s32 $0x2;
	[sflag:s2] =	ssyncpa.u1 $0x1  }
0x56: {  	[sflag:s31] =	ssyncpa.u1 $0x1  }
0x57: {  	p0 =	sne.s32 s0, $0x0;
	_ =	strace $0x9000004A  }
0x58: {  	s0 =	sadd.s32 @!p0 $0x100000, s1;
	[bflag:$0x2] =	sbarrier.arrive $0xFFFF  }
0x59: {  	[sflag:s0] =	ssyncadd.tile.s32 @!p0 $0x1;
	_ =	shalt  }
.Lfunc_end1:
_tile_overlayer_lowered:
.L_overlay_start_2:
0x5a: {  	(tag) =	ssettag $0x2  }
0x5b: {  	s0 =	rddreg [dreg:$0x0];
	s2 =	stileid.u32  }
0x5c: {  	s1 =	rddreg [dreg:$0x1];
	p0 =	sne.s32 s2, $0x0  }
0x5d: {  	s3 =	rddreg [dreg:$0x2];
	[bflag:$0x3] =	sbarrier.arrive $0xFFFF;
	s2 =	simm.s32 @!p0 $0x1C01  }
0x5e: {  	[timem:s3], [sflag:s2] =	dma.local @!p0 [hbm:s0], s1  }
0x5f: {  	s0 =	simm.s32 @!p0 $0x1  }
0x60: {  	_ =	swait.ge @!p0 [sflag:s0], s1  }
0x61: {  	s1 =	ssub.s32 @!p0 $0x0, s1;
	[sflag:s0] =	ssyncset.done @!p0 $0x0  }
0x62: {  	[sflag:s0] =	ssyncadd.s32 @!p0 s1  }
0x63: {  	[bflag:$0x3] =	sbarrier.arrive $0xFFFF  }
0x64: {  	_ =	shalt  }

</sc_bundles>
